<compile_context>
chip_gen: v7x
topology: tpu7x:2x2x1
jax: 0.10.2.dev20260603
libtpu: 0.0.44.dev20260713+nightly
codegen_flags: <defaults>
</compile_context>

<pallas_src>
import functools
import math

import jax
import jax.numpy as jnp
from jax import lax
from jax.experimental import pallas as pl
from jax.experimental.pallas import tpu as pltpu
from jax.experimental.pallas import tpu_sc as plsc

_NC, _NS, _L = 2, 16, 16
_NW = _NC * _NS
_NP = 800000
_PER_W = _NP // _NW
_C = 625
_NCHUNK = _PER_W // _C
_IW = 125
_NSUB = _C // _IW
_G = (_C + _L - 1) // _L

_CUTOFF = 10.0
_ALPHA = 0.3
_PREF = 2.0 / math.sqrt(math.pi)

_TROWS = [
    "t0 -tx -ty -tz txx txy txz tyy tyz tzz",
    "tx -txx -txy -txz txxx txxy txxz tyyx txyz tzzx",
    "ty -txy -tyy -tyz txxy tyyx txyz tyyy tyyz tzzy",
    "tz -txz -tyz -tzz txxz txyz tzzx tyyz tzzy tzzz",
    "txx -txxx -txxy -txxz txxxx txxxy txxxz txxyy txxyz txxzz",
    "txy -txxy -tyyx -txyz txxxy txxyy txxyz tyyyx tyyxz tzzxy",
    "txz -txxz -txyz -tzzx txxxz txxyz txxzz tyyxz tzzxy tzzzx",
    "tyy -tyyx -tyyy -tyyz txxyy tyyyx tyyxz tyyyy tyyyz tyyzz",
    "tyz -txyz -tyyz -tzzy txxyz tyyxz tzzxy tyyyz tyyzz tzzzy",
    "tzz -tzzx -tzzy -tzzz txxzz tzzxy tzzzx tyyzz tzzzy tzzzz",
]

_COEF = {}
for _a, _row in enumerate(_TROWS):
    for _b, _tok in enumerate(_row.split()):
        _sign = -1.0 if _tok.startswith("-") else 1.0
        _COEF.setdefault(_tok.lstrip("-"), []).append((_sign, _a, _b))


def _rb(x):
    i = lax.bitcast_convert_type(x, jnp.int32)
    r = i + jnp.int32(0x7FFF) + (lax.shift_right_logical(i, 16) & jnp.int32(1))
    r = r & jnp.int32(-65536)
    return lax.bitcast_convert_type(r, jnp.float32)


def _sqrt(x):
    i = lax.bitcast_convert_type(x, jnp.int32)
    i = jnp.int32(0x5F3759DF) - lax.shift_right_logical(i, 1)
    y = lax.bitcast_convert_type(i, jnp.float32)
    xh = 0.5 * x
    for _ in range(3):
        y = y * (1.5 - xh * y * y)
    s = x * y
    return 0.5 * (s + x / s)


def _erfc(u, exp2u):
    t = 1.0 / (1.0 + 0.3275911 * u)
    poly = t * (0.254829592 + t * (-0.284496736 + t * (
        1.421413741 + t * (-1.453152027 + t * 1.061405429))))
    return poly * exp2u


def _pair_energy(dx, dy, dz, mi, mj):
    dr2 = dx * dx + dy * dy + dz * dz
    dr = _sqrt(dr2)
    drInv = 1.0 / dr
    u = _ALPHA * dr
    exp2u = jnp.exp(-u * u)
    erfc_u = _erfc(u, exp2u)
    u2 = u * u
    u3 = u2 * u
    u5 = u3 * u2
    u7 = u5 * u2
    p3 = u
    p5 = (3 * u + 2 * u3) / 3
    p7 = (15 * u + 10 * u3 + 4 * u5) / 15
    p9 = (8 * u7 + 28 * u5 + 70 * u3 + 105 * u) / 105
    f1 = erfc_u
    f3 = erfc_u + _PREF * p3 * exp2u
    f5 = erfc_u + _PREF * p5 * exp2u
    f7 = erfc_u + _PREF * p7 * exp2u
    f9 = erfc_u + _PREF * p9 * exp2u

    drInv2 = drInv * drInv
    drInv3 = drInv2 * drInv
    drInv5 = drInv3 * drInv2
    drInv7 = drInv5 * drInv2
    drInv9 = drInv7 * drInv2
    D1 = drInv * f1
    D3 = drInv3 * f3
    D5 = drInv5 * f5
    D7 = drInv7 * f7
    D9 = drInv9 * f9

    x, y, z = dx, dy, dz
    x2, y2, z2 = x * x, y * y, z * z
    xy, xz, yz = x * y, x * z, y * z

    t = {}
    t["t0"] = D1
    t["tx"] = -x * D3
    t["ty"] = -y * D3
    t["tz"] = -z * D3
    t["txx"] = 3 * x2 * D5 - D3
    t["txy"] = 3 * xy * D5
    t["txz"] = 3 * xz * D5
    t["tyy"] = 3 * y2 * D5 - D3
    t["tyz"] = 3 * yz * D5
    t["tzz"] = 3 * z2 * D5 - D3
    t["txxx"] = -15 * x2 * x * D7 + 9 * x * D5
    t["txxy"] = -15 * x2 * y * D7 + 3 * y * D5
    t["txxz"] = -15 * x2 * z * D7 + 3 * z * D5
    t["tyyy"] = -15 * y2 * y * D7 + 9 * y * D5
    t["tyyx"] = -15 * y2 * x * D7 + 3 * x * D5
    t["tyyz"] = -15 * y2 * z * D7 + 3 * z * D5
    t["tzzz"] = -15 * z2 * z * D7 + 9 * z * D5
    t["tzzx"] = -15 * z2 * x * D7 + 3 * x * D5
    t["tzzy"] = -15 * z2 * y * D7 + 3 * y * D5
    t["txyz"] = -15 * xy * z * D7
    t["txxxx"] = 105 * x2 * x2 * D9 - 90 * x2 * D7 + 9 * D5
    t["txxxy"] = 105 * x2 * xy * D9 - 45 * xy * D7
    t["txxxz"] = 105 * x2 * xz * D9 - 45 * xz * D7
    t["txxyy"] = 105 * x2 * y2 * D9 - 15 * (x2 + y2) * D7 + 3 * D5
    t["txxzz"] = 105 * x2 * z2 * D9 - 15 * (x2 + z2) * D7 + 3 * D5
    t["txxyz"] = 105 * x2 * yz * D9 - 15 * yz * D7
    t["tyyyy"] = 105 * y2 * y2 * D9 - 90 * y2 * D7 + 9 * D5
    t["tyyyx"] = 105 * y2 * xy * D9 - 45 * xy * D7
    t["tyyyz"] = 105 * y2 * yz * D9 - 45 * yz * D7
    t["tyyzz"] = 105 * y2 * z2 * D9 - 15 * (y2 + z2) * D7 + 3 * D5
    t["tyyxz"] = 105 * y2 * xz * D9 - 15 * xz * D7
    t["tzzzz"] = 105 * z2 * z2 * D9 - 90 * z2 * D7 + 9 * D5
    t["tzzzx"] = 105 * z2 * xz * D9 - 45 * xz * D7
    t["tzzzy"] = 105 * z2 * yz * D9 - 45 * yz * D7
    t["tzzxy"] = 105 * z2 * xy * D9 - 15 * xy * D7

    ene = None
    for name, terms in _COEF.items():
        w = None
        for sign, a, b in terms:
            prod = mi[a] * mj[b]
            contrib = prod if sign > 0 else -prod
            w = contrib if w is None else w + contrib
        term = t[name] * w
        ene = term if ene is None else ene + term
    return jnp.where(dr <= _CUTOFF, ene, 0.0)


def _sc_energy_partials(table, sd2, boxv):
    mesh = plsc.VectorSubcoreMesh(
        core_axis_name="c", subcore_axis_name="s",
        num_cores=_NC, num_subcores=_NS)

    @functools.partial(
        pl.kernel,
        mesh=mesh,
        out_type=jax.ShapeDtypeStruct((_NW, _L), jnp.float32),
        scratch_types=[
            pltpu.VMEM((2, _NSUB, _IW), jnp.int32),
            pltpu.VMEM((2, _NSUB, _IW), jnp.int32),
            pltpu.VMEM((_C, _L), jnp.float32),
            pltpu.VMEM((_C, _L), jnp.float32),
            pltpu.VMEM((_C, _L), jnp.float32),
            pltpu.VMEM((_C, _L), jnp.float32),
            pltpu.VMEM((3, _L), jnp.float32),
            pltpu.VMEM((_L,), jnp.float32),
            pltpu.SemaphoreType.DMA,
            pltpu.SemaphoreType.DMA,
        ],
        compiler_params=pltpu.CompilerParams(
            use_tc_tiling_on_sc=False, needs_layout_passes=False),
    )
    def sc_kernel(table_h, sd_h, boxv_h, out_h,
                  idxA, idxB, srA, drA, srB, drB, boxb, accv, semA, semB):
        wid = lax.axis_index("s") * _NC + lax.axis_index("c")
        pltpu.sync_copy(boxv_h, boxb)
        bx = _rb(boxb[0, :])
        by = _rb(boxb[1, :])
        bz = _rb(boxb[2, :])
        ibx = _rb(1.0 / boxb[0, :])
        iby = _rb(1.0 / boxb[1, :])
        ibz = _rb(1.0 / boxb[2, :])

        def wrap(d, b, ib):
            s = _rb(d) * ib
            n = (jnp.where(s > 0.5, 1.0, 0.0)
                 - jnp.where(s < -0.5, 1.0, 0.0))
            return _rb(s - n) * b

        def load_idx(cg, idxbuf):
            pltpu.sync_copy(sd_h.at[:, pl.ds(cg * _NSUB, _NSUB)], idxbuf)

        def issue(idxbuf, sr, dr, sem):
            for r in range(_NSUB):
                pltpu.async_copy(table_h.at[idxbuf.at[0, r]],
                                 sr.at[pl.ds(r * _IW, _IW)], sem)
                pltpu.async_copy(table_h.at[idxbuf.at[1, r]],
                                 dr.at[pl.ds(r * _IW, _IW)], sem)

        def drain(idxbuf, sr, dr, sem):
            for r in range(_NSUB):
                pltpu.make_async_copy(table_h.at[idxbuf.at[0, r]],
                                      sr.at[pl.ds(r * _IW, _IW)], sem).wait()
                pltpu.make_async_copy(table_h.at[idxbuf.at[1, r]],
                                      dr.at[pl.ds(r * _IW, _IW)], sem).wait()

        def compute(srows, drows, acc):
            def group_body(g, acc2):
                lanes = g * _L + lax.iota(jnp.int32, _L)
                valid = lanes < _C
                ridx = jnp.minimum(lanes, _C - 1)

                def col(ref, c):
                    cvec = jnp.full((_L,), c, dtype=jnp.int32)
                    return plsc.load_gather(ref, [ridx, cvec])

                xi = col(srows, 0)
                yi = col(srows, 1)
                zi = col(srows, 2)
                xj = col(drows, 0)
                yj = col(drows, 1)
                zj = col(drows, 2)
                mi = [col(srows, 3 + k) for k in range(10)]
                mj = [col(drows, 3 + k) for k in range(10)]
                dx = wrap(xj - xi, bx, ibx)
                dy = wrap(yj - yi, by, iby)
                dz = wrap(zj - zi, bz, ibz)
                ene = _pair_energy(dx, dy, dz, mi, mj)
                return acc2 + jnp.where(valid, ene, 0.0)

            return lax.fori_loop(0, _G, group_body, acc)

        cg0 = wid * _NCHUNK
        load_idx(cg0, idxA)
        issue(idxA, srA, drA, semA)

        def body(k, acc):
            c0 = cg0 + 2 * k
            load_idx(c0 + 1, idxB)
            drain(idxA, srA, drA, semA)
            issue(idxB, srB, drB, semB)
            acc = compute(srA, drA, acc)

            @pl.when(k < _NCHUNK // 2 - 1)
            def _():
                load_idx(c0 + 2, idxA)
                issue(idxA, srA, drA, semA)

            drain(idxB, srB, drB, semB)
            return compute(srB, drB, acc)

        acc = lax.fori_loop(0, _NCHUNK // 2, body,
                            jnp.zeros((_L,), jnp.float32))
        accv[...] = acc
        pltpu.sync_copy(accv, out_h.at[wid])

    return sc_kernel(table, sd2, boxv)


def _sum_kernel(x_ref, o_ref):
    o_ref[...] = (jnp.sum(x_ref[...]) * 1.0).reshape(1, 1)


def kernel(coords, box, pairs, q, p, t):
    qv = q[:, None]
    packed = jnp.concatenate([
        coords.astype(jnp.float32), qv, p,
        t[:, 0, 0][:, None] / 3,
        (t[:, 0, 1] + t[:, 1, 0])[:, None] / 3,
        (t[:, 0, 2] + t[:, 2, 0])[:, None] / 3,
        t[:, 1, 1][:, None] / 3,
        (t[:, 1, 2] + t[:, 2, 1])[:, None] / 3,
        t[:, 2, 2][:, None] / 3,
        jnp.zeros((coords.shape[0], 3), jnp.float32)], axis=1)
    sd2 = jnp.stack([pairs[:, 0].reshape(_NP // _IW, _IW),
                     pairs[:, 1].reshape(_NP // _IW, _IW)], axis=0)
    boxv = jnp.broadcast_to(
        jnp.diagonal(box).astype(jnp.float32)[:, None], (3, _L))
    partials = _sc_energy_partials(packed, sd2, boxv)
    total = pl.pallas_call(
        _sum_kernel,
        out_shape=jax.ShapeDtypeStruct((1, 1), jnp.float32),
    )(partials)
    return total[0, 0]

# --- scband reference (transcript-rebuilt; emitter-appended) ---
"""Pipeline reference for scband-multipolar-interaction-7559142441140 (READ-ONLY COPY).

The authoritative reference and input builder live on the scoring server;
editing this copy changes nothing except your own understanding.
"""

import jax, jax.numpy as jnp
import numpy as np
import math

RANK = 2
CUTOFF = 10.0
EWALD_ALPHA = 0.3
PREFACTOR = 1.0
N_ATOMS = 50000
N_PAIRS = 800000
BOX_LEN = 40.0


def setup_inputs(seed: int = 0):
    key = jax.random.key(seed)
    k1, k2, k3, k4, k5, k6 = jax.random.split(key, 6)
    coords = jax.random.uniform(k1, (N_ATOMS, 3), dtype=jnp.float32) * BOX_LEN
    box = jnp.eye(3, dtype=jnp.float32) * BOX_LEN
    src = jax.random.randint(k2, (N_PAIRS,), 0, N_ATOMS)
    off = jax.random.randint(k3, (N_PAIRS,), 1, N_ATOMS)
    dst = (src + off) % N_ATOMS
    pairs = jnp.stack([src, dst], axis=1).astype(jnp.int32)
    q = jax.random.normal(k4, (N_ATOMS,), dtype=jnp.float32)
    p = jax.random.normal(k5, (N_ATOMS, 3), dtype=jnp.float32) * 0.1
    t = jax.random.normal(k6, (N_ATOMS, 3, 3), dtype=jnp.float32) * 0.05
    return {"coords": coords, "box": box, "pairs": pairs, "q": q, "p": p, "t": t}


def _damp_factors_erfc(dr, b):
    u = b * dr
    erfc_u = jax.scipy.special.erfc(u)
    exp2_u = jnp.exp(-u * u)
    u2 = u * u
    u3 = u2 * u
    u5 = u3 * u2
    u7 = u5 * u2
    p1 = jnp.zeros_like(u)
    p3 = u
    p5 = (3 * u + 2 * u3) / 3
    p7 = (15 * u + 10 * u3 + 4 * u5) / 15
    p9 = (8 * u7 + 28 * u5 + 70 * u3 + 105 * u) / 105
    pref = 2 / math.sqrt(math.pi)
    return jnp.stack([erfc_u + pref * pp * exp2_u for pp in (p1, p3, p5, p7, p9)], axis=0)


def _interaction_tensor_rank2(drVec, dampFactors, drInv):
    drInv2 = drInv * drInv
    drInv3 = drInv2 * drInv
    drInv5 = drInv3 * drInv2
    drVec2 = drVec * drVec
    x, y, z = drVec[:, 0], drVec[:, 1], drVec[:, 2]
    x2, y2, z2 = drVec2[:, 0], drVec2[:, 1], drVec2[:, 2]
    xy, xz, yz = x * y, x * z, y * z
    drInv7 = drInv5 * drInv2
    drInv9 = drInv7 * drInv2
    if dampFactors is not None:
        drInv = drInv * dampFactors[0]
        drInv3 = drInv3 * dampFactors[1]
        drInv5 = drInv5 * dampFactors[2]
        drInv7 = drInv7 * dampFactors[3]
        drInv9 = drInv9 * dampFactors[4]
    tx, ty, tz = -x * drInv3, -y * drInv3, -z * drInv3
    txx = 3 * x2 * drInv5 - drInv3
    txy = 3 * xy * drInv5
    txz = 3 * xz * drInv5
    tyy = 3 * y2 * drInv5 - drInv3
    tyz = 3 * yz * drInv5
    tzz = 3 * z2 * drInv5 - drInv3
    txxx = -15 * x2 * x * drInv7 + 9 * x * drInv5
    txxy = -15 * x2 * y * drInv7 + 3 * y * drInv5
    txxz = -15 * x2 * z * drInv7 + 3 * z * drInv5
    tyyy = -15 * y2 * y * drInv7 + 9 * y * drInv5
    tyyx = -15 * y2 * x * drInv7 + 3 * x * drInv5
    tyyz = -15 * y2 * z * drInv7 + 3 * z * drInv5
    tzzz = -15 * z2 * z * drInv7 + 9 * z * drInv5
    tzzx = -15 * z2 * x * drInv7 + 3 * x * drInv5
    tzzy = -15 * z2 * y * drInv7 + 3 * y * drInv5
    txyz = -15 * x * y * z * drInv7
    txxxx = 105 * x2 * x2 * drInv9 - 90 * x2 * drInv7 + 9 * drInv5
    txxxy = 105 * x2 * xy * drInv9 - 45 * xy * drInv7
    txxxz = 105 * x2 * xz * drInv9 - 45 * xz * drInv7
    txxyy = 105 * x2 * y2 * drInv9 - 15 * (x2 + y2) * drInv7 + 3 * drInv5
    txxzz = 105 * x2 * z2 * drInv9 - 15 * (x2 + z2) * drInv7 + 3 * drInv5
    txxyz = 105 * x2 * yz * drInv9 - 15 * yz * drInv7
    tyyyy = 105 * y2 * y2 * drInv9 - 90 * y2 * drInv7 + 9 * drInv5
    tyyyx = 105 * y2 * xy * drInv9 - 45 * xy * drInv7
    tyyyz = 105 * y2 * yz * drInv9 - 45 * yz * drInv7
    tyyzz = 105 * y2 * z2 * drInv9 - 15 * (y2 + z2) * drInv7 + 3 * drInv5
    tyyxz = 105 * y2 * xz * drInv9 - 15 * xz * drInv7
    tzzzz = 105 * z2 * z2 * drInv9 - 90 * z2 * drInv7 + 9 * drInv5
    tzzzx = 105 * z2 * xz * drInv9 - 45 * xz * drInv7
    tzzzy = 105 * z2 * yz * drInv9 - 45 * yz * drInv7
    tzzxy = 105 * z2 * xy * drInv9 - 15 * xy * drInv7
    rows = (drInv, -tx, -ty, -tz, txx, txy, txz, tyy, tyz, tzz,
            tx, -txx, -txy, -txz, txxx, txxy, txxz, tyyx, txyz, tzzx,
            ty, -txy, -tyy, -tyz, txxy, tyyx, txyz, tyyy, tyyz, tzzy,
            tz, -txz, -tyz, -tzz, txxz, txyz, tzzx, tyyz, tzzy, tzzz,
            txx, -txxx, -txxy, -txxz, txxxx, txxxy, txxxz, txxyy, txxyz, txxzz,
            txy, -txxy, -tyyx, -txyz, txxxy, txxyy, txxyz, tyyyx, tyyxz, tzzxy,
            txz, -txxz, -txyz, -tzzx, txxxz, txxyz, txxzz, tyyxz, tzzxy, tzzzx,
            tyy, -tyyx, -tyyy, -tyyz, txxyy, tyyyx, tyyxz, tyyyy, tyyyz, tyyzz,
            tyz, -txyz, -tyyz, -tzzy, txxyz, tyyxz, tzzxy, tyyyz, tyyzz, tzzzy,
            tzz, -tzzx, -tzzy, -tzzz, txxzz, tzzxy, tzzzx, tyyzz, tzzzy, tzzzz)
    return jnp.stack(rows, axis=0).T.reshape(-1, 10, 10)


def _pack_multipoles(q, p, t):
    return jnp.concatenate([
        q[:, None], p,
        t[:, 0, 0][:, None] / 3,
        (t[:, 0, 1] + t[:, 1, 0])[:, None] / 3,
        (t[:, 0, 2] + t[:, 2, 0])[:, None] / 3,
        t[:, 1, 1][:, None] / 3,
        (t[:, 1, 2] + t[:, 2, 1])[:, None] / 3,
        t[:, 2, 2][:, None] / 3], axis=1)


def reference(coords, box, pairs, q, p, t):
    box_inv = jnp.linalg.inv(box)
    M = _pack_multipoles(q, p, t)
    d = coords[pairs[:, 1]] - coords[pairs[:, 0]]
    s = d @ box_inv
    s = s - jnp.round(s)
    dr_vecs = s @ box
    dr = jnp.linalg.norm(dr_vecs, axis=1)
    mask = dr <= CUTOFF
    damps = _damp_factors_erfc(dr, EWALD_ALPHA)
    i_tensor = _interaction_tensor_rank2(dr_vecs, damps, 1.0 / dr)
    Mi = M[pairs[:, 0]]
    Mj = M[pairs[:, 1]]
    ene_pairs = jnp.einsum('ei,eij,ej->e', Mi, i_tensor, Mj)
    ene_pairs = jnp.where(mask, ene_pairs, 0.0)
    return PREFACTOR * jnp.sum(ene_pairs)

if __name__ == "__main__":
    import jax
    _d = setup_inputs()
    print(jax.jit(kernel)(*tuple(_d.values())))

</pallas_src>

<mosaic_0001>
#map = affine_map<(d0, d1) -> (0, 0)>
#map1 = affine_map<(d0, d1) -> (0, 0, 0)>
module attributes {stable_mosaic.version = 14 : i64} {
  func.func @sc_kernel(%arg0: i32, %arg1: i32, %arg2: memref<50000x16xf32, #tpu.memory_space<hbm>>, %arg3: memref<2x6400x125xi32, #tpu.memory_space<hbm>>, %arg4: memref<3x16xf32, #tpu.memory_space<hbm>>, %arg5: memref<32x16xf32, #tpu.memory_space<hbm>>, %arg6: memref<2x5x125xi32, #tpu.memory_space<vmem>>, %arg7: memref<2x5x125xi32, #tpu.memory_space<vmem>>, %arg8: memref<625x16xf32, #tpu.memory_space<vmem>>, %arg9: memref<625x16xf32, #tpu.memory_space<vmem>>, %arg10: memref<625x16xf32, #tpu.memory_space<vmem>>, %arg11: memref<625x16xf32, #tpu.memory_space<vmem>>, %arg12: memref<3x16xf32, #tpu.memory_space<vmem>>, %arg13: memref<16xf32, #tpu.memory_space<vmem>>, %arg14: memref<!tpu.dma_semaphore, #tpu.memory_space<semaphore_mem>>, %arg15: memref<!tpu.dma_semaphore, #tpu.memory_space<semaphore_mem>>) attributes {dimension_semantics = [#tpu.dimension_semantics<core_parallel>, #tpu.dimension_semantics<subcore_parallel>], iteration_bounds = array<i64: 2, 16>, scalar_prefetch = 0 : i64, scratch_operands = 10 : i64, tpu.core_type = #tpu.core_type<sc_vector_subcore>, window_params = [{transform_indices = #map}, {transform_indices = #map1}, {transform_indices = #map}, {transform_indices = #map}]} {
    %mul3A = arith.constant 2 : i32
    %mul3A_0 = arith.muli %arg1, %mul3A : i32
    %add3A = arith.addi %mul3A_0, %arg0 : i32
    "tpu.region"() ({
      %run_scoped3A = tpu.sem_alloc : memref<!tpu.dma_semaphore, #tpu.memory_space<semaphore_mem>>
      tpu.enqueue_dma source(%arg4 : memref<3x16xf32, #tpu.memory_space<hbm>>) target(%arg12 : memref<3x16xf32, #tpu.memory_space<vmem>>) target_semaphore(%run_scoped3A : memref<!tpu.dma_semaphore, #tpu.memory_space<semaphore_mem>>)
      tpu.wait_dma2 semaphore(%run_scoped3A : memref<!tpu.dma_semaphore, #tpu.memory_space<semaphore_mem>>) src(%arg4 : memref<3x16xf32, #tpu.memory_space<hbm>>) dst(%arg12 : memref<3x16xf32, #tpu.memory_space<vmem>>)
      tpu.yield
    }) : () -> ()
    %get3A = arith.constant 0 : i32
    %get3A_1 = arith.index_cast %get3A : i32 to index
    %get3A_2 = arith.constant 0 : index
    %get3A_3 = tpu.vector_load %arg12[%get3A_1, %get3A_2] {strides = array<i32>} : memref<3x16xf32, #tpu.memory_space<vmem>>, vector<16xf32>,
    %bitcast_convert_type3A = tpu.bitcast %get3A_3 : vector<16xf32> -> vector<16xi32>
    %add3A_4 = arith.constant 32767 : i32
    %add3A_5 = vector.broadcast %add3A_4 : i32 to vector<16xi32>
    %add3A_6 = arith.addi %bitcast_convert_type3A, %add3A_5 : vector<16xi32>
    %shift_right_logical3A = arith.constant 16 : i32
    %shift_right_logical3A_7 = vector.broadcast %shift_right_logical3A : i32 to vector<16xi32>
    %shift_right_logical3A_8 = arith.shrui %bitcast_convert_type3A, %shift_right_logical3A_7 : vector<16xi32>
    %and3A = arith.constant 1 : i32
    %and3A_9 = vector.broadcast %and3A : i32 to vector<16xi32>
    %and3A_10 = arith.andi %shift_right_logical3A_8, %and3A_9 : vector<16xi32>
    %add3A_11 = arith.addi %add3A_6, %and3A_10 : vector<16xi32>
    %and3A_12 = arith.constant -65536 : i32
    %and3A_13 = vector.broadcast %and3A_12 : i32 to vector<16xi32>
    %and3A_14 = arith.andi %add3A_11, %and3A_13 : vector<16xi32>
    %bitcast_convert_type3A_15 = tpu.bitcast %and3A_14 : vector<16xi32> -> vector<16xf32>
    %get3A_16 = arith.constant 1 : i32
    %get3A_17 = arith.index_cast %get3A_16 : i32 to index
    %get3A_18 = arith.constant 0 : index
    %get3A_19 = tpu.vector_load %arg12[%get3A_17, %get3A_18] {strides = array<i32>} : memref<3x16xf32, #tpu.memory_space<vmem>>, vector<16xf32>,
    %bitcast_convert_type3A_20 = tpu.bitcast %get3A_19 : vector<16xf32> -> vector<16xi32>
    %add3A_21 = arith.constant 32767 : i32
    %add3A_22 = vector.broadcast %add3A_21 : i32 to vector<16xi32>
    %add3A_23 = arith.addi %bitcast_convert_type3A_20, %add3A_22 : vector<16xi32>
    %shift_right_logical3A_24 = arith.constant 16 : i32
    %shift_right_logical3A_25 = vector.broadcast %shift_right_logical3A_24 : i32 to vector<16xi32>
    %shift_right_logical3A_26 = arith.shrui %bitcast_convert_type3A_20, %shift_right_logical3A_25 : vector<16xi32>
    %and3A_27 = arith.constant 1 : i32
    %and3A_28 = vector.broadcast %and3A_27 : i32 to vector<16xi32>
    %and3A_29 = arith.andi %shift_right_logical3A_26, %and3A_28 : vector<16xi32>
    %add3A_30 = arith.addi %add3A_23, %and3A_29 : vector<16xi32>
    %and3A_31 = arith.constant -65536 : i32
    %and3A_32 = vector.broadcast %and3A_31 : i32 to vector<16xi32>
    %and3A_33 = arith.andi %add3A_30, %and3A_32 : vector<16xi32>
    %bitcast_convert_type3A_34 = tpu.bitcast %and3A_33 : vector<16xi32> -> vector<16xf32>
    %get3A_35 = arith.constant 2 : i32
    %get3A_36 = arith.index_cast %get3A_35 : i32 to index
    %get3A_37 = arith.constant 0 : index
    %get3A_38 = tpu.vector_load %arg12[%get3A_36, %get3A_37] {strides = array<i32>} : memref<3x16xf32, #tpu.memory_space<vmem>>, vector<16xf32>,
    %bitcast_convert_type3A_39 = tpu.bitcast %get3A_38 : vector<16xf32> -> vector<16xi32>
    %add3A_40 = arith.constant 32767 : i32
    %add3A_41 = vector.broadcast %add3A_40 : i32 to vector<16xi32>
    %add3A_42 = arith.addi %bitcast_convert_type3A_39, %add3A_41 : vector<16xi32>
    %shift_right_logical3A_43 = arith.constant 16 : i32
    %shift_right_logical3A_44 = vector.broadcast %shift_right_logical3A_43 : i32 to vector<16xi32>
    %shift_right_logical3A_45 = arith.shrui %bitcast_convert_type3A_39, %shift_right_logical3A_44 : vector<16xi32>
    %and3A_46 = arith.constant 1 : i32
    %and3A_47 = vector.broadcast %and3A_46 : i32 to vector<16xi32>
    %and3A_48 = arith.andi %shift_right_logical3A_45, %and3A_47 : vector<16xi32>
    %add3A_49 = arith.addi %add3A_42, %and3A_48 : vector<16xi32>
    %and3A_50 = arith.constant -65536 : i32
    %and3A_51 = vector.broadcast %and3A_50 : i32 to vector<16xi32>
    %and3A_52 = arith.andi %add3A_49, %and3A_51 : vector<16xi32>
    %bitcast_convert_type3A_53 = tpu.bitcast %and3A_52 : vector<16xi32> -> vector<16xf32>
    %get3A_54 = arith.constant 0 : i32
    %get3A_55 = arith.index_cast %get3A_54 : i32 to index
    %get3A_56 = arith.constant 0 : index
    %get3A_57 = tpu.vector_load %arg12[%get3A_55, %get3A_56] {strides = array<i32>} : memref<3x16xf32, #tpu.memory_space<vmem>>, vector<16xf32>,
    %div3A = arith.constant 1.000000e+00 : f32
    %div3A_58 = vector.broadcast %div3A : f32 to vector<16xf32>
    %div3A_59 = arith.divf %div3A_58, %get3A_57 : vector<16xf32>
    %bitcast_convert_type3A_60 = tpu.bitcast %div3A_59 : vector<16xf32> -> vector<16xi32>
    %add3A_61 = arith.constant 32767 : i32
    %add3A_62 = vector.broadcast %add3A_61 : i32 to vector<16xi32>
    %add3A_63 = arith.addi %bitcast_convert_type3A_60, %add3A_62 : vector<16xi32>
    %shift_right_logical3A_64 = arith.constant 16 : i32
    %shift_right_logical3A_65 = vector.broadcast %shift_right_logical3A_64 : i32 to vector<16xi32>
    %shift_right_logical3A_66 = arith.shrui %bitcast_convert_type3A_60, %shift_right_logical3A_65 : vector<16xi32>
    %and3A_67 = arith.constant 1 : i32
    %and3A_68 = vector.broadcast %and3A_67 : i32 to vector<16xi32>
    %and3A_69 = arith.andi %shift_right_logical3A_66, %and3A_68 : vector<16xi32>
    %add3A_70 = arith.addi %add3A_63, %and3A_69 : vector<16xi32>
    %and3A_71 = arith.constant -65536 : i32
    %and3A_72 = vector.broadcast %and3A_71 : i32 to vector<16xi32>
    %and3A_73 = arith.andi %add3A_70, %and3A_72 : vector<16xi32>
    %bitcast_convert_type3A_74 = tpu.bitcast %and3A_73 : vector<16xi32> -> vector<16xf32>
    %get3A_75 = arith.constant 1 : i32
    %get3A_76 = arith.index_cast %get3A_75 : i32 to index
    %get3A_77 = arith.constant 0 : index
    %get3A_78 = tpu.vector_load %arg12[%get3A_76, %get3A_77] {strides = array<i32>} : memref<3x16xf32, #tpu.memory_space<vmem>>, vector<16xf32>,
    %div3A_79 = arith.constant 1.000000e+00 : f32
    %div3A_80 = vector.broadcast %div3A_79 : f32 to vector<16xf32>
    %div3A_81 = arith.divf %div3A_80, %get3A_78 : vector<16xf32>
    %bitcast_convert_type3A_82 = tpu.bitcast %div3A_81 : vector<16xf32> -> vector<16xi32>
    %add3A_83 = arith.constant 32767 : i32
    %add3A_84 = vector.broadcast %add3A_83 : i32 to vector<16xi32>
    %add3A_85 = arith.addi %bitcast_convert_type3A_82, %add3A_84 : vector<16xi32>
    %shift_right_logical3A_86 = arith.constant 16 : i32
    %shift_right_logical3A_87 = vector.broadcast %shift_right_logical3A_86 : i32 to vector<16xi32>
    %shift_right_logical3A_88 = arith.shrui %bitcast_convert_type3A_82, %shift_right_logical3A_87 : vector<16xi32>
    %and3A_89 = arith.constant 1 : i32
    %and3A_90 = vector.broadcast %and3A_89 : i32 to vector<16xi32>
    %and3A_91 = arith.andi %shift_right_logical3A_88, %and3A_90 : vector<16xi32>
    %add3A_92 = arith.addi %add3A_85, %and3A_91 : vector<16xi32>
    %and3A_93 = arith.constant -65536 : i32
    %and3A_94 = vector.broadcast %and3A_93 : i32 to vector<16xi32>
    %and3A_95 = arith.andi %add3A_92, %and3A_94 : vector<16xi32>
    %bitcast_convert_type3A_96 = tpu.bitcast %and3A_95 : vector<16xi32> -> vector<16xf32>
    %get3A_97 = arith.constant 2 : i32
    %get3A_98 = arith.index_cast %get3A_97 : i32 to index
    %get3A_99 = arith.constant 0 : index
    %get3A_100 = tpu.vector_load %arg12[%get3A_98, %get3A_99] {strides = array<i32>} : memref<3x16xf32, #tpu.memory_space<vmem>>, vector<16xf32>,
    %div3A_101 = arith.constant 1.000000e+00 : f32
    %div3A_102 = vector.broadcast %div3A_101 : f32 to vector<16xf32>
    %div3A_103 = arith.divf %div3A_102, %get3A_100 : vector<16xf32>
    %bitcast_convert_type3A_104 = tpu.bitcast %div3A_103 : vector<16xf32> -> vector<16xi32>
    %add3A_105 = arith.constant 32767 : i32
    %add3A_106 = vector.broadcast %add3A_105 : i32 to vector<16xi32>
    %add3A_107 = arith.addi %bitcast_convert_type3A_104, %add3A_106 : vector<16xi32>
    %shift_right_logical3A_108 = arith.constant 16 : i32
    %shift_right_logical3A_109 = vector.broadcast %shift_right_logical3A_108 : i32 to vector<16xi32>
    %shift_right_logical3A_110 = arith.shrui %bitcast_convert_type3A_104, %shift_right_logical3A_109 : vector<16xi32>
    %and3A_111 = arith.constant 1 : i32
    %and3A_112 = vector.broadcast %and3A_111 : i32 to vector<16xi32>
    %and3A_113 = arith.andi %shift_right_logical3A_110, %and3A_112 : vector<16xi32>
    %add3A_114 = arith.addi %add3A_107, %and3A_113 : vector<16xi32>
    %and3A_115 = arith.constant -65536 : i32
    %and3A_116 = vector.broadcast %and3A_115 : i32 to vector<16xi32>
    %and3A_117 = arith.andi %add3A_114, %and3A_116 : vector<16xi32>
    %bitcast_convert_type3A_118 = tpu.bitcast %and3A_117 : vector<16xi32> -> vector<16xf32>
    %mul3A_119 = arith.constant 40 : i32
    %mul3A_120 = arith.muli %add3A, %mul3A_119 : i32
    %mul3A_121 = arith.constant 5 : i32
    %mul3A_122 = arith.muli %mul3A_120, %mul3A_121 : i32
    "tpu.region"() ({
      %run_scoped3A = tpu.sem_alloc : memref<!tpu.dma_semaphore, #tpu.memory_space<semaphore_mem>>
      %dma_start3A_239 = arith.constant 0 : i32
      %dma_start3A_240 = arith.constant 0 : i32
      %dma_start3A_241 = tpu.memref_slice %arg3[%dma_start3A_239, %mul3A_122, %dma_start3A_240] : memref<2x6400x125xi32, #tpu.memory_space<hbm>> -> memref<2x5x125xi32, #tpu.memory_space<hbm>>
      %dma_start3A_242 = arith.constant 0 : i32
      %dma_start3A_243 = arith.constant 0 : i32
      %dma_start3A_244 = tpu.memref_slice %arg3[%dma_start3A_242, %mul3A_122, %dma_start3A_243] : memref<2x6400x125xi32, #tpu.memory_space<hbm>> -> memref<2x5x125xi32, #tpu.memory_space<hbm>>
      tpu.enqueue_dma source(%dma_start3A_244 : memref<2x5x125xi32, #tpu.memory_space<hbm>>) target(%arg6 : memref<2x5x125xi32, #tpu.memory_space<vmem>>) target_semaphore(%run_scoped3A : memref<!tpu.dma_semaphore, #tpu.memory_space<semaphore_mem>>)
      %dma_wait3A = arith.constant 0 : i32
      %dma_wait3A_245 = arith.constant 0 : i32
      %dma_wait3A_246 = tpu.memref_slice %arg3[%dma_wait3A, %mul3A_122, %dma_wait3A_245] : memref<2x6400x125xi32, #tpu.memory_space<hbm>> -> memref<2x5x125xi32, #tpu.memory_space<hbm>>
      %dma_wait3A_247 = arith.constant 0 : i32
      %dma_wait3A_248 = arith.constant 0 : i32
      %dma_wait3A_249 = tpu.memref_slice %arg3[%dma_wait3A_247, %mul3A_122, %dma_wait3A_248] : memref<2x6400x125xi32, #tpu.memory_space<hbm>> -> memref<2x5x125xi32, #tpu.memory_space<hbm>>
      tpu.wait_dma2 semaphore(%run_scoped3A : memref<!tpu.dma_semaphore, #tpu.memory_space<semaphore_mem>>) src(%dma_wait3A_249 : memref<2x5x125xi32, #tpu.memory_space<hbm>>) dst(%arg6 : memref<2x5x125xi32, #tpu.memory_space<vmem>>)
      tpu.yield
    }) : () -> ()
    %dma_start3A = arith.constant 0 : i32
    %dma_start3A_123 = arith.constant 0 : i32
    %dma_start3A_124 = arith.constant 0 : i32
    %dma_start3A_125 = arith.constant 0 : i32
    %dma_start3A_126 = tpu.memref_slice %arg8[%dma_start3A_124, %dma_start3A_125] : memref<625x16xf32, #tpu.memory_space<vmem>> -> memref<125x16xf32, #tpu.memory_space<vmem>>
    %dma_start3A_127 = arith.constant 0 : i32
    %dma_start3A_128 = tpu.memref_slice %arg6[%dma_start3A, %dma_start3A_123, %dma_start3A_127] : memref<2x5x125xi32, #tpu.memory_space<vmem>> -> memref<1x1x125xi32, #tpu.memory_space<vmem>>
    %dma_start3A_129 = tpu.memref_squeeze %dma_start3A_128 : memref<1x1x125xi32, #tpu.memory_space<vmem>> -> memref<125xi32, #tpu.memory_space<vmem>>
    %dma_start3A_130 = arith.constant 0 : i32
    %dma_start3A_131 = arith.constant 0 : i32
    %dma_start3A_132 = tpu.memref_slice %arg2[%dma_start3A_130, %dma_start3A_131] : memref<50000x16xf32, #tpu.memory_space<hbm>> -> memref<50000x16xf32, #tpu.memory_space<hbm>>
    tpu.enqueue_indirect_dma source(%dma_start3A_132 : memref<50000x16xf32, #tpu.memory_space<hbm>>) target(%dma_start3A_126 : memref<125x16xf32, #tpu.memory_space<vmem>>) offsets(%dma_start3A_129 : memref<125xi32, #tpu.memory_space<vmem>>) semaphore(%arg14 : memref<!tpu.dma_semaphore, #tpu.memory_space<semaphore_mem>>)
    %dma_start3A_133 = arith.constant 1 : i32
    %dma_start3A_134 = arith.constant 0 : i32
    %dma_start3A_135 = arith.constant 0 : i32
    %dma_start3A_136 = arith.constant 0 : i32
    %dma_start3A_137 = tpu.memref_slice %arg9[%dma_start3A_135, %dma_start3A_136] : memref<625x16xf32, #tpu.memory_space<vmem>> -> memref<125x16xf32, #tpu.memory_space<vmem>>
    %dma_start3A_138 = arith.constant 0 : i32
    %dma_start3A_139 = tpu.memref_slice %arg6[%dma_start3A_133, %dma_start3A_134, %dma_start3A_138] : memref<2x5x125xi32, #tpu.memory_space<vmem>> -> memref<1x1x125xi32, #tpu.memory_space<vmem>>
    %dma_start3A_140 = tpu.memref_squeeze %dma_start3A_139 : memref<1x1x125xi32, #tpu.memory_space<vmem>> -> memref<125xi32, #tpu.memory_space<vmem>>
    %dma_start3A_141 = arith.constant 0 : i32
    %dma_start3A_142 = arith.constant 0 : i32
    %dma_start3A_143 = tpu.memref_slice %arg2[%dma_start3A_141, %dma_start3A_142] : memref<50000x16xf32, #tpu.memory_space<hbm>> -> memref<50000x16xf32, #tpu.memory_space<hbm>>
    tpu.enqueue_indirect_dma source(%dma_start3A_143 : memref<50000x16xf32, #tpu.memory_space<hbm>>) target(%dma_start3A_137 : memref<125x16xf32, #tpu.memory_space<vmem>>) offsets(%dma_start3A_140 : memref<125xi32, #tpu.memory_space<vmem>>) semaphore(%arg14 : memref<!tpu.dma_semaphore, #tpu.memory_space<semaphore_mem>>)
    %dma_start3A_144 = arith.constant 0 : i32
    %dma_start3A_145 = arith.constant 1 : i32
    %dma_start3A_146 = arith.constant 125 : i32
    %dma_start3A_147 = arith.constant 0 : i32
    %dma_start3A_148 = tpu.memref_slice %arg8[%dma_start3A_146, %dma_start3A_147] : memref<625x16xf32, #tpu.memory_space<vmem>> -> memref<125x16xf32, #tpu.memory_space<vmem>>
    %dma_start3A_149 = arith.constant 0 : i32
    %dma_start3A_150 = tpu.memref_slice %arg6[%dma_start3A_144, %dma_start3A_145, %dma_start3A_149] : memref<2x5x125xi32, #tpu.memory_space<vmem>> -> memref<1x1x125xi32, #tpu.memory_space<vmem>>
    %dma_start3A_151 = tpu.memref_squeeze %dma_start3A_150 : memref<1x1x125xi32, #tpu.memory_space<vmem>> -> memref<125xi32, #tpu.memory_space<vmem>>
    %dma_start3A_152 = arith.constant 0 : i32
    %dma_start3A_153 = arith.constant 0 : i32
    %dma_start3A_154 = tpu.memref_slice %arg2[%dma_start3A_152, %dma_start3A_153] : memref<50000x16xf32, #tpu.memory_space<hbm>> -> memref<50000x16xf32, #tpu.memory_space<hbm>>
    tpu.enqueue_indirect_dma source(%dma_start3A_154 : memref<50000x16xf32, #tpu.memory_space<hbm>>) target(%dma_start3A_148 : memref<125x16xf32, #tpu.memory_space<vmem>>) offsets(%dma_start3A_151 : memref<125xi32, #tpu.memory_space<vmem>>) semaphore(%arg14 : memref<!tpu.dma_semaphore, #tpu.memory_space<semaphore_mem>>)
    %dma_start3A_155 = arith.constant 1 : i32
    %dma_start3A_156 = arith.constant 1 : i32
    %dma_start3A_157 = arith.constant 125 : i32
    %dma_start3A_158 = arith.constant 0 : i32
    %dma_start3A_159 = tpu.memref_slice %arg9[%dma_start3A_157, %dma_start3A_158] : memref<625x16xf32, #tpu.memory_space<vmem>> -> memref<125x16xf32, #tpu.memory_space<vmem>>
    %dma_start3A_160 = arith.constant 0 : i32
    %dma_start3A_161 = tpu.memref_slice %arg6[%dma_start3A_155, %dma_start3A_156, %dma_start3A_160] : memref<2x5x125xi32, #tpu.memory_space<vmem>> -> memref<1x1x125xi32, #tpu.memory_space<vmem>>
    %dma_start3A_162 = tpu.memref_squeeze %dma_start3A_161 : memref<1x1x125xi32, #tpu.memory_space<vmem>> -> memref<125xi32, #tpu.memory_space<vmem>>
    %dma_start3A_163 = arith.constant 0 : i32
    %dma_start3A_164 = arith.constant 0 : i32
    %dma_start3A_165 = tpu.memref_slice %arg2[%dma_start3A_163, %dma_start3A_164] : memref<50000x16xf32, #tpu.memory_space<hbm>> -> memref<50000x16xf32, #tpu.memory_space<hbm>>
    tpu.enqueue_indirect_dma source(%dma_start3A_165 : memref<50000x16xf32, #tpu.memory_space<hbm>>) target(%dma_start3A_159 : memref<125x16xf32, #tpu.memory_space<vmem>>) offsets(%dma_start3A_162 : memref<125xi32, #tpu.memory_space<vmem>>) semaphore(%arg14 : memref<!tpu.dma_semaphore, #tpu.memory_space<semaphore_mem>>)
    %dma_start3A_166 = arith.constant 0 : i32
    %dma_start3A_167 = arith.constant 2 : i32
    %dma_start3A_168 = arith.constant 250 : i32
    %dma_start3A_169 = arith.constant 0 : i32
    %dma_start3A_170 = tpu.memref_slice %arg8[%dma_start3A_168, %dma_start3A_169] : memref<625x16xf32, #tpu.memory_space<vmem>> -> memref<125x16xf32, #tpu.memory_space<vmem>>
    %dma_start3A_171 = arith.constant 0 : i32
    %dma_start3A_172 = tpu.memref_slice %arg6[%dma_start3A_166, %dma_start3A_167, %dma_start3A_171] : memref<2x5x125xi32, #tpu.memory_space<vmem>> -> memref<1x1x125xi32, #tpu.memory_space<vmem>>
    %dma_start3A_173 = tpu.memref_squeeze %dma_start3A_172 : memref<1x1x125xi32, #tpu.memory_space<vmem>> -> memref<125xi32, #tpu.memory_space<vmem>>
    %dma_start3A_174 = arith.constant 0 : i32
    %dma_start3A_175 = arith.constant 0 : i32
    %dma_start3A_176 = tpu.memref_slice %arg2[%dma_start3A_174, %dma_start3A_175] : memref<50000x16xf32, #tpu.memory_space<hbm>> -> memref<50000x16xf32, #tpu.memory_space<hbm>>
    tpu.enqueue_indirect_dma source(%dma_start3A_176 : memref<50000x16xf32, #tpu.memory_space<hbm>>) target(%dma_start3A_170 : memref<125x16xf32, #tpu.memory_space<vmem>>) offsets(%dma_start3A_173 : memref<125xi32, #tpu.memory_space<vmem>>) semaphore(%arg14 : memref<!tpu.dma_semaphore, #tpu.memory_space<semaphore_mem>>)
    %dma_start3A_177 = arith.constant 1 : i32
    %dma_start3A_178 = arith.constant 2 : i32
    %dma_start3A_179 = arith.constant 250 : i32
    %dma_start3A_180 = arith.constant 0 : i32
    %dma_start3A_181 = tpu.memref_slice %arg9[%dma_start3A_179, %dma_start3A_180] : memref<625x16xf32, #tpu.memory_space<vmem>> -> memref<125x16xf32, #tpu.memory_space<vmem>>
    %dma_start3A_182 = arith.constant 0 : i32
    %dma_start3A_183 = tpu.memref_slice %arg6[%dma_start3A_177, %dma_start3A_178, %dma_start3A_182] : memref<2x5x125xi32, #tpu.memory_space<vmem>> -> memref<1x1x125xi32, #tpu.memory_space<vmem>>
    %dma_start3A_184 = tpu.memref_squeeze %dma_start3A_183 : memref<1x1x125xi32, #tpu.memory_space<vmem>> -> memref<125xi32, #tpu.memory_space<vmem>>
    %dma_start3A_185 = arith.constant 0 : i32
    %dma_start3A_186 = arith.constant 0 : i32
    %dma_start3A_187 = tpu.memref_slice %arg2[%dma_start3A_185, %dma_start3A_186] : memref<50000x16xf32, #tpu.memory_space<hbm>> -> memref<50000x16xf32, #tpu.memory_space<hbm>>
    tpu.enqueue_indirect_dma source(%dma_start3A_187 : memref<50000x16xf32, #tpu.memory_space<hbm>>) target(%dma_start3A_181 : memref<125x16xf32, #tpu.memory_space<vmem>>) offsets(%dma_start3A_184 : memref<125xi32, #tpu.memory_space<vmem>>) semaphore(%arg14 : memref<!tpu.dma_semaphore, #tpu.memory_space<semaphore_mem>>)
    %dma_start3A_188 = arith.constant 0 : i32
    %dma_start3A_189 = arith.constant 3 : i32
    %dma_start3A_190 = arith.constant 375 : i32
    %dma_start3A_191 = arith.constant 0 : i32
    %dma_start3A_192 = tpu.memref_slice %arg8[%dma_start3A_190, %dma_start3A_191] : memref<625x16xf32, #tpu.memory_space<vmem>> -> memref<125x16xf32, #tpu.memory_space<vmem>>
    %dma_start3A_193 = arith.constant 0 : i32
    %dma_start3A_194 = tpu.memref_slice %arg6[%dma_start3A_188, %dma_start3A_189, %dma_start3A_193] : memref<2x5x125xi32, #tpu.memory_space<vmem>> -> memref<1x1x125xi32, #tpu.memory_space<vmem>>
    %dma_start3A_195 = tpu.memref_squeeze %dma_start3A_194 : memref<1x1x125xi32, #tpu.memory_space<vmem>> -> memref<125xi32, #tpu.memory_space<vmem>>
    %dma_start3A_196 = arith.constant 0 : i32
    %dma_start3A_197 = arith.constant 0 : i32
    %dma_start3A_198 = tpu.memref_slice %arg2[%dma_start3A_196, %dma_start3A_197] : memref<50000x16xf32, #tpu.memory_space<hbm>> -> memref<50000x16xf32, #tpu.memory_space<hbm>>
    tpu.enqueue_indirect_dma source(%dma_start3A_198 : memref<50000x16xf32, #tpu.memory_space<hbm>>) target(%dma_start3A_192 : memref<125x16xf32, #tpu.memory_space<vmem>>) offsets(%dma_start3A_195 : memref<125xi32, #tpu.memory_space<vmem>>) semaphore(%arg14 : memref<!tpu.dma_semaphore, #tpu.memory_space<semaphore_mem>>)
    %dma_start3A_199 = arith.constant 1 : i32
    %dma_start3A_200 = arith.constant 3 : i32
    %dma_start3A_201 = arith.constant 375 : i32
    %dma_start3A_202 = arith.constant 0 : i32
    %dma_start3A_203 = tpu.memref_slice %arg9[%dma_start3A_201, %dma_start3A_202] : memref<625x16xf32, #tpu.memory_space<vmem>> -> memref<125x16xf32, #tpu.memory_space<vmem>>
    %dma_start3A_204 = arith.constant 0 : i32
    %dma_start3A_205 = tpu.memref_slice %arg6[%dma_start3A_199, %dma_start3A_200, %dma_start3A_204] : memref<2x5x125xi32, #tpu.memory_space<vmem>> -> memref<1x1x125xi32, #tpu.memory_space<vmem>>
    %dma_start3A_206 = tpu.memref_squeeze %dma_start3A_205 : memref<1x1x125xi32, #tpu.memory_space<vmem>> -> memref<125xi32, #tpu.memory_space<vmem>>
    %dma_start3A_207 = arith.constant 0 : i32
    %dma_start3A_208 = arith.constant 0 : i32
    %dma_start3A_209 = tpu.memref_slice %arg2[%dma_start3A_207, %dma_start3A_208] : memref<50000x16xf32, #tpu.memory_space<hbm>> -> memref<50000x16xf32, #tpu.memory_space<hbm>>
    tpu.enqueue_indirect_dma source(%dma_start3A_209 : memref<50000x16xf32, #tpu.memory_space<hbm>>) target(%dma_start3A_203 : memref<125x16xf32, #tpu.memory_space<vmem>>) offsets(%dma_start3A_206 : memref<125xi32, #tpu.memory_space<vmem>>) semaphore(%arg14 : memref<!tpu.dma_semaphore, #tpu.memory_space<semaphore_mem>>)
    %dma_start3A_210 = arith.constant 0 : i32
    %dma_start3A_211 = arith.constant 4 : i32
    %dma_start3A_212 = arith.constant 500 : i32
    %dma_start3A_213 = arith.constant 0 : i32
    %dma_start3A_214 = tpu.memref_slice %arg8[%dma_start3A_212, %dma_start3A_213] : memref<625x16xf32, #tpu.memory_space<vmem>> -> memref<125x16xf32, #tpu.memory_space<vmem>>
    %dma_start3A_215 = arith.constant 0 : i32
    %dma_start3A_216 = tpu.memref_slice %arg6[%dma_start3A_210, %dma_start3A_211, %dma_start3A_215] : memref<2x5x125xi32, #tpu.memory_space<vmem>> -> memref<1x1x125xi32, #tpu.memory_space<vmem>>
    %dma_start3A_217 = tpu.memref_squeeze %dma_start3A_216 : memref<1x1x125xi32, #tpu.memory_space<vmem>> -> memref<125xi32, #tpu.memory_space<vmem>>
    %dma_start3A_218 = arith.constant 0 : i32
    %dma_start3A_219 = arith.constant 0 : i32
    %dma_start3A_220 = tpu.memref_slice %arg2[%dma_start3A_218, %dma_start3A_219] : memref<50000x16xf32, #tpu.memory_space<hbm>> -> memref<50000x16xf32, #tpu.memory_space<hbm>>
    tpu.enqueue_indirect_dma source(%dma_start3A_220 : memref<50000x16xf32, #tpu.memory_space<hbm>>) target(%dma_start3A_214 : memref<125x16xf32, #tpu.memory_space<vmem>>) offsets(%dma_start3A_217 : memref<125xi32, #tpu.memory_space<vmem>>) semaphore(%arg14 : memref<!tpu.dma_semaphore, #tpu.memory_space<semaphore_mem>>)
    %dma_start3A_221 = arith.constant 1 : i32
    %dma_start3A_222 = arith.constant 4 : i32
    %dma_start3A_223 = arith.constant 500 : i32
    %dma_start3A_224 = arith.constant 0 : i32
    %dma_start3A_225 = tpu.memref_slice %arg9[%dma_start3A_223, %dma_start3A_224] : memref<625x16xf32, #tpu.memory_space<vmem>> -> memref<125x16xf32, #tpu.memory_space<vmem>>
    %dma_start3A_226 = arith.constant 0 : i32
    %dma_start3A_227 = tpu.memref_slice %arg6[%dma_start3A_221, %dma_start3A_222, %dma_start3A_226] : memref<2x5x125xi32, #tpu.memory_space<vmem>> -> memref<1x1x125xi32, #tpu.memory_space<vmem>>
    %dma_start3A_228 = tpu.memref_squeeze %dma_start3A_227 : memref<1x1x125xi32, #tpu.memory_space<vmem>> -> memref<125xi32, #tpu.memory_space<vmem>>
    %dma_start3A_229 = arith.constant 0 : i32
    %dma_start3A_230 = arith.constant 0 : i32
    %dma_start3A_231 = tpu.memref_slice %arg2[%dma_start3A_229, %dma_start3A_230] : memref<50000x16xf32, #tpu.memory_space<hbm>> -> memref<50000x16xf32, #tpu.memory_space<hbm>>
    tpu.enqueue_indirect_dma source(%dma_start3A_231 : memref<50000x16xf32, #tpu.memory_space<hbm>>) target(%dma_start3A_225 : memref<125x16xf32, #tpu.memory_space<vmem>>) offsets(%dma_start3A_228 : memref<125xi32, #tpu.memory_space<vmem>>) semaphore(%arg14 : memref<!tpu.dma_semaphore, #tpu.memory_space<semaphore_mem>>)
    %broadcast_in_dim3A = arith.constant 0.000000e+00 : f32
    %broadcast_in_dim3A_232 = vector.broadcast %broadcast_in_dim3A : f32 to vector<16xf32>
    %scan3A = arith.constant 0 : i32
    %scan3A_233 = arith.constant 20 : i32
    %scan3A_234 = arith.addi %scan3A, %scan3A_233 : i32
    %scan3A_235 = arith.constant 1 : i32
    %scan3A_236 = scf.for %scan3A_239 = %scan3A to %scan3A_234 step %scan3A_235 iter_args(%scan3A_240 = %broadcast_in_dim3A_232) -> (vector<16xf32>)  : i32 {
      %mul3A_241 = arith.constant 2 : i32
      %mul3A_242 = arith.muli %mul3A_241, %scan3A_239 : i32
      %add3A_243 = arith.addi %mul3A_120, %mul3A_242 : i32
      %add3A_244 = arith.constant 1 : i32
      %add3A_245 = arith.addi %add3A_243, %add3A_244 : i32
      %mul3A_246 = arith.constant 5 : i32
      %mul3A_247 = arith.muli %add3A_245, %mul3A_246 : i32
      "tpu.region"() ({
        %run_scoped3A = tpu.sem_alloc : memref<!tpu.dma_semaphore, #tpu.memory_space<semaphore_mem>>
        %dma_start3A_591 = arith.constant 0 : i32
        %dma_start3A_592 = arith.constant 0 : i32
        %dma_start3A_593 = tpu.memref_slice %arg3[%dma_start3A_591, %mul3A_247, %dma_start3A_592] : memref<2x6400x125xi32, #tpu.memory_space<hbm>> -> memref<2x5x125xi32, #tpu.memory_space<hbm>>
        %dma_start3A_594 = arith.constant 0 : i32
        %dma_start3A_595 = arith.constant 0 : i32
        %dma_start3A_596 = tpu.memref_slice %arg3[%dma_start3A_594, %mul3A_247, %dma_start3A_595] : memref<2x6400x125xi32, #tpu.memory_space<hbm>> -> memref<2x5x125xi32, #tpu.memory_space<hbm>>
        tpu.enqueue_dma source(%dma_start3A_596 : memref<2x5x125xi32, #tpu.memory_space<hbm>>) target(%arg7 : memref<2x5x125xi32, #tpu.memory_space<vmem>>) target_semaphore(%run_scoped3A : memref<!tpu.dma_semaphore, #tpu.memory_space<semaphore_mem>>)
        %dma_wait3A_597 = arith.constant 0 : i32
        %dma_wait3A_598 = arith.constant 0 : i32
        %dma_wait3A_599 = tpu.memref_slice %arg3[%dma_wait3A_597, %mul3A_247, %dma_wait3A_598] : memref<2x6400x125xi32, #tpu.memory_space<hbm>> -> memref<2x5x125xi32, #tpu.memory_space<hbm>>
        %dma_wait3A_600 = arith.constant 0 : i32
        %dma_wait3A_601 = arith.constant 0 : i32
        %dma_wait3A_602 = tpu.memref_slice %arg3[%dma_wait3A_600, %mul3A_247, %dma_wait3A_601] : memref<2x6400x125xi32, #tpu.memory_space<hbm>> -> memref<2x5x125xi32, #tpu.memory_space<hbm>>
        tpu.wait_dma2 semaphore(%run_scoped3A : memref<!tpu.dma_semaphore, #tpu.memory_space<semaphore_mem>>) src(%dma_wait3A_602 : memref<2x5x125xi32, #tpu.memory_space<hbm>>) dst(%arg7 : memref<2x5x125xi32, #tpu.memory_space<vmem>>)
        tpu.yield
      }) : () -> ()
      %dma_wait3A = arith.constant 0 : i32
      %dma_wait3A_248 = arith.constant 0 : i32
      %dma_wait3A_249 = arith.constant 0 : i32
      %dma_wait3A_250 = arith.constant 0 : i32
      %dma_wait3A_251 = tpu.memref_slice %arg8[%dma_wait3A_249, %dma_wait3A_250] : memref<625x16xf32, #tpu.memory_space<vmem>> -> memref<125x16xf32, #tpu.memory_space<vmem>>
      %dma_wait3A_252 = arith.constant 0 : i32
      %dma_wait3A_253 = tpu.memref_slice %arg6[%dma_wait3A, %dma_wait3A_248, %dma_wait3A_252] : memref<2x5x125xi32, #tpu.memory_space<vmem>> -> memref<1x1x125xi32, #tpu.memory_space<vmem>>
      %dma_wait3A_254 = tpu.memref_squeeze %dma_wait3A_253 : memref<1x1x125xi32, #tpu.memory_space<vmem>> -> memref<125xi32, #tpu.memory_space<vmem>>
      %dma_wait3A_255 = arith.constant 0 : i32
      %dma_wait3A_256 = arith.constant 0 : i32
      %dma_wait3A_257 = tpu.memref_slice %arg2[%dma_wait3A_255, %dma_wait3A_256] : memref<50000x16xf32, #tpu.memory_space<hbm>> -> memref<50000x16xf32, #tpu.memory_space<hbm>>
      tpu.wait_indirect_dma semaphore(%arg14 : memref<!tpu.dma_semaphore, #tpu.memory_space<semaphore_mem>>) src(%dma_wait3A_257 : memref<50000x16xf32, #tpu.memory_space<hbm>>) dst(%dma_wait3A_251 : memref<125x16xf32, #tpu.memory_space<vmem>>)
      %dma_wait3A_258 = arith.constant 1 : i32
      %dma_wait3A_259 = arith.constant 0 : i32
      %dma_wait3A_260 = arith.constant 0 : i32
      %dma_wait3A_261 = arith.constant 0 : i32
      %dma_wait3A_262 = tpu.memref_slice %arg9[%dma_wait3A_260, %dma_wait3A_261] : memref<625x16xf32, #tpu.memory_space<vmem>> -> memref<125x16xf32, #tpu.memory_space<vmem>>
      %dma_wait3A_263 = arith.constant 0 : i32
      %dma_wait3A_264 = tpu.memref_slice %arg6[%dma_wait3A_258, %dma_wait3A_259, %dma_wait3A_263] : memref<2x5x125xi32, #tpu.memory_space<vmem>> -> memref<1x1x125xi32, #tpu.memory_space<vmem>>
      %dma_wait3A_265 = tpu.memref_squeeze %dma_wait3A_264 : memref<1x1x125xi32, #tpu.memory_space<vmem>> -> memref<125xi32, #tpu.memory_space<vmem>>
      %dma_wait3A_266 = arith.constant 0 : i32
      %dma_wait3A_267 = arith.constant 0 : i32
      %dma_wait3A_268 = tpu.memref_slice %arg2[%dma_wait3A_266, %dma_wait3A_267] : memref<50000x16xf32, #tpu.memory_space<hbm>> -> memref<50000x16xf32, #tpu.memory_space<hbm>>
      tpu.wait_indirect_dma semaphore(%arg14 : memref<!tpu.dma_semaphore, #tpu.memory_space<semaphore_mem>>) src(%dma_wait3A_268 : memref<50000x16xf32, #tpu.memory_space<hbm>>) dst(%dma_wait3A_262 : memref<125x16xf32, #tpu.memory_space<vmem>>)
      %dma_wait3A_269 = arith.constant 0 : i32
      %dma_wait3A_270 = arith.constant 1 : i32
      %dma_wait3A_271 = arith.constant 125 : i32
      %dma_wait3A_272 = arith.constant 0 : i32
      %dma_wait3A_273 = tpu.memref_slice %arg8[%dma_wait3A_271, %dma_wait3A_272] : memref<625x16xf32, #tpu.memory_space<vmem>> -> memref<125x16xf32, #tpu.memory_space<vmem>>
      %dma_wait3A_274 = arith.constant 0 : i32
      %dma_wait3A_275 = tpu.memref_slice %arg6[%dma_wait3A_269, %dma_wait3A_270, %dma_wait3A_274] : memref<2x5x125xi32, #tpu.memory_space<vmem>> -> memref<1x1x125xi32, #tpu.memory_space<vmem>>
      %dma_wait3A_276 = tpu.memref_squeeze %dma_wait3A_275 : memref<1x1x125xi32, #tpu.memory_space<vmem>> -> memref<125xi32, #tpu.memory_space<vmem>>
      %dma_wait3A_277 = arith.constant 0 : i32
      %dma_wait3A_278 = arith.constant 0 : i32
      %dma_wait3A_279 = tpu.memref_slice %arg2[%dma_wait3A_277, %dma_wait3A_278] : memref<50000x16xf32, #tpu.memory_space<hbm>> -> memref<50000x16xf32, #tpu.memory_space<hbm>>
      tpu.wait_indirect_dma semaphore(%arg14 : memref<!tpu.dma_semaphore, #tpu.memory_space<semaphore_mem>>) src(%dma_wait3A_279 : memref<50000x16xf32, #tpu.memory_space<hbm>>) dst(%dma_wait3A_273 : memref<125x16xf32, #tpu.memory_space<vmem>>)
      %dma_wait3A_280 = arith.constant 1 : i32
      %dma_wait3A_281 = arith.constant 1 : i32
      %dma_wait3A_282 = arith.constant 125 : i32
      %dma_wait3A_283 = arith.constant 0 : i32
      %dma_wait3A_284 = tpu.memref_slice %arg9[%dma_wait3A_282, %dma_wait3A_283] : memref<625x16xf32, #tpu.memory_space<vmem>> -> memref<125x16xf32, #tpu.memory_space<vmem>>
      %dma_wait3A_285 = arith.constant 0 : i32
      %dma_wait3A_286 = tpu.memref_slice %arg6[%dma_wait3A_280, %dma_wait3A_281, %dma_wait3A_285] : memref<2x5x125xi32, #tpu.memory_space<vmem>> -> memref<1x1x125xi32, #tpu.memory_space<vmem>>
      %dma_wait3A_287 = tpu.memref_squeeze %dma_wait3A_286 : memref<1x1x125xi32, #tpu.memory_space<vmem>> -> memref<125xi32, #tpu.memory_space<vmem>>
      %dma_wait3A_288 = arith.constant 0 : i32
      %dma_wait3A_289 = arith.constant 0 : i32
      %dma_wait3A_290 = tpu.memref_slice %arg2[%dma_wait3A_288, %dma_wait3A_289] : memref<50000x16xf32, #tpu.memory_space<hbm>> -> memref<50000x16xf32, #tpu.memory_space<hbm>>
      tpu.wait_indirect_dma semaphore(%arg14 : memref<!tpu.dma_semaphore, #tpu.memory_space<semaphore_mem>>) src(%dma_wait3A_290 : memref<50000x16xf32, #tpu.memory_space<hbm>>) dst(%dma_wait3A_284 : memref<125x16xf32, #tpu.memory_space<vmem>>)
      %dma_wait3A_291 = arith.constant 0 : i32
      %dma_wait3A_292 = arith.constant 2 : i32
      %dma_wait3A_293 = arith.constant 250 : i32
      %dma_wait3A_294 = arith.constant 0 : i32
      %dma_wait3A_295 = tpu.memref_slice %arg8[%dma_wait3A_293, %dma_wait3A_294] : memref<625x16xf32, #tpu.memory_space<vmem>> -> memref<125x16xf32, #tpu.memory_space<vmem>>
      %dma_wait3A_296 = arith.constant 0 : i32
      %dma_wait3A_297 = tpu.memref_slice %arg6[%dma_wait3A_291, %dma_wait3A_292, %dma_wait3A_296] : memref<2x5x125xi32, #tpu.memory_space<vmem>> -> memref<1x1x125xi32, #tpu.memory_space<vmem>>
      %dma_wait3A_298 = tpu.memref_squeeze %dma_wait3A_297 : memref<1x1x125xi32, #tpu.memory_space<vmem>> -> memref<125xi32, #tpu.memory_space<vmem>>
      %dma_wait3A_299 = arith.constant 0 : i32
      %dma_wait3A_300 = arith.constant 0 : i32
      %dma_wait3A_301 = tpu.memref_slice %arg2[%dma_wait3A_299, %dma_wait3A_300] : memref<50000x16xf32, #tpu.memory_space<hbm>> -> memref<50000x16xf32, #tpu.memory_space<hbm>>
      tpu.wait_indirect_dma semaphore(%arg14 : memref<!tpu.dma_semaphore, #tpu.memory_space<semaphore_mem>>) src(%dma_wait3A_301 : memref<50000x16xf32, #tpu.memory_space<hbm>>) dst(%dma_wait3A_295 : memref<125x16xf32, #tpu.memory_space<vmem>>)
      %dma_wait3A_302 = arith.constant 1 : i32
      %dma_wait3A_303 = arith.constant 2 : i32
      %dma_wait3A_304 = arith.constant 250 : i32
      %dma_wait3A_305 = arith.constant 0 : i32
      %dma_wait3A_306 = tpu.memref_slice %arg9[%dma_wait3A_304, %dma_wait3A_305] : memref<625x16xf32, #tpu.memory_space<vmem>> -> memref<125x16xf32, #tpu.memory_space<vmem>>
      %dma_wait3A_307 = arith.constant 0 : i32
      %dma_wait3A_308 = tpu.memref_slice %arg6[%dma_wait3A_302, %dma_wait3A_303, %dma_wait3A_307] : memref<2x5x125xi32, #tpu.memory_space<vmem>> -> memref<1x1x125xi32, #tpu.memory_space<vmem>>
      %dma_wait3A_309 = tpu.memref_squeeze %dma_wait3A_308 : memref<1x1x125xi32, #tpu.memory_space<vmem>> -> memref<125xi32, #tpu.memory_space<vmem>>
      %dma_wait3A_310 = arith.constant 0 : i32
      %dma_wait3A_311 = arith.constant 0 : i32
      %dma_wait3A_312 = tpu.memref_slice %arg2[%dma_wait3A_310, %dma_wait3A_311] : memref<50000x16xf32, #tpu.memory_space<hbm>> -> memref<50000x16xf32, #tpu.memory_space<hbm>>
      tpu.wait_indirect_dma semaphore(%arg14 : memref<!tpu.dma_semaphore, #tpu.memory_space<semaphore_mem>>) src(%dma_wait3A_312 : memref<50000x16xf32, #tpu.memory_space<hbm>>) dst(%dma_wait3A_306 : memref<125x16xf32, #tpu.memory_space<vmem>>)
      %dma_wait3A_313 = arith.constant 0 : i32
      %dma_wait3A_314 = arith.constant 3 : i32
      %dma_wait3A_315 = arith.constant 375 : i32
      %dma_wait3A_316 = arith.constant 0 : i32
      %dma_wait3A_317 = tpu.memref_slice %arg8[%dma_wait3A_315, %dma_wait3A_316] : memref<625x16xf32, #tpu.memory_space<vmem>> -> memref<125x16xf32, #tpu.memory_space<vmem>>
      %dma_wait3A_318 = arith.constant 0 : i32
      %dma_wait3A_319 = tpu.memref_slice %arg6[%dma_wait3A_313, %dma_wait3A_314, %dma_wait3A_318] : memref<2x5x125xi32, #tpu.memory_space<vmem>> -> memref<1x1x125xi32, #tpu.memory_space<vmem>>
      %dma_wait3A_320 = tpu.memref_squeeze %dma_wait3A_319 : memref<1x1x125xi32, #tpu.memory_space<vmem>> -> memref<125xi32, #tpu.memory_space<vmem>>
      %dma_wait3A_321 = arith.constant 0 : i32
      %dma_wait3A_322 = arith.constant 0 : i32
      %dma_wait3A_323 = tpu.memref_slice %arg2[%dma_wait3A_321, %dma_wait3A_322] : memref<50000x16xf32, #tpu.memory_space<hbm>> -> memref<50000x16xf32, #tpu.memory_space<hbm>>
      tpu.wait_indirect_dma semaphore(%arg14 : memref<!tpu.dma_semaphore, #tpu.memory_space<semaphore_mem>>) src(%dma_wait3A_323 : memref<50000x16xf32, #tpu.memory_space<hbm>>) dst(%dma_wait3A_317 : memref<125x16xf32, #tpu.memory_space<vmem>>)
      %dma_wait3A_324 = arith.constant 1 : i32
      %dma_wait3A_325 = arith.constant 3 : i32
      %dma_wait3A_326 = arith.constant 375 : i32
      %dma_wait3A_327 = arith.constant 0 : i32
      %dma_wait3A_328 = tpu.memref_slice %arg9[%dma_wait3A_326, %dma_wait3A_327] : memref<625x16xf32, #tpu.memory_space<vmem>> -> memref<125x16xf32, #tpu.memory_space<vmem>>
      %dma_wait3A_329 = arith.constant 0 : i32
      %dma_wait3A_330 = tpu.memref_slice %arg6[%dma_wait3A_324, %dma_wait3A_325, %dma_wait3A_329] : memref<2x5x125xi32, #tpu.memory_space<vmem>> -> memref<1x1x125xi32, #tpu.memory_space<vmem>>
      %dma_wait3A_331 = tpu.memref_squeeze %dma_wait3A_330 : memref<1x1x125xi32, #tpu.memory_space<vmem>> -> memref<125xi32, #tpu.memory_space<vmem>>
      %dma_wait3A_332 = arith.constant 0 : i32
      %dma_wait3A_333 = arith.constant 0 : i32
      %dma_wait3A_334 = tpu.memref_slice %arg2[%dma_wait3A_332, %dma_wait3A_333] : memref<50000x16xf32, #tpu.memory_space<hbm>> -> memref<50000x16xf32, #tpu.memory_space<hbm>>
      tpu.wait_indirect_dma semaphore(%arg14 : memref<!tpu.dma_semaphore, #tpu.memory_space<semaphore_mem>>) src(%dma_wait3A_334 : memref<50000x16xf32, #tpu.memory_space<hbm>>) dst(%dma_wait3A_328 : memref<125x16xf32, #tpu.memory_space<vmem>>)
      %dma_wait3A_335 = arith.constant 0 : i32
      %dma_wait3A_336 = arith.constant 4 : i32
      %dma_wait3A_337 = arith.constant 500 : i32
      %dma_wait3A_338 = arith.constant 0 : i32
      %dma_wait3A_339 = tpu.memref_slice %arg8[%dma_wait3A_337, %dma_wait3A_338] : memref<625x16xf32, #tpu.memory_space<vmem>> -> memref<125x16xf32, #tpu.memory_space<vmem>>
      %dma_wait3A_340 = arith.constant 0 : i32
      %dma_wait3A_341 = tpu.memref_slice %arg6[%dma_wait3A_335, %dma_wait3A_336, %dma_wait3A_340] : memref<2x5x125xi32, #tpu.memory_space<vmem>> -> memref<1x1x125xi32, #tpu.memory_space<vmem>>
      %dma_wait3A_342 = tpu.memref_squeeze %dma_wait3A_341 : memref<1x1x125xi32, #tpu.memory_space<vmem>> -> memref<125xi32, #tpu.memory_space<vmem>>
      %dma_wait3A_343 = arith.constant 0 : i32
      %dma_wait3A_344 = arith.constant 0 : i32
      %dma_wait3A_345 = tpu.memref_slice %arg2[%dma_wait3A_343, %dma_wait3A_344] : memref<50000x16xf32, #tpu.memory_space<hbm>> -> memref<50000x16xf32, #tpu.memory_space<hbm>>
      tpu.wait_indirect_dma semaphore(%arg14 : memref<!tpu.dma_semaphore, #tpu.memory_space<semaphore_mem>>) src(%dma_wait3A_345 : memref<50000x16xf32, #tpu.memory_space<hbm>>) dst(%dma_wait3A_339 : memref<125x16xf32, #tpu.memory_space<vmem>>)
      %dma_wait3A_346 = arith.constant 1 : i32
      %dma_wait3A_347 = arith.constant 4 : i32
      %dma_wait3A_348 = arith.constant 500 : i32
      %dma_wait3A_349 = arith.constant 0 : i32
      %dma_wait3A_350 = tpu.memref_slice %arg9[%dma_wait3A_348, %dma_wait3A_349] : memref<625x16xf32, #tpu.memory_space<vmem>> -> memref<125x16xf32, #tpu.memory_space<vmem>>
      %dma_wait3A_351 = arith.constant 0 : i32
      %dma_wait3A_352 = tpu.memref_slice %arg6[%dma_wait3A_346, %dma_wait3A_347, %dma_wait3A_351] : memref<2x5x125xi32, #tpu.memory_space<vmem>> -> memref<1x1x125xi32, #tpu.memory_space<vmem>>
      %dma_wait3A_353 = tpu.memref_squeeze %dma_wait3A_352 : memref<1x1x125xi32, #tpu.memory_space<vmem>> -> memref<125xi32, #tpu.memory_space<vmem>>
      %dma_wait3A_354 = arith.constant 0 : i32
      %dma_wait3A_355 = arith.constant 0 : i32
      %dma_wait3A_356 = tpu.memref_slice %arg2[%dma_wait3A_354, %dma_wait3A_355] : memref<50000x16xf32, #tpu.memory_space<hbm>> -> memref<50000x16xf32, #tpu.memory_space<hbm>>
      tpu.wait_indirect_dma semaphore(%arg14 : memref<!tpu.dma_semaphore, #tpu.memory_space<semaphore_mem>>) src(%dma_wait3A_356 : memref<50000x16xf32, #tpu.memory_space<hbm>>) dst(%dma_wait3A_350 : memref<125x16xf32, #tpu.memory_space<vmem>>)
      %dma_start3A_357 = arith.constant 0 : i32
      %dma_start3A_358 = arith.constant 0 : i32
      %dma_start3A_359 = arith.constant 0 : i32
      %dma_start3A_360 = arith.constant 0 : i32
      %dma_start3A_361 = tpu.memref_slice %arg10[%dma_start3A_359, %dma_start3A_360] : memref<625x16xf32, #tpu.memory_space<vmem>> -> memref<125x16xf32, #tpu.memory_space<vmem>>
      %dma_start3A_362 = arith.constant 0 : i32
      %dma_start3A_363 = tpu.memref_slice %arg7[%dma_start3A_357, %dma_start3A_358, %dma_start3A_362] : memref<2x5x125xi32, #tpu.memory_space<vmem>> -> memref<1x1x125xi32, #tpu.memory_space<vmem>>
      %dma_start3A_364 = tpu.memref_squeeze %dma_start3A_363 : memref<1x1x125xi32, #tpu.memory_space<vmem>> -> memref<125xi32, #tpu.memory_space<vmem>>
      %dma_start3A_365 = arith.constant 0 : i32
      %dma_start3A_366 = arith.constant 0 : i32
      %dma_start3A_367 = tpu.memref_slice %arg2[%dma_start3A_365, %dma_start3A_366] : memref<50000x16xf32, #tpu.memory_space<hbm>> -> memref<50000x16xf32, #tpu.memory_space<hbm>>
      tpu.enqueue_indirect_dma source(%dma_start3A_367 : memref<50000x16xf32, #tpu.memory_space<hbm>>) target(%dma_start3A_361 : memref<125x16xf32, #tpu.memory_space<vmem>>) offsets(%dma_start3A_364 : memref<125xi32, #tpu.memory_space<vmem>>) semaphore(%arg15 : memref<!tpu.dma_semaphore, #tpu.memory_space<semaphore_mem>>)
      %dma_start3A_368 = arith.constant 1 : i32
      %dma_start3A_369 = arith.constant 0 : i32
      %dma_start3A_370 = arith.constant 0 : i32
      %dma_start3A_371 = arith.constant 0 : i32
      %dma_start3A_372 = tpu.memref_slice %arg11[%dma_start3A_370, %dma_start3A_371] : memref<625x16xf32, #tpu.memory_space<vmem>> -> memref<125x16xf32, #tpu.memory_space<vmem>>
      %dma_start3A_373 = arith.constant 0 : i32
      %dma_start3A_374 = tpu.memref_slice %arg7[%dma_start3A_368, %dma_start3A_369, %dma_start3A_373] : memref<2x5x125xi32, #tpu.memory_space<vmem>> -> memref<1x1x125xi32, #tpu.memory_space<vmem>>
      %dma_start3A_375 = tpu.memref_squeeze %dma_start3A_374 : memref<1x1x125xi32, #tpu.memory_space<vmem>> -> memref<125xi32, #tpu.memory_space<vmem>>
      %dma_start3A_376 = arith.constant 0 : i32
      %dma_start3A_377 = arith.constant 0 : i32
      %dma_start3A_378 = tpu.memref_slice %arg2[%dma_start3A_376, %dma_start3A_377] : memref<50000x16xf32, #tpu.memory_space<hbm>> -> memref<50000x16xf32, #tpu.memory_space<hbm>>
      tpu.enqueue_indirect_dma source(%dma_start3A_378 : memref<50000x16xf32, #tpu.memory_space<hbm>>) target(%dma_start3A_372 : memref<125x16xf32, #tpu.memory_space<vmem>>) offsets(%dma_start3A_375 : memref<125xi32, #tpu.memory_space<vmem>>) semaphore(%arg15 : memref<!tpu.dma_semaphore, #tpu.memory_space<semaphore_mem>>)
      %dma_start3A_379 = arith.constant 0 : i32
      %dma_start3A_380 = arith.constant 1 : i32
      %dma_start3A_381 = arith.constant 125 : i32
      %dma_start3A_382 = arith.constant 0 : i32
      %dma_start3A_383 = tpu.memref_slice %arg10[%dma_start3A_381, %dma_start3A_382] : memref<625x16xf32, #tpu.memory_space<vmem>> -> memref<125x16xf32, #tpu.memory_space<vmem>>
      %dma_start3A_384 = arith.constant 0 : i32
      %dma_start3A_385 = tpu.memref_slice %arg7[%dma_start3A_379, %dma_start3A_380, %dma_start3A_384] : memref<2x5x125xi32, #tpu.memory_space<vmem>> -> memref<1x1x125xi32, #tpu.memory_space<vmem>>
      %dma_start3A_386 = tpu.memref_squeeze %dma_start3A_385 : memref<1x1x125xi32, #tpu.memory_space<vmem>> -> memref<125xi32, #tpu.memory_space<vmem>>
      %dma_start3A_387 = arith.constant 0 : i32
      %dma_start3A_388 = arith.constant 0 : i32
      %dma_start3A_389 = tpu.memref_slice %arg2[%dma_start3A_387, %dma_start3A_388] : memref<50000x16xf32, #tpu.memory_space<hbm>> -> memref<50000x16xf32, #tpu.memory_space<hbm>>
      tpu.enqueue_indirect_dma source(%dma_start3A_389 : memref<50000x16xf32, #tpu.memory_space<hbm>>) target(%dma_start3A_383 : memref<125x16xf32, #tpu.memory_space<vmem>>) offsets(%dma_start3A_386 : memref<125xi32, #tpu.memory_space<vmem>>) semaphore(%arg15 : memref<!tpu.dma_semaphore, #tpu.memory_space<semaphore_mem>>)
      %dma_start3A_390 = arith.constant 1 : i32
      %dma_start3A_391 = arith.constant 1 : i32
      %dma_start3A_392 = arith.constant 125 : i32
      %dma_start3A_393 = arith.constant 0 : i32
      %dma_start3A_394 = tpu.memref_slice %arg11[%dma_start3A_392, %dma_start3A_393] : memref<625x16xf32, #tpu.memory_space<vmem>> -> memref<125x16xf32, #tpu.memory_space<vmem>>
      %dma_start3A_395 = arith.constant 0 : i32
      %dma_start3A_396 = tpu.memref_slice %arg7[%dma_start3A_390, %dma_start3A_391, %dma_start3A_395] : memref<2x5x125xi32, #tpu.memory_space<vmem>> -> memref<1x1x125xi32, #tpu.memory_space<vmem>>
      %dma_start3A_397 = tpu.memref_squeeze %dma_start3A_396 : memref<1x1x125xi32, #tpu.memory_space<vmem>> -> memref<125xi32, #tpu.memory_space<vmem>>
      %dma_start3A_398 = arith.constant 0 : i32
      %dma_start3A_399 = arith.constant 0 : i32
      %dma_start3A_400 = tpu.memref_slice %arg2[%dma_start3A_398, %dma_start3A_399] : memref<50000x16xf32, #tpu.memory_space<hbm>> -> memref<50000x16xf32, #tpu.memory_space<hbm>>
      tpu.enqueue_indirect_dma source(%dma_start3A_400 : memref<50000x16xf32, #tpu.memory_space<hbm>>) target(%dma_start3A_394 : memref<125x16xf32, #tpu.memory_space<vmem>>) offsets(%dma_start3A_397 : memref<125xi32, #tpu.memory_space<vmem>>) semaphore(%arg15 : memref<!tpu.dma_semaphore, #tpu.memory_space<semaphore_mem>>)
      %dma_start3A_401 = arith.constant 0 : i32
      %dma_start3A_402 = arith.constant 2 : i32
      %dma_start3A_403 = arith.constant 250 : i32
      %dma_start3A_404 = arith.constant 0 : i32
      %dma_start3A_405 = tpu.memref_slice %arg10[%dma_start3A_403, %dma_start3A_404] : memref<625x16xf32, #tpu.memory_space<vmem>> -> memref<125x16xf32, #tpu.memory_space<vmem>>
      %dma_start3A_406 = arith.constant 0 : i32
      %dma_start3A_407 = tpu.memref_slice %arg7[%dma_start3A_401, %dma_start3A_402, %dma_start3A_406] : memref<2x5x125xi32, #tpu.memory_space<vmem>> -> memref<1x1x125xi32, #tpu.memory_space<vmem>>
      %dma_start3A_408 = tpu.memref_squeeze %dma_start3A_407 : memref<1x1x125xi32, #tpu.memory_space<vmem>> -> memref<125xi32, #tpu.memory_space<vmem>>
      %dma_start3A_409 = arith.constant 0 : i32
      %dma_start3A_410 = arith.constant 0 : i32
      %dma_start3A_411 = tpu.memref_slice %arg2[%dma_start3A_409, %dma_start3A_410] : memref<50000x16xf32, #tpu.memory_space<hbm>> -> memref<50000x16xf32, #tpu.memory_space<hbm>>
      tpu.enqueue_indirect_dma source(%dma_start3A_411 : memref<50000x16xf32, #tpu.memory_space<hbm>>) target(%dma_start3A_405 : memref<125x16xf32, #tpu.memory_space<vmem>>) offsets(%dma_start3A_408 : memref<125xi32, #tpu.memory_space<vmem>>) semaphore(%arg15 : memref<!tpu.dma_semaphore, #tpu.memory_space<semaphore_mem>>)
      %dma_start3A_412 = arith.constant 1 : i32
      %dma_start3A_413 = arith.constant 2 : i32
      %dma_start3A_414 = arith.constant 250 : i32
      %dma_start3A_415 = arith.constant 0 : i32
      %dma_start3A_416 = tpu.memref_slice %arg11[%dma_start3A_414, %dma_start3A_415] : memref<625x16xf32, #tpu.memory_space<vmem>> -> memref<125x16xf32, #tpu.memory_space<vmem>>
      %dma_start3A_417 = arith.constant 0 : i32
      %dma_start3A_418 = tpu.memref_slice %arg7[%dma_start3A_412, %dma_start3A_413, %dma_start3A_417] : memref<2x5x125xi32, #tpu.memory_space<vmem>> -> memref<1x1x125xi32, #tpu.memory_space<vmem>>
      %dma_start3A_419 = tpu.memref_squeeze %dma_start3A_418 : memref<1x1x125xi32, #tpu.memory_space<vmem>> -> memref<125xi32, #tpu.memory_space<vmem>>
      %dma_start3A_420 = arith.constant 0 : i32
      %dma_start3A_421 = arith.constant 0 : i32
      %dma_start3A_422 = tpu.memref_slice %arg2[%dma_start3A_420, %dma_start3A_421] : memref<50000x16xf32, #tpu.memory_space<hbm>> -> memref<50000x16xf32, #tpu.memory_space<hbm>>
      tpu.enqueue_indirect_dma source(%dma_start3A_422 : memref<50000x16xf32, #tpu.memory_space<hbm>>) target(%dma_start3A_416 : memref<125x16xf32, #tpu.memory_space<vmem>>) offsets(%dma_start3A_419 : memref<125xi32, #tpu.memory_space<vmem>>) semaphore(%arg15 : memref<!tpu.dma_semaphore, #tpu.memory_space<semaphore_mem>>)
      %dma_start3A_423 = arith.constant 0 : i32
      %dma_start3A_424 = arith.constant 3 : i32
      %dma_start3A_425 = arith.constant 375 : i32
      %dma_start3A_426 = arith.constant 0 : i32
      %dma_start3A_427 = tpu.memref_slice %arg10[%dma_start3A_425, %dma_start3A_426] : memref<625x16xf32, #tpu.memory_space<vmem>> -> memref<125x16xf32, #tpu.memory_space<vmem>>
      %dma_start3A_428 = arith.constant 0 : i32
      %dma_start3A_429 = tpu.memref_slice %arg7[%dma_start3A_423, %dma_start3A_424, %dma_start3A_428] : memref<2x5x125xi32, #tpu.memory_space<vmem>> -> memref<1x1x125xi32, #tpu.memory_space<vmem>>
      %dma_start3A_430 = tpu.memref_squeeze %dma_start3A_429 : memref<1x1x125xi32, #tpu.memory_space<vmem>> -> memref<125xi32, #tpu.memory_space<vmem>>
      %dma_start3A_431 = arith.constant 0 : i32
      %dma_start3A_432 = arith.constant 0 : i32
      %dma_start3A_433 = tpu.memref_slice %arg2[%dma_start3A_431, %dma_start3A_432] : memref<50000x16xf32, #tpu.memory_space<hbm>> -> memref<50000x16xf32, #tpu.memory_space<hbm>>
      tpu.enqueue_indirect_dma source(%dma_start3A_433 : memref<50000x16xf32, #tpu.memory_space<hbm>>) target(%dma_start3A_427 : memref<125x16xf32, #tpu.memory_space<vmem>>) offsets(%dma_start3A_430 : memref<125xi32, #tpu.memory_space<vmem>>) semaphore(%arg15 : memref<!tpu.dma_semaphore, #tpu.memory_space<semaphore_mem>>)
      %dma_start3A_434 = arith.constant 1 : i32
      %dma_start3A_435 = arith.constant 3 : i32
      %dma_start3A_436 = arith.constant 375 : i32
      %dma_start3A_437 = arith.constant 0 : i32
      %dma_start3A_438 = tpu.memref_slice %arg11[%dma_start3A_436, %dma_start3A_437] : memref<625x16xf32, #tpu.memory_space<vmem>> -> memref<125x16xf32, #tpu.memory_space<vmem>>
      %dma_start3A_439 = arith.constant 0 : i32
      %dma_start3A_440 = tpu.memref_slice %arg7[%dma_start3A_434, %dma_start3A_435, %dma_start3A_439] : memref<2x5x125xi32, #tpu.memory_space<vmem>> -> memref<1x1x125xi32, #tpu.memory_space<vmem>>
      %dma_start3A_441 = tpu.memref_squeeze %dma_start3A_440 : memref<1x1x125xi32, #tpu.memory_space<vmem>> -> memref<125xi32, #tpu.memory_space<vmem>>
      %dma_start3A_442 = arith.constant 0 : i32
      %dma_start3A_443 = arith.constant 0 : i32
      %dma_start3A_444 = tpu.memref_slice %arg2[%dma_start3A_442, %dma_start3A_443] : memref<50000x16xf32, #tpu.memory_space<hbm>> -> memref<50000x16xf32, #tpu.memory_space<hbm>>
      tpu.enqueue_indirect_dma source(%dma_start3A_444 : memref<50000x16xf32, #tpu.memory_space<hbm>>) target(%dma_start3A_438 : memref<125x16xf32, #tpu.memory_space<vmem>>) offsets(%dma_start3A_441 : memref<125xi32, #tpu.memory_space<vmem>>) semaphore(%arg15 : memref<!tpu.dma_semaphore, #tpu.memory_space<semaphore_mem>>)
      %dma_start3A_445 = arith.constant 0 : i32
      %dma_start3A_446 = arith.constant 4 : i32
      %dma_start3A_447 = arith.constant 500 : i32
      %dma_start3A_448 = arith.constant 0 : i32
      %dma_start3A_449 = tpu.memref_slice %arg10[%dma_start3A_447, %dma_start3A_448] : memref<625x16xf32, #tpu.memory_space<vmem>> -> memref<125x16xf32, #tpu.memory_space<vmem>>
      %dma_start3A_450 = arith.constant 0 : i32
      %dma_start3A_451 = tpu.memref_slice %arg7[%dma_start3A_445, %dma_start3A_446, %dma_start3A_450] : memref<2x5x125xi32, #tpu.memory_space<vmem>> -> memref<1x1x125xi32, #tpu.memory_space<vmem>>
      %dma_start3A_452 = tpu.memref_squeeze %dma_start3A_451 : memref<1x1x125xi32, #tpu.memory_space<vmem>> -> memref<125xi32, #tpu.memory_space<vmem>>
      %dma_start3A_453 = arith.constant 0 : i32
      %dma_start3A_454 = arith.constant 0 : i32
      %dma_start3A_455 = tpu.memref_slice %arg2[%dma_start3A_453, %dma_start3A_454] : memref<50000x16xf32, #tpu.memory_space<hbm>> -> memref<50000x16xf32, #tpu.memory_space<hbm>>
      tpu.enqueue_indirect_dma source(%dma_start3A_455 : memref<50000x16xf32, #tpu.memory_space<hbm>>) target(%dma_start3A_449 : memref<125x16xf32, #tpu.memory_space<vmem>>) offsets(%dma_start3A_452 : memref<125xi32, #tpu.memory_space<vmem>>) semaphore(%arg15 : memref<!tpu.dma_semaphore, #tpu.memory_space<semaphore_mem>>)
      %dma_start3A_456 = arith.constant 1 : i32
      %dma_start3A_457 = arith.constant 4 : i32
      %dma_start3A_458 = arith.constant 500 : i32
      %dma_start3A_459 = arith.constant 0 : i32
      %dma_start3A_460 = tpu.memref_slice %arg11[%dma_start3A_458, %dma_start3A_459] : memref<625x16xf32, #tpu.memory_space<vmem>> -> memref<125x16xf32, #tpu.memory_space<vmem>>
      %dma_start3A_461 = arith.constant 0 : i32
      %dma_start3A_462 = tpu.memref_slice %arg7[%dma_start3A_456, %dma_start3A_457, %dma_start3A_461] : memref<2x5x125xi32, #tpu.memory_space<vmem>> -> memref<1x1x125xi32, #tpu.memory_space<vmem>>
      %dma_start3A_463 = tpu.memref_squeeze %dma_start3A_462 : memref<1x1x125xi32, #tpu.memory_space<vmem>> -> memref<125xi32, #tpu.memory_space<vmem>>
      %dma_start3A_464 = arith.constant 0 : i32
      %dma_start3A_465 = arith.constant 0 : i32
      %dma_start3A_466 = tpu.memref_slice %arg2[%dma_start3A_464, %dma_start3A_465] : memref<50000x16xf32, #tpu.memory_space<hbm>> -> memref<50000x16xf32, #tpu.memory_space<hbm>>
      tpu.enqueue_indirect_dma source(%dma_start3A_466 : memref<50000x16xf32, #tpu.memory_space<hbm>>) target(%dma_start3A_460 : memref<125x16xf32, #tpu.memory_space<vmem>>) offsets(%dma_start3A_463 : memref<125xi32, #tpu.memory_space<vmem>>) semaphore(%arg15 : memref<!tpu.dma_semaphore, #tpu.memory_space<semaphore_mem>>)
      %scan3A_467 = arith.constant 0 : i32
      %scan3A_468 = arith.constant 40 : i32
      %scan3A_469 = arith.addi %scan3A_467, %scan3A_468 : i32
      %scan3A_470 = arith.constant 1 : i32
      %scan3A_471 = scf.for %scan3A_591 = %scan3A_467 to %scan3A_469 step %scan3A_470 iter_args(%scan3A_592 = %scan3A_240) -> (vector<16xf32>)  : i32 {
        %mul3A_593 = arith.constant 16 : i32
        %mul3A_594 = arith.muli %scan3A_591, %mul3A_593 : i32
        %iota3A = tpu.iota {dimensions = array<i32: 0>} : vector<16xi32>
        %add3A_595 = vector.broadcast %mul3A_594 : i32 to vector<16xi32>
        %add3A_596 = arith.addi %add3A_595, %iota3A : vector<16xi32>
        %lt3A_597 = arith.constant 625 : i32
        %lt3A_598 = vector.broadcast %lt3A_597 : i32 to vector<16xi32>
        %lt3A_599 = arith.cmpi slt, %add3A_596, %lt3A_598 : vector<16xi32>
        %min3A = arith.constant 624 : i32
        %min3A_600 = vector.broadcast %min3A : i32 to vector<16xi32>
        %min3A_601 = arith.minsi %add3A_596, %min3A_600 : vector<16xi32>
        %broadcast_in_dim3A_602 = arith.constant 0 : i32
        %broadcast_in_dim3A_603 = vector.broadcast %broadcast_in_dim3A_602 : i32 to vector<16xi32>
        %gather3A = tpu.vector_load_idx %arg8[%min3A_601, %broadcast_in_dim3A_603] : memref<625x16xf32, #tpu.memory_space<vmem>>[vector<16xi32>, vector<16xi32>], vector<16xf32>,
        %broadcast_in_dim3A_604 = arith.constant 1 : i32
        %broadcast_in_dim3A_605 = vector.broadcast %broadcast_in_dim3A_604 : i32 to vector<16xi32>
        %gather3A_606 = tpu.vector_load_idx %arg8[%min3A_601, %broadcast_in_dim3A_605] : memref<625x16xf32, #tpu.memory_space<vmem>>[vector<16xi32>, vector<16xi32>], vector<16xf32>,
        %broadcast_in_dim3A_607 = arith.constant 2 : i32
        %broadcast_in_dim3A_608 = vector.broadcast %broadcast_in_dim3A_607 : i32 to vector<16xi32>
        %gather3A_609 = tpu.vector_load_idx %arg8[%min3A_601, %broadcast_in_dim3A_608] : memref<625x16xf32, #tpu.memory_space<vmem>>[vector<16xi32>, vector<16xi32>], vector<16xf32>,
        %broadcast_in_dim3A_610 = arith.constant 0 : i32
        %broadcast_in_dim3A_611 = vector.broadcast %broadcast_in_dim3A_610 : i32 to vector<16xi32>
        %gather3A_612 = tpu.vector_load_idx %arg9[%min3A_601, %broadcast_in_dim3A_611] : memref<625x16xf32, #tpu.memory_space<vmem>>[vector<16xi32>, vector<16xi32>], vector<16xf32>,
        %broadcast_in_dim3A_613 = arith.constant 1 : i32
        %broadcast_in_dim3A_614 = vector.broadcast %broadcast_in_dim3A_613 : i32 to vector<16xi32>
        %gather3A_615 = tpu.vector_load_idx %arg9[%min3A_601, %broadcast_in_dim3A_614] : memref<625x16xf32, #tpu.memory_space<vmem>>[vector<16xi32>, vector<16xi32>], vector<16xf32>,
        %broadcast_in_dim3A_616 = arith.constant 2 : i32
        %broadcast_in_dim3A_617 = vector.broadcast %broadcast_in_dim3A_616 : i32 to vector<16xi32>
        %gather3A_618 = tpu.vector_load_idx %arg9[%min3A_601, %broadcast_in_dim3A_617] : memref<625x16xf32, #tpu.memory_space<vmem>>[vector<16xi32>, vector<16xi32>], vector<16xf32>,
        %broadcast_in_dim3A_619 = arith.constant 3 : i32
        %broadcast_in_dim3A_620 = vector.broadcast %broadcast_in_dim3A_619 : i32 to vector<16xi32>
        %gather3A_621 = tpu.vector_load_idx %arg8[%min3A_601, %broadcast_in_dim3A_620] : memref<625x16xf32, #tpu.memory_space<vmem>>[vector<16xi32>, vector<16xi32>], vector<16xf32>,
        %broadcast_in_dim3A_622 = arith.constant 4 : i32
        %broadcast_in_dim3A_623 = vector.broadcast %broadcast_in_dim3A_622 : i32 to vector<16xi32>
        %gather3A_624 = tpu.vector_load_idx %arg8[%min3A_601, %broadcast_in_dim3A_623] : memref<625x16xf32, #tpu.memory_space<vmem>>[vector<16xi32>, vector<16xi32>], vector<16xf32>,
        %broadcast_in_dim3A_625 = arith.constant 5 : i32
        %broadcast_in_dim3A_626 = vector.broadcast %broadcast_in_dim3A_625 : i32 to vector<16xi32>
        %gather3A_627 = tpu.vector_load_idx %arg8[%min3A_601, %broadcast_in_dim3A_626] : memref<625x16xf32, #tpu.memory_space<vmem>>[vector<16xi32>, vector<16xi32>], vector<16xf32>,
        %broadcast_in_dim3A_628 = arith.constant 6 : i32
        %broadcast_in_dim3A_629 = vector.broadcast %broadcast_in_dim3A_628 : i32 to vector<16xi32>
        %gather3A_630 = tpu.vector_load_idx %arg8[%min3A_601, %broadcast_in_dim3A_629] : memref<625x16xf32, #tpu.memory_space<vmem>>[vector<16xi32>, vector<16xi32>], vector<16xf32>,
        %broadcast_in_dim3A_631 = arith.constant 7 : i32
        %broadcast_in_dim3A_632 = vector.broadcast %broadcast_in_dim3A_631 : i32 to vector<16xi32>
        %gather3A_633 = tpu.vector_load_idx %arg8[%min3A_601, %broadcast_in_dim3A_632] : memref<625x16xf32, #tpu.memory_space<vmem>>[vector<16xi32>, vector<16xi32>], vector<16xf32>,
        %broadcast_in_dim3A_634 = arith.constant 8 : i32
        %broadcast_in_dim3A_635 = vector.broadcast %broadcast_in_dim3A_634 : i32 to vector<16xi32>
        %gather3A_636 = tpu.vector_load_idx %arg8[%min3A_601, %broadcast_in_dim3A_635] : memref<625x16xf32, #tpu.memory_space<vmem>>[vector<16xi32>, vector<16xi32>], vector<16xf32>,
        %broadcast_in_dim3A_637 = arith.constant 9 : i32
        %broadcast_in_dim3A_638 = vector.broadcast %broadcast_in_dim3A_637 : i32 to vector<16xi32>
        %gather3A_639 = tpu.vector_load_idx %arg8[%min3A_601, %broadcast_in_dim3A_638] : memref<625x16xf32, #tpu.memory_space<vmem>>[vector<16xi32>, vector<16xi32>], vector<16xf32>,
        %broadcast_in_dim3A_640 = arith.constant 10 : i32
        %broadcast_in_dim3A_641 = vector.broadcast %broadcast_in_dim3A_640 : i32 to vector<16xi32>
        %gather3A_642 = tpu.vector_load_idx %arg8[%min3A_601, %broadcast_in_dim3A_641] : memref<625x16xf32, #tpu.memory_space<vmem>>[vector<16xi32>, vector<16xi32>], vector<16xf32>,
        %broadcast_in_dim3A_643 = arith.constant 11 : i32
        %broadcast_in_dim3A_644 = vector.broadcast %broadcast_in_dim3A_643 : i32 to vector<16xi32>
        %gather3A_645 = tpu.vector_load_idx %arg8[%min3A_601, %broadcast_in_dim3A_644] : memref<625x16xf32, #tpu.memory_space<vmem>>[vector<16xi32>, vector<16xi32>], vector<16xf32>,
        %broadcast_in_dim3A_646 = arith.constant 12 : i32
        %broadcast_in_dim3A_647 = vector.broadcast %broadcast_in_dim3A_646 : i32 to vector<16xi32>
        %gather3A_648 = tpu.vector_load_idx %arg8[%min3A_601, %broadcast_in_dim3A_647] : memref<625x16xf32, #tpu.memory_space<vmem>>[vector<16xi32>, vector<16xi32>], vector<16xf32>,
        %broadcast_in_dim3A_649 = arith.constant 3 : i32
        %broadcast_in_dim3A_650 = vector.broadcast %broadcast_in_dim3A_649 : i32 to vector<16xi32>
        %gather3A_651 = tpu.vector_load_idx %arg9[%min3A_601, %broadcast_in_dim3A_650] : memref<625x16xf32, #tpu.memory_space<vmem>>[vector<16xi32>, vector<16xi32>], vector<16xf32>,
        %broadcast_in_dim3A_652 = arith.constant 4 : i32
        %broadcast_in_dim3A_653 = vector.broadcast %broadcast_in_dim3A_652 : i32 to vector<16xi32>
        %gather3A_654 = tpu.vector_load_idx %arg9[%min3A_601, %broadcast_in_dim3A_653] : memref<625x16xf32, #tpu.memory_space<vmem>>[vector<16xi32>, vector<16xi32>], vector<16xf32>,
        %broadcast_in_dim3A_655 = arith.constant 5 : i32
        %broadcast_in_dim3A_656 = vector.broadcast %broadcast_in_dim3A_655 : i32 to vector<16xi32>
        %gather3A_657 = tpu.vector_load_idx %arg9[%min3A_601, %broadcast_in_dim3A_656] : memref<625x16xf32, #tpu.memory_space<vmem>>[vector<16xi32>, vector<16xi32>], vector<16xf32>,
        %broadcast_in_dim3A_658 = arith.constant 6 : i32
        %broadcast_in_dim3A_659 = vector.broadcast %broadcast_in_dim3A_658 : i32 to vector<16xi32>
        %gather3A_660 = tpu.vector_load_idx %arg9[%min3A_601, %broadcast_in_dim3A_659] : memref<625x16xf32, #tpu.memory_space<vmem>>[vector<16xi32>, vector<16xi32>], vector<16xf32>,
        %broadcast_in_dim3A_661 = arith.constant 7 : i32
        %broadcast_in_dim3A_662 = vector.broadcast %broadcast_in_dim3A_661 : i32 to vector<16xi32>
        %gather3A_663 = tpu.vector_load_idx %arg9[%min3A_601, %broadcast_in_dim3A_662] : memref<625x16xf32, #tpu.memory_space<vmem>>[vector<16xi32>, vector<16xi32>], vector<16xf32>,
        %broadcast_in_dim3A_664 = arith.constant 8 : i32
        %broadcast_in_dim3A_665 = vector.broadcast %broadcast_in_dim3A_664 : i32 to vector<16xi32>
        %gather3A_666 = tpu.vector_load_idx %arg9[%min3A_601, %broadcast_in_dim3A_665] : memref<625x16xf32, #tpu.memory_space<vmem>>[vector<16xi32>, vector<16xi32>], vector<16xf32>,
        %broadcast_in_dim3A_667 = arith.constant 9 : i32
        %broadcast_in_dim3A_668 = vector.broadcast %broadcast_in_dim3A_667 : i32 to vector<16xi32>
        %gather3A_669 = tpu.vector_load_idx %arg9[%min3A_601, %broadcast_in_dim3A_668] : memref<625x16xf32, #tpu.memory_space<vmem>>[vector<16xi32>, vector<16xi32>], vector<16xf32>,
        %broadcast_in_dim3A_670 = arith.constant 10 : i32
        %broadcast_in_dim3A_671 = vector.broadcast %broadcast_in_dim3A_670 : i32 to vector<16xi32>
        %gather3A_672 = tpu.vector_load_idx %arg9[%min3A_601, %broadcast_in_dim3A_671] : memref<625x16xf32, #tpu.memory_space<vmem>>[vector<16xi32>, vector<16xi32>], vector<16xf32>,
        %broadcast_in_dim3A_673 = arith.constant 11 : i32
        %broadcast_in_dim3A_674 = vector.broadcast %broadcast_in_dim3A_673 : i32 to vector<16xi32>
        %gather3A_675 = tpu.vector_load_idx %arg9[%min3A_601, %broadcast_in_dim3A_674] : memref<625x16xf32, #tpu.memory_space<vmem>>[vector<16xi32>, vector<16xi32>], vector<16xf32>,
        %broadcast_in_dim3A_676 = arith.constant 12 : i32
        %broadcast_in_dim3A_677 = vector.broadcast %broadcast_in_dim3A_676 : i32 to vector<16xi32>
        %gather3A_678 = tpu.vector_load_idx %arg9[%min3A_601, %broadcast_in_dim3A_677] : memref<625x16xf32, #tpu.memory_space<vmem>>[vector<16xi32>, vector<16xi32>], vector<16xf32>,
        %sub3A = arith.subf %gather3A_612, %gather3A : vector<16xf32>
        %bitcast_convert_type3A_679 = tpu.bitcast %sub3A : vector<16xf32> -> vector<16xi32>
        %add3A_680 = arith.constant 32767 : i32
        %add3A_681 = vector.broadcast %add3A_680 : i32 to vector<16xi32>
        %add3A_682 = arith.addi %bitcast_convert_type3A_679, %add3A_681 : vector<16xi32>
        %shift_right_logical3A_683 = arith.constant 16 : i32
        %shift_right_logical3A_684 = vector.broadcast %shift_right_logical3A_683 : i32 to vector<16xi32>
        %shift_right_logical3A_685 = arith.shrui %bitcast_convert_type3A_679, %shift_right_logical3A_684 : vector<16xi32>
        %and3A_686 = arith.constant 1 : i32
        %and3A_687 = vector.broadcast %and3A_686 : i32 to vector<16xi32>
        %and3A_688 = arith.andi %shift_right_logical3A_685, %and3A_687 : vector<16xi32>
        %add3A_689 = arith.addi %add3A_682, %and3A_688 : vector<16xi32>
        %and3A_690 = arith.constant -65536 : i32
        %and3A_691 = vector.broadcast %and3A_690 : i32 to vector<16xi32>
        %and3A_692 = arith.andi %add3A_689, %and3A_691 : vector<16xi32>
        %bitcast_convert_type3A_693 = tpu.bitcast %and3A_692 : vector<16xi32> -> vector<16xf32>
        %mul3A_694 = arith.mulf %bitcast_convert_type3A_693, %bitcast_convert_type3A_74 : vector<16xf32>
        %gt3A = arith.constant 5.000000e-01 : f32
        %gt3A_695 = vector.broadcast %gt3A : f32 to vector<16xf32>
        %gt3A_696 = arith.cmpf ogt, %mul3A_694, %gt3A_695 : vector<16xf32>
        %jit3A = arith.constant 1.000000e+00 : f32
        %jit3A_697 = arith.constant 0.000000e+00 : f32
        %broadcast_in_dim3A_698 = vector.broadcast %jit3A : f32 to vector<16xf32>
        %broadcast_in_dim3A_699 = vector.broadcast %jit3A_697 : f32 to vector<16xf32>
        %select_n3A = arith.select %gt3A_696, %broadcast_in_dim3A_698, %broadcast_in_dim3A_699 : vector<16xi1>, vector<16xf32>
        %lt3A_700 = arith.constant -5.000000e-01 : f32
        %lt3A_701 = vector.broadcast %lt3A_700 : f32 to vector<16xf32>
        %lt3A_702 = arith.cmpf olt, %mul3A_694, %lt3A_701 : vector<16xf32>
        %jit3A_703 = arith.constant 1.000000e+00 : f32
        %jit3A_704 = arith.constant 0.000000e+00 : f32
        %broadcast_in_dim3A_705 = vector.broadcast %jit3A_703 : f32 to vector<16xf32>
        %broadcast_in_dim3A_706 = vector.broadcast %jit3A_704 : f32 to vector<16xf32>
        %select_n3A_707 = arith.select %lt3A_702, %broadcast_in_dim3A_705, %broadcast_in_dim3A_706 : vector<16xi1>, vector<16xf32>
        %sub3A_708 = arith.subf %select_n3A, %select_n3A_707 : vector<16xf32>
        %sub3A_709 = arith.subf %mul3A_694, %sub3A_708 : vector<16xf32>
        %bitcast_convert_type3A_710 = tpu.bitcast %sub3A_709 : vector<16xf32> -> vector<16xi32>
        %add3A_711 = arith.constant 32767 : i32
        %add3A_712 = vector.broadcast %add3A_711 : i32 to vector<16xi32>
        %add3A_713 = arith.addi %bitcast_convert_type3A_710, %add3A_712 : vector<16xi32>
        %shift_right_logical3A_714 = arith.constant 16 : i32
        %shift_right_logical3A_715 = vector.broadcast %shift_right_logical3A_714 : i32 to vector<16xi32>
        %shift_right_logical3A_716 = arith.shrui %bitcast_convert_type3A_710, %shift_right_logical3A_715 : vector<16xi32>
        %and3A_717 = arith.constant 1 : i32
        %and3A_718 = vector.broadcast %and3A_717 : i32 to vector<16xi32>
        %and3A_719 = arith.andi %shift_right_logical3A_716, %and3A_718 : vector<16xi32>
        %add3A_720 = arith.addi %add3A_713, %and3A_719 : vector<16xi32>
        %and3A_721 = arith.constant -65536 : i32
        %and3A_722 = vector.broadcast %and3A_721 : i32 to vector<16xi32>
        %and3A_723 = arith.andi %add3A_720, %and3A_722 : vector<16xi32>
        %bitcast_convert_type3A_724 = tpu.bitcast %and3A_723 : vector<16xi32> -> vector<16xf32>
        %mul3A_725 = arith.mulf %bitcast_convert_type3A_724, %bitcast_convert_type3A_15 : vector<16xf32>
        %sub3A_726 = arith.subf %gather3A_615, %gather3A_606 : vector<16xf32>
        %bitcast_convert_type3A_727 = tpu.bitcast %sub3A_726 : vector<16xf32> -> vector<16xi32>
        %add3A_728 = arith.constant 32767 : i32
        %add3A_729 = vector.broadcast %add3A_728 : i32 to vector<16xi32>
        %add3A_730 = arith.addi %bitcast_convert_type3A_727, %add3A_729 : vector<16xi32>
        %shift_right_logical3A_731 = arith.constant 16 : i32
        %shift_right_logical3A_732 = vector.broadcast %shift_right_logical3A_731 : i32 to vector<16xi32>
        %shift_right_logical3A_733 = arith.shrui %bitcast_convert_type3A_727, %shift_right_logical3A_732 : vector<16xi32>
        %and3A_734 = arith.constant 1 : i32
        %and3A_735 = vector.broadcast %and3A_734 : i32 to vector<16xi32>
        %and3A_736 = arith.andi %shift_right_logical3A_733, %and3A_735 : vector<16xi32>
        %add3A_737 = arith.addi %add3A_730, %and3A_736 : vector<16xi32>
        %and3A_738 = arith.constant -65536 : i32
        %and3A_739 = vector.broadcast %and3A_738 : i32 to vector<16xi32>
        %and3A_740 = arith.andi %add3A_737, %and3A_739 : vector<16xi32>
        %bitcast_convert_type3A_741 = tpu.bitcast %and3A_740 : vector<16xi32> -> vector<16xf32>
        %mul3A_742 = arith.mulf %bitcast_convert_type3A_741, %bitcast_convert_type3A_96 : vector<16xf32>
        %gt3A_743 = arith.constant 5.000000e-01 : f32
        %gt3A_744 = vector.broadcast %gt3A_743 : f32 to vector<16xf32>
        %gt3A_745 = arith.cmpf ogt, %mul3A_742, %gt3A_744 : vector<16xf32>
        %jit3A_746 = arith.constant 1.000000e+00 : f32
        %jit3A_747 = arith.constant 0.000000e+00 : f32
        %broadcast_in_dim3A_748 = vector.broadcast %jit3A_746 : f32 to vector<16xf32>
        %broadcast_in_dim3A_749 = vector.broadcast %jit3A_747 : f32 to vector<16xf32>
        %select_n3A_750 = arith.select %gt3A_745, %broadcast_in_dim3A_748, %broadcast_in_dim3A_749 : vector<16xi1>, vector<16xf32>
        %lt3A_751 = arith.constant -5.000000e-01 : f32
        %lt3A_752 = vector.broadcast %lt3A_751 : f32 to vector<16xf32>
        %lt3A_753 = arith.cmpf olt, %mul3A_742, %lt3A_752 : vector<16xf32>
        %jit3A_754 = arith.constant 1.000000e+00 : f32
        %jit3A_755 = arith.constant 0.000000e+00 : f32
        %broadcast_in_dim3A_756 = vector.broadcast %jit3A_754 : f32 to vector<16xf32>
        %broadcast_in_dim3A_757 = vector.broadcast %jit3A_755 : f32 to vector<16xf32>
        %select_n3A_758 = arith.select %lt3A_753, %broadcast_in_dim3A_756, %broadcast_in_dim3A_757 : vector<16xi1>, vector<16xf32>
        %sub3A_759 = arith.subf %select_n3A_750, %select_n3A_758 : vector<16xf32>
        %sub3A_760 = arith.subf %mul3A_742, %sub3A_759 : vector<16xf32>
        %bitcast_convert_type3A_761 = tpu.bitcast %sub3A_760 : vector<16xf32> -> vector<16xi32>
        %add3A_762 = arith.constant 32767 : i32
        %add3A_763 = vector.broadcast %add3A_762 : i32 to vector<16xi32>
        %add3A_764 = arith.addi %bitcast_convert_type3A_761, %add3A_763 : vector<16xi32>
        %shift_right_logical3A_765 = arith.constant 16 : i32
        %shift_right_logical3A_766 = vector.broadcast %shift_right_logical3A_765 : i32 to vector<16xi32>
        %shift_right_logical3A_767 = arith.shrui %bitcast_convert_type3A_761, %shift_right_logical3A_766 : vector<16xi32>
        %and3A_768 = arith.constant 1 : i32
        %and3A_769 = vector.broadcast %and3A_768 : i32 to vector<16xi32>
        %and3A_770 = arith.andi %shift_right_logical3A_767, %and3A_769 : vector<16xi32>
        %add3A_771 = arith.addi %add3A_764, %and3A_770 : vector<16xi32>
        %and3A_772 = arith.constant -65536 : i32
        %and3A_773 = vector.broadcast %and3A_772 : i32 to vector<16xi32>
        %and3A_774 = arith.andi %add3A_771, %and3A_773 : vector<16xi32>
        %bitcast_convert_type3A_775 = tpu.bitcast %and3A_774 : vector<16xi32> -> vector<16xf32>
        %mul3A_776 = arith.mulf %bitcast_convert_type3A_775, %bitcast_convert_type3A_34 : vector<16xf32>
        %sub3A_777 = arith.subf %gather3A_618, %gather3A_609 : vector<16xf32>
        %bitcast_convert_type3A_778 = tpu.bitcast %sub3A_777 : vector<16xf32> -> vector<16xi32>
        %add3A_779 = arith.constant 32767 : i32
        %add3A_780 = vector.broadcast %add3A_779 : i32 to vector<16xi32>
        %add3A_781 = arith.addi %bitcast_convert_type3A_778, %add3A_780 : vector<16xi32>
        %shift_right_logical3A_782 = arith.constant 16 : i32
        %shift_right_logical3A_783 = vector.broadcast %shift_right_logical3A_782 : i32 to vector<16xi32>
        %shift_right_logical3A_784 = arith.shrui %bitcast_convert_type3A_778, %shift_right_logical3A_783 : vector<16xi32>
        %and3A_785 = arith.constant 1 : i32
        %and3A_786 = vector.broadcast %and3A_785 : i32 to vector<16xi32>
        %and3A_787 = arith.andi %shift_right_logical3A_784, %and3A_786 : vector<16xi32>
        %add3A_788 = arith.addi %add3A_781, %and3A_787 : vector<16xi32>
        %and3A_789 = arith.constant -65536 : i32
        %and3A_790 = vector.broadcast %and3A_789 : i32 to vector<16xi32>
        %and3A_791 = arith.andi %add3A_788, %and3A_790 : vector<16xi32>
        %bitcast_convert_type3A_792 = tpu.bitcast %and3A_791 : vector<16xi32> -> vector<16xf32>
        %mul3A_793 = arith.mulf %bitcast_convert_type3A_792, %bitcast_convert_type3A_118 : vector<16xf32>
        %gt3A_794 = arith.constant 5.000000e-01 : f32
        %gt3A_795 = vector.broadcast %gt3A_794 : f32 to vector<16xf32>
        %gt3A_796 = arith.cmpf ogt, %mul3A_793, %gt3A_795 : vector<16xf32>
        %jit3A_797 = arith.constant 1.000000e+00 : f32
        %jit3A_798 = arith.constant 0.000000e+00 : f32
        %broadcast_in_dim3A_799 = vector.broadcast %jit3A_797 : f32 to vector<16xf32>
        %broadcast_in_dim3A_800 = vector.broadcast %jit3A_798 : f32 to vector<16xf32>
        %select_n3A_801 = arith.select %gt3A_796, %broadcast_in_dim3A_799, %broadcast_in_dim3A_800 : vector<16xi1>, vector<16xf32>
        %lt3A_802 = arith.constant -5.000000e-01 : f32
        %lt3A_803 = vector.broadcast %lt3A_802 : f32 to vector<16xf32>
        %lt3A_804 = arith.cmpf olt, %mul3A_793, %lt3A_803 : vector<16xf32>
        %jit3A_805 = arith.constant 1.000000e+00 : f32
        %jit3A_806 = arith.constant 0.000000e+00 : f32
        %broadcast_in_dim3A_807 = vector.broadcast %jit3A_805 : f32 to vector<16xf32>
        %broadcast_in_dim3A_808 = vector.broadcast %jit3A_806 : f32 to vector<16xf32>
        %select_n3A_809 = arith.select %lt3A_804, %broadcast_in_dim3A_807, %broadcast_in_dim3A_808 : vector<16xi1>, vector<16xf32>
        %sub3A_810 = arith.subf %select_n3A_801, %select_n3A_809 : vector<16xf32>
        %sub3A_811 = arith.subf %mul3A_793, %sub3A_810 : vector<16xf32>
        %bitcast_convert_type3A_812 = tpu.bitcast %sub3A_811 : vector<16xf32> -> vector<16xi32>
        %add3A_813 = arith.constant 32767 : i32
        %add3A_814 = vector.broadcast %add3A_813 : i32 to vector<16xi32>
        %add3A_815 = arith.addi %bitcast_convert_type3A_812, %add3A_814 : vector<16xi32>
        %shift_right_logical3A_816 = arith.constant 16 : i32
        %shift_right_logical3A_817 = vector.broadcast %shift_right_logical3A_816 : i32 to vector<16xi32>
        %shift_right_logical3A_818 = arith.shrui %bitcast_convert_type3A_812, %shift_right_logical3A_817 : vector<16xi32>
        %and3A_819 = arith.constant 1 : i32
        %and3A_820 = vector.broadcast %and3A_819 : i32 to vector<16xi32>
        %and3A_821 = arith.andi %shift_right_logical3A_818, %and3A_820 : vector<16xi32>
        %add3A_822 = arith.addi %add3A_815, %and3A_821 : vector<16xi32>
        %and3A_823 = arith.constant -65536 : i32
        %and3A_824 = vector.broadcast %and3A_823 : i32 to vector<16xi32>
        %and3A_825 = arith.andi %add3A_822, %and3A_824 : vector<16xi32>
        %bitcast_convert_type3A_826 = tpu.bitcast %and3A_825 : vector<16xi32> -> vector<16xf32>
        %mul3A_827 = arith.mulf %bitcast_convert_type3A_826, %bitcast_convert_type3A_53 : vector<16xf32>
        %mul3A_828 = arith.mulf %mul3A_725, %mul3A_725 : vector<16xf32>
        %mul3A_829 = arith.mulf %mul3A_776, %mul3A_776 : vector<16xf32>
        %add3A_830 = arith.addf %mul3A_828, %mul3A_829 : vector<16xf32>
        %mul3A_831 = arith.mulf %mul3A_827, %mul3A_827 : vector<16xf32>
        %add3A_832 = arith.addf %add3A_830, %mul3A_831 : vector<16xf32>
        %bitcast_convert_type3A_833 = tpu.bitcast %add3A_832 : vector<16xf32> -> vector<16xi32>
        %shift_right_logical3A_834 = arith.constant 1 : i32
        %shift_right_logical3A_835 = vector.broadcast %shift_right_logical3A_834 : i32 to vector<16xi32>
        %shift_right_logical3A_836 = arith.shrui %bitcast_convert_type3A_833, %shift_right_logical3A_835 : vector<16xi32>
        %sub3A_837 = arith.constant 1597463007 : i32
        %sub3A_838 = vector.broadcast %sub3A_837 : i32 to vector<16xi32>
        %sub3A_839 = arith.subi %sub3A_838, %shift_right_logical3A_836 : vector<16xi32>
        %bitcast_convert_type3A_840 = tpu.bitcast %sub3A_839 : vector<16xi32> -> vector<16xf32>
        %mul3A_841 = arith.constant 5.000000e-01 : f32
        %mul3A_842 = vector.broadcast %mul3A_841 : f32 to vector<16xf32>
        %mul3A_843 = arith.mulf %mul3A_842, %add3A_832 : vector<16xf32>
        %mul3A_844 = arith.mulf %mul3A_843, %bitcast_convert_type3A_840 : vector<16xf32>
        %mul3A_845 = arith.mulf %mul3A_844, %bitcast_convert_type3A_840 : vector<16xf32>
        %sub3A_846 = arith.constant 1.500000e+00 : f32
        %sub3A_847 = vector.broadcast %sub3A_846 : f32 to vector<16xf32>
        %sub3A_848 = arith.subf %sub3A_847, %mul3A_845 : vector<16xf32>
        %mul3A_849 = arith.mulf %bitcast_convert_type3A_840, %sub3A_848 : vector<16xf32>
        %mul3A_850 = arith.mulf %mul3A_843, %mul3A_849 : vector<16xf32>
        %mul3A_851 = arith.mulf %mul3A_850, %mul3A_849 : vector<16xf32>
        %sub3A_852 = arith.constant 1.500000e+00 : f32
        %sub3A_853 = vector.broadcast %sub3A_852 : f32 to vector<16xf32>
        %sub3A_854 = arith.subf %sub3A_853, %mul3A_851 : vector<16xf32>
        %mul3A_855 = arith.mulf %mul3A_849, %sub3A_854 : vector<16xf32>
        %mul3A_856 = arith.mulf %mul3A_843, %mul3A_855 : vector<16xf32>
        %mul3A_857 = arith.mulf %mul3A_856, %mul3A_855 : vector<16xf32>
        %sub3A_858 = arith.constant 1.500000e+00 : f32
        %sub3A_859 = vector.broadcast %sub3A_858 : f32 to vector<16xf32>
        %sub3A_860 = arith.subf %sub3A_859, %mul3A_857 : vector<16xf32>
        %mul3A_861 = arith.mulf %mul3A_855, %sub3A_860 : vector<16xf32>
        %mul3A_862 = arith.mulf %add3A_832, %mul3A_861 : vector<16xf32>
        %div3A_863 = arith.divf %add3A_832, %mul3A_862 : vector<16xf32>
        %add3A_864 = arith.addf %mul3A_862, %div3A_863 : vector<16xf32>
        %mul3A_865 = arith.constant 5.000000e-01 : f32
        %mul3A_866 = vector.broadcast %mul3A_865 : f32 to vector<16xf32>
        %mul3A_867 = arith.mulf %mul3A_866, %add3A_864 : vector<16xf32>
        %div3A_868 = arith.constant 1.000000e+00 : f32
        %div3A_869 = vector.broadcast %div3A_868 : f32 to vector<16xf32>
        %div3A_870 = arith.divf %div3A_869, %mul3A_867 : vector<16xf32>
        %mul3A_871 = arith.constant 3.000000e-01 : f32
        %mul3A_872 = vector.broadcast %mul3A_871 : f32 to vector<16xf32>
        %mul3A_873 = arith.mulf %mul3A_872, %mul3A_867 : vector<16xf32>
        %neg3A = arith.constant 0.000000e+00 : f32
        %neg3A_874 = vector.broadcast %neg3A : f32 to vector<16xf32>
        %neg3A_875 = arith.subf %neg3A_874, %mul3A_873 : vector<16xf32>
        %mul3A_876 = arith.mulf %neg3A_875, %mul3A_873 : vector<16xf32>
        %exp3A = math.exp %mul3A_876 : vector<16xf32>
        %mul3A_877 = arith.constant 0.327591091 : f32
        %mul3A_878 = vector.broadcast %mul3A_877 : f32 to vector<16xf32>
        %mul3A_879 = arith.mulf %mul3A_878, %mul3A_873 : vector<16xf32>
        %add3A_880 = arith.constant 1.000000e+00 : f32
        %add3A_881 = vector.broadcast %add3A_880 : f32 to vector<16xf32>
        %add3A_882 = arith.addf %add3A_881, %mul3A_879 : vector<16xf32>
        %div3A_883 = arith.constant 1.000000e+00 : f32
        %div3A_884 = vector.broadcast %div3A_883 : f32 to vector<16xf32>
        %div3A_885 = arith.divf %div3A_884, %add3A_882 : vector<16xf32>
        %mul3A_886 = arith.constant 1.06140542 : f32
        %mul3A_887 = vector.broadcast %mul3A_886 : f32 to vector<16xf32>
        %mul3A_888 = arith.mulf %div3A_885, %mul3A_887 : vector<16xf32>
        %add3A_889 = arith.constant -1.45315206 : f32
        %add3A_890 = vector.broadcast %add3A_889 : f32 to vector<16xf32>
        %add3A_891 = arith.addf %add3A_890, %mul3A_888 : vector<16xf32>
        %mul3A_892 = arith.mulf %div3A_885, %add3A_891 : vector<16xf32>
        %add3A_893 = arith.constant 1.42141378 : f32
        %add3A_894 = vector.broadcast %add3A_893 : f32 to vector<16xf32>
        %add3A_895 = arith.addf %add3A_894, %mul3A_892 : vector<16xf32>
        %mul3A_896 = arith.mulf %div3A_885, %add3A_895 : vector<16xf32>
        %add3A_897 = arith.constant -0.284496725 : f32
        %add3A_898 = vector.broadcast %add3A_897 : f32 to vector<16xf32>
        %add3A_899 = arith.addf %add3A_898, %mul3A_896 : vector<16xf32>
        %mul3A_900 = arith.mulf %div3A_885, %add3A_899 : vector<16xf32>
        %add3A_901 = arith.constant 0.254829586 : f32
        %add3A_902 = vector.broadcast %add3A_901 : f32 to vector<16xf32>
        %add3A_903 = arith.addf %add3A_902, %mul3A_900 : vector<16xf32>
        %mul3A_904 = arith.mulf %div3A_885, %add3A_903 : vector<16xf32>
        %mul3A_905 = arith.mulf %mul3A_904, %exp3A : vector<16xf32>
        %mul3A_906 = arith.mulf %mul3A_873, %mul3A_873 : vector<16xf32>
        %mul3A_907 = arith.mulf %mul3A_906, %mul3A_873 : vector<16xf32>
        %mul3A_908 = arith.mulf %mul3A_907, %mul3A_906 : vector<16xf32>
        %mul3A_909 = arith.mulf %mul3A_908, %mul3A_906 : vector<16xf32>
        %mul3A_910 = arith.constant 3.000000e+00 : f32
        %mul3A_911 = vector.broadcast %mul3A_910 : f32 to vector<16xf32>
        %mul3A_912 = arith.mulf %mul3A_911, %mul3A_873 : vector<16xf32>
        %mul3A_913 = arith.constant 2.000000e+00 : f32
        %mul3A_914 = vector.broadcast %mul3A_913 : f32 to vector<16xf32>
        %mul3A_915 = arith.mulf %mul3A_914, %mul3A_907 : vector<16xf32>
        %add3A_916 = arith.addf %mul3A_912, %mul3A_915 : vector<16xf32>
        %div3A_917 = arith.constant 3.000000e+00 : f32
        %div3A_918 = vector.broadcast %div3A_917 : f32 to vector<16xf32>
        %div3A_919 = arith.divf %add3A_916, %div3A_918 : vector<16xf32>
        %mul3A_920 = arith.constant 1.500000e+01 : f32
        %mul3A_921 = vector.broadcast %mul3A_920 : f32 to vector<16xf32>
        %mul3A_922 = arith.mulf %mul3A_921, %mul3A_873 : vector<16xf32>
        %mul3A_923 = arith.constant 1.000000e+01 : f32
        %mul3A_924 = vector.broadcast %mul3A_923 : f32 to vector<16xf32>
        %mul3A_925 = arith.mulf %mul3A_924, %mul3A_907 : vector<16xf32>
        %add3A_926 = arith.addf %mul3A_922, %mul3A_925 : vector<16xf32>
        %mul3A_927 = arith.constant 4.000000e+00 : f32
        %mul3A_928 = vector.broadcast %mul3A_927 : f32 to vector<16xf32>
        %mul3A_929 = arith.mulf %mul3A_928, %mul3A_908 : vector<16xf32>
        %add3A_930 = arith.addf %add3A_926, %mul3A_929 : vector<16xf32>
        %div3A_931 = arith.constant 1.500000e+01 : f32
        %div3A_932 = vector.broadcast %div3A_931 : f32 to vector<16xf32>
        %div3A_933 = arith.divf %add3A_930, %div3A_932 : vector<16xf32>
        %mul3A_934 = arith.constant 8.000000e+00 : f32
        %mul3A_935 = vector.broadcast %mul3A_934 : f32 to vector<16xf32>
        %mul3A_936 = arith.mulf %mul3A_935, %mul3A_909 : vector<16xf32>
        %mul3A_937 = arith.constant 2.800000e+01 : f32
        %mul3A_938 = vector.broadcast %mul3A_937 : f32 to vector<16xf32>
        %mul3A_939 = arith.mulf %mul3A_938, %mul3A_908 : vector<16xf32>
        %add3A_940 = arith.addf %mul3A_936, %mul3A_939 : vector<16xf32>
        %mul3A_941 = arith.constant 7.000000e+01 : f32
        %mul3A_942 = vector.broadcast %mul3A_941 : f32 to vector<16xf32>
        %mul3A_943 = arith.mulf %mul3A_942, %mul3A_907 : vector<16xf32>
        %add3A_944 = arith.addf %add3A_940, %mul3A_943 : vector<16xf32>
        %mul3A_945 = arith.constant 1.050000e+02 : f32
        %mul3A_946 = vector.broadcast %mul3A_945 : f32 to vector<16xf32>
        %mul3A_947 = arith.mulf %mul3A_946, %mul3A_873 : vector<16xf32>
        %add3A_948 = arith.addf %add3A_944, %mul3A_947 : vector<16xf32>
        %div3A_949 = arith.constant 1.050000e+02 : f32
        %div3A_950 = vector.broadcast %div3A_949 : f32 to vector<16xf32>
        %div3A_951 = arith.divf %add3A_948, %div3A_950 : vector<16xf32>
        %mul3A_952 = arith.constant 1.12837923 : f32
        %mul3A_953 = vector.broadcast %mul3A_952 : f32 to vector<16xf32>
        %mul3A_954 = arith.mulf %mul3A_953, %mul3A_873 : vector<16xf32>
        %mul3A_955 = arith.mulf %mul3A_954, %exp3A : vector<16xf32>
        %add3A_956 = arith.addf %mul3A_905, %mul3A_955 : vector<16xf32>
        %mul3A_957 = arith.constant 1.12837923 : f32
        %mul3A_958 = vector.broadcast %mul3A_957 : f32 to vector<16xf32>
        %mul3A_959 = arith.mulf %mul3A_958, %div3A_919 : vector<16xf32>
        %mul3A_960 = arith.mulf %mul3A_959, %exp3A : vector<16xf32>
        %add3A_961 = arith.addf %mul3A_905, %mul3A_960 : vector<16xf32>
        %mul3A_962 = arith.constant 1.12837923 : f32
        %mul3A_963 = vector.broadcast %mul3A_962 : f32 to vector<16xf32>
        %mul3A_964 = arith.mulf %mul3A_963, %div3A_933 : vector<16xf32>
        %mul3A_965 = arith.mulf %mul3A_964, %exp3A : vector<16xf32>
        %add3A_966 = arith.addf %mul3A_905, %mul3A_965 : vector<16xf32>
        %mul3A_967 = arith.constant 1.12837923 : f32
        %mul3A_968 = vector.broadcast %mul3A_967 : f32 to vector<16xf32>
        %mul3A_969 = arith.mulf %mul3A_968, %div3A_951 : vector<16xf32>
        %mul3A_970 = arith.mulf %mul3A_969, %exp3A : vector<16xf32>
        %add3A_971 = arith.addf %mul3A_905, %mul3A_970 : vector<16xf32>
        %mul3A_972 = arith.mulf %div3A_870, %div3A_870 : vector<16xf32>
        %mul3A_973 = arith.mulf %mul3A_972, %div3A_870 : vector<16xf32>
        %mul3A_974 = arith.mulf %mul3A_973, %mul3A_972 : vector<16xf32>
        %mul3A_975 = arith.mulf %mul3A_974, %mul3A_972 : vector<16xf32>
        %mul3A_976 = arith.mulf %mul3A_975, %mul3A_972 : vector<16xf32>
        %mul3A_977 = arith.mulf %div3A_870, %mul3A_905 : vector<16xf32>
        %mul3A_978 = arith.mulf %mul3A_973, %add3A_956 : vector<16xf32>
        %mul3A_979 = arith.mulf %mul3A_974, %add3A_961 : vector<16xf32>
        %mul3A_980 = arith.mulf %mul3A_975, %add3A_966 : vector<16xf32>
        %mul3A_981 = arith.mulf %mul3A_976, %add3A_971 : vector<16xf32>
        %mul3A_982 = arith.mulf %mul3A_725, %mul3A_725 : vector<16xf32>
        %mul3A_983 = arith.mulf %mul3A_776, %mul3A_776 : vector<16xf32>
        %mul3A_984 = arith.mulf %mul3A_827, %mul3A_827 : vector<16xf32>
        %mul3A_985 = arith.mulf %mul3A_725, %mul3A_776 : vector<16xf32>
        %mul3A_986 = arith.mulf %mul3A_725, %mul3A_827 : vector<16xf32>
        %mul3A_987 = arith.mulf %mul3A_776, %mul3A_827 : vector<16xf32>
        %neg3A_988 = arith.constant 0.000000e+00 : f32
        %neg3A_989 = vector.broadcast %neg3A_988 : f32 to vector<16xf32>
        %neg3A_990 = arith.subf %neg3A_989, %mul3A_725 : vector<16xf32>
        %mul3A_991 = arith.mulf %neg3A_990, %mul3A_978 : vector<16xf32>
        %neg3A_992 = arith.constant 0.000000e+00 : f32
        %neg3A_993 = vector.broadcast %neg3A_992 : f32 to vector<16xf32>
        %neg3A_994 = arith.subf %neg3A_993, %mul3A_776 : vector<16xf32>
        %mul3A_995 = arith.mulf %neg3A_994, %mul3A_978 : vector<16xf32>
        %neg3A_996 = arith.constant 0.000000e+00 : f32
        %neg3A_997 = vector.broadcast %neg3A_996 : f32 to vector<16xf32>
        %neg3A_998 = arith.subf %neg3A_997, %mul3A_827 : vector<16xf32>
        %mul3A_999 = arith.mulf %neg3A_998, %mul3A_978 : vector<16xf32>
        %mul3A_1000 = arith.constant 3.000000e+00 : f32
        %mul3A_1001 = vector.broadcast %mul3A_1000 : f32 to vector<16xf32>
        %mul3A_1002 = arith.mulf %mul3A_1001, %mul3A_982 : vector<16xf32>
        %mul3A_1003 = arith.mulf %mul3A_1002, %mul3A_979 : vector<16xf32>
        %sub3A_1004 = arith.subf %mul3A_1003, %mul3A_978 : vector<16xf32>
        %mul3A_1005 = arith.constant 3.000000e+00 : f32
        %mul3A_1006 = vector.broadcast %mul3A_1005 : f32 to vector<16xf32>
        %mul3A_1007 = arith.mulf %mul3A_1006, %mul3A_985 : vector<16xf32>
        %mul3A_1008 = arith.mulf %mul3A_1007, %mul3A_979 : vector<16xf32>
        %mul3A_1009 = arith.constant 3.000000e+00 : f32
        %mul3A_1010 = vector.broadcast %mul3A_1009 : f32 to vector<16xf32>
        %mul3A_1011 = arith.mulf %mul3A_1010, %mul3A_986 : vector<16xf32>
        %mul3A_1012 = arith.mulf %mul3A_1011, %mul3A_979 : vector<16xf32>
        %mul3A_1013 = arith.constant 3.000000e+00 : f32
        %mul3A_1014 = vector.broadcast %mul3A_1013 : f32 to vector<16xf32>
        %mul3A_1015 = arith.mulf %mul3A_1014, %mul3A_983 : vector<16xf32>
        %mul3A_1016 = arith.mulf %mul3A_1015, %mul3A_979 : vector<16xf32>
        %sub3A_1017 = arith.subf %mul3A_1016, %mul3A_978 : vector<16xf32>
        %mul3A_1018 = arith.constant 3.000000e+00 : f32
        %mul3A_1019 = vector.broadcast %mul3A_1018 : f32 to vector<16xf32>
        %mul3A_1020 = arith.mulf %mul3A_1019, %mul3A_987 : vector<16xf32>
        %mul3A_1021 = arith.mulf %mul3A_1020, %mul3A_979 : vector<16xf32>
        %mul3A_1022 = arith.constant 3.000000e+00 : f32
        %mul3A_1023 = vector.broadcast %mul3A_1022 : f32 to vector<16xf32>
        %mul3A_1024 = arith.mulf %mul3A_1023, %mul3A_984 : vector<16xf32>
        %mul3A_1025 = arith.mulf %mul3A_1024, %mul3A_979 : vector<16xf32>
        %sub3A_1026 = arith.subf %mul3A_1025, %mul3A_978 : vector<16xf32>
        %mul3A_1027 = arith.constant -1.500000e+01 : f32
        %mul3A_1028 = vector.broadcast %mul3A_1027 : f32 to vector<16xf32>
        %mul3A_1029 = arith.mulf %mul3A_1028, %mul3A_982 : vector<16xf32>
        %mul3A_1030 = arith.mulf %mul3A_1029, %mul3A_725 : vector<16xf32>
        %mul3A_1031 = arith.mulf %mul3A_1030, %mul3A_980 : vector<16xf32>
        %mul3A_1032 = arith.constant 9.000000e+00 : f32
        %mul3A_1033 = vector.broadcast %mul3A_1032 : f32 to vector<16xf32>
        %mul3A_1034 = arith.mulf %mul3A_1033, %mul3A_725 : vector<16xf32>
        %mul3A_1035 = arith.mulf %mul3A_1034, %mul3A_979 : vector<16xf32>
        %add3A_1036 = arith.addf %mul3A_1031, %mul3A_1035 : vector<16xf32>
        %mul3A_1037 = arith.constant -1.500000e+01 : f32
        %mul3A_1038 = vector.broadcast %mul3A_1037 : f32 to vector<16xf32>
        %mul3A_1039 = arith.mulf %mul3A_1038, %mul3A_982 : vector<16xf32>
        %mul3A_1040 = arith.mulf %mul3A_1039, %mul3A_776 : vector<16xf32>
        %mul3A_1041 = arith.mulf %mul3A_1040, %mul3A_980 : vector<16xf32>
        %mul3A_1042 = arith.constant 3.000000e+00 : f32
        %mul3A_1043 = vector.broadcast %mul3A_1042 : f32 to vector<16xf32>
        %mul3A_1044 = arith.mulf %mul3A_1043, %mul3A_776 : vector<16xf32>
        %mul3A_1045 = arith.mulf %mul3A_1044, %mul3A_979 : vector<16xf32>
        %add3A_1046 = arith.addf %mul3A_1041, %mul3A_1045 : vector<16xf32>
        %mul3A_1047 = arith.constant -1.500000e+01 : f32
        %mul3A_1048 = vector.broadcast %mul3A_1047 : f32 to vector<16xf32>
        %mul3A_1049 = arith.mulf %mul3A_1048, %mul3A_982 : vector<16xf32>
        %mul3A_1050 = arith.mulf %mul3A_1049, %mul3A_827 : vector<16xf32>
        %mul3A_1051 = arith.mulf %mul3A_1050, %mul3A_980 : vector<16xf32>
        %mul3A_1052 = arith.constant 3.000000e+00 : f32
        %mul3A_1053 = vector.broadcast %mul3A_1052 : f32 to vector<16xf32>
        %mul3A_1054 = arith.mulf %mul3A_1053, %mul3A_827 : vector<16xf32>
        %mul3A_1055 = arith.mulf %mul3A_1054, %mul3A_979 : vector<16xf32>
        %add3A_1056 = arith.addf %mul3A_1051, %mul3A_1055 : vector<16xf32>
        %mul3A_1057 = arith.constant -1.500000e+01 : f32
        %mul3A_1058 = vector.broadcast %mul3A_1057 : f32 to vector<16xf32>
        %mul3A_1059 = arith.mulf %mul3A_1058, %mul3A_983 : vector<16xf32>
        %mul3A_1060 = arith.mulf %mul3A_1059, %mul3A_776 : vector<16xf32>
        %mul3A_1061 = arith.mulf %mul3A_1060, %mul3A_980 : vector<16xf32>
        %mul3A_1062 = arith.constant 9.000000e+00 : f32
        %mul3A_1063 = vector.broadcast %mul3A_1062 : f32 to vector<16xf32>
        %mul3A_1064 = arith.mulf %mul3A_1063, %mul3A_776 : vector<16xf32>
        %mul3A_1065 = arith.mulf %mul3A_1064, %mul3A_979 : vector<16xf32>
        %add3A_1066 = arith.addf %mul3A_1061, %mul3A_1065 : vector<16xf32>
        %mul3A_1067 = arith.constant -1.500000e+01 : f32
        %mul3A_1068 = vector.broadcast %mul3A_1067 : f32 to vector<16xf32>
        %mul3A_1069 = arith.mulf %mul3A_1068, %mul3A_983 : vector<16xf32>
        %mul3A_1070 = arith.mulf %mul3A_1069, %mul3A_725 : vector<16xf32>
        %mul3A_1071 = arith.mulf %mul3A_1070, %mul3A_980 : vector<16xf32>
        %mul3A_1072 = arith.constant 3.000000e+00 : f32
        %mul3A_1073 = vector.broadcast %mul3A_1072 : f32 to vector<16xf32>
        %mul3A_1074 = arith.mulf %mul3A_1073, %mul3A_725 : vector<16xf32>
        %mul3A_1075 = arith.mulf %mul3A_1074, %mul3A_979 : vector<16xf32>
        %add3A_1076 = arith.addf %mul3A_1071, %mul3A_1075 : vector<16xf32>
        %mul3A_1077 = arith.constant -1.500000e+01 : f32
        %mul3A_1078 = vector.broadcast %mul3A_1077 : f32 to vector<16xf32>
        %mul3A_1079 = arith.mulf %mul3A_1078, %mul3A_983 : vector<16xf32>
        %mul3A_1080 = arith.mulf %mul3A_1079, %mul3A_827 : vector<16xf32>
        %mul3A_1081 = arith.mulf %mul3A_1080, %mul3A_980 : vector<16xf32>
        %mul3A_1082 = arith.constant 3.000000e+00 : f32
        %mul3A_1083 = vector.broadcast %mul3A_1082 : f32 to vector<16xf32>
        %mul3A_1084 = arith.mulf %mul3A_1083, %mul3A_827 : vector<16xf32>
        %mul3A_1085 = arith.mulf %mul3A_1084, %mul3A_979 : vector<16xf32>
        %add3A_1086 = arith.addf %mul3A_1081, %mul3A_1085 : vector<16xf32>
        %mul3A_1087 = arith.constant -1.500000e+01 : f32
        %mul3A_1088 = vector.broadcast %mul3A_1087 : f32 to vector<16xf32>
        %mul3A_1089 = arith.mulf %mul3A_1088, %mul3A_984 : vector<16xf32>
        %mul3A_1090 = arith.mulf %mul3A_1089, %mul3A_827 : vector<16xf32>
        %mul3A_1091 = arith.mulf %mul3A_1090, %mul3A_980 : vector<16xf32>
        %mul3A_1092 = arith.constant 9.000000e+00 : f32
        %mul3A_1093 = vector.broadcast %mul3A_1092 : f32 to vector<16xf32>
        %mul3A_1094 = arith.mulf %mul3A_1093, %mul3A_827 : vector<16xf32>
        %mul3A_1095 = arith.mulf %mul3A_1094, %mul3A_979 : vector<16xf32>
        %add3A_1096 = arith.addf %mul3A_1091, %mul3A_1095 : vector<16xf32>
        %mul3A_1097 = arith.constant -1.500000e+01 : f32
        %mul3A_1098 = vector.broadcast %mul3A_1097 : f32 to vector<16xf32>
        %mul3A_1099 = arith.mulf %mul3A_1098, %mul3A_984 : vector<16xf32>
        %mul3A_1100 = arith.mulf %mul3A_1099, %mul3A_725 : vector<16xf32>
        %mul3A_1101 = arith.mulf %mul3A_1100, %mul3A_980 : vector<16xf32>
        %mul3A_1102 = arith.constant 3.000000e+00 : f32
        %mul3A_1103 = vector.broadcast %mul3A_1102 : f32 to vector<16xf32>
        %mul3A_1104 = arith.mulf %mul3A_1103, %mul3A_725 : vector<16xf32>
        %mul3A_1105 = arith.mulf %mul3A_1104, %mul3A_979 : vector<16xf32>
        %add3A_1106 = arith.addf %mul3A_1101, %mul3A_1105 : vector<16xf32>
        %mul3A_1107 = arith.constant -1.500000e+01 : f32
        %mul3A_1108 = vector.broadcast %mul3A_1107 : f32 to vector<16xf32>
        %mul3A_1109 = arith.mulf %mul3A_1108, %mul3A_984 : vector<16xf32>
        %mul3A_1110 = arith.mulf %mul3A_1109, %mul3A_776 : vector<16xf32>
        %mul3A_1111 = arith.mulf %mul3A_1110, %mul3A_980 : vector<16xf32>
        %mul3A_1112 = arith.constant 3.000000e+00 : f32
        %mul3A_1113 = vector.broadcast %mul3A_1112 : f32 to vector<16xf32>
        %mul3A_1114 = arith.mulf %mul3A_1113, %mul3A_776 : vector<16xf32>
        %mul3A_1115 = arith.mulf %mul3A_1114, %mul3A_979 : vector<16xf32>
        %add3A_1116 = arith.addf %mul3A_1111, %mul3A_1115 : vector<16xf32>
        %mul3A_1117 = arith.constant -1.500000e+01 : f32
        %mul3A_1118 = vector.broadcast %mul3A_1117 : f32 to vector<16xf32>
        %mul3A_1119 = arith.mulf %mul3A_1118, %mul3A_985 : vector<16xf32>
        %mul3A_1120 = arith.mulf %mul3A_1119, %mul3A_827 : vector<16xf32>
        %mul3A_1121 = arith.mulf %mul3A_1120, %mul3A_980 : vector<16xf32>
        %mul3A_1122 = arith.constant 1.050000e+02 : f32
        %mul3A_1123 = vector.broadcast %mul3A_1122 : f32 to vector<16xf32>
        %mul3A_1124 = arith.mulf %mul3A_1123, %mul3A_982 : vector<16xf32>
        %mul3A_1125 = arith.mulf %mul3A_1124, %mul3A_982 : vector<16xf32>
        %mul3A_1126 = arith.mulf %mul3A_1125, %mul3A_981 : vector<16xf32>
        %mul3A_1127 = arith.constant 9.000000e+01 : f32
        %mul3A_1128 = vector.broadcast %mul3A_1127 : f32 to vector<16xf32>
        %mul3A_1129 = arith.mulf %mul3A_1128, %mul3A_982 : vector<16xf32>
        %mul3A_1130 = arith.mulf %mul3A_1129, %mul3A_980 : vector<16xf32>
        %sub3A_1131 = arith.subf %mul3A_1126, %mul3A_1130 : vector<16xf32>
        %mul3A_1132 = arith.constant 9.000000e+00 : f32
        %mul3A_1133 = vector.broadcast %mul3A_1132 : f32 to vector<16xf32>
        %mul3A_1134 = arith.mulf %mul3A_1133, %mul3A_979 : vector<16xf32>
        %add3A_1135 = arith.addf %sub3A_1131, %mul3A_1134 : vector<16xf32>
        %mul3A_1136 = arith.constant 1.050000e+02 : f32
        %mul3A_1137 = vector.broadcast %mul3A_1136 : f32 to vector<16xf32>
        %mul3A_1138 = arith.mulf %mul3A_1137, %mul3A_982 : vector<16xf32>
        %mul3A_1139 = arith.mulf %mul3A_1138, %mul3A_985 : vector<16xf32>
        %mul3A_1140 = arith.mulf %mul3A_1139, %mul3A_981 : vector<16xf32>
        %mul3A_1141 = arith.constant 4.500000e+01 : f32
        %mul3A_1142 = vector.broadcast %mul3A_1141 : f32 to vector<16xf32>
        %mul3A_1143 = arith.mulf %mul3A_1142, %mul3A_985 : vector<16xf32>
        %mul3A_1144 = arith.mulf %mul3A_1143, %mul3A_980 : vector<16xf32>
        %sub3A_1145 = arith.subf %mul3A_1140, %mul3A_1144 : vector<16xf32>
        %mul3A_1146 = arith.constant 1.050000e+02 : f32
        %mul3A_1147 = vector.broadcast %mul3A_1146 : f32 to vector<16xf32>
        %mul3A_1148 = arith.mulf %mul3A_1147, %mul3A_982 : vector<16xf32>
        %mul3A_1149 = arith.mulf %mul3A_1148, %mul3A_986 : vector<16xf32>
        %mul3A_1150 = arith.mulf %mul3A_1149, %mul3A_981 : vector<16xf32>
        %mul3A_1151 = arith.constant 4.500000e+01 : f32
        %mul3A_1152 = vector.broadcast %mul3A_1151 : f32 to vector<16xf32>
        %mul3A_1153 = arith.mulf %mul3A_1152, %mul3A_986 : vector<16xf32>
        %mul3A_1154 = arith.mulf %mul3A_1153, %mul3A_980 : vector<16xf32>
        %sub3A_1155 = arith.subf %mul3A_1150, %mul3A_1154 : vector<16xf32>
        %mul3A_1156 = arith.constant 1.050000e+02 : f32
        %mul3A_1157 = vector.broadcast %mul3A_1156 : f32 to vector<16xf32>
        %mul3A_1158 = arith.mulf %mul3A_1157, %mul3A_982 : vector<16xf32>
        %mul3A_1159 = arith.mulf %mul3A_1158, %mul3A_983 : vector<16xf32>
        %mul3A_1160 = arith.mulf %mul3A_1159, %mul3A_981 : vector<16xf32>
        %add3A_1161 = arith.addf %mul3A_982, %mul3A_983 : vector<16xf32>
        %mul3A_1162 = arith.constant 1.500000e+01 : f32
        %mul3A_1163 = vector.broadcast %mul3A_1162 : f32 to vector<16xf32>
        %mul3A_1164 = arith.mulf %mul3A_1163, %add3A_1161 : vector<16xf32>
        %mul3A_1165 = arith.mulf %mul3A_1164, %mul3A_980 : vector<16xf32>
        %sub3A_1166 = arith.subf %mul3A_1160, %mul3A_1165 : vector<16xf32>
        %mul3A_1167 = arith.constant 3.000000e+00 : f32
        %mul3A_1168 = vector.broadcast %mul3A_1167 : f32 to vector<16xf32>
        %mul3A_1169 = arith.mulf %mul3A_1168, %mul3A_979 : vector<16xf32>
        %add3A_1170 = arith.addf %sub3A_1166, %mul3A_1169 : vector<16xf32>
        %mul3A_1171 = arith.constant 1.050000e+02 : f32
        %mul3A_1172 = vector.broadcast %mul3A_1171 : f32 to vector<16xf32>
        %mul3A_1173 = arith.mulf %mul3A_1172, %mul3A_982 : vector<16xf32>
        %mul3A_1174 = arith.mulf %mul3A_1173, %mul3A_984 : vector<16xf32>
        %mul3A_1175 = arith.mulf %mul3A_1174, %mul3A_981 : vector<16xf32>
        %add3A_1176 = arith.addf %mul3A_982, %mul3A_984 : vector<16xf32>
        %mul3A_1177 = arith.constant 1.500000e+01 : f32
        %mul3A_1178 = vector.broadcast %mul3A_1177 : f32 to vector<16xf32>
        %mul3A_1179 = arith.mulf %mul3A_1178, %add3A_1176 : vector<16xf32>
        %mul3A_1180 = arith.mulf %mul3A_1179, %mul3A_980 : vector<16xf32>
        %sub3A_1181 = arith.subf %mul3A_1175, %mul3A_1180 : vector<16xf32>
        %mul3A_1182 = arith.constant 3.000000e+00 : f32
        %mul3A_1183 = vector.broadcast %mul3A_1182 : f32 to vector<16xf32>
        %mul3A_1184 = arith.mulf %mul3A_1183, %mul3A_979 : vector<16xf32>
        %add3A_1185 = arith.addf %sub3A_1181, %mul3A_1184 : vector<16xf32>
        %mul3A_1186 = arith.constant 1.050000e+02 : f32
        %mul3A_1187 = vector.broadcast %mul3A_1186 : f32 to vector<16xf32>
        %mul3A_1188 = arith.mulf %mul3A_1187, %mul3A_982 : vector<16xf32>
        %mul3A_1189 = arith.mulf %mul3A_1188, %mul3A_987 : vector<16xf32>
        %mul3A_1190 = arith.mulf %mul3A_1189, %mul3A_981 : vector<16xf32>
        %mul3A_1191 = arith.constant 1.500000e+01 : f32
        %mul3A_1192 = vector.broadcast %mul3A_1191 : f32 to vector<16xf32>
        %mul3A_1193 = arith.mulf %mul3A_1192, %mul3A_987 : vector<16xf32>
        %mul3A_1194 = arith.mulf %mul3A_1193, %mul3A_980 : vector<16xf32>
        %sub3A_1195 = arith.subf %mul3A_1190, %mul3A_1194 : vector<16xf32>
        %mul3A_1196 = arith.constant 1.050000e+02 : f32
        %mul3A_1197 = vector.broadcast %mul3A_1196 : f32 to vector<16xf32>
        %mul3A_1198 = arith.mulf %mul3A_1197, %mul3A_983 : vector<16xf32>
        %mul3A_1199 = arith.mulf %mul3A_1198, %mul3A_983 : vector<16xf32>
        %mul3A_1200 = arith.mulf %mul3A_1199, %mul3A_981 : vector<16xf32>
        %mul3A_1201 = arith.constant 9.000000e+01 : f32
        %mul3A_1202 = vector.broadcast %mul3A_1201 : f32 to vector<16xf32>
        %mul3A_1203 = arith.mulf %mul3A_1202, %mul3A_983 : vector<16xf32>
        %mul3A_1204 = arith.mulf %mul3A_1203, %mul3A_980 : vector<16xf32>
        %sub3A_1205 = arith.subf %mul3A_1200, %mul3A_1204 : vector<16xf32>
        %mul3A_1206 = arith.constant 9.000000e+00 : f32
        %mul3A_1207 = vector.broadcast %mul3A_1206 : f32 to vector<16xf32>
        %mul3A_1208 = arith.mulf %mul3A_1207, %mul3A_979 : vector<16xf32>
        %add3A_1209 = arith.addf %sub3A_1205, %mul3A_1208 : vector<16xf32>
        %mul3A_1210 = arith.constant 1.050000e+02 : f32
        %mul3A_1211 = vector.broadcast %mul3A_1210 : f32 to vector<16xf32>
        %mul3A_1212 = arith.mulf %mul3A_1211, %mul3A_983 : vector<16xf32>
        %mul3A_1213 = arith.mulf %mul3A_1212, %mul3A_985 : vector<16xf32>
        %mul3A_1214 = arith.mulf %mul3A_1213, %mul3A_981 : vector<16xf32>
        %mul3A_1215 = arith.constant 4.500000e+01 : f32
        %mul3A_1216 = vector.broadcast %mul3A_1215 : f32 to vector<16xf32>
        %mul3A_1217 = arith.mulf %mul3A_1216, %mul3A_985 : vector<16xf32>
        %mul3A_1218 = arith.mulf %mul3A_1217, %mul3A_980 : vector<16xf32>
        %sub3A_1219 = arith.subf %mul3A_1214, %mul3A_1218 : vector<16xf32>
        %mul3A_1220 = arith.constant 1.050000e+02 : f32
        %mul3A_1221 = vector.broadcast %mul3A_1220 : f32 to vector<16xf32>
        %mul3A_1222 = arith.mulf %mul3A_1221, %mul3A_983 : vector<16xf32>
        %mul3A_1223 = arith.mulf %mul3A_1222, %mul3A_987 : vector<16xf32>
        %mul3A_1224 = arith.mulf %mul3A_1223, %mul3A_981 : vector<16xf32>
        %mul3A_1225 = arith.constant 4.500000e+01 : f32
        %mul3A_1226 = vector.broadcast %mul3A_1225 : f32 to vector<16xf32>
        %mul3A_1227 = arith.mulf %mul3A_1226, %mul3A_987 : vector<16xf32>
        %mul3A_1228 = arith.mulf %mul3A_1227, %mul3A_980 : vector<16xf32>
        %sub3A_1229 = arith.subf %mul3A_1224, %mul3A_1228 : vector<16xf32>
        %mul3A_1230 = arith.constant 1.050000e+02 : f32
        %mul3A_1231 = vector.broadcast %mul3A_1230 : f32 to vector<16xf32>
        %mul3A_1232 = arith.mulf %mul3A_1231, %mul3A_983 : vector<16xf32>
        %mul3A_1233 = arith.mulf %mul3A_1232, %mul3A_984 : vector<16xf32>
        %mul3A_1234 = arith.mulf %mul3A_1233, %mul3A_981 : vector<16xf32>
        %add3A_1235 = arith.addf %mul3A_983, %mul3A_984 : vector<16xf32>
        %mul3A_1236 = arith.constant 1.500000e+01 : f32
        %mul3A_1237 = vector.broadcast %mul3A_1236 : f32 to vector<16xf32>
        %mul3A_1238 = arith.mulf %mul3A_1237, %add3A_1235 : vector<16xf32>
        %mul3A_1239 = arith.mulf %mul3A_1238, %mul3A_980 : vector<16xf32>
        %sub3A_1240 = arith.subf %mul3A_1234, %mul3A_1239 : vector<16xf32>
        %mul3A_1241 = arith.constant 3.000000e+00 : f32
        %mul3A_1242 = vector.broadcast %mul3A_1241 : f32 to vector<16xf32>
        %mul3A_1243 = arith.mulf %mul3A_1242, %mul3A_979 : vector<16xf32>
        %add3A_1244 = arith.addf %sub3A_1240, %mul3A_1243 : vector<16xf32>
        %mul3A_1245 = arith.constant 1.050000e+02 : f32
        %mul3A_1246 = vector.broadcast %mul3A_1245 : f32 to vector<16xf32>
        %mul3A_1247 = arith.mulf %mul3A_1246, %mul3A_983 : vector<16xf32>
        %mul3A_1248 = arith.mulf %mul3A_1247, %mul3A_986 : vector<16xf32>
        %mul3A_1249 = arith.mulf %mul3A_1248, %mul3A_981 : vector<16xf32>
        %mul3A_1250 = arith.constant 1.500000e+01 : f32
        %mul3A_1251 = vector.broadcast %mul3A_1250 : f32 to vector<16xf32>
        %mul3A_1252 = arith.mulf %mul3A_1251, %mul3A_986 : vector<16xf32>
        %mul3A_1253 = arith.mulf %mul3A_1252, %mul3A_980 : vector<16xf32>
        %sub3A_1254 = arith.subf %mul3A_1249, %mul3A_1253 : vector<16xf32>
        %mul3A_1255 = arith.constant 1.050000e+02 : f32
        %mul3A_1256 = vector.broadcast %mul3A_1255 : f32 to vector<16xf32>
        %mul3A_1257 = arith.mulf %mul3A_1256, %mul3A_984 : vector<16xf32>
        %mul3A_1258 = arith.mulf %mul3A_1257, %mul3A_984 : vector<16xf32>
        %mul3A_1259 = arith.mulf %mul3A_1258, %mul3A_981 : vector<16xf32>
        %mul3A_1260 = arith.constant 9.000000e+01 : f32
        %mul3A_1261 = vector.broadcast %mul3A_1260 : f32 to vector<16xf32>
        %mul3A_1262 = arith.mulf %mul3A_1261, %mul3A_984 : vector<16xf32>
        %mul3A_1263 = arith.mulf %mul3A_1262, %mul3A_980 : vector<16xf32>
        %sub3A_1264 = arith.subf %mul3A_1259, %mul3A_1263 : vector<16xf32>
        %mul3A_1265 = arith.constant 9.000000e+00 : f32
        %mul3A_1266 = vector.broadcast %mul3A_1265 : f32 to vector<16xf32>
        %mul3A_1267 = arith.mulf %mul3A_1266, %mul3A_979 : vector<16xf32>
        %add3A_1268 = arith.addf %sub3A_1264, %mul3A_1267 : vector<16xf32>
        %mul3A_1269 = arith.constant 1.050000e+02 : f32
        %mul3A_1270 = vector.broadcast %mul3A_1269 : f32 to vector<16xf32>
        %mul3A_1271 = arith.mulf %mul3A_1270, %mul3A_984 : vector<16xf32>
        %mul3A_1272 = arith.mulf %mul3A_1271, %mul3A_986 : vector<16xf32>
        %mul3A_1273 = arith.mulf %mul3A_1272, %mul3A_981 : vector<16xf32>
        %mul3A_1274 = arith.constant 4.500000e+01 : f32
        %mul3A_1275 = vector.broadcast %mul3A_1274 : f32 to vector<16xf32>
        %mul3A_1276 = arith.mulf %mul3A_1275, %mul3A_986 : vector<16xf32>
        %mul3A_1277 = arith.mulf %mul3A_1276, %mul3A_980 : vector<16xf32>
        %sub3A_1278 = arith.subf %mul3A_1273, %mul3A_1277 : vector<16xf32>
        %mul3A_1279 = arith.constant 1.050000e+02 : f32
        %mul3A_1280 = vector.broadcast %mul3A_1279 : f32 to vector<16xf32>
        %mul3A_1281 = arith.mulf %mul3A_1280, %mul3A_984 : vector<16xf32>
        %mul3A_1282 = arith.mulf %mul3A_1281, %mul3A_987 : vector<16xf32>
        %mul3A_1283 = arith.mulf %mul3A_1282, %mul3A_981 : vector<16xf32>
        %mul3A_1284 = arith.constant 4.500000e+01 : f32
        %mul3A_1285 = vector.broadcast %mul3A_1284 : f32 to vector<16xf32>
        %mul3A_1286 = arith.mulf %mul3A_1285, %mul3A_987 : vector<16xf32>
        %mul3A_1287 = arith.mulf %mul3A_1286, %mul3A_980 : vector<16xf32>
        %sub3A_1288 = arith.subf %mul3A_1283, %mul3A_1287 : vector<16xf32>
        %mul3A_1289 = arith.constant 1.050000e+02 : f32
        %mul3A_1290 = vector.broadcast %mul3A_1289 : f32 to vector<16xf32>
        %mul3A_1291 = arith.mulf %mul3A_1290, %mul3A_984 : vector<16xf32>
        %mul3A_1292 = arith.mulf %mul3A_1291, %mul3A_985 : vector<16xf32>
        %mul3A_1293 = arith.mulf %mul3A_1292, %mul3A_981 : vector<16xf32>
        %mul3A_1294 = arith.constant 1.500000e+01 : f32
        %mul3A_1295 = vector.broadcast %mul3A_1294 : f32 to vector<16xf32>
        %mul3A_1296 = arith.mulf %mul3A_1295, %mul3A_985 : vector<16xf32>
        %mul3A_1297 = arith.mulf %mul3A_1296, %mul3A_980 : vector<16xf32>
        %sub3A_1298 = arith.subf %mul3A_1293, %mul3A_1297 : vector<16xf32>
        %mul3A_1299 = arith.mulf %gather3A_621, %gather3A_651 : vector<16xf32>
        %mul3A_1300 = arith.mulf %mul3A_977, %mul3A_1299 : vector<16xf32>
        %mul3A_1301 = arith.mulf %gather3A_621, %gather3A_654 : vector<16xf32>
        %neg3A_1302 = arith.constant 0.000000e+00 : f32
        %neg3A_1303 = vector.broadcast %neg3A_1302 : f32 to vector<16xf32>
        %neg3A_1304 = arith.subf %neg3A_1303, %mul3A_1301 : vector<16xf32>
        %mul3A_1305 = arith.mulf %gather3A_624, %gather3A_651 : vector<16xf32>
        %add3A_1306 = arith.addf %neg3A_1304, %mul3A_1305 : vector<16xf32>
        %mul3A_1307 = arith.mulf %mul3A_991, %add3A_1306 : vector<16xf32>
        %add3A_1308 = arith.addf %mul3A_1300, %mul3A_1307 : vector<16xf32>
        %mul3A_1309 = arith.mulf %gather3A_621, %gather3A_657 : vector<16xf32>
        %neg3A_1310 = arith.constant 0.000000e+00 : f32
        %neg3A_1311 = vector.broadcast %neg3A_1310 : f32 to vector<16xf32>
        %neg3A_1312 = arith.subf %neg3A_1311, %mul3A_1309 : vector<16xf32>
        %mul3A_1313 = arith.mulf %gather3A_627, %gather3A_651 : vector<16xf32>
        %add3A_1314 = arith.addf %neg3A_1312, %mul3A_1313 : vector<16xf32>
        %mul3A_1315 = arith.mulf %mul3A_995, %add3A_1314 : vector<16xf32>
        %add3A_1316 = arith.addf %add3A_1308, %mul3A_1315 : vector<16xf32>
        %mul3A_1317 = arith.mulf %gather3A_621, %gather3A_660 : vector<16xf32>
        %neg3A_1318 = arith.constant 0.000000e+00 : f32
        %neg3A_1319 = vector.broadcast %neg3A_1318 : f32 to vector<16xf32>
        %neg3A_1320 = arith.subf %neg3A_1319, %mul3A_1317 : vector<16xf32>
        %mul3A_1321 = arith.mulf %gather3A_630, %gather3A_651 : vector<16xf32>
        %add3A_1322 = arith.addf %neg3A_1320, %mul3A_1321 : vector<16xf32>
        %mul3A_1323 = arith.mulf %mul3A_999, %add3A_1322 : vector<16xf32>
        %add3A_1324 = arith.addf %add3A_1316, %mul3A_1323 : vector<16xf32>
        %mul3A_1325 = arith.mulf %gather3A_621, %gather3A_663 : vector<16xf32>
        %mul3A_1326 = arith.mulf %gather3A_624, %gather3A_654 : vector<16xf32>
        %neg3A_1327 = arith.constant 0.000000e+00 : f32
        %neg3A_1328 = vector.broadcast %neg3A_1327 : f32 to vector<16xf32>
        %neg3A_1329 = arith.subf %neg3A_1328, %mul3A_1326 : vector<16xf32>
        %add3A_1330 = arith.addf %mul3A_1325, %neg3A_1329 : vector<16xf32>
        %mul3A_1331 = arith.mulf %gather3A_633, %gather3A_651 : vector<16xf32>
        %add3A_1332 = arith.addf %add3A_1330, %mul3A_1331 : vector<16xf32>
        %mul3A_1333 = arith.mulf %sub3A_1004, %add3A_1332 : vector<16xf32>
        %add3A_1334 = arith.addf %add3A_1324, %mul3A_1333 : vector<16xf32>
        %mul3A_1335 = arith.mulf %gather3A_621, %gather3A_666 : vector<16xf32>
        %mul3A_1336 = arith.mulf %gather3A_624, %gather3A_657 : vector<16xf32>
        %neg3A_1337 = arith.constant 0.000000e+00 : f32
        %neg3A_1338 = vector.broadcast %neg3A_1337 : f32 to vector<16xf32>
        %neg3A_1339 = arith.subf %neg3A_1338, %mul3A_1336 : vector<16xf32>
        %add3A_1340 = arith.addf %mul3A_1335, %neg3A_1339 : vector<16xf32>
        %mul3A_1341 = arith.mulf %gather3A_627, %gather3A_654 : vector<16xf32>
        %neg3A_1342 = arith.constant 0.000000e+00 : f32
        %neg3A_1343 = vector.broadcast %neg3A_1342 : f32 to vector<16xf32>
        %neg3A_1344 = arith.subf %neg3A_1343, %mul3A_1341 : vector<16xf32>
        %add3A_1345 = arith.addf %add3A_1340, %neg3A_1344 : vector<16xf32>
        %mul3A_1346 = arith.mulf %gather3A_636, %gather3A_651 : vector<16xf32>
        %add3A_1347 = arith.addf %add3A_1345, %mul3A_1346 : vector<16xf32>
        %mul3A_1348 = arith.mulf %mul3A_1008, %add3A_1347 : vector<16xf32>
        %add3A_1349 = arith.addf %add3A_1334, %mul3A_1348 : vector<16xf32>
        %mul3A_1350 = arith.mulf %gather3A_621, %gather3A_669 : vector<16xf32>
        %mul3A_1351 = arith.mulf %gather3A_624, %gather3A_660 : vector<16xf32>
        %neg3A_1352 = arith.constant 0.000000e+00 : f32
        %neg3A_1353 = vector.broadcast %neg3A_1352 : f32 to vector<16xf32>
        %neg3A_1354 = arith.subf %neg3A_1353, %mul3A_1351 : vector<16xf32>
        %add3A_1355 = arith.addf %mul3A_1350, %neg3A_1354 : vector<16xf32>
        %mul3A_1356 = arith.mulf %gather3A_630, %gather3A_654 : vector<16xf32>
        %neg3A_1357 = arith.constant 0.000000e+00 : f32
        %neg3A_1358 = vector.broadcast %neg3A_1357 : f32 to vector<16xf32>
        %neg3A_1359 = arith.subf %neg3A_1358, %mul3A_1356 : vector<16xf32>
        %add3A_1360 = arith.addf %add3A_1355, %neg3A_1359 : vector<16xf32>
        %mul3A_1361 = arith.mulf %gather3A_639, %gather3A_651 : vector<16xf32>
        %add3A_1362 = arith.addf %add3A_1360, %mul3A_1361 : vector<16xf32>
        %mul3A_1363 = arith.mulf %mul3A_1012, %add3A_1362 : vector<16xf32>
        %add3A_1364 = arith.addf %add3A_1349, %mul3A_1363 : vector<16xf32>
        %mul3A_1365 = arith.mulf %gather3A_621, %gather3A_672 : vector<16xf32>
        %mul3A_1366 = arith.mulf %gather3A_627, %gather3A_657 : vector<16xf32>
        %neg3A_1367 = arith.constant 0.000000e+00 : f32
        %neg3A_1368 = vector.broadcast %neg3A_1367 : f32 to vector<16xf32>
        %neg3A_1369 = arith.subf %neg3A_1368, %mul3A_1366 : vector<16xf32>
        %add3A_1370 = arith.addf %mul3A_1365, %neg3A_1369 : vector<16xf32>
        %mul3A_1371 = arith.mulf %gather3A_642, %gather3A_651 : vector<16xf32>
        %add3A_1372 = arith.addf %add3A_1370, %mul3A_1371 : vector<16xf32>
        %mul3A_1373 = arith.mulf %sub3A_1017, %add3A_1372 : vector<16xf32>
        %add3A_1374 = arith.addf %add3A_1364, %mul3A_1373 : vector<16xf32>
        %mul3A_1375 = arith.mulf %gather3A_621, %gather3A_675 : vector<16xf32>
        %mul3A_1376 = arith.mulf %gather3A_627, %gather3A_660 : vector<16xf32>
        %neg3A_1377 = arith.constant 0.000000e+00 : f32
        %neg3A_1378 = vector.broadcast %neg3A_1377 : f32 to vector<16xf32>
        %neg3A_1379 = arith.subf %neg3A_1378, %mul3A_1376 : vector<16xf32>
        %add3A_1380 = arith.addf %mul3A_1375, %neg3A_1379 : vector<16xf32>
        %mul3A_1381 = arith.mulf %gather3A_630, %gather3A_657 : vector<16xf32>
        %neg3A_1382 = arith.constant 0.000000e+00 : f32
        %neg3A_1383 = vector.broadcast %neg3A_1382 : f32 to vector<16xf32>
        %neg3A_1384 = arith.subf %neg3A_1383, %mul3A_1381 : vector<16xf32>
        %add3A_1385 = arith.addf %add3A_1380, %neg3A_1384 : vector<16xf32>
        %mul3A_1386 = arith.mulf %gather3A_645, %gather3A_651 : vector<16xf32>
        %add3A_1387 = arith.addf %add3A_1385, %mul3A_1386 : vector<16xf32>
        %mul3A_1388 = arith.mulf %mul3A_1021, %add3A_1387 : vector<16xf32>
        %add3A_1389 = arith.addf %add3A_1374, %mul3A_1388 : vector<16xf32>
        %mul3A_1390 = arith.mulf %gather3A_621, %gather3A_678 : vector<16xf32>
        %mul3A_1391 = arith.mulf %gather3A_630, %gather3A_660 : vector<16xf32>
        %neg3A_1392 = arith.constant 0.000000e+00 : f32
        %neg3A_1393 = vector.broadcast %neg3A_1392 : f32 to vector<16xf32>
        %neg3A_1394 = arith.subf %neg3A_1393, %mul3A_1391 : vector<16xf32>
        %add3A_1395 = arith.addf %mul3A_1390, %neg3A_1394 : vector<16xf32>
        %mul3A_1396 = arith.mulf %gather3A_648, %gather3A_651 : vector<16xf32>
        %add3A_1397 = arith.addf %add3A_1395, %mul3A_1396 : vector<16xf32>
        %mul3A_1398 = arith.mulf %sub3A_1026, %add3A_1397 : vector<16xf32>
        %add3A_1399 = arith.addf %add3A_1389, %mul3A_1398 : vector<16xf32>
        %mul3A_1400 = arith.mulf %gather3A_624, %gather3A_663 : vector<16xf32>
        %mul3A_1401 = arith.mulf %gather3A_633, %gather3A_654 : vector<16xf32>
        %neg3A_1402 = arith.constant 0.000000e+00 : f32
        %neg3A_1403 = vector.broadcast %neg3A_1402 : f32 to vector<16xf32>
        %neg3A_1404 = arith.subf %neg3A_1403, %mul3A_1401 : vector<16xf32>
        %add3A_1405 = arith.addf %mul3A_1400, %neg3A_1404 : vector<16xf32>
        %mul3A_1406 = arith.mulf %add3A_1036, %add3A_1405 : vector<16xf32>
        %add3A_1407 = arith.addf %add3A_1399, %mul3A_1406 : vector<16xf32>
        %mul3A_1408 = arith.mulf %gather3A_624, %gather3A_666 : vector<16xf32>
        %mul3A_1409 = arith.mulf %gather3A_627, %gather3A_663 : vector<16xf32>
        %add3A_1410 = arith.addf %mul3A_1408, %mul3A_1409 : vector<16xf32>
        %mul3A_1411 = arith.mulf %gather3A_633, %gather3A_657 : vector<16xf32>
        %neg3A_1412 = arith.constant 0.000000e+00 : f32
        %neg3A_1413 = vector.broadcast %neg3A_1412 : f32 to vector<16xf32>
        %neg3A_1414 = arith.subf %neg3A_1413, %mul3A_1411 : vector<16xf32>
        %add3A_1415 = arith.addf %add3A_1410, %neg3A_1414 : vector<16xf32>
        %mul3A_1416 = arith.mulf %gather3A_636, %gather3A_654 : vector<16xf32>
        %neg3A_1417 = arith.constant 0.000000e+00 : f32
        %neg3A_1418 = vector.broadcast %neg3A_1417 : f32 to vector<16xf32>
        %neg3A_1419 = arith.subf %neg3A_1418, %mul3A_1416 : vector<16xf32>
        %add3A_1420 = arith.addf %add3A_1415, %neg3A_1419 : vector<16xf32>
        %mul3A_1421 = arith.mulf %add3A_1046, %add3A_1420 : vector<16xf32>
        %add3A_1422 = arith.addf %add3A_1407, %mul3A_1421 : vector<16xf32>
        %mul3A_1423 = arith.mulf %gather3A_624, %gather3A_669 : vector<16xf32>
        %mul3A_1424 = arith.mulf %gather3A_630, %gather3A_663 : vector<16xf32>
        %add3A_1425 = arith.addf %mul3A_1423, %mul3A_1424 : vector<16xf32>
        %mul3A_1426 = arith.mulf %gather3A_633, %gather3A_660 : vector<16xf32>
        %neg3A_1427 = arith.constant 0.000000e+00 : f32
        %neg3A_1428 = vector.broadcast %neg3A_1427 : f32 to vector<16xf32>
        %neg3A_1429 = arith.subf %neg3A_1428, %mul3A_1426 : vector<16xf32>
        %add3A_1430 = arith.addf %add3A_1425, %neg3A_1429 : vector<16xf32>
        %mul3A_1431 = arith.mulf %gather3A_639, %gather3A_654 : vector<16xf32>
        %neg3A_1432 = arith.constant 0.000000e+00 : f32
        %neg3A_1433 = vector.broadcast %neg3A_1432 : f32 to vector<16xf32>
        %neg3A_1434 = arith.subf %neg3A_1433, %mul3A_1431 : vector<16xf32>
        %add3A_1435 = arith.addf %add3A_1430, %neg3A_1434 : vector<16xf32>
        %mul3A_1436 = arith.mulf %add3A_1056, %add3A_1435 : vector<16xf32>
        %add3A_1437 = arith.addf %add3A_1422, %mul3A_1436 : vector<16xf32>
        %mul3A_1438 = arith.mulf %gather3A_624, %gather3A_672 : vector<16xf32>
        %mul3A_1439 = arith.mulf %gather3A_627, %gather3A_666 : vector<16xf32>
        %add3A_1440 = arith.addf %mul3A_1438, %mul3A_1439 : vector<16xf32>
        %mul3A_1441 = arith.mulf %gather3A_636, %gather3A_657 : vector<16xf32>
        %neg3A_1442 = arith.constant 0.000000e+00 : f32
        %neg3A_1443 = vector.broadcast %neg3A_1442 : f32 to vector<16xf32>
        %neg3A_1444 = arith.subf %neg3A_1443, %mul3A_1441 : vector<16xf32>
        %add3A_1445 = arith.addf %add3A_1440, %neg3A_1444 : vector<16xf32>
        %mul3A_1446 = arith.mulf %gather3A_642, %gather3A_654 : vector<16xf32>
        %neg3A_1447 = arith.constant 0.000000e+00 : f32
        %neg3A_1448 = vector.broadcast %neg3A_1447 : f32 to vector<16xf32>
        %neg3A_1449 = arith.subf %neg3A_1448, %mul3A_1446 : vector<16xf32>
        %add3A_1450 = arith.addf %add3A_1445, %neg3A_1449 : vector<16xf32>
        %mul3A_1451 = arith.mulf %add3A_1076, %add3A_1450 : vector<16xf32>
        %add3A_1452 = arith.addf %add3A_1437, %mul3A_1451 : vector<16xf32>
        %mul3A_1453 = arith.mulf %gather3A_624, %gather3A_675 : vector<16xf32>
        %mul3A_1454 = arith.mulf %gather3A_627, %gather3A_669 : vector<16xf32>
        %add3A_1455 = arith.addf %mul3A_1453, %mul3A_1454 : vector<16xf32>
        %mul3A_1456 = arith.mulf %gather3A_630, %gather3A_666 : vector<16xf32>
        %add3A_1457 = arith.addf %add3A_1455, %mul3A_1456 : vector<16xf32>
        %mul3A_1458 = arith.mulf %gather3A_636, %gather3A_660 : vector<16xf32>
        %neg3A_1459 = arith.constant 0.000000e+00 : f32
        %neg3A_1460 = vector.broadcast %neg3A_1459 : f32 to vector<16xf32>
        %neg3A_1461 = arith.subf %neg3A_1460, %mul3A_1458 : vector<16xf32>
        %add3A_1462 = arith.addf %add3A_1457, %neg3A_1461 : vector<16xf32>
        %mul3A_1463 = arith.mulf %gather3A_639, %gather3A_657 : vector<16xf32>
        %neg3A_1464 = arith.constant 0.000000e+00 : f32
        %neg3A_1465 = vector.broadcast %neg3A_1464 : f32 to vector<16xf32>
        %neg3A_1466 = arith.subf %neg3A_1465, %mul3A_1463 : vector<16xf32>
        %add3A_1467 = arith.addf %add3A_1462, %neg3A_1466 : vector<16xf32>
        %mul3A_1468 = arith.mulf %gather3A_645, %gather3A_654 : vector<16xf32>
        %neg3A_1469 = arith.constant 0.000000e+00 : f32
        %neg3A_1470 = vector.broadcast %neg3A_1469 : f32 to vector<16xf32>
        %neg3A_1471 = arith.subf %neg3A_1470, %mul3A_1468 : vector<16xf32>
        %add3A_1472 = arith.addf %add3A_1467, %neg3A_1471 : vector<16xf32>
        %mul3A_1473 = arith.mulf %mul3A_1121, %add3A_1472 : vector<16xf32>
        %add3A_1474 = arith.addf %add3A_1452, %mul3A_1473 : vector<16xf32>
        %mul3A_1475 = arith.mulf %gather3A_624, %gather3A_678 : vector<16xf32>
        %mul3A_1476 = arith.mulf %gather3A_630, %gather3A_669 : vector<16xf32>
        %add3A_1477 = arith.addf %mul3A_1475, %mul3A_1476 : vector<16xf32>
        %mul3A_1478 = arith.mulf %gather3A_639, %gather3A_660 : vector<16xf32>
        %neg3A_1479 = arith.constant 0.000000e+00 : f32
        %neg3A_1480 = vector.broadcast %neg3A_1479 : f32 to vector<16xf32>
        %neg3A_1481 = arith.subf %neg3A_1480, %mul3A_1478 : vector<16xf32>
        %add3A_1482 = arith.addf %add3A_1477, %neg3A_1481 : vector<16xf32>
        %mul3A_1483 = arith.mulf %gather3A_648, %gather3A_654 : vector<16xf32>
        %neg3A_1484 = arith.constant 0.000000e+00 : f32
        %neg3A_1485 = vector.broadcast %neg3A_1484 : f32 to vector<16xf32>
        %neg3A_1486 = arith.subf %neg3A_1485, %mul3A_1483 : vector<16xf32>
        %add3A_1487 = arith.addf %add3A_1482, %neg3A_1486 : vector<16xf32>
        %mul3A_1488 = arith.mulf %add3A_1106, %add3A_1487 : vector<16xf32>
        %add3A_1489 = arith.addf %add3A_1474, %mul3A_1488 : vector<16xf32>
        %mul3A_1490 = arith.mulf %gather3A_627, %gather3A_672 : vector<16xf32>
        %mul3A_1491 = arith.mulf %gather3A_642, %gather3A_657 : vector<16xf32>
        %neg3A_1492 = arith.constant 0.000000e+00 : f32
        %neg3A_1493 = vector.broadcast %neg3A_1492 : f32 to vector<16xf32>
        %neg3A_1494 = arith.subf %neg3A_1493, %mul3A_1491 : vector<16xf32>
        %add3A_1495 = arith.addf %mul3A_1490, %neg3A_1494 : vector<16xf32>
        %mul3A_1496 = arith.mulf %add3A_1066, %add3A_1495 : vector<16xf32>
        %add3A_1497 = arith.addf %add3A_1489, %mul3A_1496 : vector<16xf32>
        %mul3A_1498 = arith.mulf %gather3A_627, %gather3A_675 : vector<16xf32>
        %mul3A_1499 = arith.mulf %gather3A_630, %gather3A_672 : vector<16xf32>
        %add3A_1500 = arith.addf %mul3A_1498, %mul3A_1499 : vector<16xf32>
        %mul3A_1501 = arith.mulf %gather3A_642, %gather3A_660 : vector<16xf32>
        %neg3A_1502 = arith.constant 0.000000e+00 : f32
        %neg3A_1503 = vector.broadcast %neg3A_1502 : f32 to vector<16xf32>
        %neg3A_1504 = arith.subf %neg3A_1503, %mul3A_1501 : vector<16xf32>
        %add3A_1505 = arith.addf %add3A_1500, %neg3A_1504 : vector<16xf32>
        %mul3A_1506 = arith.mulf %gather3A_645, %gather3A_657 : vector<16xf32>
        %neg3A_1507 = arith.constant 0.000000e+00 : f32
        %neg3A_1508 = vector.broadcast %neg3A_1507 : f32 to vector<16xf32>
        %neg3A_1509 = arith.subf %neg3A_1508, %mul3A_1506 : vector<16xf32>
        %add3A_1510 = arith.addf %add3A_1505, %neg3A_1509 : vector<16xf32>
        %mul3A_1511 = arith.mulf %add3A_1086, %add3A_1510 : vector<16xf32>
        %add3A_1512 = arith.addf %add3A_1497, %mul3A_1511 : vector<16xf32>
        %mul3A_1513 = arith.mulf %gather3A_627, %gather3A_678 : vector<16xf32>
        %mul3A_1514 = arith.mulf %gather3A_630, %gather3A_675 : vector<16xf32>
        %add3A_1515 = arith.addf %mul3A_1513, %mul3A_1514 : vector<16xf32>
        %mul3A_1516 = arith.mulf %gather3A_645, %gather3A_660 : vector<16xf32>
        %neg3A_1517 = arith.constant 0.000000e+00 : f32
        %neg3A_1518 = vector.broadcast %neg3A_1517 : f32 to vector<16xf32>
        %neg3A_1519 = arith.subf %neg3A_1518, %mul3A_1516 : vector<16xf32>
        %add3A_1520 = arith.addf %add3A_1515, %neg3A_1519 : vector<16xf32>
        %mul3A_1521 = arith.mulf %gather3A_648, %gather3A_657 : vector<16xf32>
        %neg3A_1522 = arith.constant 0.000000e+00 : f32
        %neg3A_1523 = vector.broadcast %neg3A_1522 : f32 to vector<16xf32>
        %neg3A_1524 = arith.subf %neg3A_1523, %mul3A_1521 : vector<16xf32>
        %add3A_1525 = arith.addf %add3A_1520, %neg3A_1524 : vector<16xf32>
        %mul3A_1526 = arith.mulf %add3A_1116, %add3A_1525 : vector<16xf32>
        %add3A_1527 = arith.addf %add3A_1512, %mul3A_1526 : vector<16xf32>
        %mul3A_1528 = arith.mulf %gather3A_630, %gather3A_678 : vector<16xf32>
        %mul3A_1529 = arith.mulf %gather3A_648, %gather3A_660 : vector<16xf32>
        %neg3A_1530 = arith.constant 0.000000e+00 : f32
        %neg3A_1531 = vector.broadcast %neg3A_1530 : f32 to vector<16xf32>
        %neg3A_1532 = arith.subf %neg3A_1531, %mul3A_1529 : vector<16xf32>
        %add3A_1533 = arith.addf %mul3A_1528, %neg3A_1532 : vector<16xf32>
        %mul3A_1534 = arith.mulf %add3A_1096, %add3A_1533 : vector<16xf32>
        %add3A_1535 = arith.addf %add3A_1527, %mul3A_1534 : vector<16xf32>
        %mul3A_1536 = arith.mulf %gather3A_633, %gather3A_663 : vector<16xf32>
        %mul3A_1537 = arith.mulf %add3A_1135, %mul3A_1536 : vector<16xf32>
        %add3A_1538 = arith.addf %add3A_1535, %mul3A_1537 : vector<16xf32>
        %mul3A_1539 = arith.mulf %gather3A_633, %gather3A_666 : vector<16xf32>
        %mul3A_1540 = arith.mulf %gather3A_636, %gather3A_663 : vector<16xf32>
        %add3A_1541 = arith.addf %mul3A_1539, %mul3A_1540 : vector<16xf32>
        %mul3A_1542 = arith.mulf %sub3A_1145, %add3A_1541 : vector<16xf32>
        %add3A_1543 = arith.addf %add3A_1538, %mul3A_1542 : vector<16xf32>
        %mul3A_1544 = arith.mulf %gather3A_633, %gather3A_669 : vector<16xf32>
        %mul3A_1545 = arith.mulf %gather3A_639, %gather3A_663 : vector<16xf32>
        %add3A_1546 = arith.addf %mul3A_1544, %mul3A_1545 : vector<16xf32>
        %mul3A_1547 = arith.mulf %sub3A_1155, %add3A_1546 : vector<16xf32>
        %add3A_1548 = arith.addf %add3A_1543, %mul3A_1547 : vector<16xf32>
        %mul3A_1549 = arith.mulf %gather3A_633, %gather3A_672 : vector<16xf32>
        %mul3A_1550 = arith.mulf %gather3A_636, %gather3A_666 : vector<16xf32>
        %add3A_1551 = arith.addf %mul3A_1549, %mul3A_1550 : vector<16xf32>
        %mul3A_1552 = arith.mulf %gather3A_642, %gather3A_663 : vector<16xf32>
        %add3A_1553 = arith.addf %add3A_1551, %mul3A_1552 : vector<16xf32>
        %mul3A_1554 = arith.mulf %add3A_1170, %add3A_1553 : vector<16xf32>
        %add3A_1555 = arith.addf %add3A_1548, %mul3A_1554 : vector<16xf32>
        %mul3A_1556 = arith.mulf %gather3A_633, %gather3A_675 : vector<16xf32>
        %mul3A_1557 = arith.mulf %gather3A_636, %gather3A_669 : vector<16xf32>
        %add3A_1558 = arith.addf %mul3A_1556, %mul3A_1557 : vector<16xf32>
        %mul3A_1559 = arith.mulf %gather3A_639, %gather3A_666 : vector<16xf32>
        %add3A_1560 = arith.addf %add3A_1558, %mul3A_1559 : vector<16xf32>
        %mul3A_1561 = arith.mulf %gather3A_645, %gather3A_663 : vector<16xf32>
        %add3A_1562 = arith.addf %add3A_1560, %mul3A_1561 : vector<16xf32>
        %mul3A_1563 = arith.mulf %sub3A_1195, %add3A_1562 : vector<16xf32>
        %add3A_1564 = arith.addf %add3A_1555, %mul3A_1563 : vector<16xf32>
        %mul3A_1565 = arith.mulf %gather3A_633, %gather3A_678 : vector<16xf32>
        %mul3A_1566 = arith.mulf %gather3A_639, %gather3A_669 : vector<16xf32>
        %add3A_1567 = arith.addf %mul3A_1565, %mul3A_1566 : vector<16xf32>
        %mul3A_1568 = arith.mulf %gather3A_648, %gather3A_663 : vector<16xf32>
        %add3A_1569 = arith.addf %add3A_1567, %mul3A_1568 : vector<16xf32>
        %mul3A_1570 = arith.mulf %add3A_1185, %add3A_1569 : vector<16xf32>
        %add3A_1571 = arith.addf %add3A_1564, %mul3A_1570 : vector<16xf32>
        %mul3A_1572 = arith.mulf %gather3A_636, %gather3A_672 : vector<16xf32>
        %mul3A_1573 = arith.mulf %gather3A_642, %gather3A_666 : vector<16xf32>
        %add3A_1574 = arith.addf %mul3A_1572, %mul3A_1573 : vector<16xf32>
        %mul3A_1575 = arith.mulf %sub3A_1219, %add3A_1574 : vector<16xf32>
        %add3A_1576 = arith.addf %add3A_1571, %mul3A_1575 : vector<16xf32>
        %mul3A_1577 = arith.mulf %gather3A_636, %gather3A_675 : vector<16xf32>
        %mul3A_1578 = arith.mulf %gather3A_639, %gather3A_672 : vector<16xf32>
        %add3A_1579 = arith.addf %mul3A_1577, %mul3A_1578 : vector<16xf32>
        %mul3A_1580 = arith.mulf %gather3A_642, %gather3A_669 : vector<16xf32>
        %add3A_1581 = arith.addf %add3A_1579, %mul3A_1580 : vector<16xf32>
        %mul3A_1582 = arith.mulf %gather3A_645, %gather3A_666 : vector<16xf32>
        %add3A_1583 = arith.addf %add3A_1581, %mul3A_1582 : vector<16xf32>
        %mul3A_1584 = arith.mulf %sub3A_1254, %add3A_1583 : vector<16xf32>
        %add3A_1585 = arith.addf %add3A_1576, %mul3A_1584 : vector<16xf32>
        %mul3A_1586 = arith.mulf %gather3A_636, %gather3A_678 : vector<16xf32>
        %mul3A_1587 = arith.mulf %gather3A_639, %gather3A_675 : vector<16xf32>
        %add3A_1588 = arith.addf %mul3A_1586, %mul3A_1587 : vector<16xf32>
        %mul3A_1589 = arith.mulf %gather3A_645, %gather3A_669 : vector<16xf32>
        %add3A_1590 = arith.addf %add3A_1588, %mul3A_1589 : vector<16xf32>
        %mul3A_1591 = arith.mulf %gather3A_648, %gather3A_666 : vector<16xf32>
        %add3A_1592 = arith.addf %add3A_1590, %mul3A_1591 : vector<16xf32>
        %mul3A_1593 = arith.mulf %sub3A_1298, %add3A_1592 : vector<16xf32>
        %add3A_1594 = arith.addf %add3A_1585, %mul3A_1593 : vector<16xf32>
        %mul3A_1595 = arith.mulf %gather3A_639, %gather3A_678 : vector<16xf32>
        %mul3A_1596 = arith.mulf %gather3A_648, %gather3A_669 : vector<16xf32>
        %add3A_1597 = arith.addf %mul3A_1595, %mul3A_1596 : vector<16xf32>
        %mul3A_1598 = arith.mulf %sub3A_1278, %add3A_1597 : vector<16xf32>
        %add3A_1599 = arith.addf %add3A_1594, %mul3A_1598 : vector<16xf32>
        %mul3A_1600 = arith.mulf %gather3A_642, %gather3A_672 : vector<16xf32>
        %mul3A_1601 = arith.mulf %add3A_1209, %mul3A_1600 : vector<16xf32>
        %add3A_1602 = arith.addf %add3A_1599, %mul3A_1601 : vector<16xf32>
        %mul3A_1603 = arith.mulf %gather3A_642, %gather3A_675 : vector<16xf32>
        %mul3A_1604 = arith.mulf %gather3A_645, %gather3A_672 : vector<16xf32>
        %add3A_1605 = arith.addf %mul3A_1603, %mul3A_1604 : vector<16xf32>
        %mul3A_1606 = arith.mulf %sub3A_1229, %add3A_1605 : vector<16xf32>
        %add3A_1607 = arith.addf %add3A_1602, %mul3A_1606 : vector<16xf32>
        %mul3A_1608 = arith.mulf %gather3A_642, %gather3A_678 : vector<16xf32>
        %mul3A_1609 = arith.mulf %gather3A_645, %gather3A_675 : vector<16xf32>
        %add3A_1610 = arith.addf %mul3A_1608, %mul3A_1609 : vector<16xf32>
        %mul3A_1611 = arith.mulf %gather3A_648, %gather3A_672 : vector<16xf32>
        %add3A_1612 = arith.addf %add3A_1610, %mul3A_1611 : vector<16xf32>
        %mul3A_1613 = arith.mulf %add3A_1244, %add3A_1612 : vector<16xf32>
        %add3A_1614 = arith.addf %add3A_1607, %mul3A_1613 : vector<16xf32>
        %mul3A_1615 = arith.mulf %gather3A_645, %gather3A_678 : vector<16xf32>
        %mul3A_1616 = arith.mulf %gather3A_648, %gather3A_675 : vector<16xf32>
        %add3A_1617 = arith.addf %mul3A_1615, %mul3A_1616 : vector<16xf32>
        %mul3A_1618 = arith.mulf %sub3A_1288, %add3A_1617 : vector<16xf32>
        %add3A_1619 = arith.addf %add3A_1614, %mul3A_1618 : vector<16xf32>
        %mul3A_1620 = arith.mulf %gather3A_648, %gather3A_678 : vector<16xf32>
        %mul3A_1621 = arith.mulf %add3A_1268, %mul3A_1620 : vector<16xf32>
        %add3A_1622 = arith.addf %add3A_1619, %mul3A_1621 : vector<16xf32>
        %le3A = arith.constant 1.000000e+01 : f32
        %le3A_1623 = vector.broadcast %le3A : f32 to vector<16xf32>
        %le3A_1624 = arith.cmpf ole, %mul3A_867, %le3A_1623 : vector<16xf32>
        %jit3A_1625 = arith.constant 0.000000e+00 : f32
        %broadcast_in_dim3A_1626 = vector.broadcast %jit3A_1625 : f32 to vector<16xf32>
        %select_n3A_1627 = arith.select %le3A_1624, %add3A_1622, %broadcast_in_dim3A_1626 : vector<16xi1>, vector<16xf32>
        %jit3A_1628 = arith.constant 0.000000e+00 : f32
        %broadcast_in_dim3A_1629 = vector.broadcast %jit3A_1628 : f32 to vector<16xf32>
        %select_n3A_1630 = arith.select %lt3A_599, %select_n3A_1627, %broadcast_in_dim3A_1629 : vector<16xi1>, vector<16xf32>
        %add3A_1631 = arith.addf %scan3A_592, %select_n3A_1630 : vector<16xf32>
        scf.yield %add3A_1631 : vector<16xf32>
      }
      %scan3A_472 = arith.constant 40 : i32
      %lt3A = arith.constant 19 : i32
      %lt3A_473 = arith.cmpi slt, %scan3A_239, %lt3A : i32
      %convert_element_type3A = arith.extui %lt3A_473 : i1 to i32
      %cond3A = arith.constant 0 : i32
      %cond3A_474 = arith.cmpi ne, %convert_element_type3A, %cond3A : i32
      scf.if %cond3A_474 {
        %add3A_591 = arith.constant 2 : i32
        %add3A_592 = arith.addi %add3A_243, %add3A_591 : i32
        %mul3A_593 = arith.constant 5 : i32
        %mul3A_594 = arith.muli %add3A_592, %mul3A_593 : i32
        "tpu.region"() ({
          %run_scoped3A = tpu.sem_alloc : memref<!tpu.dma_semaphore, #tpu.memory_space<semaphore_mem>>
          %dma_start3A_705 = arith.constant 0 : i32
          %dma_start3A_706 = arith.constant 0 : i32
          %dma_start3A_707 = tpu.memref_slice %arg3[%dma_start3A_705, %mul3A_594, %dma_start3A_706] : memref<2x6400x125xi32, #tpu.memory_space<hbm>> -> memref<2x5x125xi32, #tpu.memory_space<hbm>>
          %dma_start3A_708 = arith.constant 0 : i32
          %dma_start3A_709 = arith.constant 0 : i32
          %dma_start3A_710 = tpu.memref_slice %arg3[%dma_start3A_708, %mul3A_594, %dma_start3A_709] : memref<2x6400x125xi32, #tpu.memory_space<hbm>> -> memref<2x5x125xi32, #tpu.memory_space<hbm>>
          tpu.enqueue_dma source(%dma_start3A_710 : memref<2x5x125xi32, #tpu.memory_space<hbm>>) target(%arg6 : memref<2x5x125xi32, #tpu.memory_space<vmem>>) target_semaphore(%run_scoped3A : memref<!tpu.dma_semaphore, #tpu.memory_space<semaphore_mem>>)
          %dma_wait3A_711 = arith.constant 0 : i32
          %dma_wait3A_712 = arith.constant 0 : i32
          %dma_wait3A_713 = tpu.memref_slice %arg3[%dma_wait3A_711, %mul3A_594, %dma_wait3A_712] : memref<2x6400x125xi32, #tpu.memory_space<hbm>> -> memref<2x5x125xi32, #tpu.memory_space<hbm>>
          %dma_wait3A_714 = arith.constant 0 : i32
          %dma_wait3A_715 = arith.constant 0 : i32
          %dma_wait3A_716 = tpu.memref_slice %arg3[%dma_wait3A_714, %mul3A_594, %dma_wait3A_715] : memref<2x6400x125xi32, #tpu.memory_space<hbm>> -> memref<2x5x125xi32, #tpu.memory_space<hbm>>
          tpu.wait_dma2 semaphore(%run_scoped3A : memref<!tpu.dma_semaphore, #tpu.memory_space<semaphore_mem>>) src(%dma_wait3A_716 : memref<2x5x125xi32, #tpu.memory_space<hbm>>) dst(%arg6 : memref<2x5x125xi32, #tpu.memory_space<vmem>>)
          tpu.yield
        }) : () -> ()
        %dma_start3A_595 = arith.constant 0 : i32
        %dma_start3A_596 = arith.constant 0 : i32
        %dma_start3A_597 = arith.constant 0 : i32
        %dma_start3A_598 = arith.constant 0 : i32
        %dma_start3A_599 = tpu.memref_slice %arg8[%dma_start3A_597, %dma_start3A_598] : memref<625x16xf32, #tpu.memory_space<vmem>> -> memref<125x16xf32, #tpu.memory_space<vmem>>
        %dma_start3A_600 = arith.constant 0 : i32
        %dma_start3A_601 = tpu.memref_slice %arg6[%dma_start3A_595, %dma_start3A_596, %dma_start3A_600] : memref<2x5x125xi32, #tpu.memory_space<vmem>> -> memref<1x1x125xi32, #tpu.memory_space<vmem>>
        %dma_start3A_602 = tpu.memref_squeeze %dma_start3A_601 : memref<1x1x125xi32, #tpu.memory_space<vmem>> -> memref<125xi32, #tpu.memory_space<vmem>>
        %dma_start3A_603 = arith.constant 0 : i32
        %dma_start3A_604 = arith.constant 0 : i32
        %dma_start3A_605 = tpu.memref_slice %arg2[%dma_start3A_603, %dma_start3A_604] : memref<50000x16xf32, #tpu.memory_space<hbm>> -> memref<50000x16xf32, #tpu.memory_space<hbm>>
        tpu.enqueue_indirect_dma source(%dma_start3A_605 : memref<50000x16xf32, #tpu.memory_space<hbm>>) target(%dma_start3A_599 : memref<125x16xf32, #tpu.memory_space<vmem>>) offsets(%dma_start3A_602 : memref<125xi32, #tpu.memory_space<vmem>>) semaphore(%arg14 : memref<!tpu.dma_semaphore, #tpu.memory_space<semaphore_mem>>)
        %dma_start3A_606 = arith.constant 1 : i32
        %dma_start3A_607 = arith.constant 0 : i32
        %dma_start3A_608 = arith.constant 0 : i32
        %dma_start3A_609 = arith.constant 0 : i32
        %dma_start3A_610 = tpu.memref_slice %arg9[%dma_start3A_608, %dma_start3A_609] : memref<625x16xf32, #tpu.memory_space<vmem>> -> memref<125x16xf32, #tpu.memory_space<vmem>>
        %dma_start3A_611 = arith.constant 0 : i32
        %dma_start3A_612 = tpu.memref_slice %arg6[%dma_start3A_606, %dma_start3A_607, %dma_start3A_611] : memref<2x5x125xi32, #tpu.memory_space<vmem>> -> memref<1x1x125xi32, #tpu.memory_space<vmem>>
        %dma_start3A_613 = tpu.memref_squeeze %dma_start3A_612 : memref<1x1x125xi32, #tpu.memory_space<vmem>> -> memref<125xi32, #tpu.memory_space<vmem>>
        %dma_start3A_614 = arith.constant 0 : i32
        %dma_start3A_615 = arith.constant 0 : i32
        %dma_start3A_616 = tpu.memref_slice %arg2[%dma_start3A_614, %dma_start3A_615] : memref<50000x16xf32, #tpu.memory_space<hbm>> -> memref<50000x16xf32, #tpu.memory_space<hbm>>
        tpu.enqueue_indirect_dma source(%dma_start3A_616 : memref<50000x16xf32, #tpu.memory_space<hbm>>) target(%dma_start3A_610 : memref<125x16xf32, #tpu.memory_space<vmem>>) offsets(%dma_start3A_613 : memref<125xi32, #tpu.memory_space<vmem>>) semaphore(%arg14 : memref<!tpu.dma_semaphore, #tpu.memory_space<semaphore_mem>>)
        %dma_start3A_617 = arith.constant 0 : i32
        %dma_start3A_618 = arith.constant 1 : i32
        %dma_start3A_619 = arith.constant 125 : i32
        %dma_start3A_620 = arith.constant 0 : i32
        %dma_start3A_621 = tpu.memref_slice %arg8[%dma_start3A_619, %dma_start3A_620] : memref<625x16xf32, #tpu.memory_space<vmem>> -> memref<125x16xf32, #tpu.memory_space<vmem>>
        %dma_start3A_622 = arith.constant 0 : i32
        %dma_start3A_623 = tpu.memref_slice %arg6[%dma_start3A_617, %dma_start3A_618, %dma_start3A_622] : memref<2x5x125xi32, #tpu.memory_space<vmem>> -> memref<1x1x125xi32, #tpu.memory_space<vmem>>
        %dma_start3A_624 = tpu.memref_squeeze %dma_start3A_623 : memref<1x1x125xi32, #tpu.memory_space<vmem>> -> memref<125xi32, #tpu.memory_space<vmem>>
        %dma_start3A_625 = arith.constant 0 : i32
        %dma_start3A_626 = arith.constant 0 : i32
        %dma_start3A_627 = tpu.memref_slice %arg2[%dma_start3A_625, %dma_start3A_626] : memref<50000x16xf32, #tpu.memory_space<hbm>> -> memref<50000x16xf32, #tpu.memory_space<hbm>>
        tpu.enqueue_indirect_dma source(%dma_start3A_627 : memref<50000x16xf32, #tpu.memory_space<hbm>>) target(%dma_start3A_621 : memref<125x16xf32, #tpu.memory_space<vmem>>) offsets(%dma_start3A_624 : memref<125xi32, #tpu.memory_space<vmem>>) semaphore(%arg14 : memref<!tpu.dma_semaphore, #tpu.memory_space<semaphore_mem>>)
        %dma_start3A_628 = arith.constant 1 : i32
        %dma_start3A_629 = arith.constant 1 : i32
        %dma_start3A_630 = arith.constant 125 : i32
        %dma_start3A_631 = arith.constant 0 : i32
        %dma_start3A_632 = tpu.memref_slice %arg9[%dma_start3A_630, %dma_start3A_631] : memref<625x16xf32, #tpu.memory_space<vmem>> -> memref<125x16xf32, #tpu.memory_space<vmem>>
        %dma_start3A_633 = arith.constant 0 : i32
        %dma_start3A_634 = tpu.memref_slice %arg6[%dma_start3A_628, %dma_start3A_629, %dma_start3A_633] : memref<2x5x125xi32, #tpu.memory_space<vmem>> -> memref<1x1x125xi32, #tpu.memory_space<vmem>>
        %dma_start3A_635 = tpu.memref_squeeze %dma_start3A_634 : memref<1x1x125xi32, #tpu.memory_space<vmem>> -> memref<125xi32, #tpu.memory_space<vmem>>
        %dma_start3A_636 = arith.constant 0 : i32
        %dma_start3A_637 = arith.constant 0 : i32
        %dma_start3A_638 = tpu.memref_slice %arg2[%dma_start3A_636, %dma_start3A_637] : memref<50000x16xf32, #tpu.memory_space<hbm>> -> memref<50000x16xf32, #tpu.memory_space<hbm>>
        tpu.enqueue_indirect_dma source(%dma_start3A_638 : memref<50000x16xf32, #tpu.memory_space<hbm>>) target(%dma_start3A_632 : memref<125x16xf32, #tpu.memory_space<vmem>>) offsets(%dma_start3A_635 : memref<125xi32, #tpu.memory_space<vmem>>) semaphore(%arg14 : memref<!tpu.dma_semaphore, #tpu.memory_space<semaphore_mem>>)
        %dma_start3A_639 = arith.constant 0 : i32
        %dma_start3A_640 = arith.constant 2 : i32
        %dma_start3A_641 = arith.constant 250 : i32
        %dma_start3A_642 = arith.constant 0 : i32
        %dma_start3A_643 = tpu.memref_slice %arg8[%dma_start3A_641, %dma_start3A_642] : memref<625x16xf32, #tpu.memory_space<vmem>> -> memref<125x16xf32, #tpu.memory_space<vmem>>
        %dma_start3A_644 = arith.constant 0 : i32
        %dma_start3A_645 = tpu.memref_slice %arg6[%dma_start3A_639, %dma_start3A_640, %dma_start3A_644] : memref<2x5x125xi32, #tpu.memory_space<vmem>> -> memref<1x1x125xi32, #tpu.memory_space<vmem>>
        %dma_start3A_646 = tpu.memref_squeeze %dma_start3A_645 : memref<1x1x125xi32, #tpu.memory_space<vmem>> -> memref<125xi32, #tpu.memory_space<vmem>>
        %dma_start3A_647 = arith.constant 0 : i32
        %dma_start3A_648 = arith.constant 0 : i32
        %dma_start3A_649 = tpu.memref_slice %arg2[%dma_start3A_647, %dma_start3A_648] : memref<50000x16xf32, #tpu.memory_space<hbm>> -> memref<50000x16xf32, #tpu.memory_space<hbm>>
        tpu.enqueue_indirect_dma source(%dma_start3A_649 : memref<50000x16xf32, #tpu.memory_space<hbm>>) target(%dma_start3A_643 : memref<125x16xf32, #tpu.memory_space<vmem>>) offsets(%dma_start3A_646 : memref<125xi32, #tpu.memory_space<vmem>>) semaphore(%arg14 : memref<!tpu.dma_semaphore, #tpu.memory_space<semaphore_mem>>)
        %dma_start3A_650 = arith.constant 1 : i32
        %dma_start3A_651 = arith.constant 2 : i32
        %dma_start3A_652 = arith.constant 250 : i32
        %dma_start3A_653 = arith.constant 0 : i32
        %dma_start3A_654 = tpu.memref_slice %arg9[%dma_start3A_652, %dma_start3A_653] : memref<625x16xf32, #tpu.memory_space<vmem>> -> memref<125x16xf32, #tpu.memory_space<vmem>>
        %dma_start3A_655 = arith.constant 0 : i32
        %dma_start3A_656 = tpu.memref_slice %arg6[%dma_start3A_650, %dma_start3A_651, %dma_start3A_655] : memref<2x5x125xi32, #tpu.memory_space<vmem>> -> memref<1x1x125xi32, #tpu.memory_space<vmem>>
        %dma_start3A_657 = tpu.memref_squeeze %dma_start3A_656 : memref<1x1x125xi32, #tpu.memory_space<vmem>> -> memref<125xi32, #tpu.memory_space<vmem>>
        %dma_start3A_658 = arith.constant 0 : i32
        %dma_start3A_659 = arith.constant 0 : i32
        %dma_start3A_660 = tpu.memref_slice %arg2[%dma_start3A_658, %dma_start3A_659] : memref<50000x16xf32, #tpu.memory_space<hbm>> -> memref<50000x16xf32, #tpu.memory_space<hbm>>
        tpu.enqueue_indirect_dma source(%dma_start3A_660 : memref<50000x16xf32, #tpu.memory_space<hbm>>) target(%dma_start3A_654 : memref<125x16xf32, #tpu.memory_space<vmem>>) offsets(%dma_start3A_657 : memref<125xi32, #tpu.memory_space<vmem>>) semaphore(%arg14 : memref<!tpu.dma_semaphore, #tpu.memory_space<semaphore_mem>>)
        %dma_start3A_661 = arith.constant 0 : i32
        %dma_start3A_662 = arith.constant 3 : i32
        %dma_start3A_663 = arith.constant 375 : i32
        %dma_start3A_664 = arith.constant 0 : i32
        %dma_start3A_665 = tpu.memref_slice %arg8[%dma_start3A_663, %dma_start3A_664] : memref<625x16xf32, #tpu.memory_space<vmem>> -> memref<125x16xf32, #tpu.memory_space<vmem>>
        %dma_start3A_666 = arith.constant 0 : i32
        %dma_start3A_667 = tpu.memref_slice %arg6[%dma_start3A_661, %dma_start3A_662, %dma_start3A_666] : memref<2x5x125xi32, #tpu.memory_space<vmem>> -> memref<1x1x125xi32, #tpu.memory_space<vmem>>
        %dma_start3A_668 = tpu.memref_squeeze %dma_start3A_667 : memref<1x1x125xi32, #tpu.memory_space<vmem>> -> memref<125xi32, #tpu.memory_space<vmem>>
        %dma_start3A_669 = arith.constant 0 : i32
        %dma_start3A_670 = arith.constant 0 : i32
        %dma_start3A_671 = tpu.memref_slice %arg2[%dma_start3A_669, %dma_start3A_670] : memref<50000x16xf32, #tpu.memory_space<hbm>> -> memref<50000x16xf32, #tpu.memory_space<hbm>>
        tpu.enqueue_indirect_dma source(%dma_start3A_671 : memref<50000x16xf32, #tpu.memory_space<hbm>>) target(%dma_start3A_665 : memref<125x16xf32, #tpu.memory_space<vmem>>) offsets(%dma_start3A_668 : memref<125xi32, #tpu.memory_space<vmem>>) semaphore(%arg14 : memref<!tpu.dma_semaphore, #tpu.memory_space<semaphore_mem>>)
        %dma_start3A_672 = arith.constant 1 : i32
        %dma_start3A_673 = arith.constant 3 : i32
        %dma_start3A_674 = arith.constant 375 : i32
        %dma_start3A_675 = arith.constant 0 : i32
        %dma_start3A_676 = tpu.memref_slice %arg9[%dma_start3A_674, %dma_start3A_675] : memref<625x16xf32, #tpu.memory_space<vmem>> -> memref<125x16xf32, #tpu.memory_space<vmem>>
        %dma_start3A_677 = arith.constant 0 : i32
        %dma_start3A_678 = tpu.memref_slice %arg6[%dma_start3A_672, %dma_start3A_673, %dma_start3A_677] : memref<2x5x125xi32, #tpu.memory_space<vmem>> -> memref<1x1x125xi32, #tpu.memory_space<vmem>>
        %dma_start3A_679 = tpu.memref_squeeze %dma_start3A_678 : memref<1x1x125xi32, #tpu.memory_space<vmem>> -> memref<125xi32, #tpu.memory_space<vmem>>
        %dma_start3A_680 = arith.constant 0 : i32
        %dma_start3A_681 = arith.constant 0 : i32
        %dma_start3A_682 = tpu.memref_slice %arg2[%dma_start3A_680, %dma_start3A_681] : memref<50000x16xf32, #tpu.memory_space<hbm>> -> memref<50000x16xf32, #tpu.memory_space<hbm>>
        tpu.enqueue_indirect_dma source(%dma_start3A_682 : memref<50000x16xf32, #tpu.memory_space<hbm>>) target(%dma_start3A_676 : memref<125x16xf32, #tpu.memory_space<vmem>>) offsets(%dma_start3A_679 : memref<125xi32, #tpu.memory_space<vmem>>) semaphore(%arg14 : memref<!tpu.dma_semaphore, #tpu.memory_space<semaphore_mem>>)
        %dma_start3A_683 = arith.constant 0 : i32
        %dma_start3A_684 = arith.constant 4 : i32
        %dma_start3A_685 = arith.constant 500 : i32
        %dma_start3A_686 = arith.constant 0 : i32
        %dma_start3A_687 = tpu.memref_slice %arg8[%dma_start3A_685, %dma_start3A_686] : memref<625x16xf32, #tpu.memory_space<vmem>> -> memref<125x16xf32, #tpu.memory_space<vmem>>
        %dma_start3A_688 = arith.constant 0 : i32
        %dma_start3A_689 = tpu.memref_slice %arg6[%dma_start3A_683, %dma_start3A_684, %dma_start3A_688] : memref<2x5x125xi32, #tpu.memory_space<vmem>> -> memref<1x1x125xi32, #tpu.memory_space<vmem>>
        %dma_start3A_690 = tpu.memref_squeeze %dma_start3A_689 : memref<1x1x125xi32, #tpu.memory_space<vmem>> -> memref<125xi32, #tpu.memory_space<vmem>>
        %dma_start3A_691 = arith.constant 0 : i32
        %dma_start3A_692 = arith.constant 0 : i32
        %dma_start3A_693 = tpu.memref_slice %arg2[%dma_start3A_691, %dma_start3A_692] : memref<50000x16xf32, #tpu.memory_space<hbm>> -> memref<50000x16xf32, #tpu.memory_space<hbm>>
        tpu.enqueue_indirect_dma source(%dma_start3A_693 : memref<50000x16xf32, #tpu.memory_space<hbm>>) target(%dma_start3A_687 : memref<125x16xf32, #tpu.memory_space<vmem>>) offsets(%dma_start3A_690 : memref<125xi32, #tpu.memory_space<vmem>>) semaphore(%arg14 : memref<!tpu.dma_semaphore, #tpu.memory_space<semaphore_mem>>)
        %dma_start3A_694 = arith.constant 1 : i32
        %dma_start3A_695 = arith.constant 4 : i32
        %dma_start3A_696 = arith.constant 500 : i32
        %dma_start3A_697 = arith.constant 0 : i32
        %dma_start3A_698 = tpu.memref_slice %arg9[%dma_start3A_696, %dma_start3A_697] : memref<625x16xf32, #tpu.memory_space<vmem>> -> memref<125x16xf32, #tpu.memory_space<vmem>>
        %dma_start3A_699 = arith.constant 0 : i32
        %dma_start3A_700 = tpu.memref_slice %arg6[%dma_start3A_694, %dma_start3A_695, %dma_start3A_699] : memref<2x5x125xi32, #tpu.memory_space<vmem>> -> memref<1x1x125xi32, #tpu.memory_space<vmem>>
        %dma_start3A_701 = tpu.memref_squeeze %dma_start3A_700 : memref<1x1x125xi32, #tpu.memory_space<vmem>> -> memref<125xi32, #tpu.memory_space<vmem>>
        %dma_start3A_702 = arith.constant 0 : i32
        %dma_start3A_703 = arith.constant 0 : i32
        %dma_start3A_704 = tpu.memref_slice %arg2[%dma_start3A_702, %dma_start3A_703] : memref<50000x16xf32, #tpu.memory_space<hbm>> -> memref<50000x16xf32, #tpu.memory_space<hbm>>
        tpu.enqueue_indirect_dma source(%dma_start3A_704 : memref<50000x16xf32, #tpu.memory_space<hbm>>) target(%dma_start3A_698 : memref<125x16xf32, #tpu.memory_space<vmem>>) offsets(%dma_start3A_701 : memref<125xi32, #tpu.memory_space<vmem>>) semaphore(%arg14 : memref<!tpu.dma_semaphore, #tpu.memory_space<semaphore_mem>>)
      } else {
      }
      %dma_wait3A_475 = arith.constant 0 : i32
      %dma_wait3A_476 = arith.constant 0 : i32
      %dma_wait3A_477 = arith.constant 0 : i32
      %dma_wait3A_478 = arith.constant 0 : i32
      %dma_wait3A_479 = tpu.memref_slice %arg10[%dma_wait3A_477, %dma_wait3A_478] : memref<625x16xf32, #tpu.memory_space<vmem>> -> memref<125x16xf32, #tpu.memory_space<vmem>>
      %dma_wait3A_480 = arith.constant 0 : i32
      %dma_wait3A_481 = tpu.memref_slice %arg7[%dma_wait3A_475, %dma_wait3A_476, %dma_wait3A_480] : memref<2x5x125xi32, #tpu.memory_space<vmem>> -> memref<1x1x125xi32, #tpu.memory_space<vmem>>
      %dma_wait3A_482 = tpu.memref_squeeze %dma_wait3A_481 : memref<1x1x125xi32, #tpu.memory_space<vmem>> -> memref<125xi32, #tpu.memory_space<vmem>>
      %dma_wait3A_483 = arith.constant 0 : i32
      %dma_wait3A_484 = arith.constant 0 : i32
      %dma_wait3A_485 = tpu.memref_slice %arg2[%dma_wait3A_483, %dma_wait3A_484] : memref<50000x16xf32, #tpu.memory_space<hbm>> -> memref<50000x16xf32, #tpu.memory_space<hbm>>
      tpu.wait_indirect_dma semaphore(%arg15 : memref<!tpu.dma_semaphore, #tpu.memory_space<semaphore_mem>>) src(%dma_wait3A_485 : memref<50000x16xf32, #tpu.memory_space<hbm>>) dst(%dma_wait3A_479 : memref<125x16xf32, #tpu.memory_space<vmem>>)
      %dma_wait3A_486 = arith.constant 1 : i32
      %dma_wait3A_487 = arith.constant 0 : i32
      %dma_wait3A_488 = arith.constant 0 : i32
      %dma_wait3A_489 = arith.constant 0 : i32
      %dma_wait3A_490 = tpu.memref_slice %arg11[%dma_wait3A_488, %dma_wait3A_489] : memref<625x16xf32, #tpu.memory_space<vmem>> -> memref<125x16xf32, #tpu.memory_space<vmem>>
      %dma_wait3A_491 = arith.constant 0 : i32
      %dma_wait3A_492 = tpu.memref_slice %arg7[%dma_wait3A_486, %dma_wait3A_487, %dma_wait3A_491] : memref<2x5x125xi32, #tpu.memory_space<vmem>> -> memref<1x1x125xi32, #tpu.memory_space<vmem>>
      %dma_wait3A_493 = tpu.memref_squeeze %dma_wait3A_492 : memref<1x1x125xi32, #tpu.memory_space<vmem>> -> memref<125xi32, #tpu.memory_space<vmem>>
      %dma_wait3A_494 = arith.constant 0 : i32
      %dma_wait3A_495 = arith.constant 0 : i32
      %dma_wait3A_496 = tpu.memref_slice %arg2[%dma_wait3A_494, %dma_wait3A_495] : memref<50000x16xf32, #tpu.memory_space<hbm>> -> memref<50000x16xf32, #tpu.memory_space<hbm>>
      tpu.wait_indirect_dma semaphore(%arg15 : memref<!tpu.dma_semaphore, #tpu.memory_space<semaphore_mem>>) src(%dma_wait3A_496 : memref<50000x16xf32, #tpu.memory_space<hbm>>) dst(%dma_wait3A_490 : memref<125x16xf32, #tpu.memory_space<vmem>>)
      %dma_wait3A_497 = arith.constant 0 : i32
      %dma_wait3A_498 = arith.constant 1 : i32
      %dma_wait3A_499 = arith.constant 125 : i32
      %dma_wait3A_500 = arith.constant 0 : i32
      %dma_wait3A_501 = tpu.memref_slice %arg10[%dma_wait3A_499, %dma_wait3A_500] : memref<625x16xf32, #tpu.memory_space<vmem>> -> memref<125x16xf32, #tpu.memory_space<vmem>>
      %dma_wait3A_502 = arith.constant 0 : i32
      %dma_wait3A_503 = tpu.memref_slice %arg7[%dma_wait3A_497, %dma_wait3A_498, %dma_wait3A_502] : memref<2x5x125xi32, #tpu.memory_space<vmem>> -> memref<1x1x125xi32, #tpu.memory_space<vmem>>
      %dma_wait3A_504 = tpu.memref_squeeze %dma_wait3A_503 : memref<1x1x125xi32, #tpu.memory_space<vmem>> -> memref<125xi32, #tpu.memory_space<vmem>>
      %dma_wait3A_505 = arith.constant 0 : i32
      %dma_wait3A_506 = arith.constant 0 : i32
      %dma_wait3A_507 = tpu.memref_slice %arg2[%dma_wait3A_505, %dma_wait3A_506] : memref<50000x16xf32, #tpu.memory_space<hbm>> -> memref<50000x16xf32, #tpu.memory_space<hbm>>
      tpu.wait_indirect_dma semaphore(%arg15 : memref<!tpu.dma_semaphore, #tpu.memory_space<semaphore_mem>>) src(%dma_wait3A_507 : memref<50000x16xf32, #tpu.memory_space<hbm>>) dst(%dma_wait3A_501 : memref<125x16xf32, #tpu.memory_space<vmem>>)
      %dma_wait3A_508 = arith.constant 1 : i32
      %dma_wait3A_509 = arith.constant 1 : i32
      %dma_wait3A_510 = arith.constant 125 : i32
      %dma_wait3A_511 = arith.constant 0 : i32
      %dma_wait3A_512 = tpu.memref_slice %arg11[%dma_wait3A_510, %dma_wait3A_511] : memref<625x16xf32, #tpu.memory_space<vmem>> -> memref<125x16xf32, #tpu.memory_space<vmem>>
      %dma_wait3A_513 = arith.constant 0 : i32
      %dma_wait3A_514 = tpu.memref_slice %arg7[%dma_wait3A_508, %dma_wait3A_509, %dma_wait3A_513] : memref<2x5x125xi32, #tpu.memory_space<vmem>> -> memref<1x1x125xi32, #tpu.memory_space<vmem>>
      %dma_wait3A_515 = tpu.memref_squeeze %dma_wait3A_514 : memref<1x1x125xi32, #tpu.memory_space<vmem>> -> memref<125xi32, #tpu.memory_space<vmem>>
      %dma_wait3A_516 = arith.constant 0 : i32
      %dma_wait3A_517 = arith.constant 0 : i32
      %dma_wait3A_518 = tpu.memref_slice %arg2[%dma_wait3A_516, %dma_wait3A_517] : memref<50000x16xf32, #tpu.memory_space<hbm>> -> memref<50000x16xf32, #tpu.memory_space<hbm>>
      tpu.wait_indirect_dma semaphore(%arg15 : memref<!tpu.dma_semaphore, #tpu.memory_space<semaphore_mem>>) src(%dma_wait3A_518 : memref<50000x16xf32, #tpu.memory_space<hbm>>) dst(%dma_wait3A_512 : memref<125x16xf32, #tpu.memory_space<vmem>>)
      %dma_wait3A_519 = arith.constant 0 : i32
      %dma_wait3A_520 = arith.constant 2 : i32
      %dma_wait3A_521 = arith.constant 250 : i32
      %dma_wait3A_522 = arith.constant 0 : i32
      %dma_wait3A_523 = tpu.memref_slice %arg10[%dma_wait3A_521, %dma_wait3A_522] : memref<625x16xf32, #tpu.memory_space<vmem>> -> memref<125x16xf32, #tpu.memory_space<vmem>>
      %dma_wait3A_524 = arith.constant 0 : i32
      %dma_wait3A_525 = tpu.memref_slice %arg7[%dma_wait3A_519, %dma_wait3A_520, %dma_wait3A_524] : memref<2x5x125xi32, #tpu.memory_space<vmem>> -> memref<1x1x125xi32, #tpu.memory_space<vmem>>
      %dma_wait3A_526 = tpu.memref_squeeze %dma_wait3A_525 : memref<1x1x125xi32, #tpu.memory_space<vmem>> -> memref<125xi32, #tpu.memory_space<vmem>>
      %dma_wait3A_527 = arith.constant 0 : i32
      %dma_wait3A_528 = arith.constant 0 : i32
      %dma_wait3A_529 = tpu.memref_slice %arg2[%dma_wait3A_527, %dma_wait3A_528] : memref<50000x16xf32, #tpu.memory_space<hbm>> -> memref<50000x16xf32, #tpu.memory_space<hbm>>
      tpu.wait_indirect_dma semaphore(%arg15 : memref<!tpu.dma_semaphore, #tpu.memory_space<semaphore_mem>>) src(%dma_wait3A_529 : memref<50000x16xf32, #tpu.memory_space<hbm>>) dst(%dma_wait3A_523 : memref<125x16xf32, #tpu.memory_space<vmem>>)
      %dma_wait3A_530 = arith.constant 1 : i32
      %dma_wait3A_531 = arith.constant 2 : i32
      %dma_wait3A_532 = arith.constant 250 : i32
      %dma_wait3A_533 = arith.constant 0 : i32
      %dma_wait3A_534 = tpu.memref_slice %arg11[%dma_wait3A_532, %dma_wait3A_533] : memref<625x16xf32, #tpu.memory_space<vmem>> -> memref<125x16xf32, #tpu.memory_space<vmem>>
      %dma_wait3A_535 = arith.constant 0 : i32
      %dma_wait3A_536 = tpu.memref_slice %arg7[%dma_wait3A_530, %dma_wait3A_531, %dma_wait3A_535] : memref<2x5x125xi32, #tpu.memory_space<vmem>> -> memref<1x1x125xi32, #tpu.memory_space<vmem>>
      %dma_wait3A_537 = tpu.memref_squeeze %dma_wait3A_536 : memref<1x1x125xi32, #tpu.memory_space<vmem>> -> memref<125xi32, #tpu.memory_space<vmem>>
      %dma_wait3A_538 = arith.constant 0 : i32
      %dma_wait3A_539 = arith.constant 0 : i32
      %dma_wait3A_540 = tpu.memref_slice %arg2[%dma_wait3A_538, %dma_wait3A_539] : memref<50000x16xf32, #tpu.memory_space<hbm>> -> memref<50000x16xf32, #tpu.memory_space<hbm>>
      tpu.wait_indirect_dma semaphore(%arg15 : memref<!tpu.dma_semaphore, #tpu.memory_space<semaphore_mem>>) src(%dma_wait3A_540 : memref<50000x16xf32, #tpu.memory_space<hbm>>) dst(%dma_wait3A_534 : memref<125x16xf32, #tpu.memory_space<vmem>>)
      %dma_wait3A_541 = arith.constant 0 : i32
      %dma_wait3A_542 = arith.constant 3 : i32
      %dma_wait3A_543 = arith.constant 375 : i32
      %dma_wait3A_544 = arith.constant 0 : i32
      %dma_wait3A_545 = tpu.memref_slice %arg10[%dma_wait3A_543, %dma_wait3A_544] : memref<625x16xf32, #tpu.memory_space<vmem>> -> memref<125x16xf32, #tpu.memory_space<vmem>>
      %dma_wait3A_546 = arith.constant 0 : i32
      %dma_wait3A_547 = tpu.memref_slice %arg7[%dma_wait3A_541, %dma_wait3A_542, %dma_wait3A_546] : memref<2x5x125xi32, #tpu.memory_space<vmem>> -> memref<1x1x125xi32, #tpu.memory_space<vmem>>
      %dma_wait3A_548 = tpu.memref_squeeze %dma_wait3A_547 : memref<1x1x125xi32, #tpu.memory_space<vmem>> -> memref<125xi32, #tpu.memory_space<vmem>>
      %dma_wait3A_549 = arith.constant 0 : i32
      %dma_wait3A_550 = arith.constant 0 : i32
      %dma_wait3A_551 = tpu.memref_slice %arg2[%dma_wait3A_549, %dma_wait3A_550] : memref<50000x16xf32, #tpu.memory_space<hbm>> -> memref<50000x16xf32, #tpu.memory_space<hbm>>
      tpu.wait_indirect_dma semaphore(%arg15 : memref<!tpu.dma_semaphore, #tpu.memory_space<semaphore_mem>>) src(%dma_wait3A_551 : memref<50000x16xf32, #tpu.memory_space<hbm>>) dst(%dma_wait3A_545 : memref<125x16xf32, #tpu.memory_space<vmem>>)
      %dma_wait3A_552 = arith.constant 1 : i32
      %dma_wait3A_553 = arith.constant 3 : i32
      %dma_wait3A_554 = arith.constant 375 : i32
      %dma_wait3A_555 = arith.constant 0 : i32
      %dma_wait3A_556 = tpu.memref_slice %arg11[%dma_wait3A_554, %dma_wait3A_555] : memref<625x16xf32, #tpu.memory_space<vmem>> -> memref<125x16xf32, #tpu.memory_space<vmem>>
      %dma_wait3A_557 = arith.constant 0 : i32
      %dma_wait3A_558 = tpu.memref_slice %arg7[%dma_wait3A_552, %dma_wait3A_553, %dma_wait3A_557] : memref<2x5x125xi32, #tpu.memory_space<vmem>> -> memref<1x1x125xi32, #tpu.memory_space<vmem>>
      %dma_wait3A_559 = tpu.memref_squeeze %dma_wait3A_558 : memref<1x1x125xi32, #tpu.memory_space<vmem>> -> memref<125xi32, #tpu.memory_space<vmem>>
      %dma_wait3A_560 = arith.constant 0 : i32
      %dma_wait3A_561 = arith.constant 0 : i32
      %dma_wait3A_562 = tpu.memref_slice %arg2[%dma_wait3A_560, %dma_wait3A_561] : memref<50000x16xf32, #tpu.memory_space<hbm>> -> memref<50000x16xf32, #tpu.memory_space<hbm>>
      tpu.wait_indirect_dma semaphore(%arg15 : memref<!tpu.dma_semaphore, #tpu.memory_space<semaphore_mem>>) src(%dma_wait3A_562 : memref<50000x16xf32, #tpu.memory_space<hbm>>) dst(%dma_wait3A_556 : memref<125x16xf32, #tpu.memory_space<vmem>>)
      %dma_wait3A_563 = arith.constant 0 : i32
      %dma_wait3A_564 = arith.constant 4 : i32
      %dma_wait3A_565 = arith.constant 500 : i32
      %dma_wait3A_566 = arith.constant 0 : i32
      %dma_wait3A_567 = tpu.memref_slice %arg10[%dma_wait3A_565, %dma_wait3A_566] : memref<625x16xf32, #tpu.memory_space<vmem>> -> memref<125x16xf32, #tpu.memory_space<vmem>>
      %dma_wait3A_568 = arith.constant 0 : i32
      %dma_wait3A_569 = tpu.memref_slice %arg7[%dma_wait3A_563, %dma_wait3A_564, %dma_wait3A_568] : memref<2x5x125xi32, #tpu.memory_space<vmem>> -> memref<1x1x125xi32, #tpu.memory_space<vmem>>
      %dma_wait3A_570 = tpu.memref_squeeze %dma_wait3A_569 : memref<1x1x125xi32, #tpu.memory_space<vmem>> -> memref<125xi32, #tpu.memory_space<vmem>>
      %dma_wait3A_571 = arith.constant 0 : i32
      %dma_wait3A_572 = arith.constant 0 : i32
      %dma_wait3A_573 = tpu.memref_slice %arg2[%dma_wait3A_571, %dma_wait3A_572] : memref<50000x16xf32, #tpu.memory_space<hbm>> -> memref<50000x16xf32, #tpu.memory_space<hbm>>
      tpu.wait_indirect_dma semaphore(%arg15 : memref<!tpu.dma_semaphore, #tpu.memory_space<semaphore_mem>>) src(%dma_wait3A_573 : memref<50000x16xf32, #tpu.memory_space<hbm>>) dst(%dma_wait3A_567 : memref<125x16xf32, #tpu.memory_space<vmem>>)
      %dma_wait3A_574 = arith.constant 1 : i32
      %dma_wait3A_575 = arith.constant 4 : i32
      %dma_wait3A_576 = arith.constant 500 : i32
      %dma_wait3A_577 = arith.constant 0 : i32
      %dma_wait3A_578 = tpu.memref_slice %arg11[%dma_wait3A_576, %dma_wait3A_577] : memref<625x16xf32, #tpu.memory_space<vmem>> -> memref<125x16xf32, #tpu.memory_space<vmem>>
      %dma_wait3A_579 = arith.constant 0 : i32
      %dma_wait3A_580 = tpu.memref_slice %arg7[%dma_wait3A_574, %dma_wait3A_575, %dma_wait3A_579] : memref<2x5x125xi32, #tpu.memory_space<vmem>> -> memref<1x1x125xi32, #tpu.memory_space<vmem>>
      %dma_wait3A_581 = tpu.memref_squeeze %dma_wait3A_580 : memref<1x1x125xi32, #tpu.memory_space<vmem>> -> memref<125xi32, #tpu.memory_space<vmem>>
      %dma_wait3A_582 = arith.constant 0 : i32
      %dma_wait3A_583 = arith.constant 0 : i32
      %dma_wait3A_584 = tpu.memref_slice %arg2[%dma_wait3A_582, %dma_wait3A_583] : memref<50000x16xf32, #tpu.memory_space<hbm>> -> memref<50000x16xf32, #tpu.memory_space<hbm>>
      tpu.wait_indirect_dma semaphore(%arg15 : memref<!tpu.dma_semaphore, #tpu.memory_space<semaphore_mem>>) src(%dma_wait3A_584 : memref<50000x16xf32, #tpu.memory_space<hbm>>) dst(%dma_wait3A_578 : memref<125x16xf32, #tpu.memory_space<vmem>>)
      %scan3A_585 = arith.constant 0 : i32
      %scan3A_586 = arith.constant 40 : i32
      %scan3A_587 = arith.addi %scan3A_585, %scan3A_586 : i32
      %scan3A_588 = arith.constant 1 : i32
      %scan3A_589 = scf.for %scan3A_591 = %scan3A_585 to %scan3A_587 step %scan3A_588 iter_args(%scan3A_592 = %scan3A_471) -> (vector<16xf32>)  : i32 {
        %mul3A_593 = arith.constant 16 : i32
        %mul3A_594 = arith.muli %scan3A_591, %mul3A_593 : i32
        %iota3A = tpu.iota {dimensions = array<i32: 0>} : vector<16xi32>
        %add3A_595 = vector.broadcast %mul3A_594 : i32 to vector<16xi32>
        %add3A_596 = arith.addi %add3A_595, %iota3A : vector<16xi32>
        %lt3A_597 = arith.constant 625 : i32
        %lt3A_598 = vector.broadcast %lt3A_597 : i32 to vector<16xi32>
        %lt3A_599 = arith.cmpi slt, %add3A_596, %lt3A_598 : vector<16xi32>
        %min3A = arith.constant 624 : i32
        %min3A_600 = vector.broadcast %min3A : i32 to vector<16xi32>
        %min3A_601 = arith.minsi %add3A_596, %min3A_600 : vector<16xi32>
        %broadcast_in_dim3A_602 = arith.constant 0 : i32
        %broadcast_in_dim3A_603 = vector.broadcast %broadcast_in_dim3A_602 : i32 to vector<16xi32>
        %gather3A = tpu.vector_load_idx %arg10[%min3A_601, %broadcast_in_dim3A_603] : memref<625x16xf32, #tpu.memory_space<vmem>>[vector<16xi32>, vector<16xi32>], vector<16xf32>,
        %broadcast_in_dim3A_604 = arith.constant 1 : i32
        %broadcast_in_dim3A_605 = vector.broadcast %broadcast_in_dim3A_604 : i32 to vector<16xi32>
        %gather3A_606 = tpu.vector_load_idx %arg10[%min3A_601, %broadcast_in_dim3A_605] : memref<625x16xf32, #tpu.memory_space<vmem>>[vector<16xi32>, vector<16xi32>], vector<16xf32>,
        %broadcast_in_dim3A_607 = arith.constant 2 : i32
        %broadcast_in_dim3A_608 = vector.broadcast %broadcast_in_dim3A_607 : i32 to vector<16xi32>
        %gather3A_609 = tpu.vector_load_idx %arg10[%min3A_601, %broadcast_in_dim3A_608] : memref<625x16xf32, #tpu.memory_space<vmem>>[vector<16xi32>, vector<16xi32>], vector<16xf32>,
        %broadcast_in_dim3A_610 = arith.constant 0 : i32
        %broadcast_in_dim3A_611 = vector.broadcast %broadcast_in_dim3A_610 : i32 to vector<16xi32>
        %gather3A_612 = tpu.vector_load_idx %arg11[%min3A_601, %broadcast_in_dim3A_611] : memref<625x16xf32, #tpu.memory_space<vmem>>[vector<16xi32>, vector<16xi32>], vector<16xf32>,
        %broadcast_in_dim3A_613 = arith.constant 1 : i32
        %broadcast_in_dim3A_614 = vector.broadcast %broadcast_in_dim3A_613 : i32 to vector<16xi32>
        %gather3A_615 = tpu.vector_load_idx %arg11[%min3A_601, %broadcast_in_dim3A_614] : memref<625x16xf32, #tpu.memory_space<vmem>>[vector<16xi32>, vector<16xi32>], vector<16xf32>,
        %broadcast_in_dim3A_616 = arith.constant 2 : i32
        %broadcast_in_dim3A_617 = vector.broadcast %broadcast_in_dim3A_616 : i32 to vector<16xi32>
        %gather3A_618 = tpu.vector_load_idx %arg11[%min3A_601, %broadcast_in_dim3A_617] : memref<625x16xf32, #tpu.memory_space<vmem>>[vector<16xi32>, vector<16xi32>], vector<16xf32>,
        %broadcast_in_dim3A_619 = arith.constant 3 : i32
        %broadcast_in_dim3A_620 = vector.broadcast %broadcast_in_dim3A_619 : i32 to vector<16xi32>
        %gather3A_621 = tpu.vector_load_idx %arg10[%min3A_601, %broadcast_in_dim3A_620] : memref<625x16xf32, #tpu.memory_space<vmem>>[vector<16xi32>, vector<16xi32>], vector<16xf32>,
        %broadcast_in_dim3A_622 = arith.constant 4 : i32
        %broadcast_in_dim3A_623 = vector.broadcast %broadcast_in_dim3A_622 : i32 to vector<16xi32>
        %gather3A_624 = tpu.vector_load_idx %arg10[%min3A_601, %broadcast_in_dim3A_623] : memref<625x16xf32, #tpu.memory_space<vmem>>[vector<16xi32>, vector<16xi32>], vector<16xf32>,
        %broadcast_in_dim3A_625 = arith.constant 5 : i32
        %broadcast_in_dim3A_626 = vector.broadcast %broadcast_in_dim3A_625 : i32 to vector<16xi32>
        %gather3A_627 = tpu.vector_load_idx %arg10[%min3A_601, %broadcast_in_dim3A_626] : memref<625x16xf32, #tpu.memory_space<vmem>>[vector<16xi32>, vector<16xi32>], vector<16xf32>,
        %broadcast_in_dim3A_628 = arith.constant 6 : i32
        %broadcast_in_dim3A_629 = vector.broadcast %broadcast_in_dim3A_628 : i32 to vector<16xi32>
        %gather3A_630 = tpu.vector_load_idx %arg10[%min3A_601, %broadcast_in_dim3A_629] : memref<625x16xf32, #tpu.memory_space<vmem>>[vector<16xi32>, vector<16xi32>], vector<16xf32>,
        %broadcast_in_dim3A_631 = arith.constant 7 : i32
        %broadcast_in_dim3A_632 = vector.broadcast %broadcast_in_dim3A_631 : i32 to vector<16xi32>
        %gather3A_633 = tpu.vector_load_idx %arg10[%min3A_601, %broadcast_in_dim3A_632] : memref<625x16xf32, #tpu.memory_space<vmem>>[vector<16xi32>, vector<16xi32>], vector<16xf32>,
        %broadcast_in_dim3A_634 = arith.constant 8 : i32
        %broadcast_in_dim3A_635 = vector.broadcast %broadcast_in_dim3A_634 : i32 to vector<16xi32>
        %gather3A_636 = tpu.vector_load_idx %arg10[%min3A_601, %broadcast_in_dim3A_635] : memref<625x16xf32, #tpu.memory_space<vmem>>[vector<16xi32>, vector<16xi32>], vector<16xf32>,
        %broadcast_in_dim3A_637 = arith.constant 9 : i32
        %broadcast_in_dim3A_638 = vector.broadcast %broadcast_in_dim3A_637 : i32 to vector<16xi32>
        %gather3A_639 = tpu.vector_load_idx %arg10[%min3A_601, %broadcast_in_dim3A_638] : memref<625x16xf32, #tpu.memory_space<vmem>>[vector<16xi32>, vector<16xi32>], vector<16xf32>,
        %broadcast_in_dim3A_640 = arith.constant 10 : i32
        %broadcast_in_dim3A_641 = vector.broadcast %broadcast_in_dim3A_640 : i32 to vector<16xi32>
        %gather3A_642 = tpu.vector_load_idx %arg10[%min3A_601, %broadcast_in_dim3A_641] : memref<625x16xf32, #tpu.memory_space<vmem>>[vector<16xi32>, vector<16xi32>], vector<16xf32>,
        %broadcast_in_dim3A_643 = arith.constant 11 : i32
        %broadcast_in_dim3A_644 = vector.broadcast %broadcast_in_dim3A_643 : i32 to vector<16xi32>
        %gather3A_645 = tpu.vector_load_idx %arg10[%min3A_601, %broadcast_in_dim3A_644] : memref<625x16xf32, #tpu.memory_space<vmem>>[vector<16xi32>, vector<16xi32>], vector<16xf32>,
        %broadcast_in_dim3A_646 = arith.constant 12 : i32
        %broadcast_in_dim3A_647 = vector.broadcast %broadcast_in_dim3A_646 : i32 to vector<16xi32>
        %gather3A_648 = tpu.vector_load_idx %arg10[%min3A_601, %broadcast_in_dim3A_647] : memref<625x16xf32, #tpu.memory_space<vmem>>[vector<16xi32>, vector<16xi32>], vector<16xf32>,
        %broadcast_in_dim3A_649 = arith.constant 3 : i32
        %broadcast_in_dim3A_650 = vector.broadcast %broadcast_in_dim3A_649 : i32 to vector<16xi32>
        %gather3A_651 = tpu.vector_load_idx %arg11[%min3A_601, %broadcast_in_dim3A_650] : memref<625x16xf32, #tpu.memory_space<vmem>>[vector<16xi32>, vector<16xi32>], vector<16xf32>,
        %broadcast_in_dim3A_652 = arith.constant 4 : i32
        %broadcast_in_dim3A_653 = vector.broadcast %broadcast_in_dim3A_652 : i32 to vector<16xi32>
        %gather3A_654 = tpu.vector_load_idx %arg11[%min3A_601, %broadcast_in_dim3A_653] : memref<625x16xf32, #tpu.memory_space<vmem>>[vector<16xi32>, vector<16xi32>], vector<16xf32>,
        %broadcast_in_dim3A_655 = arith.constant 5 : i32
        %broadcast_in_dim3A_656 = vector.broadcast %broadcast_in_dim3A_655 : i32 to vector<16xi32>
        %gather3A_657 = tpu.vector_load_idx %arg11[%min3A_601, %broadcast_in_dim3A_656] : memref<625x16xf32, #tpu.memory_space<vmem>>[vector<16xi32>, vector<16xi32>], vector<16xf32>,
        %broadcast_in_dim3A_658 = arith.constant 6 : i32
        %broadcast_in_dim3A_659 = vector.broadcast %broadcast_in_dim3A_658 : i32 to vector<16xi32>
        %gather3A_660 = tpu.vector_load_idx %arg11[%min3A_601, %broadcast_in_dim3A_659] : memref<625x16xf32, #tpu.memory_space<vmem>>[vector<16xi32>, vector<16xi32>], vector<16xf32>,
        %broadcast_in_dim3A_661 = arith.constant 7 : i32
        %broadcast_in_dim3A_662 = vector.broadcast %broadcast_in_dim3A_661 : i32 to vector<16xi32>
        %gather3A_663 = tpu.vector_load_idx %arg11[%min3A_601, %broadcast_in_dim3A_662] : memref<625x16xf32, #tpu.memory_space<vmem>>[vector<16xi32>, vector<16xi32>], vector<16xf32>,
        %broadcast_in_dim3A_664 = arith.constant 8 : i32
        %broadcast_in_dim3A_665 = vector.broadcast %broadcast_in_dim3A_664 : i32 to vector<16xi32>
        %gather3A_666 = tpu.vector_load_idx %arg11[%min3A_601, %broadcast_in_dim3A_665] : memref<625x16xf32, #tpu.memory_space<vmem>>[vector<16xi32>, vector<16xi32>], vector<16xf32>,
        %broadcast_in_dim3A_667 = arith.constant 9 : i32
        %broadcast_in_dim3A_668 = vector.broadcast %broadcast_in_dim3A_667 : i32 to vector<16xi32>
        %gather3A_669 = tpu.vector_load_idx %arg11[%min3A_601, %broadcast_in_dim3A_668] : memref<625x16xf32, #tpu.memory_space<vmem>>[vector<16xi32>, vector<16xi32>], vector<16xf32>,
        %broadcast_in_dim3A_670 = arith.constant 10 : i32
        %broadcast_in_dim3A_671 = vector.broadcast %broadcast_in_dim3A_670 : i32 to vector<16xi32>
        %gather3A_672 = tpu.vector_load_idx %arg11[%min3A_601, %broadcast_in_dim3A_671] : memref<625x16xf32, #tpu.memory_space<vmem>>[vector<16xi32>, vector<16xi32>], vector<16xf32>,
        %broadcast_in_dim3A_673 = arith.constant 11 : i32
        %broadcast_in_dim3A_674 = vector.broadcast %broadcast_in_dim3A_673 : i32 to vector<16xi32>
        %gather3A_675 = tpu.vector_load_idx %arg11[%min3A_601, %broadcast_in_dim3A_674] : memref<625x16xf32, #tpu.memory_space<vmem>>[vector<16xi32>, vector<16xi32>], vector<16xf32>,
        %broadcast_in_dim3A_676 = arith.constant 12 : i32
        %broadcast_in_dim3A_677 = vector.broadcast %broadcast_in_dim3A_676 : i32 to vector<16xi32>
        %gather3A_678 = tpu.vector_load_idx %arg11[%min3A_601, %broadcast_in_dim3A_677] : memref<625x16xf32, #tpu.memory_space<vmem>>[vector<16xi32>, vector<16xi32>], vector<16xf32>,
        %sub3A = arith.subf %gather3A_612, %gather3A : vector<16xf32>
        %bitcast_convert_type3A_679 = tpu.bitcast %sub3A : vector<16xf32> -> vector<16xi32>
        %add3A_680 = arith.constant 32767 : i32
        %add3A_681 = vector.broadcast %add3A_680 : i32 to vector<16xi32>
        %add3A_682 = arith.addi %bitcast_convert_type3A_679, %add3A_681 : vector<16xi32>
        %shift_right_logical3A_683 = arith.constant 16 : i32
        %shift_right_logical3A_684 = vector.broadcast %shift_right_logical3A_683 : i32 to vector<16xi32>
        %shift_right_logical3A_685 = arith.shrui %bitcast_convert_type3A_679, %shift_right_logical3A_684 : vector<16xi32>
        %and3A_686 = arith.constant 1 : i32
        %and3A_687 = vector.broadcast %and3A_686 : i32 to vector<16xi32>
        %and3A_688 = arith.andi %shift_right_logical3A_685, %and3A_687 : vector<16xi32>
        %add3A_689 = arith.addi %add3A_682, %and3A_688 : vector<16xi32>
        %and3A_690 = arith.constant -65536 : i32
        %and3A_691 = vector.broadcast %and3A_690 : i32 to vector<16xi32>
        %and3A_692 = arith.andi %add3A_689, %and3A_691 : vector<16xi32>
        %bitcast_convert_type3A_693 = tpu.bitcast %and3A_692 : vector<16xi32> -> vector<16xf32>
        %mul3A_694 = arith.mulf %bitcast_convert_type3A_693, %bitcast_convert_type3A_74 : vector<16xf32>
        %gt3A = arith.constant 5.000000e-01 : f32
        %gt3A_695 = vector.broadcast %gt3A : f32 to vector<16xf32>
        %gt3A_696 = arith.cmpf ogt, %mul3A_694, %gt3A_695 : vector<16xf32>
        %jit3A = arith.constant 1.000000e+00 : f32
        %jit3A_697 = arith.constant 0.000000e+00 : f32
        %broadcast_in_dim3A_698 = vector.broadcast %jit3A : f32 to vector<16xf32>
        %broadcast_in_dim3A_699 = vector.broadcast %jit3A_697 : f32 to vector<16xf32>
        %select_n3A = arith.select %gt3A_696, %broadcast_in_dim3A_698, %broadcast_in_dim3A_699 : vector<16xi1>, vector<16xf32>
        %lt3A_700 = arith.constant -5.000000e-01 : f32
        %lt3A_701 = vector.broadcast %lt3A_700 : f32 to vector<16xf32>
        %lt3A_702 = arith.cmpf olt, %mul3A_694, %lt3A_701 : vector<16xf32>
        %jit3A_703 = arith.constant 1.000000e+00 : f32
        %jit3A_704 = arith.constant 0.000000e+00 : f32
        %broadcast_in_dim3A_705 = vector.broadcast %jit3A_703 : f32 to vector<16xf32>
        %broadcast_in_dim3A_706 = vector.broadcast %jit3A_704 : f32 to vector<16xf32>
        %select_n3A_707 = arith.select %lt3A_702, %broadcast_in_dim3A_705, %broadcast_in_dim3A_706 : vector<16xi1>, vector<16xf32>
        %sub3A_708 = arith.subf %select_n3A, %select_n3A_707 : vector<16xf32>
        %sub3A_709 = arith.subf %mul3A_694, %sub3A_708 : vector<16xf32>
        %bitcast_convert_type3A_710 = tpu.bitcast %sub3A_709 : vector<16xf32> -> vector<16xi32>
        %add3A_711 = arith.constant 32767 : i32
        %add3A_712 = vector.broadcast %add3A_711 : i32 to vector<16xi32>
        %add3A_713 = arith.addi %bitcast_convert_type3A_710, %add3A_712 : vector<16xi32>
        %shift_right_logical3A_714 = arith.constant 16 : i32
        %shift_right_logical3A_715 = vector.broadcast %shift_right_logical3A_714 : i32 to vector<16xi32>
        %shift_right_logical3A_716 = arith.shrui %bitcast_convert_type3A_710, %shift_right_logical3A_715 : vector<16xi32>
        %and3A_717 = arith.constant 1 : i32
        %and3A_718 = vector.broadcast %and3A_717 : i32 to vector<16xi32>
        %and3A_719 = arith.andi %shift_right_logical3A_716, %and3A_718 : vector<16xi32>
        %add3A_720 = arith.addi %add3A_713, %and3A_719 : vector<16xi32>
        %and3A_721 = arith.constant -65536 : i32
        %and3A_722 = vector.broadcast %and3A_721 : i32 to vector<16xi32>
        %and3A_723 = arith.andi %add3A_720, %and3A_722 : vector<16xi32>
        %bitcast_convert_type3A_724 = tpu.bitcast %and3A_723 : vector<16xi32> -> vector<16xf32>
        %mul3A_725 = arith.mulf %bitcast_convert_type3A_724, %bitcast_convert_type3A_15 : vector<16xf32>
        %sub3A_726 = arith.subf %gather3A_615, %gather3A_606 : vector<16xf32>
        %bitcast_convert_type3A_727 = tpu.bitcast %sub3A_726 : vector<16xf32> -> vector<16xi32>
        %add3A_728 = arith.constant 32767 : i32
        %add3A_729 = vector.broadcast %add3A_728 : i32 to vector<16xi32>
        %add3A_730 = arith.addi %bitcast_convert_type3A_727, %add3A_729 : vector<16xi32>
        %shift_right_logical3A_731 = arith.constant 16 : i32
        %shift_right_logical3A_732 = vector.broadcast %shift_right_logical3A_731 : i32 to vector<16xi32>
        %shift_right_logical3A_733 = arith.shrui %bitcast_convert_type3A_727, %shift_right_logical3A_732 : vector<16xi32>
        %and3A_734 = arith.constant 1 : i32
        %and3A_735 = vector.broadcast %and3A_734 : i32 to vector<16xi32>
        %and3A_736 = arith.andi %shift_right_logical3A_733, %and3A_735 : vector<16xi32>
        %add3A_737 = arith.addi %add3A_730, %and3A_736 : vector<16xi32>
        %and3A_738 = arith.constant -65536 : i32
        %and3A_739 = vector.broadcast %and3A_738 : i32 to vector<16xi32>
        %and3A_740 = arith.andi %add3A_737, %and3A_739 : vector<16xi32>
        %bitcast_convert_type3A_741 = tpu.bitcast %and3A_740 : vector<16xi32> -> vector<16xf32>
        %mul3A_742 = arith.mulf %bitcast_convert_type3A_741, %bitcast_convert_type3A_96 : vector<16xf32>
        %gt3A_743 = arith.constant 5.000000e-01 : f32
        %gt3A_744 = vector.broadcast %gt3A_743 : f32 to vector<16xf32>
        %gt3A_745 = arith.cmpf ogt, %mul3A_742, %gt3A_744 : vector<16xf32>
        %jit3A_746 = arith.constant 1.000000e+00 : f32
        %jit3A_747 = arith.constant 0.000000e+00 : f32
        %broadcast_in_dim3A_748 = vector.broadcast %jit3A_746 : f32 to vector<16xf32>
        %broadcast_in_dim3A_749 = vector.broadcast %jit3A_747 : f32 to vector<16xf32>
        %select_n3A_750 = arith.select %gt3A_745, %broadcast_in_dim3A_748, %broadcast_in_dim3A_749 : vector<16xi1>, vector<16xf32>
        %lt3A_751 = arith.constant -5.000000e-01 : f32
        %lt3A_752 = vector.broadcast %lt3A_751 : f32 to vector<16xf32>
        %lt3A_753 = arith.cmpf olt, %mul3A_742, %lt3A_752 : vector<16xf32>
        %jit3A_754 = arith.constant 1.000000e+00 : f32
        %jit3A_755 = arith.constant 0.000000e+00 : f32
        %broadcast_in_dim3A_756 = vector.broadcast %jit3A_754 : f32 to vector<16xf32>
        %broadcast_in_dim3A_757 = vector.broadcast %jit3A_755 : f32 to vector<16xf32>
        %select_n3A_758 = arith.select %lt3A_753, %broadcast_in_dim3A_756, %broadcast_in_dim3A_757 : vector<16xi1>, vector<16xf32>
        %sub3A_759 = arith.subf %select_n3A_750, %select_n3A_758 : vector<16xf32>
        %sub3A_760 = arith.subf %mul3A_742, %sub3A_759 : vector<16xf32>
        %bitcast_convert_type3A_761 = tpu.bitcast %sub3A_760 : vector<16xf32> -> vector<16xi32>
        %add3A_762 = arith.constant 32767 : i32
        %add3A_763 = vector.broadcast %add3A_762 : i32 to vector<16xi32>
        %add3A_764 = arith.addi %bitcast_convert_type3A_761, %add3A_763 : vector<16xi32>
        %shift_right_logical3A_765 = arith.constant 16 : i32
        %shift_right_logical3A_766 = vector.broadcast %shift_right_logical3A_765 : i32 to vector<16xi32>
        %shift_right_logical3A_767 = arith.shrui %bitcast_convert_type3A_761, %shift_right_logical3A_766 : vector<16xi32>
        %and3A_768 = arith.constant 1 : i32
        %and3A_769 = vector.broadcast %and3A_768 : i32 to vector<16xi32>
        %and3A_770 = arith.andi %shift_right_logical3A_767, %and3A_769 : vector<16xi32>
        %add3A_771 = arith.addi %add3A_764, %and3A_770 : vector<16xi32>
        %and3A_772 = arith.constant -65536 : i32
        %and3A_773 = vector.broadcast %and3A_772 : i32 to vector<16xi32>
        %and3A_774 = arith.andi %add3A_771, %and3A_773 : vector<16xi32>
        %bitcast_convert_type3A_775 = tpu.bitcast %and3A_774 : vector<16xi32> -> vector<16xf32>
        %mul3A_776 = arith.mulf %bitcast_convert_type3A_775, %bitcast_convert_type3A_34 : vector<16xf32>
        %sub3A_777 = arith.subf %gather3A_618, %gather3A_609 : vector<16xf32>
        %bitcast_convert_type3A_778 = tpu.bitcast %sub3A_777 : vector<16xf32> -> vector<16xi32>
        %add3A_779 = arith.constant 32767 : i32
        %add3A_780 = vector.broadcast %add3A_779 : i32 to vector<16xi32>
        %add3A_781 = arith.addi %bitcast_convert_type3A_778, %add3A_780 : vector<16xi32>
        %shift_right_logical3A_782 = arith.constant 16 : i32
        %shift_right_logical3A_783 = vector.broadcast %shift_right_logical3A_782 : i32 to vector<16xi32>
        %shift_right_logical3A_784 = arith.shrui %bitcast_convert_type3A_778, %shift_right_logical3A_783 : vector<16xi32>
        %and3A_785 = arith.constant 1 : i32
        %and3A_786 = vector.broadcast %and3A_785 : i32 to vector<16xi32>
        %and3A_787 = arith.andi %shift_right_logical3A_784, %and3A_786 : vector<16xi32>
        %add3A_788 = arith.addi %add3A_781, %and3A_787 : vector<16xi32>
        %and3A_789 = arith.constant -65536 : i32
        %and3A_790 = vector.broadcast %and3A_789 : i32 to vector<16xi32>
        %and3A_791 = arith.andi %add3A_788, %and3A_790 : vector<16xi32>
        %bitcast_convert_type3A_792 = tpu.bitcast %and3A_791 : vector<16xi32> -> vector<16xf32>
        %mul3A_793 = arith.mulf %bitcast_convert_type3A_792, %bitcast_convert_type3A_118 : vector<16xf32>
        %gt3A_794 = arith.constant 5.000000e-01 : f32
        %gt3A_795 = vector.broadcast %gt3A_794 : f32 to vector<16xf32>
        %gt3A_796 = arith.cmpf ogt, %mul3A_793, %gt3A_795 : vector<16xf32>
        %jit3A_797 = arith.constant 1.000000e+00 : f32
        %jit3A_798 = arith.constant 0.000000e+00 : f32
        %broadcast_in_dim3A_799 = vector.broadcast %jit3A_797 : f32 to vector<16xf32>
        %broadcast_in_dim3A_800 = vector.broadcast %jit3A_798 : f32 to vector<16xf32>
        %select_n3A_801 = arith.select %gt3A_796, %broadcast_in_dim3A_799, %broadcast_in_dim3A_800 : vector<16xi1>, vector<16xf32>
        %lt3A_802 = arith.constant -5.000000e-01 : f32
        %lt3A_803 = vector.broadcast %lt3A_802 : f32 to vector<16xf32>
        %lt3A_804 = arith.cmpf olt, %mul3A_793, %lt3A_803 : vector<16xf32>
        %jit3A_805 = arith.constant 1.000000e+00 : f32
        %jit3A_806 = arith.constant 0.000000e+00 : f32
        %broadcast_in_dim3A_807 = vector.broadcast %jit3A_805 : f32 to vector<16xf32>
        %broadcast_in_dim3A_808 = vector.broadcast %jit3A_806 : f32 to vector<16xf32>
        %select_n3A_809 = arith.select %lt3A_804, %broadcast_in_dim3A_807, %broadcast_in_dim3A_808 : vector<16xi1>, vector<16xf32>
        %sub3A_810 = arith.subf %select_n3A_801, %select_n3A_809 : vector<16xf32>
        %sub3A_811 = arith.subf %mul3A_793, %sub3A_810 : vector<16xf32>
        %bitcast_convert_type3A_812 = tpu.bitcast %sub3A_811 : vector<16xf32> -> vector<16xi32>
        %add3A_813 = arith.constant 32767 : i32
        %add3A_814 = vector.broadcast %add3A_813 : i32 to vector<16xi32>
        %add3A_815 = arith.addi %bitcast_convert_type3A_812, %add3A_814 : vector<16xi32>
        %shift_right_logical3A_816 = arith.constant 16 : i32
        %shift_right_logical3A_817 = vector.broadcast %shift_right_logical3A_816 : i32 to vector<16xi32>
        %shift_right_logical3A_818 = arith.shrui %bitcast_convert_type3A_812, %shift_right_logical3A_817 : vector<16xi32>
        %and3A_819 = arith.constant 1 : i32
        %and3A_820 = vector.broadcast %and3A_819 : i32 to vector<16xi32>
        %and3A_821 = arith.andi %shift_right_logical3A_818, %and3A_820 : vector<16xi32>
        %add3A_822 = arith.addi %add3A_815, %and3A_821 : vector<16xi32>
        %and3A_823 = arith.constant -65536 : i32
        %and3A_824 = vector.broadcast %and3A_823 : i32 to vector<16xi32>
        %and3A_825 = arith.andi %add3A_822, %and3A_824 : vector<16xi32>
        %bitcast_convert_type3A_826 = tpu.bitcast %and3A_825 : vector<16xi32> -> vector<16xf32>
        %mul3A_827 = arith.mulf %bitcast_convert_type3A_826, %bitcast_convert_type3A_53 : vector<16xf32>
        %mul3A_828 = arith.mulf %mul3A_725, %mul3A_725 : vector<16xf32>
        %mul3A_829 = arith.mulf %mul3A_776, %mul3A_776 : vector<16xf32>
        %add3A_830 = arith.addf %mul3A_828, %mul3A_829 : vector<16xf32>
        %mul3A_831 = arith.mulf %mul3A_827, %mul3A_827 : vector<16xf32>
        %add3A_832 = arith.addf %add3A_830, %mul3A_831 : vector<16xf32>
        %bitcast_convert_type3A_833 = tpu.bitcast %add3A_832 : vector<16xf32> -> vector<16xi32>
        %shift_right_logical3A_834 = arith.constant 1 : i32
        %shift_right_logical3A_835 = vector.broadcast %shift_right_logical3A_834 : i32 to vector<16xi32>
        %shift_right_logical3A_836 = arith.shrui %bitcast_convert_type3A_833, %shift_right_logical3A_835 : vector<16xi32>
        %sub3A_837 = arith.constant 1597463007 : i32
        %sub3A_838 = vector.broadcast %sub3A_837 : i32 to vector<16xi32>
        %sub3A_839 = arith.subi %sub3A_838, %shift_right_logical3A_836 : vector<16xi32>
        %bitcast_convert_type3A_840 = tpu.bitcast %sub3A_839 : vector<16xi32> -> vector<16xf32>
        %mul3A_841 = arith.constant 5.000000e-01 : f32
        %mul3A_842 = vector.broadcast %mul3A_841 : f32 to vector<16xf32>
        %mul3A_843 = arith.mulf %mul3A_842, %add3A_832 : vector<16xf32>
        %mul3A_844 = arith.mulf %mul3A_843, %bitcast_convert_type3A_840 : vector<16xf32>
        %mul3A_845 = arith.mulf %mul3A_844, %bitcast_convert_type3A_840 : vector<16xf32>
        %sub3A_846 = arith.constant 1.500000e+00 : f32
        %sub3A_847 = vector.broadcast %sub3A_846 : f32 to vector<16xf32>
        %sub3A_848 = arith.subf %sub3A_847, %mul3A_845 : vector<16xf32>
        %mul3A_849 = arith.mulf %bitcast_convert_type3A_840, %sub3A_848 : vector<16xf32>
        %mul3A_850 = arith.mulf %mul3A_843, %mul3A_849 : vector<16xf32>
        %mul3A_851 = arith.mulf %mul3A_850, %mul3A_849 : vector<16xf32>
        %sub3A_852 = arith.constant 1.500000e+00 : f32
        %sub3A_853 = vector.broadcast %sub3A_852 : f32 to vector<16xf32>
        %sub3A_854 = arith.subf %sub3A_853, %mul3A_851 : vector<16xf32>
        %mul3A_855 = arith.mulf %mul3A_849, %sub3A_854 : vector<16xf32>
        %mul3A_856 = arith.mulf %mul3A_843, %mul3A_855 : vector<16xf32>
        %mul3A_857 = arith.mulf %mul3A_856, %mul3A_855 : vector<16xf32>
        %sub3A_858 = arith.constant 1.500000e+00 : f32
        %sub3A_859 = vector.broadcast %sub3A_858 : f32 to vector<16xf32>
        %sub3A_860 = arith.subf %sub3A_859, %mul3A_857 : vector<16xf32>
        %mul3A_861 = arith.mulf %mul3A_855, %sub3A_860 : vector<16xf32>
        %mul3A_862 = arith.mulf %add3A_832, %mul3A_861 : vector<16xf32>
        %div3A_863 = arith.divf %add3A_832, %mul3A_862 : vector<16xf32>
        %add3A_864 = arith.addf %mul3A_862, %div3A_863 : vector<16xf32>
        %mul3A_865 = arith.constant 5.000000e-01 : f32
        %mul3A_866 = vector.broadcast %mul3A_865 : f32 to vector<16xf32>
        %mul3A_867 = arith.mulf %mul3A_866, %add3A_864 : vector<16xf32>
        %div3A_868 = arith.constant 1.000000e+00 : f32
        %div3A_869 = vector.broadcast %div3A_868 : f32 to vector<16xf32>
        %div3A_870 = arith.divf %div3A_869, %mul3A_867 : vector<16xf32>
        %mul3A_871 = arith.constant 3.000000e-01 : f32
        %mul3A_872 = vector.broadcast %mul3A_871 : f32 to vector<16xf32>
        %mul3A_873 = arith.mulf %mul3A_872, %mul3A_867 : vector<16xf32>
        %neg3A = arith.constant 0.000000e+00 : f32
        %neg3A_874 = vector.broadcast %neg3A : f32 to vector<16xf32>
        %neg3A_875 = arith.subf %neg3A_874, %mul3A_873 : vector<16xf32>
        %mul3A_876 = arith.mulf %neg3A_875, %mul3A_873 : vector<16xf32>
        %exp3A = math.exp %mul3A_876 : vector<16xf32>
        %mul3A_877 = arith.constant 0.327591091 : f32
        %mul3A_878 = vector.broadcast %mul3A_877 : f32 to vector<16xf32>
        %mul3A_879 = arith.mulf %mul3A_878, %mul3A_873 : vector<16xf32>
        %add3A_880 = arith.constant 1.000000e+00 : f32
        %add3A_881 = vector.broadcast %add3A_880 : f32 to vector<16xf32>
        %add3A_882 = arith.addf %add3A_881, %mul3A_879 : vector<16xf32>
        %div3A_883 = arith.constant 1.000000e+00 : f32
        %div3A_884 = vector.broadcast %div3A_883 : f32 to vector<16xf32>
        %div3A_885 = arith.divf %div3A_884, %add3A_882 : vector<16xf32>
        %mul3A_886 = arith.constant 1.06140542 : f32
        %mul3A_887 = vector.broadcast %mul3A_886 : f32 to vector<16xf32>
        %mul3A_888 = arith.mulf %div3A_885, %mul3A_887 : vector<16xf32>
        %add3A_889 = arith.constant -1.45315206 : f32
        %add3A_890 = vector.broadcast %add3A_889 : f32 to vector<16xf32>
        %add3A_891 = arith.addf %add3A_890, %mul3A_888 : vector<16xf32>
        %mul3A_892 = arith.mulf %div3A_885, %add3A_891 : vector<16xf32>
        %add3A_893 = arith.constant 1.42141378 : f32
        %add3A_894 = vector.broadcast %add3A_893 : f32 to vector<16xf32>
        %add3A_895 = arith.addf %add3A_894, %mul3A_892 : vector<16xf32>
        %mul3A_896 = arith.mulf %div3A_885, %add3A_895 : vector<16xf32>
        %add3A_897 = arith.constant -0.284496725 : f32
        %add3A_898 = vector.broadcast %add3A_897 : f32 to vector<16xf32>
        %add3A_899 = arith.addf %add3A_898, %mul3A_896 : vector<16xf32>
        %mul3A_900 = arith.mulf %div3A_885, %add3A_899 : vector<16xf32>
        %add3A_901 = arith.constant 0.254829586 : f32
        %add3A_902 = vector.broadcast %add3A_901 : f32 to vector<16xf32>
        %add3A_903 = arith.addf %add3A_902, %mul3A_900 : vector<16xf32>
        %mul3A_904 = arith.mulf %div3A_885, %add3A_903 : vector<16xf32>
        %mul3A_905 = arith.mulf %mul3A_904, %exp3A : vector<16xf32>
        %mul3A_906 = arith.mulf %mul3A_873, %mul3A_873 : vector<16xf32>
        %mul3A_907 = arith.mulf %mul3A_906, %mul3A_873 : vector<16xf32>
        %mul3A_908 = arith.mulf %mul3A_907, %mul3A_906 : vector<16xf32>
        %mul3A_909 = arith.mulf %mul3A_908, %mul3A_906 : vector<16xf32>
        %mul3A_910 = arith.constant 3.000000e+00 : f32
        %mul3A_911 = vector.broadcast %mul3A_910 : f32 to vector<16xf32>
        %mul3A_912 = arith.mulf %mul3A_911, %mul3A_873 : vector<16xf32>
        %mul3A_913 = arith.constant 2.000000e+00 : f32
        %mul3A_914 = vector.broadcast %mul3A_913 : f32 to vector<16xf32>
        %mul3A_915 = arith.mulf %mul3A_914, %mul3A_907 : vector<16xf32>
        %add3A_916 = arith.addf %mul3A_912, %mul3A_915 : vector<16xf32>
        %div3A_917 = arith.constant 3.000000e+00 : f32
        %div3A_918 = vector.broadcast %div3A_917 : f32 to vector<16xf32>
        %div3A_919 = arith.divf %add3A_916, %div3A_918 : vector<16xf32>
        %mul3A_920 = arith.constant 1.500000e+01 : f32
        %mul3A_921 = vector.broadcast %mul3A_920 : f32 to vector<16xf32>
        %mul3A_922 = arith.mulf %mul3A_921, %mul3A_873 : vector<16xf32>
        %mul3A_923 = arith.constant 1.000000e+01 : f32
        %mul3A_924 = vector.broadcast %mul3A_923 : f32 to vector<16xf32>
        %mul3A_925 = arith.mulf %mul3A_924, %mul3A_907 : vector<16xf32>
        %add3A_926 = arith.addf %mul3A_922, %mul3A_925 : vector<16xf32>
        %mul3A_927 = arith.constant 4.000000e+00 : f32
        %mul3A_928 = vector.broadcast %mul3A_927 : f32 to vector<16xf32>
        %mul3A_929 = arith.mulf %mul3A_928, %mul3A_908 : vector<16xf32>
        %add3A_930 = arith.addf %add3A_926, %mul3A_929 : vector<16xf32>
        %div3A_931 = arith.constant 1.500000e+01 : f32
        %div3A_932 = vector.broadcast %div3A_931 : f32 to vector<16xf32>
        %div3A_933 = arith.divf %add3A_930, %div3A_932 : vector<16xf32>
        %mul3A_934 = arith.constant 8.000000e+00 : f32
        %mul3A_935 = vector.broadcast %mul3A_934 : f32 to vector<16xf32>
        %mul3A_936 = arith.mulf %mul3A_935, %mul3A_909 : vector<16xf32>
        %mul3A_937 = arith.constant 2.800000e+01 : f32
        %mul3A_938 = vector.broadcast %mul3A_937 : f32 to vector<16xf32>
        %mul3A_939 = arith.mulf %mul3A_938, %mul3A_908 : vector<16xf32>
        %add3A_940 = arith.addf %mul3A_936, %mul3A_939 : vector<16xf32>
        %mul3A_941 = arith.constant 7.000000e+01 : f32
        %mul3A_942 = vector.broadcast %mul3A_941 : f32 to vector<16xf32>
        %mul3A_943 = arith.mulf %mul3A_942, %mul3A_907 : vector<16xf32>
        %add3A_944 = arith.addf %add3A_940, %mul3A_943 : vector<16xf32>
        %mul3A_945 = arith.constant 1.050000e+02 : f32
        %mul3A_946 = vector.broadcast %mul3A_945 : f32 to vector<16xf32>
        %mul3A_947 = arith.mulf %mul3A_946, %mul3A_873 : vector<16xf32>
        %add3A_948 = arith.addf %add3A_944, %mul3A_947 : vector<16xf32>
        %div3A_949 = arith.constant 1.050000e+02 : f32
        %div3A_950 = vector.broadcast %div3A_949 : f32 to vector<16xf32>
        %div3A_951 = arith.divf %add3A_948, %div3A_950 : vector<16xf32>
        %mul3A_952 = arith.constant 1.12837923 : f32
        %mul3A_953 = vector.broadcast %mul3A_952 : f32 to vector<16xf32>
        %mul3A_954 = arith.mulf %mul3A_953, %mul3A_873 : vector<16xf32>
        %mul3A_955 = arith.mulf %mul3A_954, %exp3A : vector<16xf32>
        %add3A_956 = arith.addf %mul3A_905, %mul3A_955 : vector<16xf32>
        %mul3A_957 = arith.constant 1.12837923 : f32
        %mul3A_958 = vector.broadcast %mul3A_957 : f32 to vector<16xf32>
        %mul3A_959 = arith.mulf %mul3A_958, %div3A_919 : vector<16xf32>
        %mul3A_960 = arith.mulf %mul3A_959, %exp3A : vector<16xf32>
        %add3A_961 = arith.addf %mul3A_905, %mul3A_960 : vector<16xf32>
        %mul3A_962 = arith.constant 1.12837923 : f32
        %mul3A_963 = vector.broadcast %mul3A_962 : f32 to vector<16xf32>
        %mul3A_964 = arith.mulf %mul3A_963, %div3A_933 : vector<16xf32>
        %mul3A_965 = arith.mulf %mul3A_964, %exp3A : vector<16xf32>
        %add3A_966 = arith.addf %mul3A_905, %mul3A_965 : vector<16xf32>
        %mul3A_967 = arith.constant 1.12837923 : f32
        %mul3A_968 = vector.broadcast %mul3A_967 : f32 to vector<16xf32>
        %mul3A_969 = arith.mulf %mul3A_968, %div3A_951 : vector<16xf32>
        %mul3A_970 = arith.mulf %mul3A_969, %exp3A : vector<16xf32>
        %add3A_971 = arith.addf %mul3A_905, %mul3A_970 : vector<16xf32>
        %mul3A_972 = arith.mulf %div3A_870, %div3A_870 : vector<16xf32>
        %mul3A_973 = arith.mulf %mul3A_972, %div3A_870 : vector<16xf32>
        %mul3A_974 = arith.mulf %mul3A_973, %mul3A_972 : vector<16xf32>
        %mul3A_975 = arith.mulf %mul3A_974, %mul3A_972 : vector<16xf32>
        %mul3A_976 = arith.mulf %mul3A_975, %mul3A_972 : vector<16xf32>
        %mul3A_977 = arith.mulf %div3A_870, %mul3A_905 : vector<16xf32>
        %mul3A_978 = arith.mulf %mul3A_973, %add3A_956 : vector<16xf32>
        %mul3A_979 = arith.mulf %mul3A_974, %add3A_961 : vector<16xf32>
        %mul3A_980 = arith.mulf %mul3A_975, %add3A_966 : vector<16xf32>
        %mul3A_981 = arith.mulf %mul3A_976, %add3A_971 : vector<16xf32>
        %mul3A_982 = arith.mulf %mul3A_725, %mul3A_725 : vector<16xf32>
        %mul3A_983 = arith.mulf %mul3A_776, %mul3A_776 : vector<16xf32>
        %mul3A_984 = arith.mulf %mul3A_827, %mul3A_827 : vector<16xf32>
        %mul3A_985 = arith.mulf %mul3A_725, %mul3A_776 : vector<16xf32>
        %mul3A_986 = arith.mulf %mul3A_725, %mul3A_827 : vector<16xf32>
        %mul3A_987 = arith.mulf %mul3A_776, %mul3A_827 : vector<16xf32>
        %neg3A_988 = arith.constant 0.000000e+00 : f32
        %neg3A_989 = vector.broadcast %neg3A_988 : f32 to vector<16xf32>
        %neg3A_990 = arith.subf %neg3A_989, %mul3A_725 : vector<16xf32>
        %mul3A_991 = arith.mulf %neg3A_990, %mul3A_978 : vector<16xf32>
        %neg3A_992 = arith.constant 0.000000e+00 : f32
        %neg3A_993 = vector.broadcast %neg3A_992 : f32 to vector<16xf32>
        %neg3A_994 = arith.subf %neg3A_993, %mul3A_776 : vector<16xf32>
        %mul3A_995 = arith.mulf %neg3A_994, %mul3A_978 : vector<16xf32>
        %neg3A_996 = arith.constant 0.000000e+00 : f32
        %neg3A_997 = vector.broadcast %neg3A_996 : f32 to vector<16xf32>
        %neg3A_998 = arith.subf %neg3A_997, %mul3A_827 : vector<16xf32>
        %mul3A_999 = arith.mulf %neg3A_998, %mul3A_978 : vector<16xf32>
        %mul3A_1000 = arith.constant 3.000000e+00 : f32
        %mul3A_1001 = vector.broadcast %mul3A_1000 : f32 to vector<16xf32>
        %mul3A_1002 = arith.mulf %mul3A_1001, %mul3A_982 : vector<16xf32>
        %mul3A_1003 = arith.mulf %mul3A_1002, %mul3A_979 : vector<16xf32>
        %sub3A_1004 = arith.subf %mul3A_1003, %mul3A_978 : vector<16xf32>
        %mul3A_1005 = arith.constant 3.000000e+00 : f32
        %mul3A_1006 = vector.broadcast %mul3A_1005 : f32 to vector<16xf32>
        %mul3A_1007 = arith.mulf %mul3A_1006, %mul3A_985 : vector<16xf32>
        %mul3A_1008 = arith.mulf %mul3A_1007, %mul3A_979 : vector<16xf32>
        %mul3A_1009 = arith.constant 3.000000e+00 : f32
        %mul3A_1010 = vector.broadcast %mul3A_1009 : f32 to vector<16xf32>
        %mul3A_1011 = arith.mulf %mul3A_1010, %mul3A_986 : vector<16xf32>
        %mul3A_1012 = arith.mulf %mul3A_1011, %mul3A_979 : vector<16xf32>
        %mul3A_1013 = arith.constant 3.000000e+00 : f32
        %mul3A_1014 = vector.broadcast %mul3A_1013 : f32 to vector<16xf32>
        %mul3A_1015 = arith.mulf %mul3A_1014, %mul3A_983 : vector<16xf32>
        %mul3A_1016 = arith.mulf %mul3A_1015, %mul3A_979 : vector<16xf32>
        %sub3A_1017 = arith.subf %mul3A_1016, %mul3A_978 : vector<16xf32>
        %mul3A_1018 = arith.constant 3.000000e+00 : f32
        %mul3A_1019 = vector.broadcast %mul3A_1018 : f32 to vector<16xf32>
        %mul3A_1020 = arith.mulf %mul3A_1019, %mul3A_987 : vector<16xf32>
        %mul3A_1021 = arith.mulf %mul3A_1020, %mul3A_979 : vector<16xf32>
        %mul3A_1022 = arith.constant 3.000000e+00 : f32
        %mul3A_1023 = vector.broadcast %mul3A_1022 : f32 to vector<16xf32>
        %mul3A_1024 = arith.mulf %mul3A_1023, %mul3A_984 : vector<16xf32>
        %mul3A_1025 = arith.mulf %mul3A_1024, %mul3A_979 : vector<16xf32>
        %sub3A_1026 = arith.subf %mul3A_1025, %mul3A_978 : vector<16xf32>
        %mul3A_1027 = arith.constant -1.500000e+01 : f32
        %mul3A_1028 = vector.broadcast %mul3A_1027 : f32 to vector<16xf32>
        %mul3A_1029 = arith.mulf %mul3A_1028, %mul3A_982 : vector<16xf32>
        %mul3A_1030 = arith.mulf %mul3A_1029, %mul3A_725 : vector<16xf32>
        %mul3A_1031 = arith.mulf %mul3A_1030, %mul3A_980 : vector<16xf32>
        %mul3A_1032 = arith.constant 9.000000e+00 : f32
        %mul3A_1033 = vector.broadcast %mul3A_1032 : f32 to vector<16xf32>
        %mul3A_1034 = arith.mulf %mul3A_1033, %mul3A_725 : vector<16xf32>
        %mul3A_1035 = arith.mulf %mul3A_1034, %mul3A_979 : vector<16xf32>
        %add3A_1036 = arith.addf %mul3A_1031, %mul3A_1035 : vector<16xf32>
        %mul3A_1037 = arith.constant -1.500000e+01 : f32
        %mul3A_1038 = vector.broadcast %mul3A_1037 : f32 to vector<16xf32>
        %mul3A_1039 = arith.mulf %mul3A_1038, %mul3A_982 : vector<16xf32>
        %mul3A_1040 = arith.mulf %mul3A_1039, %mul3A_776 : vector<16xf32>
        %mul3A_1041 = arith.mulf %mul3A_1040, %mul3A_980 : vector<16xf32>
        %mul3A_1042 = arith.constant 3.000000e+00 : f32
        %mul3A_1043 = vector.broadcast %mul3A_1042 : f32 to vector<16xf32>
        %mul3A_1044 = arith.mulf %mul3A_1043, %mul3A_776 : vector<16xf32>
        %mul3A_1045 = arith.mulf %mul3A_1044, %mul3A_979 : vector<16xf32>
        %add3A_1046 = arith.addf %mul3A_1041, %mul3A_1045 : vector<16xf32>
        %mul3A_1047 = arith.constant -1.500000e+01 : f32
        %mul3A_1048 = vector.broadcast %mul3A_1047 : f32 to vector<16xf32>
        %mul3A_1049 = arith.mulf %mul3A_1048, %mul3A_982 : vector<16xf32>
        %mul3A_1050 = arith.mulf %mul3A_1049, %mul3A_827 : vector<16xf32>
        %mul3A_1051 = arith.mulf %mul3A_1050, %mul3A_980 : vector<16xf32>
        %mul3A_1052 = arith.constant 3.000000e+00 : f32
        %mul3A_1053 = vector.broadcast %mul3A_1052 : f32 to vector<16xf32>
        %mul3A_1054 = arith.mulf %mul3A_1053, %mul3A_827 : vector<16xf32>
        %mul3A_1055 = arith.mulf %mul3A_1054, %mul3A_979 : vector<16xf32>
        %add3A_1056 = arith.addf %mul3A_1051, %mul3A_1055 : vector<16xf32>
        %mul3A_1057 = arith.constant -1.500000e+01 : f32
        %mul3A_1058 = vector.broadcast %mul3A_1057 : f32 to vector<16xf32>
        %mul3A_1059 = arith.mulf %mul3A_1058, %mul3A_983 : vector<16xf32>
        %mul3A_1060 = arith.mulf %mul3A_1059, %mul3A_776 : vector<16xf32>
        %mul3A_1061 = arith.mulf %mul3A_1060, %mul3A_980 : vector<16xf32>
        %mul3A_1062 = arith.constant 9.000000e+00 : f32
        %mul3A_1063 = vector.broadcast %mul3A_1062 : f32 to vector<16xf32>
        %mul3A_1064 = arith.mulf %mul3A_1063, %mul3A_776 : vector<16xf32>
        %mul3A_1065 = arith.mulf %mul3A_1064, %mul3A_979 : vector<16xf32>
        %add3A_1066 = arith.addf %mul3A_1061, %mul3A_1065 : vector<16xf32>
        %mul3A_1067 = arith.constant -1.500000e+01 : f32
        %mul3A_1068 = vector.broadcast %mul3A_1067 : f32 to vector<16xf32>
        %mul3A_1069 = arith.mulf %mul3A_1068, %mul3A_983 : vector<16xf32>
        %mul3A_1070 = arith.mulf %mul3A_1069, %mul3A_725 : vector<16xf32>
        %mul3A_1071 = arith.mulf %mul3A_1070, %mul3A_980 : vector<16xf32>
        %mul3A_1072 = arith.constant 3.000000e+00 : f32
        %mul3A_1073 = vector.broadcast %mul3A_1072 : f32 to vector<16xf32>
        %mul3A_1074 = arith.mulf %mul3A_1073, %mul3A_725 : vector<16xf32>
        %mul3A_1075 = arith.mulf %mul3A_1074, %mul3A_979 : vector<16xf32>
        %add3A_1076 = arith.addf %mul3A_1071, %mul3A_1075 : vector<16xf32>
        %mul3A_1077 = arith.constant -1.500000e+01 : f32
        %mul3A_1078 = vector.broadcast %mul3A_1077 : f32 to vector<16xf32>
        %mul3A_1079 = arith.mulf %mul3A_1078, %mul3A_983 : vector<16xf32>
        %mul3A_1080 = arith.mulf %mul3A_1079, %mul3A_827 : vector<16xf32>
        %mul3A_1081 = arith.mulf %mul3A_1080, %mul3A_980 : vector<16xf32>
        %mul3A_1082 = arith.constant 3.000000e+00 : f32
        %mul3A_1083 = vector.broadcast %mul3A_1082 : f32 to vector<16xf32>
        %mul3A_1084 = arith.mulf %mul3A_1083, %mul3A_827 : vector<16xf32>
        %mul3A_1085 = arith.mulf %mul3A_1084, %mul3A_979 : vector<16xf32>
        %add3A_1086 = arith.addf %mul3A_1081, %mul3A_1085 : vector<16xf32>
        %mul3A_1087 = arith.constant -1.500000e+01 : f32
        %mul3A_1088 = vector.broadcast %mul3A_1087 : f32 to vector<16xf32>
        %mul3A_1089 = arith.mulf %mul3A_1088, %mul3A_984 : vector<16xf32>
        %mul3A_1090 = arith.mulf %mul3A_1089, %mul3A_827 : vector<16xf32>
        %mul3A_1091 = arith.mulf %mul3A_1090, %mul3A_980 : vector<16xf32>
        %mul3A_1092 = arith.constant 9.000000e+00 : f32
        %mul3A_1093 = vector.broadcast %mul3A_1092 : f32 to vector<16xf32>
        %mul3A_1094 = arith.mulf %mul3A_1093, %mul3A_827 : vector<16xf32>
        %mul3A_1095 = arith.mulf %mul3A_1094, %mul3A_979 : vector<16xf32>
        %add3A_1096 = arith.addf %mul3A_1091, %mul3A_1095 : vector<16xf32>
        %mul3A_1097 = arith.constant -1.500000e+01 : f32
        %mul3A_1098 = vector.broadcast %mul3A_1097 : f32 to vector<16xf32>
        %mul3A_1099 = arith.mulf %mul3A_1098, %mul3A_984 : vector<16xf32>
        %mul3A_1100 = arith.mulf %mul3A_1099, %mul3A_725 : vector<16xf32>
        %mul3A_1101 = arith.mulf %mul3A_1100, %mul3A_980 : vector<16xf32>
        %mul3A_1102 = arith.constant 3.000000e+00 : f32
        %mul3A_1103 = vector.broadcast %mul3A_1102 : f32 to vector<16xf32>
        %mul3A_1104 = arith.mulf %mul3A_1103, %mul3A_725 : vector<16xf32>
        %mul3A_1105 = arith.mulf %mul3A_1104, %mul3A_979 : vector<16xf32>
        %add3A_1106 = arith.addf %mul3A_1101, %mul3A_1105 : vector<16xf32>
        %mul3A_1107 = arith.constant -1.500000e+01 : f32
        %mul3A_1108 = vector.broadcast %mul3A_1107 : f32 to vector<16xf32>
        %mul3A_1109 = arith.mulf %mul3A_1108, %mul3A_984 : vector<16xf32>
        %mul3A_1110 = arith.mulf %mul3A_1109, %mul3A_776 : vector<16xf32>
        %mul3A_1111 = arith.mulf %mul3A_1110, %mul3A_980 : vector<16xf32>
        %mul3A_1112 = arith.constant 3.000000e+00 : f32
        %mul3A_1113 = vector.broadcast %mul3A_1112 : f32 to vector<16xf32>
        %mul3A_1114 = arith.mulf %mul3A_1113, %mul3A_776 : vector<16xf32>
        %mul3A_1115 = arith.mulf %mul3A_1114, %mul3A_979 : vector<16xf32>
        %add3A_1116 = arith.addf %mul3A_1111, %mul3A_1115 : vector<16xf32>
        %mul3A_1117 = arith.constant -1.500000e+01 : f32
        %mul3A_1118 = vector.broadcast %mul3A_1117 : f32 to vector<16xf32>
        %mul3A_1119 = arith.mulf %mul3A_1118, %mul3A_985 : vector<16xf32>
        %mul3A_1120 = arith.mulf %mul3A_1119, %mul3A_827 : vector<16xf32>
        %mul3A_1121 = arith.mulf %mul3A_1120, %mul3A_980 : vector<16xf32>
        %mul3A_1122 = arith.constant 1.050000e+02 : f32
        %mul3A_1123 = vector.broadcast %mul3A_1122 : f32 to vector<16xf32>
        %mul3A_1124 = arith.mulf %mul3A_1123, %mul3A_982 : vector<16xf32>
        %mul3A_1125 = arith.mulf %mul3A_1124, %mul3A_982 : vector<16xf32>
        %mul3A_1126 = arith.mulf %mul3A_1125, %mul3A_981 : vector<16xf32>
        %mul3A_1127 = arith.constant 9.000000e+01 : f32
        %mul3A_1128 = vector.broadcast %mul3A_1127 : f32 to vector<16xf32>
        %mul3A_1129 = arith.mulf %mul3A_1128, %mul3A_982 : vector<16xf32>
        %mul3A_1130 = arith.mulf %mul3A_1129, %mul3A_980 : vector<16xf32>
        %sub3A_1131 = arith.subf %mul3A_1126, %mul3A_1130 : vector<16xf32>
        %mul3A_1132 = arith.constant 9.000000e+00 : f32
        %mul3A_1133 = vector.broadcast %mul3A_1132 : f32 to vector<16xf32>
        %mul3A_1134 = arith.mulf %mul3A_1133, %mul3A_979 : vector<16xf32>
        %add3A_1135 = arith.addf %sub3A_1131, %mul3A_1134 : vector<16xf32>
        %mul3A_1136 = arith.constant 1.050000e+02 : f32
        %mul3A_1137 = vector.broadcast %mul3A_1136 : f32 to vector<16xf32>
        %mul3A_1138 = arith.mulf %mul3A_1137, %mul3A_982 : vector<16xf32>
        %mul3A_1139 = arith.mulf %mul3A_1138, %mul3A_985 : vector<16xf32>
        %mul3A_1140 = arith.mulf %mul3A_1139, %mul3A_981 : vector<16xf32>
        %mul3A_1141 = arith.constant 4.500000e+01 : f32
        %mul3A_1142 = vector.broadcast %mul3A_1141 : f32 to vector<16xf32>
        %mul3A_1143 = arith.mulf %mul3A_1142, %mul3A_985 : vector<16xf32>
        %mul3A_1144 = arith.mulf %mul3A_1143, %mul3A_980 : vector<16xf32>
        %sub3A_1145 = arith.subf %mul3A_1140, %mul3A_1144 : vector<16xf32>
        %mul3A_1146 = arith.constant 1.050000e+02 : f32
        %mul3A_1147 = vector.broadcast %mul3A_1146 : f32 to vector<16xf32>
        %mul3A_1148 = arith.mulf %mul3A_1147, %mul3A_982 : vector<16xf32>
        %mul3A_1149 = arith.mulf %mul3A_1148, %mul3A_986 : vector<16xf32>
        %mul3A_1150 = arith.mulf %mul3A_1149, %mul3A_981 : vector<16xf32>
        %mul3A_1151 = arith.constant 4.500000e+01 : f32
        %mul3A_1152 = vector.broadcast %mul3A_1151 : f32 to vector<16xf32>
        %mul3A_1153 = arith.mulf %mul3A_1152, %mul3A_986 : vector<16xf32>
        %mul3A_1154 = arith.mulf %mul3A_1153, %mul3A_980 : vector<16xf32>
        %sub3A_1155 = arith.subf %mul3A_1150, %mul3A_1154 : vector<16xf32>
        %mul3A_1156 = arith.constant 1.050000e+02 : f32
        %mul3A_1157 = vector.broadcast %mul3A_1156 : f32 to vector<16xf32>
        %mul3A_1158 = arith.mulf %mul3A_1157, %mul3A_982 : vector<16xf32>
        %mul3A_1159 = arith.mulf %mul3A_1158, %mul3A_983 : vector<16xf32>
        %mul3A_1160 = arith.mulf %mul3A_1159, %mul3A_981 : vector<16xf32>
        %add3A_1161 = arith.addf %mul3A_982, %mul3A_983 : vector<16xf32>
        %mul3A_1162 = arith.constant 1.500000e+01 : f32
        %mul3A_1163 = vector.broadcast %mul3A_1162 : f32 to vector<16xf32>
        %mul3A_1164 = arith.mulf %mul3A_1163, %add3A_1161 : vector<16xf32>
        %mul3A_1165 = arith.mulf %mul3A_1164, %mul3A_980 : vector<16xf32>
        %sub3A_1166 = arith.subf %mul3A_1160, %mul3A_1165 : vector<16xf32>
        %mul3A_1167 = arith.constant 3.000000e+00 : f32
        %mul3A_1168 = vector.broadcast %mul3A_1167 : f32 to vector<16xf32>
        %mul3A_1169 = arith.mulf %mul3A_1168, %mul3A_979 : vector<16xf32>
        %add3A_1170 = arith.addf %sub3A_1166, %mul3A_1169 : vector<16xf32>
        %mul3A_1171 = arith.constant 1.050000e+02 : f32
        %mul3A_1172 = vector.broadcast %mul3A_1171 : f32 to vector<16xf32>
        %mul3A_1173 = arith.mulf %mul3A_1172, %mul3A_982 : vector<16xf32>
        %mul3A_1174 = arith.mulf %mul3A_1173, %mul3A_984 : vector<16xf32>
        %mul3A_1175 = arith.mulf %mul3A_1174, %mul3A_981 : vector<16xf32>
        %add3A_1176 = arith.addf %mul3A_982, %mul3A_984 : vector<16xf32>
        %mul3A_1177 = arith.constant 1.500000e+01 : f32
        %mul3A_1178 = vector.broadcast %mul3A_1177 : f32 to vector<16xf32>
        %mul3A_1179 = arith.mulf %mul3A_1178, %add3A_1176 : vector<16xf32>
        %mul3A_1180 = arith.mulf %mul3A_1179, %mul3A_980 : vector<16xf32>
        %sub3A_1181 = arith.subf %mul3A_1175, %mul3A_1180 : vector<16xf32>
        %mul3A_1182 = arith.constant 3.000000e+00 : f32
        %mul3A_1183 = vector.broadcast %mul3A_1182 : f32 to vector<16xf32>
        %mul3A_1184 = arith.mulf %mul3A_1183, %mul3A_979 : vector<16xf32>
        %add3A_1185 = arith.addf %sub3A_1181, %mul3A_1184 : vector<16xf32>
        %mul3A_1186 = arith.constant 1.050000e+02 : f32
        %mul3A_1187 = vector.broadcast %mul3A_1186 : f32 to vector<16xf32>
        %mul3A_1188 = arith.mulf %mul3A_1187, %mul3A_982 : vector<16xf32>
        %mul3A_1189 = arith.mulf %mul3A_1188, %mul3A_987 : vector<16xf32>
        %mul3A_1190 = arith.mulf %mul3A_1189, %mul3A_981 : vector<16xf32>
        %mul3A_1191 = arith.constant 1.500000e+01 : f32
        %mul3A_1192 = vector.broadcast %mul3A_1191 : f32 to vector<16xf32>
        %mul3A_1193 = arith.mulf %mul3A_1192, %mul3A_987 : vector<16xf32>
        %mul3A_1194 = arith.mulf %mul3A_1193, %mul3A_980 : vector<16xf32>
        %sub3A_1195 = arith.subf %mul3A_1190, %mul3A_1194 : vector<16xf32>
        %mul3A_1196 = arith.constant 1.050000e+02 : f32
        %mul3A_1197 = vector.broadcast %mul3A_1196 : f32 to vector<16xf32>
        %mul3A_1198 = arith.mulf %mul3A_1197, %mul3A_983 : vector<16xf32>
        %mul3A_1199 = arith.mulf %mul3A_1198, %mul3A_983 : vector<16xf32>
        %mul3A_1200 = arith.mulf %mul3A_1199, %mul3A_981 : vector<16xf32>
        %mul3A_1201 = arith.constant 9.000000e+01 : f32
        %mul3A_1202 = vector.broadcast %mul3A_1201 : f32 to vector<16xf32>
        %mul3A_1203 = arith.mulf %mul3A_1202, %mul3A_983 : vector<16xf32>
        %mul3A_1204 = arith.mulf %mul3A_1203, %mul3A_980 : vector<16xf32>
        %sub3A_1205 = arith.subf %mul3A_1200, %mul3A_1204 : vector<16xf32>
        %mul3A_1206 = arith.constant 9.000000e+00 : f32
        %mul3A_1207 = vector.broadcast %mul3A_1206 : f32 to vector<16xf32>
        %mul3A_1208 = arith.mulf %mul3A_1207, %mul3A_979 : vector<16xf32>
        %add3A_1209 = arith.addf %sub3A_1205, %mul3A_1208 : vector<16xf32>
        %mul3A_1210 = arith.constant 1.050000e+02 : f32
        %mul3A_1211 = vector.broadcast %mul3A_1210 : f32 to vector<16xf32>
        %mul3A_1212 = arith.mulf %mul3A_1211, %mul3A_983 : vector<16xf32>
        %mul3A_1213 = arith.mulf %mul3A_1212, %mul3A_985 : vector<16xf32>
        %mul3A_1214 = arith.mulf %mul3A_1213, %mul3A_981 : vector<16xf32>
        %mul3A_1215 = arith.constant 4.500000e+01 : f32
        %mul3A_1216 = vector.broadcast %mul3A_1215 : f32 to vector<16xf32>
        %mul3A_1217 = arith.mulf %mul3A_1216, %mul3A_985 : vector<16xf32>
        %mul3A_1218 = arith.mulf %mul3A_1217, %mul3A_980 : vector<16xf32>
        %sub3A_1219 = arith.subf %mul3A_1214, %mul3A_1218 : vector<16xf32>
        %mul3A_1220 = arith.constant 1.050000e+02 : f32
        %mul3A_1221 = vector.broadcast %mul3A_1220 : f32 to vector<16xf32>
        %mul3A_1222 = arith.mulf %mul3A_1221, %mul3A_983 : vector<16xf32>
        %mul3A_1223 = arith.mulf %mul3A_1222, %mul3A_987 : vector<16xf32>
        %mul3A_1224 = arith.mulf %mul3A_1223, %mul3A_981 : vector<16xf32>
        %mul3A_1225 = arith.constant 4.500000e+01 : f32
        %mul3A_1226 = vector.broadcast %mul3A_1225 : f32 to vector<16xf32>
        %mul3A_1227 = arith.mulf %mul3A_1226, %mul3A_987 : vector<16xf32>
        %mul3A_1228 = arith.mulf %mul3A_1227, %mul3A_980 : vector<16xf32>
        %sub3A_1229 = arith.subf %mul3A_1224, %mul3A_1228 : vector<16xf32>
        %mul3A_1230 = arith.constant 1.050000e+02 : f32
        %mul3A_1231 = vector.broadcast %mul3A_1230 : f32 to vector<16xf32>
        %mul3A_1232 = arith.mulf %mul3A_1231, %mul3A_983 : vector<16xf32>
        %mul3A_1233 = arith.mulf %mul3A_1232, %mul3A_984 : vector<16xf32>
        %mul3A_1234 = arith.mulf %mul3A_1233, %mul3A_981 : vector<16xf32>
        %add3A_1235 = arith.addf %mul3A_983, %mul3A_984 : vector<16xf32>
        %mul3A_1236 = arith.constant 1.500000e+01 : f32
        %mul3A_1237 = vector.broadcast %mul3A_1236 : f32 to vector<16xf32>
        %mul3A_1238 = arith.mulf %mul3A_1237, %add3A_1235 : vector<16xf32>
        %mul3A_1239 = arith.mulf %mul3A_1238, %mul3A_980 : vector<16xf32>
        %sub3A_1240 = arith.subf %mul3A_1234, %mul3A_1239 : vector<16xf32>
        %mul3A_1241 = arith.constant 3.000000e+00 : f32
        %mul3A_1242 = vector.broadcast %mul3A_1241 : f32 to vector<16xf32>
        %mul3A_1243 = arith.mulf %mul3A_1242, %mul3A_979 : vector<16xf32>
        %add3A_1244 = arith.addf %sub3A_1240, %mul3A_1243 : vector<16xf32>
        %mul3A_1245 = arith.constant 1.050000e+02 : f32
        %mul3A_1246 = vector.broadcast %mul3A_1245 : f32 to vector<16xf32>
        %mul3A_1247 = arith.mulf %mul3A_1246, %mul3A_983 : vector<16xf32>
        %mul3A_1248 = arith.mulf %mul3A_1247, %mul3A_986 : vector<16xf32>
        %mul3A_1249 = arith.mulf %mul3A_1248, %mul3A_981 : vector<16xf32>
        %mul3A_1250 = arith.constant 1.500000e+01 : f32
        %mul3A_1251 = vector.broadcast %mul3A_1250 : f32 to vector<16xf32>
        %mul3A_1252 = arith.mulf %mul3A_1251, %mul3A_986 : vector<16xf32>
        %mul3A_1253 = arith.mulf %mul3A_1252, %mul3A_980 : vector<16xf32>
        %sub3A_1254 = arith.subf %mul3A_1249, %mul3A_1253 : vector<16xf32>
        %mul3A_1255 = arith.constant 1.050000e+02 : f32
        %mul3A_1256 = vector.broadcast %mul3A_1255 : f32 to vector<16xf32>
        %mul3A_1257 = arith.mulf %mul3A_1256, %mul3A_984 : vector<16xf32>
        %mul3A_1258 = arith.mulf %mul3A_1257, %mul3A_984 : vector<16xf32>
        %mul3A_1259 = arith.mulf %mul3A_1258, %mul3A_981 : vector<16xf32>
        %mul3A_1260 = arith.constant 9.000000e+01 : f32
        %mul3A_1261 = vector.broadcast %mul3A_1260 : f32 to vector<16xf32>
        %mul3A_1262 = arith.mulf %mul3A_1261, %mul3A_984 : vector<16xf32>
        %mul3A_1263 = arith.mulf %mul3A_1262, %mul3A_980 : vector<16xf32>
        %sub3A_1264 = arith.subf %mul3A_1259, %mul3A_1263 : vector<16xf32>
        %mul3A_1265 = arith.constant 9.000000e+00 : f32
        %mul3A_1266 = vector.broadcast %mul3A_1265 : f32 to vector<16xf32>
        %mul3A_1267 = arith.mulf %mul3A_1266, %mul3A_979 : vector<16xf32>
        %add3A_1268 = arith.addf %sub3A_1264, %mul3A_1267 : vector<16xf32>
        %mul3A_1269 = arith.constant 1.050000e+02 : f32
        %mul3A_1270 = vector.broadcast %mul3A_1269 : f32 to vector<16xf32>
        %mul3A_1271 = arith.mulf %mul3A_1270, %mul3A_984 : vector<16xf32>
        %mul3A_1272 = arith.mulf %mul3A_1271, %mul3A_986 : vector<16xf32>
        %mul3A_1273 = arith.mulf %mul3A_1272, %mul3A_981 : vector<16xf32>
        %mul3A_1274 = arith.constant 4.500000e+01 : f32
        %mul3A_1275 = vector.broadcast %mul3A_1274 : f32 to vector<16xf32>
        %mul3A_1276 = arith.mulf %mul3A_1275, %mul3A_986 : vector<16xf32>
        %mul3A_1277 = arith.mulf %mul3A_1276, %mul3A_980 : vector<16xf32>
        %sub3A_1278 = arith.subf %mul3A_1273, %mul3A_1277 : vector<16xf32>
        %mul3A_1279 = arith.constant 1.050000e+02 : f32
        %mul3A_1280 = vector.broadcast %mul3A_1279 : f32 to vector<16xf32>
        %mul3A_1281 = arith.mulf %mul3A_1280, %mul3A_984 : vector<16xf32>
        %mul3A_1282 = arith.mulf %mul3A_1281, %mul3A_987 : vector<16xf32>
        %mul3A_1283 = arith.mulf %mul3A_1282, %mul3A_981 : vector<16xf32>
        %mul3A_1284 = arith.constant 4.500000e+01 : f32
        %mul3A_1285 = vector.broadcast %mul3A_1284 : f32 to vector<16xf32>
        %mul3A_1286 = arith.mulf %mul3A_1285, %mul3A_987 : vector<16xf32>
        %mul3A_1287 = arith.mulf %mul3A_1286, %mul3A_980 : vector<16xf32>
        %sub3A_1288 = arith.subf %mul3A_1283, %mul3A_1287 : vector<16xf32>
        %mul3A_1289 = arith.constant 1.050000e+02 : f32
        %mul3A_1290 = vector.broadcast %mul3A_1289 : f32 to vector<16xf32>
        %mul3A_1291 = arith.mulf %mul3A_1290, %mul3A_984 : vector<16xf32>
        %mul3A_1292 = arith.mulf %mul3A_1291, %mul3A_985 : vector<16xf32>
        %mul3A_1293 = arith.mulf %mul3A_1292, %mul3A_981 : vector<16xf32>
        %mul3A_1294 = arith.constant 1.500000e+01 : f32
        %mul3A_1295 = vector.broadcast %mul3A_1294 : f32 to vector<16xf32>
        %mul3A_1296 = arith.mulf %mul3A_1295, %mul3A_985 : vector<16xf32>
        %mul3A_1297 = arith.mulf %mul3A_1296, %mul3A_980 : vector<16xf32>
        %sub3A_1298 = arith.subf %mul3A_1293, %mul3A_1297 : vector<16xf32>
        %mul3A_1299 = arith.mulf %gather3A_621, %gather3A_651 : vector<16xf32>
        %mul3A_1300 = arith.mulf %mul3A_977, %mul3A_1299 : vector<16xf32>
        %mul3A_1301 = arith.mulf %gather3A_621, %gather3A_654 : vector<16xf32>
        %neg3A_1302 = arith.constant 0.000000e+00 : f32
        %neg3A_1303 = vector.broadcast %neg3A_1302 : f32 to vector<16xf32>
        %neg3A_1304 = arith.subf %neg3A_1303, %mul3A_1301 : vector<16xf32>
        %mul3A_1305 = arith.mulf %gather3A_624, %gather3A_651 : vector<16xf32>
        %add3A_1306 = arith.addf %neg3A_1304, %mul3A_1305 : vector<16xf32>
        %mul3A_1307 = arith.mulf %mul3A_991, %add3A_1306 : vector<16xf32>
        %add3A_1308 = arith.addf %mul3A_1300, %mul3A_1307 : vector<16xf32>
        %mul3A_1309 = arith.mulf %gather3A_621, %gather3A_657 : vector<16xf32>
        %neg3A_1310 = arith.constant 0.000000e+00 : f32
        %neg3A_1311 = vector.broadcast %neg3A_1310 : f32 to vector<16xf32>
        %neg3A_1312 = arith.subf %neg3A_1311, %mul3A_1309 : vector<16xf32>
        %mul3A_1313 = arith.mulf %gather3A_627, %gather3A_651 : vector<16xf32>
        %add3A_1314 = arith.addf %neg3A_1312, %mul3A_1313 : vector<16xf32>
        %mul3A_1315 = arith.mulf %mul3A_995, %add3A_1314 : vector<16xf32>
        %add3A_1316 = arith.addf %add3A_1308, %mul3A_1315 : vector<16xf32>
        %mul3A_1317 = arith.mulf %gather3A_621, %gather3A_660 : vector<16xf32>
        %neg3A_1318 = arith.constant 0.000000e+00 : f32
        %neg3A_1319 = vector.broadcast %neg3A_1318 : f32 to vector<16xf32>
        %neg3A_1320 = arith.subf %neg3A_1319, %mul3A_1317 : vector<16xf32>
        %mul3A_1321 = arith.mulf %gather3A_630, %gather3A_651 : vector<16xf32>
        %add3A_1322 = arith.addf %neg3A_1320, %mul3A_1321 : vector<16xf32>
        %mul3A_1323 = arith.mulf %mul3A_999, %add3A_1322 : vector<16xf32>
        %add3A_1324 = arith.addf %add3A_1316, %mul3A_1323 : vector<16xf32>
        %mul3A_1325 = arith.mulf %gather3A_621, %gather3A_663 : vector<16xf32>
        %mul3A_1326 = arith.mulf %gather3A_624, %gather3A_654 : vector<16xf32>
        %neg3A_1327 = arith.constant 0.000000e+00 : f32
        %neg3A_1328 = vector.broadcast %neg3A_1327 : f32 to vector<16xf32>
        %neg3A_1329 = arith.subf %neg3A_1328, %mul3A_1326 : vector<16xf32>
        %add3A_1330 = arith.addf %mul3A_1325, %neg3A_1329 : vector<16xf32>
        %mul3A_1331 = arith.mulf %gather3A_633, %gather3A_651 : vector<16xf32>
        %add3A_1332 = arith.addf %add3A_1330, %mul3A_1331 : vector<16xf32>
        %mul3A_1333 = arith.mulf %sub3A_1004, %add3A_1332 : vector<16xf32>
        %add3A_1334 = arith.addf %add3A_1324, %mul3A_1333 : vector<16xf32>
        %mul3A_1335 = arith.mulf %gather3A_621, %gather3A_666 : vector<16xf32>
        %mul3A_1336 = arith.mulf %gather3A_624, %gather3A_657 : vector<16xf32>
        %neg3A_1337 = arith.constant 0.000000e+00 : f32
        %neg3A_1338 = vector.broadcast %neg3A_1337 : f32 to vector<16xf32>
        %neg3A_1339 = arith.subf %neg3A_1338, %mul3A_1336 : vector<16xf32>
        %add3A_1340 = arith.addf %mul3A_1335, %neg3A_1339 : vector<16xf32>
        %mul3A_1341 = arith.mulf %gather3A_627, %gather3A_654 : vector<16xf32>
        %neg3A_1342 = arith.constant 0.000000e+00 : f32
        %neg3A_1343 = vector.broadcast %neg3A_1342 : f32 to vector<16xf32>
        %neg3A_1344 = arith.subf %neg3A_1343, %mul3A_1341 : vector<16xf32>
        %add3A_1345 = arith.addf %add3A_1340, %neg3A_1344 : vector<16xf32>
        %mul3A_1346 = arith.mulf %gather3A_636, %gather3A_651 : vector<16xf32>
        %add3A_1347 = arith.addf %add3A_1345, %mul3A_1346 : vector<16xf32>
        %mul3A_1348 = arith.mulf %mul3A_1008, %add3A_1347 : vector<16xf32>
        %add3A_1349 = arith.addf %add3A_1334, %mul3A_1348 : vector<16xf32>
        %mul3A_1350 = arith.mulf %gather3A_621, %gather3A_669 : vector<16xf32>
        %mul3A_1351 = arith.mulf %gather3A_624, %gather3A_660 : vector<16xf32>
        %neg3A_1352 = arith.constant 0.000000e+00 : f32
        %neg3A_1353 = vector.broadcast %neg3A_1352 : f32 to vector<16xf32>
        %neg3A_1354 = arith.subf %neg3A_1353, %mul3A_1351 : vector<16xf32>
        %add3A_1355 = arith.addf %mul3A_1350, %neg3A_1354 : vector<16xf32>
        %mul3A_1356 = arith.mulf %gather3A_630, %gather3A_654 : vector<16xf32>
        %neg3A_1357 = arith.constant 0.000000e+00 : f32
        %neg3A_1358 = vector.broadcast %neg3A_1357 : f32 to vector<16xf32>
        %neg3A_1359 = arith.subf %neg3A_1358, %mul3A_1356 : vector<16xf32>
        %add3A_1360 = arith.addf %add3A_1355, %neg3A_1359 : vector<16xf32>
        %mul3A_1361 = arith.mulf %gather3A_639, %gather3A_651 : vector<16xf32>
        %add3A_1362 = arith.addf %add3A_1360, %mul3A_1361 : vector<16xf32>
        %mul3A_1363 = arith.mulf %mul3A_1012, %add3A_1362 : vector<16xf32>
        %add3A_1364 = arith.addf %add3A_1349, %mul3A_1363 : vector<16xf32>
        %mul3A_1365 = arith.mulf %gather3A_621, %gather3A_672 : vector<16xf32>
        %mul3A_1366 = arith.mulf %gather3A_627, %gather3A_657 : vector<16xf32>
        %neg3A_1367 = arith.constant 0.000000e+00 : f32
        %neg3A_1368 = vector.broadcast %neg3A_1367 : f32 to vector<16xf32>
        %neg3A_1369 = arith.subf %neg3A_1368, %mul3A_1366 : vector<16xf32>
        %add3A_1370 = arith.addf %mul3A_1365, %neg3A_1369 : vector<16xf32>
        %mul3A_1371 = arith.mulf %gather3A_642, %gather3A_651 : vector<16xf32>
        %add3A_1372 = arith.addf %add3A_1370, %mul3A_1371 : vector<16xf32>
        %mul3A_1373 = arith.mulf %sub3A_1017, %add3A_1372 : vector<16xf32>
        %add3A_1374 = arith.addf %add3A_1364, %mul3A_1373 : vector<16xf32>
        %mul3A_1375 = arith.mulf %gather3A_621, %gather3A_675 : vector<16xf32>
        %mul3A_1376 = arith.mulf %gather3A_627, %gather3A_660 : vector<16xf32>
        %neg3A_1377 = arith.constant 0.000000e+00 : f32
        %neg3A_1378 = vector.broadcast %neg3A_1377 : f32 to vector<16xf32>
        %neg3A_1379 = arith.subf %neg3A_1378, %mul3A_1376 : vector<16xf32>
        %add3A_1380 = arith.addf %mul3A_1375, %neg3A_1379 : vector<16xf32>
        %mul3A_1381 = arith.mulf %gather3A_630, %gather3A_657 : vector<16xf32>
        %neg3A_1382 = arith.constant 0.000000e+00 : f32
        %neg3A_1383 = vector.broadcast %neg3A_1382 : f32 to vector<16xf32>
        %neg3A_1384 = arith.subf %neg3A_1383, %mul3A_1381 : vector<16xf32>
        %add3A_1385 = arith.addf %add3A_1380, %neg3A_1384 : vector<16xf32>
        %mul3A_1386 = arith.mulf %gather3A_645, %gather3A_651 : vector<16xf32>
        %add3A_1387 = arith.addf %add3A_1385, %mul3A_1386 : vector<16xf32>
        %mul3A_1388 = arith.mulf %mul3A_1021, %add3A_1387 : vector<16xf32>
        %add3A_1389 = arith.addf %add3A_1374, %mul3A_1388 : vector<16xf32>
        %mul3A_1390 = arith.mulf %gather3A_621, %gather3A_678 : vector<16xf32>
        %mul3A_1391 = arith.mulf %gather3A_630, %gather3A_660 : vector<16xf32>
        %neg3A_1392 = arith.constant 0.000000e+00 : f32
        %neg3A_1393 = vector.broadcast %neg3A_1392 : f32 to vector<16xf32>
        %neg3A_1394 = arith.subf %neg3A_1393, %mul3A_1391 : vector<16xf32>
        %add3A_1395 = arith.addf %mul3A_1390, %neg3A_1394 : vector<16xf32>
        %mul3A_1396 = arith.mulf %gather3A_648, %gather3A_651 : vector<16xf32>
        %add3A_1397 = arith.addf %add3A_1395, %mul3A_1396 : vector<16xf32>
        %mul3A_1398 = arith.mulf %sub3A_1026, %add3A_1397 : vector<16xf32>
        %add3A_1399 = arith.addf %add3A_1389, %mul3A_1398 : vector<16xf32>
        %mul3A_1400 = arith.mulf %gather3A_624, %gather3A_663 : vector<16xf32>
        %mul3A_1401 = arith.mulf %gather3A_633, %gather3A_654 : vector<16xf32>
        %neg3A_1402 = arith.constant 0.000000e+00 : f32
        %neg3A_1403 = vector.broadcast %neg3A_1402 : f32 to vector<16xf32>
        %neg3A_1404 = arith.subf %neg3A_1403, %mul3A_1401 : vector<16xf32>
        %add3A_1405 = arith.addf %mul3A_1400, %neg3A_1404 : vector<16xf32>
        %mul3A_1406 = arith.mulf %add3A_1036, %add3A_1405 : vector<16xf32>
        %add3A_1407 = arith.addf %add3A_1399, %mul3A_1406 : vector<16xf32>
        %mul3A_1408 = arith.mulf %gather3A_624, %gather3A_666 : vector<16xf32>
        %mul3A_1409 = arith.mulf %gather3A_627, %gather3A_663 : vector<16xf32>
        %add3A_1410 = arith.addf %mul3A_1408, %mul3A_1409 : vector<16xf32>
        %mul3A_1411 = arith.mulf %gather3A_633, %gather3A_657 : vector<16xf32>
        %neg3A_1412 = arith.constant 0.000000e+00 : f32
        %neg3A_1413 = vector.broadcast %neg3A_1412 : f32 to vector<16xf32>
        %neg3A_1414 = arith.subf %neg3A_1413, %mul3A_1411 : vector<16xf32>
        %add3A_1415 = arith.addf %add3A_1410, %neg3A_1414 : vector<16xf32>
        %mul3A_1416 = arith.mulf %gather3A_636, %gather3A_654 : vector<16xf32>
        %neg3A_1417 = arith.constant 0.000000e+00 : f32
        %neg3A_1418 = vector.broadcast %neg3A_1417 : f32 to vector<16xf32>
        %neg3A_1419 = arith.subf %neg3A_1418, %mul3A_1416 : vector<16xf32>
        %add3A_1420 = arith.addf %add3A_1415, %neg3A_1419 : vector<16xf32>
        %mul3A_1421 = arith.mulf %add3A_1046, %add3A_1420 : vector<16xf32>
        %add3A_1422 = arith.addf %add3A_1407, %mul3A_1421 : vector<16xf32>
        %mul3A_1423 = arith.mulf %gather3A_624, %gather3A_669 : vector<16xf32>
        %mul3A_1424 = arith.mulf %gather3A_630, %gather3A_663 : vector<16xf32>
        %add3A_1425 = arith.addf %mul3A_1423, %mul3A_1424 : vector<16xf32>
        %mul3A_1426 = arith.mulf %gather3A_633, %gather3A_660 : vector<16xf32>
        %neg3A_1427 = arith.constant 0.000000e+00 : f32
        %neg3A_1428 = vector.broadcast %neg3A_1427 : f32 to vector<16xf32>
        %neg3A_1429 = arith.subf %neg3A_1428, %mul3A_1426 : vector<16xf32>
        %add3A_1430 = arith.addf %add3A_1425, %neg3A_1429 : vector<16xf32>
        %mul3A_1431 = arith.mulf %gather3A_639, %gather3A_654 : vector<16xf32>
        %neg3A_1432 = arith.constant 0.000000e+00 : f32
        %neg3A_1433 = vector.broadcast %neg3A_1432 : f32 to vector<16xf32>
        %neg3A_1434 = arith.subf %neg3A_1433, %mul3A_1431 : vector<16xf32>
        %add3A_1435 = arith.addf %add3A_1430, %neg3A_1434 : vector<16xf32>
        %mul3A_1436 = arith.mulf %add3A_1056, %add3A_1435 : vector<16xf32>
        %add3A_1437 = arith.addf %add3A_1422, %mul3A_1436 : vector<16xf32>
        %mul3A_1438 = arith.mulf %gather3A_624, %gather3A_672 : vector<16xf32>
        %mul3A_1439 = arith.mulf %gather3A_627, %gather3A_666 : vector<16xf32>
        %add3A_1440 = arith.addf %mul3A_1438, %mul3A_1439 : vector<16xf32>
        %mul3A_1441 = arith.mulf %gather3A_636, %gather3A_657 : vector<16xf32>
        %neg3A_1442 = arith.constant 0.000000e+00 : f32
        %neg3A_1443 = vector.broadcast %neg3A_1442 : f32 to vector<16xf32>
        %neg3A_1444 = arith.subf %neg3A_1443, %mul3A_1441 : vector<16xf32>
        %add3A_1445 = arith.addf %add3A_1440, %neg3A_1444 : vector<16xf32>
        %mul3A_1446 = arith.mulf %gather3A_642, %gather3A_654 : vector<16xf32>
        %neg3A_1447 = arith.constant 0.000000e+00 : f32
        %neg3A_1448 = vector.broadcast %neg3A_1447 : f32 to vector<16xf32>
        %neg3A_1449 = arith.subf %neg3A_1448, %mul3A_1446 : vector<16xf32>
        %add3A_1450 = arith.addf %add3A_1445, %neg3A_1449 : vector<16xf32>
        %mul3A_1451 = arith.mulf %add3A_1076, %add3A_1450 : vector<16xf32>
        %add3A_1452 = arith.addf %add3A_1437, %mul3A_1451 : vector<16xf32>
        %mul3A_1453 = arith.mulf %gather3A_624, %gather3A_675 : vector<16xf32>
        %mul3A_1454 = arith.mulf %gather3A_627, %gather3A_669 : vector<16xf32>
        %add3A_1455 = arith.addf %mul3A_1453, %mul3A_1454 : vector<16xf32>
        %mul3A_1456 = arith.mulf %gather3A_630, %gather3A_666 : vector<16xf32>
        %add3A_1457 = arith.addf %add3A_1455, %mul3A_1456 : vector<16xf32>
        %mul3A_1458 = arith.mulf %gather3A_636, %gather3A_660 : vector<16xf32>
        %neg3A_1459 = arith.constant 0.000000e+00 : f32
        %neg3A_1460 = vector.broadcast %neg3A_1459 : f32 to vector<16xf32>
        %neg3A_1461 = arith.subf %neg3A_1460, %mul3A_1458 : vector<16xf32>
        %add3A_1462 = arith.addf %add3A_1457, %neg3A_1461 : vector<16xf32>
        %mul3A_1463 = arith.mulf %gather3A_639, %gather3A_657 : vector<16xf32>
        %neg3A_1464 = arith.constant 0.000000e+00 : f32
        %neg3A_1465 = vector.broadcast %neg3A_1464 : f32 to vector<16xf32>
        %neg3A_1466 = arith.subf %neg3A_1465, %mul3A_1463 : vector<16xf32>
        %add3A_1467 = arith.addf %add3A_1462, %neg3A_1466 : vector<16xf32>
        %mul3A_1468 = arith.mulf %gather3A_645, %gather3A_654 : vector<16xf32>
        %neg3A_1469 = arith.constant 0.000000e+00 : f32
        %neg3A_1470 = vector.broadcast %neg3A_1469 : f32 to vector<16xf32>
        %neg3A_1471 = arith.subf %neg3A_1470, %mul3A_1468 : vector<16xf32>
        %add3A_1472 = arith.addf %add3A_1467, %neg3A_1471 : vector<16xf32>
        %mul3A_1473 = arith.mulf %mul3A_1121, %add3A_1472 : vector<16xf32>
        %add3A_1474 = arith.addf %add3A_1452, %mul3A_1473 : vector<16xf32>
        %mul3A_1475 = arith.mulf %gather3A_624, %gather3A_678 : vector<16xf32>
        %mul3A_1476 = arith.mulf %gather3A_630, %gather3A_669 : vector<16xf32>
        %add3A_1477 = arith.addf %mul3A_1475, %mul3A_1476 : vector<16xf32>
        %mul3A_1478 = arith.mulf %gather3A_639, %gather3A_660 : vector<16xf32>
        %neg3A_1479 = arith.constant 0.000000e+00 : f32
        %neg3A_1480 = vector.broadcast %neg3A_1479 : f32 to vector<16xf32>
        %neg3A_1481 = arith.subf %neg3A_1480, %mul3A_1478 : vector<16xf32>
        %add3A_1482 = arith.addf %add3A_1477, %neg3A_1481 : vector<16xf32>
        %mul3A_1483 = arith.mulf %gather3A_648, %gather3A_654 : vector<16xf32>
        %neg3A_1484 = arith.constant 0.000000e+00 : f32
        %neg3A_1485 = vector.broadcast %neg3A_1484 : f32 to vector<16xf32>
        %neg3A_1486 = arith.subf %neg3A_1485, %mul3A_1483 : vector<16xf32>
        %add3A_1487 = arith.addf %add3A_1482, %neg3A_1486 : vector<16xf32>
        %mul3A_1488 = arith.mulf %add3A_1106, %add3A_1487 : vector<16xf32>
        %add3A_1489 = arith.addf %add3A_1474, %mul3A_1488 : vector<16xf32>
        %mul3A_1490 = arith.mulf %gather3A_627, %gather3A_672 : vector<16xf32>
        %mul3A_1491 = arith.mulf %gather3A_642, %gather3A_657 : vector<16xf32>
        %neg3A_1492 = arith.constant 0.000000e+00 : f32
        %neg3A_1493 = vector.broadcast %neg3A_1492 : f32 to vector<16xf32>
        %neg3A_1494 = arith.subf %neg3A_1493, %mul3A_1491 : vector<16xf32>
        %add3A_1495 = arith.addf %mul3A_1490, %neg3A_1494 : vector<16xf32>
        %mul3A_1496 = arith.mulf %add3A_1066, %add3A_1495 : vector<16xf32>
        %add3A_1497 = arith.addf %add3A_1489, %mul3A_1496 : vector<16xf32>
        %mul3A_1498 = arith.mulf %gather3A_627, %gather3A_675 : vector<16xf32>
        %mul3A_1499 = arith.mulf %gather3A_630, %gather3A_672 : vector<16xf32>
        %add3A_1500 = arith.addf %mul3A_1498, %mul3A_1499 : vector<16xf32>
        %mul3A_1501 = arith.mulf %gather3A_642, %gather3A_660 : vector<16xf32>
        %neg3A_1502 = arith.constant 0.000000e+00 : f32
        %neg3A_1503 = vector.broadcast %neg3A_1502 : f32 to vector<16xf32>
        %neg3A_1504 = arith.subf %neg3A_1503, %mul3A_1501 : vector<16xf32>
        %add3A_1505 = arith.addf %add3A_1500, %neg3A_1504 : vector<16xf32>
        %mul3A_1506 = arith.mulf %gather3A_645, %gather3A_657 : vector<16xf32>
        %neg3A_1507 = arith.constant 0.000000e+00 : f32
        %neg3A_1508 = vector.broadcast %neg3A_1507 : f32 to vector<16xf32>
        %neg3A_1509 = arith.subf %neg3A_1508, %mul3A_1506 : vector<16xf32>
        %add3A_1510 = arith.addf %add3A_1505, %neg3A_1509 : vector<16xf32>
        %mul3A_1511 = arith.mulf %add3A_1086, %add3A_1510 : vector<16xf32>
        %add3A_1512 = arith.addf %add3A_1497, %mul3A_1511 : vector<16xf32>
        %mul3A_1513 = arith.mulf %gather3A_627, %gather3A_678 : vector<16xf32>
        %mul3A_1514 = arith.mulf %gather3A_630, %gather3A_675 : vector<16xf32>
        %add3A_1515 = arith.addf %mul3A_1513, %mul3A_1514 : vector<16xf32>
        %mul3A_1516 = arith.mulf %gather3A_645, %gather3A_660 : vector<16xf32>
        %neg3A_1517 = arith.constant 0.000000e+00 : f32
        %neg3A_1518 = vector.broadcast %neg3A_1517 : f32 to vector<16xf32>
        %neg3A_1519 = arith.subf %neg3A_1518, %mul3A_1516 : vector<16xf32>
        %add3A_1520 = arith.addf %add3A_1515, %neg3A_1519 : vector<16xf32>
        %mul3A_1521 = arith.mulf %gather3A_648, %gather3A_657 : vector<16xf32>
        %neg3A_1522 = arith.constant 0.000000e+00 : f32
        %neg3A_1523 = vector.broadcast %neg3A_1522 : f32 to vector<16xf32>
        %neg3A_1524 = arith.subf %neg3A_1523, %mul3A_1521 : vector<16xf32>
        %add3A_1525 = arith.addf %add3A_1520, %neg3A_1524 : vector<16xf32>
        %mul3A_1526 = arith.mulf %add3A_1116, %add3A_1525 : vector<16xf32>
        %add3A_1527 = arith.addf %add3A_1512, %mul3A_1526 : vector<16xf32>
        %mul3A_1528 = arith.mulf %gather3A_630, %gather3A_678 : vector<16xf32>
        %mul3A_1529 = arith.mulf %gather3A_648, %gather3A_660 : vector<16xf32>
        %neg3A_1530 = arith.constant 0.000000e+00 : f32
        %neg3A_1531 = vector.broadcast %neg3A_1530 : f32 to vector<16xf32>
        %neg3A_1532 = arith.subf %neg3A_1531, %mul3A_1529 : vector<16xf32>
        %add3A_1533 = arith.addf %mul3A_1528, %neg3A_1532 : vector<16xf32>
        %mul3A_1534 = arith.mulf %add3A_1096, %add3A_1533 : vector<16xf32>
        %add3A_1535 = arith.addf %add3A_1527, %mul3A_1534 : vector<16xf32>
        %mul3A_1536 = arith.mulf %gather3A_633, %gather3A_663 : vector<16xf32>
        %mul3A_1537 = arith.mulf %add3A_1135, %mul3A_1536 : vector<16xf32>
        %add3A_1538 = arith.addf %add3A_1535, %mul3A_1537 : vector<16xf32>
        %mul3A_1539 = arith.mulf %gather3A_633, %gather3A_666 : vector<16xf32>
        %mul3A_1540 = arith.mulf %gather3A_636, %gather3A_663 : vector<16xf32>
        %add3A_1541 = arith.addf %mul3A_1539, %mul3A_1540 : vector<16xf32>
        %mul3A_1542 = arith.mulf %sub3A_1145, %add3A_1541 : vector<16xf32>
        %add3A_1543 = arith.addf %add3A_1538, %mul3A_1542 : vector<16xf32>
        %mul3A_1544 = arith.mulf %gather3A_633, %gather3A_669 : vector<16xf32>
        %mul3A_1545 = arith.mulf %gather3A_639, %gather3A_663 : vector<16xf32>
        %add3A_1546 = arith.addf %mul3A_1544, %mul3A_1545 : vector<16xf32>
        %mul3A_1547 = arith.mulf %sub3A_1155, %add3A_1546 : vector<16xf32>
        %add3A_1548 = arith.addf %add3A_1543, %mul3A_1547 : vector<16xf32>
        %mul3A_1549 = arith.mulf %gather3A_633, %gather3A_672 : vector<16xf32>
        %mul3A_1550 = arith.mulf %gather3A_636, %gather3A_666 : vector<16xf32>
        %add3A_1551 = arith.addf %mul3A_1549, %mul3A_1550 : vector<16xf32>
        %mul3A_1552 = arith.mulf %gather3A_642, %gather3A_663 : vector<16xf32>
        %add3A_1553 = arith.addf %add3A_1551, %mul3A_1552 : vector<16xf32>
        %mul3A_1554 = arith.mulf %add3A_1170, %add3A_1553 : vector<16xf32>
        %add3A_1555 = arith.addf %add3A_1548, %mul3A_1554 : vector<16xf32>
        %mul3A_1556 = arith.mulf %gather3A_633, %gather3A_675 : vector<16xf32>
        %mul3A_1557 = arith.mulf %gather3A_636, %gather3A_669 : vector<16xf32>
        %add3A_1558 = arith.addf %mul3A_1556, %mul3A_1557 : vector<16xf32>
        %mul3A_1559 = arith.mulf %gather3A_639, %gather3A_666 : vector<16xf32>
        %add3A_1560 = arith.addf %add3A_1558, %mul3A_1559 : vector<16xf32>
        %mul3A_1561 = arith.mulf %gather3A_645, %gather3A_663 : vector<16xf32>
        %add3A_1562 = arith.addf %add3A_1560, %mul3A_1561 : vector<16xf32>
        %mul3A_1563 = arith.mulf %sub3A_1195, %add3A_1562 : vector<16xf32>
        %add3A_1564 = arith.addf %add3A_1555, %mul3A_1563 : vector<16xf32>
        %mul3A_1565 = arith.mulf %gather3A_633, %gather3A_678 : vector<16xf32>
        %mul3A_1566 = arith.mulf %gather3A_639, %gather3A_669 : vector<16xf32>
        %add3A_1567 = arith.addf %mul3A_1565, %mul3A_1566 : vector<16xf32>
        %mul3A_1568 = arith.mulf %gather3A_648, %gather3A_663 : vector<16xf32>
        %add3A_1569 = arith.addf %add3A_1567, %mul3A_1568 : vector<16xf32>
        %mul3A_1570 = arith.mulf %add3A_1185, %add3A_1569 : vector<16xf32>
        %add3A_1571 = arith.addf %add3A_1564, %mul3A_1570 : vector<16xf32>
        %mul3A_1572 = arith.mulf %gather3A_636, %gather3A_672 : vector<16xf32>
        %mul3A_1573 = arith.mulf %gather3A_642, %gather3A_666 : vector<16xf32>
        %add3A_1574 = arith.addf %mul3A_1572, %mul3A_1573 : vector<16xf32>
        %mul3A_1575 = arith.mulf %sub3A_1219, %add3A_1574 : vector<16xf32>
        %add3A_1576 = arith.addf %add3A_1571, %mul3A_1575 : vector<16xf32>
        %mul3A_1577 = arith.mulf %gather3A_636, %gather3A_675 : vector<16xf32>
        %mul3A_1578 = arith.mulf %gather3A_639, %gather3A_672 : vector<16xf32>
        %add3A_1579 = arith.addf %mul3A_1577, %mul3A_1578 : vector<16xf32>
        %mul3A_1580 = arith.mulf %gather3A_642, %gather3A_669 : vector<16xf32>
        %add3A_1581 = arith.addf %add3A_1579, %mul3A_1580 : vector<16xf32>
        %mul3A_1582 = arith.mulf %gather3A_645, %gather3A_666 : vector<16xf32>
        %add3A_1583 = arith.addf %add3A_1581, %mul3A_1582 : vector<16xf32>
        %mul3A_1584 = arith.mulf %sub3A_1254, %add3A_1583 : vector<16xf32>
        %add3A_1585 = arith.addf %add3A_1576, %mul3A_1584 : vector<16xf32>
        %mul3A_1586 = arith.mulf %gather3A_636, %gather3A_678 : vector<16xf32>
        %mul3A_1587 = arith.mulf %gather3A_639, %gather3A_675 : vector<16xf32>
        %add3A_1588 = arith.addf %mul3A_1586, %mul3A_1587 : vector<16xf32>
        %mul3A_1589 = arith.mulf %gather3A_645, %gather3A_669 : vector<16xf32>
        %add3A_1590 = arith.addf %add3A_1588, %mul3A_1589 : vector<16xf32>
        %mul3A_1591 = arith.mulf %gather3A_648, %gather3A_666 : vector<16xf32>
        %add3A_1592 = arith.addf %add3A_1590, %mul3A_1591 : vector<16xf32>
        %mul3A_1593 = arith.mulf %sub3A_1298, %add3A_1592 : vector<16xf32>
        %add3A_1594 = arith.addf %add3A_1585, %mul3A_1593 : vector<16xf32>
        %mul3A_1595 = arith.mulf %gather3A_639, %gather3A_678 : vector<16xf32>
        %mul3A_1596 = arith.mulf %gather3A_648, %gather3A_669 : vector<16xf32>
        %add3A_1597 = arith.addf %mul3A_1595, %mul3A_1596 : vector<16xf32>
        %mul3A_1598 = arith.mulf %sub3A_1278, %add3A_1597 : vector<16xf32>
        %add3A_1599 = arith.addf %add3A_1594, %mul3A_1598 : vector<16xf32>
        %mul3A_1600 = arith.mulf %gather3A_642, %gather3A_672 : vector<16xf32>
        %mul3A_1601 = arith.mulf %add3A_1209, %mul3A_1600 : vector<16xf32>
        %add3A_1602 = arith.addf %add3A_1599, %mul3A_1601 : vector<16xf32>
        %mul3A_1603 = arith.mulf %gather3A_642, %gather3A_675 : vector<16xf32>
        %mul3A_1604 = arith.mulf %gather3A_645, %gather3A_672 : vector<16xf32>
        %add3A_1605 = arith.addf %mul3A_1603, %mul3A_1604 : vector<16xf32>
        %mul3A_1606 = arith.mulf %sub3A_1229, %add3A_1605 : vector<16xf32>
        %add3A_1607 = arith.addf %add3A_1602, %mul3A_1606 : vector<16xf32>
        %mul3A_1608 = arith.mulf %gather3A_642, %gather3A_678 : vector<16xf32>
        %mul3A_1609 = arith.mulf %gather3A_645, %gather3A_675 : vector<16xf32>
        %add3A_1610 = arith.addf %mul3A_1608, %mul3A_1609 : vector<16xf32>
        %mul3A_1611 = arith.mulf %gather3A_648, %gather3A_672 : vector<16xf32>
        %add3A_1612 = arith.addf %add3A_1610, %mul3A_1611 : vector<16xf32>
        %mul3A_1613 = arith.mulf %add3A_1244, %add3A_1612 : vector<16xf32>
        %add3A_1614 = arith.addf %add3A_1607, %mul3A_1613 : vector<16xf32>
        %mul3A_1615 = arith.mulf %gather3A_645, %gather3A_678 : vector<16xf32>
        %mul3A_1616 = arith.mulf %gather3A_648, %gather3A_675 : vector<16xf32>
        %add3A_1617 = arith.addf %mul3A_1615, %mul3A_1616 : vector<16xf32>
        %mul3A_1618 = arith.mulf %sub3A_1288, %add3A_1617 : vector<16xf32>
        %add3A_1619 = arith.addf %add3A_1614, %mul3A_1618 : vector<16xf32>
        %mul3A_1620 = arith.mulf %gather3A_648, %gather3A_678 : vector<16xf32>
        %mul3A_1621 = arith.mulf %add3A_1268, %mul3A_1620 : vector<16xf32>
        %add3A_1622 = arith.addf %add3A_1619, %mul3A_1621 : vector<16xf32>
        %le3A = arith.constant 1.000000e+01 : f32
        %le3A_1623 = vector.broadcast %le3A : f32 to vector<16xf32>
        %le3A_1624 = arith.cmpf ole, %mul3A_867, %le3A_1623 : vector<16xf32>
        %jit3A_1625 = arith.constant 0.000000e+00 : f32
        %broadcast_in_dim3A_1626 = vector.broadcast %jit3A_1625 : f32 to vector<16xf32>
        %select_n3A_1627 = arith.select %le3A_1624, %add3A_1622, %broadcast_in_dim3A_1626 : vector<16xi1>, vector<16xf32>
        %jit3A_1628 = arith.constant 0.000000e+00 : f32
        %broadcast_in_dim3A_1629 = vector.broadcast %jit3A_1628 : f32 to vector<16xf32>
        %select_n3A_1630 = arith.select %lt3A_599, %select_n3A_1627, %broadcast_in_dim3A_1629 : vector<16xi1>, vector<16xf32>
        %add3A_1631 = arith.addf %scan3A_592, %select_n3A_1630 : vector<16xf32>
        scf.yield %add3A_1631 : vector<16xf32>
      }
      %scan3A_590 = arith.constant 40 : i32
      scf.yield %scan3A_589 : vector<16xf32>
    }
    %scan3A_237 = arith.constant 20 : i32
    %swap3A = arith.constant 0 : index
    %swap3A_238 = tpu.vector_load %arg13[%swap3A] {strides = array<i32>} : memref<16xf32, #tpu.memory_space<vmem>>, vector<16xf32>,
    tpu.vector_store %arg13[%swap3A], %scan3A_236 {strides = array<i32>} : memref<16xf32, #tpu.memory_space<vmem>>, vector<16xf32>,
    "tpu.region"() ({
      %run_scoped3A = tpu.sem_alloc : memref<!tpu.dma_semaphore, #tpu.memory_space<semaphore_mem>>
      %dma_start3A_239 = arith.constant 0 : i32
      %dma_start3A_240 = tpu.memref_slice %arg5[%add3A, %dma_start3A_239] : memref<32x16xf32, #tpu.memory_space<hbm>> -> memref<1x16xf32, #tpu.memory_space<hbm>>
      %dma_start3A_241 = tpu.memref_squeeze %dma_start3A_240 : memref<1x16xf32, #tpu.memory_space<hbm>> -> memref<16xf32, #tpu.memory_space<hbm>>
      %dma_start3A_242 = arith.constant 0 : i32
      %dma_start3A_243 = tpu.memref_slice %arg5[%add3A, %dma_start3A_242] : memref<32x16xf32, #tpu.memory_space<hbm>> -> memref<1x16xf32, #tpu.memory_space<hbm>>
      %dma_start3A_244 = tpu.memref_squeeze %dma_start3A_243 : memref<1x16xf32, #tpu.memory_space<hbm>> -> memref<16xf32, #tpu.memory_space<hbm>>
      tpu.enqueue_dma source(%arg13 : memref<16xf32, #tpu.memory_space<vmem>>) target(%dma_start3A_244 : memref<16xf32, #tpu.memory_space<hbm>>) target_semaphore(%run_scoped3A : memref<!tpu.dma_semaphore, #tpu.memory_space<semaphore_mem>>)
      %dma_wait3A = arith.constant 0 : i32
      %dma_wait3A_245 = tpu.memref_slice %arg5[%add3A, %dma_wait3A] : memref<32x16xf32, #tpu.memory_space<hbm>> -> memref<1x16xf32, #tpu.memory_space<hbm>>
      %dma_wait3A_246 = tpu.memref_squeeze %dma_wait3A_245 : memref<1x16xf32, #tpu.memory_space<hbm>> -> memref<16xf32, #tpu.memory_space<hbm>>
      %dma_wait3A_247 = arith.constant 0 : i32
      %dma_wait3A_248 = tpu.memref_slice %arg5[%add3A, %dma_wait3A_247] : memref<32x16xf32, #tpu.memory_space<hbm>> -> memref<1x16xf32, #tpu.memory_space<hbm>>
      %dma_wait3A_249 = tpu.memref_squeeze %dma_wait3A_248 : memref<1x16xf32, #tpu.memory_space<hbm>> -> memref<16xf32, #tpu.memory_space<hbm>>
      tpu.wait_dma2 semaphore(%run_scoped3A : memref<!tpu.dma_semaphore, #tpu.memory_space<semaphore_mem>>) src(%arg13 : memref<16xf32, #tpu.memory_space<vmem>>) dst(%dma_wait3A_249 : memref<16xf32, #tpu.memory_space<hbm>>)
      tpu.yield
    }) : () -> ()
    return
  }
}

module attributes {stable_mosaic.version = 14 : i64} {
  func.func @_sum_kernel(%arg0: memref<32x16xf32, #tpu.memory_space<vmem>>, %arg1: memref<1x1xf32, #tpu.memory_space<vmem>>) attributes {dimension_semantics = [], scalar_prefetch = 0 : i64, scratch_operands = 0 : i64, tpu.core_type = #tpu.core_type<tc>} {
    %get3A = arith.constant 0 : index
    %get3A_0 = arith.constant 0 : index
    %get3A_1 = vector.load %arg0[%get3A, %get3A_0] : memref<32x16xf32, #tpu.memory_space<vmem>>, vector<32x16xf32>
    %reduce_sum3A = vector.shape_cast %get3A_1 : vector<32x16xf32> to vector<1x32x16xf32>
    %reduce_sum3A_2 = arith.constant dense<0.000000e+00> : vector<1xf32>
    %reduce_sum3A_3 = vector.multi_reduction <add>, %reduce_sum3A, %reduce_sum3A_2 [1, 2] : vector<1x32x16xf32> to vector<1xf32>
    %reduce_sum3A_4 = vector.shape_cast %reduce_sum3A_3 : vector<1xf32> to vector<1x1x1xf32>
    %reduce_sum3A_5 = vector.extract %reduce_sum3A_4[0, 0, 0] : f32 from vector<1x1x1xf32>
    %mul3A = arith.constant 1.000000e+00 : f32
    %mul3A_6 = arith.mulf %reduce_sum3A_5, %mul3A : f32
    %reshape3A = vector.broadcast %mul3A_6 : f32 to vector<1x1xf32>
    %swap3A = arith.constant 0 : index
    %swap3A_7 = arith.constant 0 : index
    %swap3A_8 = vector.load %arg1[%swap3A, %swap3A_7] : memref<1x1xf32, #tpu.memory_space<vmem>>, vector<1x1xf32>
    tpu.vector_store %arg1[%swap3A, %swap3A_7], %reshape3A {strides = array<i32>} : memref<1x1xf32, #tpu.memory_space<vmem>>, vector<1x1xf32>,
    return
  }
}

</mosaic_0001>

<sc_bundles>
// kernel: kernel.4.cloned.1.call-start
scs
__scs_entry_jumppad:
0x0: {  	(pc) =	sbr.rel $0x88, $3  }
0x1: {  	(tag) =	ssettag $0x0;
	lr =	simm.s32 $0x1  }
0x2: {  	[smem:$0x3F9B] =	sst lr;
	_ =	strace $0xD0000000  }
0x3: {  	_ = 	snop  }
0x4: {  	_ = 	snop  }
0x5: {  	_ = 	snop  }
0x6: {  	_ = 	snop  }
0x7: {  	_ = 	snop  }
__scs_overlays_trampoline_lowered:
0x8: {  	[smem:$0x3FAA] =	sst s0  }
0x9: {  	[smem:$0x3FAB] =	sst s1  }
0xa: {  	[smem:$0x3FAC] =	sst s2  }
0xb: {  	[smem:$0x3FAD] =	sst s3  }
0xc: {  	[smem:$0x3FAE] =	sst s4  }
0xd: {  	[smem:$0x3FAF] =	sst s5  }
0xe: {  	[smem:$0x3FB0] =	sst s6  }
0xf: {  	[smem:$0x3FB1] =	sst s7  }
0x10: {  	[smem:$0x3FB2] =	sst s8  }
0x11: {  	[smem:$0x3FB3] =	sst s9;
	s0 =	simm.s32 @!p0 $0x0  }
0x12: {  	s1 =	sld [smem:$0x3F99];
	s0 =	simm.s32 @p0 $0x1  }
0x13: {  	[smem:$0x3FB4] =	sst s0;
	s0 =	simm.s32 @!p1 $0x0  }
0x14: {  	s2 =	sld [smem:$0x3F98];
	s0 =	simm.s32 @p1 $0x1  }
0x15: {  	[smem:$0x3FB5] =	sst s0;
	s0 =	simm.s32 @!p2 $0x0  }
0x16: {  	s3 =	sld [smem:$0x3FDB];
	s0 =	simm.s32 @p2 $0x1  }
0x17: {  	s4 =	simm.s32 $0x1BF5;
	[smem:$0x3FB7] =	sst s0  }
0x18: {  	s0 =	sld [smem:$0x3F9A];
	_ =	swait.ge [sflag:s4], $0x0  }
0x19: {  	s7 =	sld [smem:$0x3F9B]  }
0x1a: {  	s8 =	sadd.s32 $0xFFFFE003, lr  }
0x1b: {  	s9 =	sadd.s32 $0xFFFFFEF7, lr;
	s5 =	simm.s32 $0xFFFFFFFF;
	p2 =	slt.u32 s8, $0xFFFFF086  }
0x1c: {  	p1 =	slt.u32 s9, $0xF7A;
	s5 =	simm.s32 @!p2 $0x0  }
0x1d: {  	s5 =	simm.s32 @p1 $0x1;
	p0 =	seq.s32 s7, s2  }
0x1e: {  	s7 =	smul.u32 @!p0 $0xF7A, s2;
	p2 =	seq.s32 @!p0 s5, $0x0  }
0x1f: {  	s9 =	smul.u32 $0xF7A, s1;
	s8 =	simm.s32 @!p0 $0x1BF5;
	p2 =	por !p2, p0  }
0x20: {  	[sflag:s8] =	ssyncset.s32 @!p0 $0xFFFFF086;
	s6 =	sadd.s32 @!p0 s3, s7;
	s7 =	simm.s32 @!p0 $0x108  }
0x21: {  	s3 =	sadd.s32 s3, s9;
	s6 =	sadd.s32 @!p0 $0x88, s6;
	s7 =	simm.s32 @p2 $0x1082  }
0x22: {  	[simem:s7], [sflag:s8] =	dma.local @!p0 [hbm:s6], $0xF7A  }
0x23: {  	s9 =	sor.u32 $0xD0000000, s2;
	s6 =	simm.s32 $0x108;
	_ =	swait.ge @!p0 [sflag:s8], $0x0  }
0x24: {  	s3 =	sadd.s32 $0x88, s3;
	s6 =	simm.s32 @!p1 $0x1082;
	[sflag:s4] =	ssyncset.s32 $0xFFFFF086  }
0x25: {  	[simem:s6], [sflag:s4] =	dma.local [hbm:s3], $0xF7A  }
0x26: {  	[smem:$0x3F9B] =	sst s1;
	(tag) =	ssettag s2;
	_ =	strace s9  }
0x27: {  	s1 =	sld [smem:$0x3FAB]  }
0x28: {  	s2 =	sld [smem:$0x3FAC]  }
0x29: {  	s4 =	sld [smem:$0x3FAE]  }
0x2a: {  	p0 =	seq.s32 s5, $0x0;
	s5 =	sld [smem:$0x3FAF]  }
0x2b: {  	s6 =	sld [smem:$0x3FB0]  }
0x2c: {  	s7 =	sld [smem:$0x3FB1]  }
0x2d: {  	s3 =	simm.s32 $0x108;
	s8 =	sld [smem:$0x3FB2]  }
0x2e: {  	s3 =	simm.s32 @!p0 $0x1082;
	s9 =	sld [smem:$0x3FB3]  }
0x2f: {  	lr =	sadd.s32 s0, s3;
	s0 =	sld [smem:$0x3FAA]  }
0x30: {  	s3 =	sld [smem:$0x3FAD]  }
0x31: {  	[smem:$0x3FB6] =	sst s10  }
0x32: {  	s10 =	sld [smem:$0x3FB4];
	_ =	sdelay $0x3  }
0x33: {  	p0 =	seq.s32 s10, $0x1;
	s10 =	sld [smem:$0x3FB6];
	_ =	sdelay $0x3  }
0x34: {  	[smem:$0x3FB6] =	sst s10  }
0x35: {  	s10 =	sld [smem:$0x3FB5];
	_ =	sdelay $0x3  }
0x36: {  	p1 =	seq.s32 s10, $0x1;
	s10 =	sld [smem:$0x3FB6];
	_ =	sdelay $0x3  }
0x37: {  	[smem:$0x3FB6] =	sst s10  }
0x38: {  	s10 =	sld [smem:$0x3FB7]  }
0x39: {  	_ = 	snop;
	(pc) =	sbr.ind lr, $3  }
0x3a: {  	_ = 	snop  }
0x3b: {  	_ = 	snop  }
0x3c: {  	p2 =	seq.s32 s10, $0x1;
	s10 =	sld [smem:$0x3FB6]  }
0x3d: {  	_ =	shalt  }
0x3e: {  	_ =	shalt  }
0x3f: {  	_ =	shalt  }
0x40: {  	_ =	shalt  }
0x41: {  	_ =	shalt  }
0x42: {  	_ =	shalt  }
0x43: {  	_ =	shalt  }
0x44: {  	_ =	shalt  }
0x45: {  	_ =	shalt  }
0x46: {  	_ =	shalt  }
0x47: {  	_ =	shalt  }
0x48: {  	_ =	shalt  }
0x49: {  	_ =	shalt  }
0x4a: {  	_ =	shalt  }
0x4b: {  	_ =	shalt  }
0x4c: {  	_ =	shalt  }
0x4d: {  	_ =	shalt  }
0x4e: {  	_ =	shalt  }
0x4f: {  	_ =	shalt  }
0x50: {  	_ =	shalt  }
0x51: {  	_ =	shalt  }
0x52: {  	_ =	shalt  }
0x53: {  	_ =	shalt  }
0x54: {  	_ =	shalt  }
0x55: {  	_ =	shalt  }
0x56: {  	_ =	shalt  }
0x57: {  	_ =	shalt  }
0x58: {  	_ =	shalt  }
0x59: {  	_ =	shalt  }
0x5a: {  	_ =	shalt  }
0x5b: {  	_ =	shalt  }
0x5c: {  	_ =	shalt  }
0x5d: {  	_ =	shalt  }
0x5e: {  	_ =	shalt  }
0x5f: {  	_ =	shalt  }
0x60: {  	_ =	shalt  }
0x61: {  	_ =	shalt  }
0x62: {  	_ =	shalt  }
0x63: {  	_ =	shalt  }
0x64: {  	_ =	shalt  }
0x65: {  	_ =	shalt  }
0x66: {  	_ =	shalt  }
0x67: {  	_ =	shalt  }
0x68: {  	_ =	shalt  }
0x69: {  	_ =	shalt  }
0x6a: {  	_ =	shalt  }
0x6b: {  	_ =	shalt  }
0x6c: {  	_ =	shalt  }
0x6d: {  	_ =	shalt  }
0x6e: {  	_ =	shalt  }
0x6f: {  	_ =	shalt  }
0x70: {  	_ =	shalt  }
0x71: {  	_ =	shalt  }
0x72: {  	_ =	shalt  }
0x73: {  	_ =	shalt  }
0x74: {  	_ =	shalt  }
0x75: {  	_ =	shalt  }
0x76: {  	_ =	shalt  }
0x77: {  	_ =	shalt  }
0x78: {  	_ =	shalt  }
0x79: {  	_ =	shalt  }
0x7a: {  	_ =	shalt  }
0x7b: {  	_ =	shalt  }
0x7c: {  	_ =	shalt  }
0x7d: {  	_ =	shalt  }
0x7e: {  	_ =	shalt  }
0x7f: {  	_ =	shalt  }
0x80: {  	_ =	shalt  }
0x81: {  	_ =	shalt  }
0x82: {  	_ =	shalt  }
0x83: {  	_ =	shalt  }
0x84: {  	_ =	shalt  }
0x85: {  	_ =	shalt  }
0x86: {  	_ =	shalt  }
0x87: {  	_ =	shalt  }
.Lfunc_end0:
.L_simem_size_0:
called_computation_lowered:
.L_overlay_start_0:
0x88: {  	s2 =	sld [smem:$0x3FD9]  }
0x89: {  	s3 =	sld [smem:$0x3FFE];
	_ =	sdelay $0x1  }
0x8a: {  	s1 =	srdreg.scid  }
0x8b: {  	s0 =	sand.u32 $0x1, s1  }
0x8c: {  	s17 =	sshll.u32 s0, $0xA;
	s2 =	sadd.s32 s3, s2  }
0x8d: {  	s2 =	sadd.s32 s2, s17  }
0x8e: {  	[smem:$0x3FC2] =	sst s2  }
0x8f: {  	_ = 	snop  }
0x90: {  	s2 =	sld [smem:$0x3FD0];
	(tm) =	ssettm $0x1  }
0x91: {  	s18 =	sld [smem:$0x3FFB];
	_ =	sdelay $0x3  }
0x92: {  	_ =	strace s18  }
0x93: {  	s3 =	sld [smem:$0x3FFC];
	_ =	sdelay $0x3  }
0x94: {  	_ =	strace s3  }
0x95: {  	s3 =	sld [smem:$0x3FFD];
	_ =	sdelay $0x3  }
0x96: {  	_ =	strace s3  }
0x97: {  	_ =	strace $0x8FFFFFFF  }
0x98: {  	s19 =	sld [smem:$0x3FDB];
	_ =	sdelay $0x1  }
0x99: {  	s4 =	simm.s32 $_scs_section_size  }
0x9a: {  	s5 =	simm.s32 $_size__tile_overlayer_lowered;
	s6 =	simm.s32 $_tile_overlayer_lowered  }
0x9b: {  	s22 =	simm.s32 $0x1BFF;
	s21 =	sshll.u32 s6, $0x1;
	s3 =	sadd.s32 s4, s19  }
0x9c: {  	s7 =	simm.s32 $0x0;
	s20 =	sshll.u32 s5, $0x1;
	s5 =	sadd.s32 s21, s3  }
0x9d: {  	[timem:s7], [sflag:s22] =	dma.local [hbm:s5], s20  }
0x9e: {  	_ =	swait.ge [sflag:s22], s20  }
0x9f: {  	s4 =	ssub.s32 $0x0, s20;
	[sflag:s22] =	ssyncset.done $0x0  }
0xa0: {  	[sflag:s22] =	ssyncadd.s32 s4;
	_ =	sdelay $0x1  }
0xa1: {  	s23 =	simm.s32 $0x1B8B  }
0xa2: {  	_ =	swait.ge [sflag:s23], $0x1  }
0xa3: {  	[sflag:s23] =	ssyncset.done $0x0  }
0xa4: {  	s25 =	simm.s32 $0x1B8E;
	s24 =	sld [smem:$0x3FFE];
	[sflag:s23] =	ssyncadd.s32 $0xFFFFFFFF  }
0xa5: {  	s26 =	simm.s32 $execute0_lowered;
	[smem:$0x3FD2] =	sst s25  }
0xa6: {  	s5 =	sshll.u32 s26, $0x1;
	_ =	strace $0x80000046;
	[dreg:$0x1] =	wrdreg $0xFFFFFFFF  }
0xa7: {  	s28 =	simm.s32 $_size_execute0_lowered;
	s3 =	sadd.s32 s3, s5;
	[dreg:$0x0] =	wrdreg $0x0  }
0xa8: {  	s5 =	sshll.u32 s28, $0x1;
	[dreg:$0x2] =	wrdreg s3  }
0xa9: {  	[dreg:$0x3] =	wrdreg s5  }
0xaa: {  	[dreg:$0x4] =	wrdreg $0xC0  }
0xab: {  	_ =	task [dreg:s7], $0x5FFFF  }
0xac: {  	[dreg:$0x1] =	wrdreg $0xFFFFFFFF  }
0xad: {  	[dreg:$0x0] =	wrdreg $0x60  }
0xae: {  	[dreg:$0x2] =	wrdreg s24  }
0xaf: {  	[dreg:$0x3] =	wrdreg s2  }
0xb0: {  	[dreg:$0x4] =	wrdreg $0x9  }
0xb1: {  	_ =	task.clear_ibuf [dreg:s7], $0x5FFFF;
	_ =	strace $0x90000046  }
0xb2: {  	s29 =	simm.s32 $0x9;
	_ =	strace $0x80000048  }
0xb3: {  	_ =	swait.ge [sflag:s29], $0x1  }
0xb4: {  	[sflag:s29] =	ssyncadd.s32 $0xFFFFFFFF  }
0xb5: {  	_ =	strace $0x90000048  }
0xb6: {  	_ =	sfence  }
0xb7: {  	s30 =	sld [smem:$0x0];
	_ =	sdelay $0x2  }
0xb8: {  	s31 =	sshll.u32 s1, $0xD;
	s1 =	sshrl.u32 s1, $0x2  }
0xb9: {  	s3 =	sand.u32 $0x4000, s31;
	s1 =	sadd.s32 s1, s30  }
0xba: {  	s0 =	sor.u32 s3, s0;
	s1 =	sshll.u32 s1, $0x11  }
0xbb: {  	s0 =	sor.u32 s1, s0  }
0xbc: {  	s0 =	sadd.s32 $0x8F2B, s0  }
0xbd: {  	[sflag:s0] =	ssyncadd.remote.s32 $0x1  }
0xbe: {  	_ =	sfence.sel $0xFFFF  }
0xbf: {  	[dreg:$0x0] =	wrdreg $0xFFFFFFFF;
	(pc) =	sbr.abs _section_cstart, $3  }
0xc0: {  	[dreg:$0x1] =	wrdreg $0xFFFFFFFF  }
0xc1: {  	_ =	task.clear_ibuf [dreg:s7], $0x2FFFF;
	_ =	strace $0x9FFFFFFF  }
0xc2: {  	(tm) =	ssettm $0x7FFFFFFF  }
0xc3: {  	_ =	shalt  }
tec
execute0_lowered:
.L_overlay_start_1:
0x0: {  	(tag) =	ssettag $0x1  }
0x1: {  	s0 =	rddreg [dreg:$0x0];
	s20 =	simm.s32 $0x0;
	s1 =	srdreg.scid  }
0x2: {  	s2 =	stileid.u32;
	s11 =	simm.s32 $0x3;
	[smem:$0x7FF] =	sst s20  }
0x3: {  	s12 =	simm.s32 $0x280;
	s13 =	simm.s32 $0xC8000;
	v0 =	vimm.f32 $3.000000000e+00;
	_ =	strace $0x80000047  }
0x4: {  	s14 =	simm.s32 $0x7D;
	s15 =	simm.s32 $0xA00;
	s16 =	simm.s32 $0x3110;
	v62 =	vimm.f32 $1.500000000e+01;
	(erf) = vrcp.f32 v0  }
0x5: {  	v63 =	vimm.f32 $1.050000000e+02;
	s10 =	simm.s32 $0x1;
	s17 =	simm.s32 $0x5820;
	s19 =	simm.s32 $0x7F30;
	(erf) = vrcp.f32 v62  }
0x6: {  	s24 =	simm.s32 $0x600;
	s28 =	simm.s32 $0x8ED0;
	s29 =	simm.s32 $0x680;
	(erf) = vrcp.f32 v63  }
0x7: {  	s30 =	simm.s32 $0x6F90;
	s31 =	simm.s32 $0x900;
	s8 =	simm.s32 $0x980  }
0x8: {  	s9 =	simm.s32 $0x9E70;
	s1 =	sand.u32 $0x1, s1;
	s2 =	sshll.u32 s2, $0x1  }
0x9: {  	s21 =	simm.s32 $0x0;
	s4 =	sadd.s32 $0xC00, s0;
	s2 =	sor.u32 s1, s2  }
0xa: {  	s1 =	ssub.s32 $0x2, s1;
	s3 =	sshll.u32 s2, $0x1;
	s7 =	smul.u32 $0xC80, s2  }
0xb: {  	s5 =	sadd.s32 $0x19400, s0;
	s6 =	sshrl.u32 s1, $0x1;
	s0 =	sadd.s32 s3, s0  }
0xc: {  	s1 =	ssub.s32 s1, s6;
	s6 =	smul.u32 $0x28, s2;
	s25 =	sadd.s32 s5, s7  }
0xd: {  	s2 =	simm.s32 $0x700;
	s0 =	sadd.s32 $0x4B400, s0;
	[dreg:$0x3] =	wrdreg s25;
	v35 =	vpop (erf)  }
0xe: {  	s3 =	simm.s32 $0x2;
	s26 =	smax.u32 s1, $0x1;
	[dreg:$0x4] =	wrdreg s0;
	v61 =	vpop (erf);
	[tilespmem:$0x1FFF0] =	vst v35  }
0xf: {  	s1 =	simm.s32 $0x500;
	s7 =	simm.s32 $0x7760;
	[dreg:$0x5] =	wrdreg s26;
	v43 =	vpop (erf);
	[tilespmem:$0x1FFD0] =	vst v61  }
0x10: {  	v8 =	vlaneseq.u32;
	v10 =	vimm.f32 $0.0e+00;
	s25 =	simm.s32 $0x67C0;
	s26 =	simm.s32 $0x880;
	s0 =	simm.s32 $0x96A0;
	[tilespmem:$0x1FFE0] =	vst v43  }
.LBB2_1:
0x11: {  	[dreg:$0x6] =	wrdreg s21  }
0x12: {  	s18 =	rddreg [dreg:$0x1];
	s22 =	simm.s32 $0xA640  }
0x13: {  	[tilespmem:s22], [sflag:$0x3] =	stream.linear.gather [hbm4b:s18+s20], $0x30, $0x38;
	[tilespmem:$0xA680] =	vst v63  }
0x14: {  	_ =	swait.ge [sflag:s11], $0x30  }
0x15: {  	[sflag:s11] =	ssyncset.done $0x0  }
0x16: {  	[sflag:s11] =	ssyncadd.s32 $0xFFFFFFD0  }
0x17: {  	v0 =	vld [tilespmem:$0xA640]  }
0x18: {  	v1 =	vld [tilespmem:$0xA650]  }
0x19: {  	v2 =	vld [tilespmem:$0xA660];
	_ =	sdelay $0x2  }
0x1a: {  	(erf) = vrcp.f32 v0  }
0x1b: {  	(erf) = vrcp.f32 v1  }
0x1c: {  	(erf) = vrcp.f32 v2;
	_ =	sdelay $0x6  }
0x1d: {  	v3 =	vpop (erf)  }
0x1e: {  	s23 =	rddreg [dreg:$0x3];
	v4 =	vpop (erf)  }
0x1f: {  	[tilespmem:s20], [sflag:$0x3] =	stream.strided.gather [hbm4b:s23+s12], $0x500, s13, s12, $0x38;
	v5 =	vpop (erf);
	[tilespmem:$0xA680] =	vst v63  }
0x20: {  	_ =	swait.ge [sflag:s11], $0x500  }
0x21: {  	[sflag:s11] =	ssyncset.done $0x0  }
0x22: {  	[sflag:s11] =	ssyncadd.s32 $0xFFFFFB00  }
0x23: {  	[tilespmem:s15], [sflag:$0x1] =	stream.indirect.gather [hbm4b:s4+s14], $0x10, s20, s14, $0xb8;
	[tilespmem:$0xA680] =	vst v63  }
0x24: {  	_ = 	snop  }
0x25: {  	v6 =	vshrl.u32 v0, $0x10;
	[tilespmem:s16], [sflag:$0x1] =	stream.indirect.gather [hbm4b:s4+s14], $0x10, s12, s14, $0xb8;
	[tilespmem:$0xA680] =	vst v63  }
0x26: {  	s21 =	simm.s32 $0x11D0;
	v6 =	vand.u32 $0x1, v6;
	s20 =	simm.s32 $0x80  }
0x27: {  	v0 =	vadd.s32 v6, v0;
	v6 =	vshrl.u32 v1, $0x10;
	[tilespmem:s21], [sflag:$0x1] =	stream.indirect.gather [hbm4b:s4+s14], $0x10, s20, s14, $0xb8;
	[tilespmem:$0xA680] =	vst v63  }
0x28: {  	s22 =	simm.s32 $0x300;
	s23 =	simm.s32 $0x38E0;
	v0 =	vadd.s32 $0x7FFF, v0;
	v6 =	vand.u32 $0x1, v6  }
0x29: {  	v7 =	vshrl.u32 v2, $0x10;
	v1 =	vadd.s32 v6, v1;
	v0 =	vand.u32 $0xFFFF0000, v0;
	[tilespmem:s23], [sflag:$0x1] =	stream.indirect.gather [hbm4b:s4+s14], $0x10, s22, s14, $0xb8;
	[tilespmem:$0xA680] =	vst v63  }
0x2a: {  	v6 =	vand.u32 $0x1, v7;
	v1 =	vadd.s32 $0x7FFF, v1;
	[tilespmem:$0x1FF70] =	vst v0;
	s20 =	simm.s32 $0x100;
	s21 =	simm.s32 $0x19A0  }
0x2b: {  	v2 =	vadd.s32 v6, v2;
	v1 =	vand.u32 $0xFFFF0000, v1;
	v7 =	vshrl.u32 v3, $0x10;
	[tilespmem:s21], [sflag:$0x1] =	stream.indirect.gather [hbm4b:s4+s14], $0x10, s20, s14, $0xb8;
	[tilespmem:$0xA680] =	vst v63  }
0x2c: {  	v6 =	vand.u32 $0x1, v7;
	[tilespmem:$0x1FF80] =	vst v1;
	v1 =	vadd.s32 $0x7FFF, v2;
	s22 =	simm.s32 $0x380;
	s23 =	simm.s32 $0x40B0  }
0x2d: {  	v7 =	vshrl.u32 v4, $0x10;
	v3 =	vadd.s32 v6, v3;
	v1 =	vand.u32 $0xFFFF0000, v1;
	[tilespmem:s23], [sflag:$0x1] =	stream.indirect.gather [hbm4b:s4+s14], $0x10, s22, s14, $0xb8;
	[tilespmem:$0xA680] =	vst v63  }
0x2e: {  	v0 =	vand.u32 $0x1, v7;
	[tilespmem:$0x1FF90] =	vst v1;
	v1 =	vadd.s32 $0x7FFF, v3;
	s20 =	simm.s32 $0x180;
	s21 =	simm.s32 $0x2170  }
0x2f: {  	v63 =	vshrl.u32 v5, $0x10;
	v0 =	vadd.s32 v0, v4;
	v1 =	vand.u32 $0xFFFF0000, v1;
	[tilespmem:s21], [sflag:$0x1] =	stream.indirect.gather [hbm4b:s4+s14], $0x10, s20, s14, $0xb8;
	[tilespmem:$0xA680] =	vst v63  }
0x30: {  	v2 =	vand.u32 $0x1, v63;
	v0 =	vadd.s32 $0x7FFF, v0;
	[tilespmem:$0x1FFA0] =	vst v1;
	s22 =	simm.s32 $0x400;
	s23 =	simm.s32 $0x4880  }
0x31: {  	v2 =	vadd.s32 v2, v5;
	v0 =	vand.u32 $0xFFFF0000, v0;
	[tilespmem:s23], [sflag:$0x1] =	stream.indirect.gather [hbm4b:s4+s14], $0x10, s22, s14, $0xb8;
	[tilespmem:$0xA680] =	vst v63  }
0x32: {  	v1 =	vadd.s32 $0x7FFF, v2;
	[tilespmem:$0x1FFB0] =	vst v0;
	s20 =	simm.s32 $0x200;
	s21 =	simm.s32 $0x2940  }
0x33: {  	v0 =	vand.u32 $0xFFFF0000, v1;
	[tilespmem:s21], [sflag:$0x1] =	stream.indirect.gather [hbm4b:s4+s14], $0x10, s20, s14, $0xb8;
	[tilespmem:$0xA680] =	vst v63  }
0x34: {  	s18 =	simm.s32 $0x0;
	[tilespmem:$0x1FFC0] =	vst v0;
	s22 =	simm.s32 $0x480;
	s23 =	simm.s32 $0x5050  }
0x35: {  	v0 =	vimm.f32 $0.0e+00;
	[tilespmem:s23], [sflag:$0x1] =	stream.indirect.gather [hbm4b:s4+s14], $0x10, s22, s14, $0xb8;
	[tilespmem:$0xA680] =	vst v63  }
.LBB2_2:
0x36: {  	s20 =	sshll.u32 s18, $0x1  }
0x37: {  	s20 =	sadd.s32 s6, s20  }
0x38: {  	s20 =	smul.u32 $0x280, s20;
	_ =	sdelay $0x1  }
0x39: {  	s21 =	sshrl.u32 s20, $0x3  }
0x3a: {  	s21 =	sadd.s32 s5, s21  }
0x3b: {  	[tilespmem:$0x1FE70] =	vst v0;
	s21 =	sadd.s32 $0x50, s21  }
0x3c: {  	[tilespmem:s1], [sflag:$0x3] =	stream.strided.gather [hbm4b:s21+s12], $0x500, s13, s12, $0x38;
	[tilespmem:$0xA680] =	vst v63  }
0x3d: {  	_ =	swait.ge [sflag:s11], $0x500  }
0x3e: {  	[sflag:s11] =	ssyncset.done $0x0  }
0x3f: {  	[sflag:s11] =	ssyncadd.s32 $0xFFFFFB00  }
0x40: {  	_ =	swait.ge [sflag:s10], $0x7D0  }
0x41: {  	[sflag:s10] =	ssyncset.done $0x0  }
0x42: {  	[sflag:s10] =	ssyncadd.s32 $0xFFFFF830  }
0x43: {  	_ =	swait.ge [sflag:s10], $0x7D0  }
0x44: {  	[sflag:s10] =	ssyncset.done $0x0  }
0x45: {  	[sflag:s10] =	ssyncadd.s32 $0xFFFFF830  }
0x46: {  	_ =	swait.ge [sflag:s10], $0x7D0  }
0x47: {  	[sflag:s10] =	ssyncset.done $0x0  }
0x48: {  	[sflag:s10] =	ssyncadd.s32 $0xFFFFF830  }
0x49: {  	_ =	swait.ge [sflag:s10], $0x7D0  }
0x4a: {  	[sflag:s10] =	ssyncset.done $0x0  }
0x4b: {  	[sflag:s10] =	ssyncadd.s32 $0xFFFFF830  }
0x4c: {  	_ =	swait.ge [sflag:s10], $0x7D0  }
0x4d: {  	[sflag:s10] =	ssyncset.done $0x0  }
0x4e: {  	[sflag:s10] =	ssyncadd.s32 $0xFFFFF830  }
0x4f: {  	_ =	swait.ge [sflag:s10], $0x7D0  }
0x50: {  	[sflag:s10] =	ssyncset.done $0x0  }
0x51: {  	[sflag:s10] =	ssyncadd.s32 $0xFFFFF830  }
0x52: {  	_ =	swait.ge [sflag:s10], $0x7D0  }
0x53: {  	[sflag:s10] =	ssyncset.done $0x0  }
0x54: {  	[sflag:s10] =	ssyncadd.s32 $0xFFFFF830  }
0x55: {  	_ =	swait.ge [sflag:s10], $0x7D0  }
0x56: {  	[sflag:s10] =	ssyncset.done $0x0  }
0x57: {  	[sflag:s10] =	ssyncadd.s32 $0xFFFFF830  }
0x58: {  	_ =	swait.ge [sflag:s10], $0x7D0  }
0x59: {  	[sflag:s10] =	ssyncset.done $0x0  }
0x5a: {  	[sflag:s10] =	ssyncadd.s32 $0xFFFFF830  }
0x5b: {  	_ =	swait.ge [sflag:s10], $0x7D0  }
0x5c: {  	[sflag:s10] =	ssyncset.done $0x0  }
0x5d: {  	[sflag:s10] =	ssyncadd.s32 $0xFFFFF830  }
0x5e: {  	[tilespmem:s17], [sflag:$0x2] =	stream.indirect.gather [hbm4b:s4+s14], $0x10, s1, s14, $0xb8;
	[tilespmem:$0xA680] =	vst v63  }
0x5f: {  	s22 =	simm.s32 $0x780  }
0x60: {  	[tilespmem:s19], [sflag:$0x2] =	stream.indirect.gather [hbm4b:s4+s14], $0x10, s22, s14, $0xb8;
	[tilespmem:$0xA680] =	vst v63  }
0x61: {  	s23 =	simm.s32 $0x580;
	s22 =	simm.s32 $0x5FF0  }
0x62: {  	[tilespmem:s22], [sflag:$0x2] =	stream.indirect.gather [hbm4b:s4+s14], $0x10, s23, s14, $0xb8;
	[tilespmem:$0xA680] =	vst v63  }
0x63: {  	s22 =	simm.s32 $0x800;
	s23 =	simm.s32 $0x8700  }
0x64: {  	[tilespmem:s23], [sflag:$0x2] =	stream.indirect.gather [hbm4b:s4+s14], $0x10, s22, s14, $0xb8;
	[tilespmem:$0xA680] =	vst v63  }
0x65: {  	_ = 	snop  }
0x66: {  	[tilespmem:s25], [sflag:$0x2] =	stream.indirect.gather [hbm4b:s4+s14], $0x10, s24, s14, $0xb8;
	[tilespmem:$0xA680] =	vst v63  }
0x67: {  	s22 =	simm.s32 $0x0  }
0x68: {  	[tilespmem:s28], [sflag:$0x2] =	stream.indirect.gather [hbm4b:s4+s14], $0x10, s26, s14, $0xb8;
	[tilespmem:$0xA680] =	vst v63  }
0x69: {  	v14 =	vor.u32 s22, v8  }
0x6a: {  	vm0 =	vlt.s32 v14, $0x270;
	[tilespmem:s30], [sflag:$0x2] =	stream.indirect.gather [hbm4b:s4+s14], $0x10, s29, s14, $0xb8;
	[tilespmem:$0xA680] =	vst v63  }
0x6b: {  	v1 =	vnsel vm0, $0x270, v14  }
0x6c: {  	v2 =	vshll.u32 v1, $0x4;
	[tilespmem:s0], [sflag:$0x2] =	stream.indirect.gather [hbm4b:s4+s14], $0x10, s31, s14, $0xb8;
	[tilespmem:$0xA680] =	vst v63  }
0x6d: {  	_ = 	snop  }
0x6e: {  	[tilespmem:s7], [sflag:$0x2] =	stream.indirect.gather [hbm4b:s4+s14], $0x10, s2, s14, $0xb8;
	[tilespmem:$0xA680] =	vst v63  }
0x6f: {  	_ = 	snop  }
0x70: {  	[tilespmem:s9], [sflag:$0x2] =	stream.indirect.gather [hbm4b:s4+s14], $0x10, s8, s14, $0xb8;
	[tilespmem:$0xA680] =	vst v63  }
0x71: {  	v1 =	vor.u32 $0x2, v2;
	v4 =	vld.idx.msk [tilespmem:v2+s15+$0x0], $0xffff  }
0x72: {  	v5 =	vld.idx.msk [tilespmem:v2+s16+$0x0], $0xffff;
	_ =	sdelay $0x3  }
0x73: {  	v3 =	vor.u32 $0x1, v2;
	v6 =	vld.idx.msk [tilespmem:v1+s15+$0x0], $0xffff  }
0x74: {  	v1 =	vld.idx.msk [tilespmem:v1+s16+$0x0], $0xffff;
	v4 =	vsub.f32 v5, v4;
	_ =	sdelay $0x1  }
0x75: {  	v0 =	vld [tilespmem:$0x1FFA0];
	v5 =	vshrl.u32 v4, $0x10  }
0x76: {  	v5 =	vand.u32 $0x1, v5  }
0x77: {  	v7 =	vld.idx.msk [tilespmem:v3+s15+$0x0], $0xffff;
	v4 =	vadd.s32 v5, v4  }
0x78: {  	v3 =	vld.idx.msk [tilespmem:v3+s16+$0x0], $0xffff;
	v1 =	vsub.f32 v1, v6;
	v4 =	vadd.s32 $0x7FFF, v4  }
0x79: {  	v4 =	vand.u32 $0xFFFF0000, v4  }
0x7a: {  	v6 =	vshrl.u32 v1, $0x10;
	v4 =	vmul.f32 v4, v0;
	v0 =	vld [tilespmem:$0x1FFC0]  }
0x7b: {  	v6 =	vand.u32 $0x1, v6  }
0x7c: {  	v1 =	vadd.s32 v6, v1  }
0x7d: {  	v3 =	vsub.f32 v3, v7;
	v1 =	vadd.s32 $0x7FFF, v1  }
0x7e: {  	v1 =	vand.u32 $0xFFFF0000, v1  }
0x7f: {  	v34 =	vshrl.u32 v3, $0x10;
	v1 =	vmul.f32 v1, v0;
	v0 =	vld [tilespmem:$0x1FFB0]  }
0x80: {  	v5 =	vand.u32 $0x1, v34  }
0x81: {  	v3 =	vadd.s32 v5, v3;
	vm0 =	vgt.f32 v4, $5.000000000e-01;
	vm1 =	vlt.f32 v4, $-5.000000000e-01  }
0x82: {  	v3 =	vadd.s32 $0x7FFF, v3;
	v35 =	vsel vm0, $0x3F800000, v10;
	v6 =	vsel vm1, $0x3F800000, v10  }
0x83: {  	v3 =	vand.u32 $0xFFFF0000, v3;
	v5 =	vsub.f32 v35, v6  }
0x84: {  	v3 =	vmul.f32 v3, v0  }
0x85: {  	v4 =	vsub.f32 v4, v5  }
0x86: {  	vm1 =	vgt.f32 v3, $5.000000000e-01;
	vm3 =	vlt.f32 v3, $-5.000000000e-01  }
0x87: {  	v5 =	vshrl.u32 v4, $0x10;
	v0 =	vld [tilespmem:$0x1FF70];
	v7 =	vsel vm1, $0x3F800000, v10;
	v8 =	vsel vm3, $0x3F800000, v10  }
0x88: {  	v5 =	vand.u32 $0x1, v5;
	v6 =	vsub.f32 v7, v8  }
0x89: {  	v4 =	vadd.s32 v5, v4  }
0x8a: {  	vm0 =	vgt.f32 v1, $5.000000000e-01;
	v4 =	vadd.s32 $0x7FFF, v4;
	v3 =	vsub.f32 v3, v6  }
0x8b: {  	vm2 =	vlt.f32 v1, $-5.000000000e-01;
	v9 =	vsel vm0, $0x3F800000, v10;
	v4 =	vand.u32 $0xFFFF0000, v4  }
0x8c: {  	v7 =	vsel vm2, $0x3F800000, v10;
	v35 =	vmul.f32 v4, v0;
	v0 =	vld [tilespmem:$0x1FF80];
	v6 =	vshrl.u32 v3, $0x10  }
0x8d: {  	v7 =	vsub.f32 v9, v7;
	v6 =	vand.u32 $0x1, v6  }
0x8e: {  	v3 =	vadd.s32 v6, v3  }
0x8f: {  	v1 =	vsub.f32 v1, v7;
	v3 =	vadd.s32 $0x7FFF, v3  }
0x90: {  	v3 =	vand.u32 $0xFFFF0000, v3  }
0x91: {  	v7 =	vshrl.u32 v1, $0x10;
	v30 =	vmul.f32 v3, v0;
	v0 =	vld [tilespmem:$0x1FF90]  }
0x92: {  	v36 =	vand.u32 $0x1, v7  }
0x93: {  	v1 =	vadd.s32 v36, v1  }
0x94: {  	v1 =	vadd.s32 $0x7FFF, v1  }
0x95: {  	v25 =	vmul.f32 v35, v35;
	v1 =	vand.u32 $0xFFFF0000, v1  }
0x96: {  	v28 =	vmul.f32 v1, v0;
	v0 =	vmul.f32 v30, v30;
	_ =	sdelay $0x1  }
0x97: {  	v1 =	vadd.f32 v0, v25;
	v24 =	vmul.f32 v28, v28;
	_ =	sdelay $0x1  }
0x98: {  	v3 =	vadd.f32 v24, v1  }
0x99: {  	v38 =	vor.u32 $0xC, v2  }
0x9a: {  	v39 =	vor.u32 $0x8, v2;
	[tilespmem:$0x1FEA0] =	vst v1;
	v1 =	vshrl.u32 v3, $0x1;
	v37 =	vmul.f32 $5.000000000e-01, v3  }
0x9b: {  	v20 =	vor.u32 $0x5, v2;
	v1 =	vsub.s32 $0x5F3759DF, v1  }
0x9c: {  	v8 =	vor.u32 $0xA, v2;
	v7 =	vmul.f32 v1, v37;
	_ =	sdelay $0x1  }
0x9d: {  	v46 =	vld.idx.msk [tilespmem:v38+s16+$0x0], $0xffff;
	v6 =	vor.u32 $0xB, v2;
	v7 =	vmul.f32 v1, v7  }
0x9e: {  	v21 =	vld.idx.msk [tilespmem:v39+s16+$0x0], $0xffff  }
0x9f: {  	v15 =	vld.idx.msk [tilespmem:v20+s15+$0x0], $0xffff;
	v7 =	vsub.f32 $1.500000000e+00, v7  }
0xa0: {  	v9 =	vor.u32 $0x9, v2;
	v17 =	vld.idx.msk [tilespmem:v8+s15+$0x0], $0xffff  }
0xa1: {  	v18 =	vld.idx.msk [tilespmem:v8+s16+$0x0], $0xffff;
	v1 =	vmul.f32 v1, v7  }
0xa2: {  	v12 =	vld.idx.msk [tilespmem:v6+s15+$0x0], $0xffff  }
0xa3: {  	v8 =	vor.u32 $0x7, v2;
	v19 =	vld.idx.msk [tilespmem:v6+s16+$0x0], $0xffff;
	v6 =	vmul.f32 v1, v37  }
0xa4: {  	v10 =	vld.idx.msk [tilespmem:v38+s15+$0x0], $0xffff  }
0xa5: {  	v31 =	vld.idx.msk [tilespmem:v9+s15+$0x0], $0xffff;
	v7 =	vmul.f32 v6, v1  }
0xa6: {  	v22 =	vld.idx.msk [tilespmem:v9+s16+$0x0], $0xffff  }
0xa7: {  	v7 =	vsub.f32 $1.500000000e+00, v7  }
0xa8: {  	v55 =	vmul.f32 v46, v15;
	v9 =	vor.u32 $0x6, v2;
	v32 =	vld.idx.msk [tilespmem:v8+s15+$0x0], $0xffff  }
0xa9: {  	v27 =	vld.idx.msk [tilespmem:v8+s16+$0x0], $0xffff;
	v29 =	vmul.f32 v21, v17;
	v1 =	vmul.f32 v7, v1  }
0xaa: {  	v54 =	vmul.f32 v18, v15;
	v11 =	vmul.f32 v46, v31  }
0xab: {  	v16 =	vmul.f32 v22, v10;
	v4 =	vmul.f32 v1, v37  }
0xac: {  	v38 =	vmul.f32 v18, v31;
	v40 =	vmul.f32 v22, v31  }
0xad: {  	v36 =	vld.idx.msk [tilespmem:v9+s15+$0x0], $0xffff;
	v5 =	vmul.f32 v22, v32;
	v4 =	vmul.f32 v4, v1  }
0xae: {  	v41 =	vmul.f32 v27, v31;
	v42 =	vmul.f32 v18, v32  }
0xaf: {  	v49 =	vmul.f32 v21, v32;
	v13 =	vmul.f32 v19, v17;
	v4 =	vsub.f32 $1.500000000e+00, v4  }
0xb0: {  	[tilespmem:$0x1FE90] =	vst v0;
	v0 =	vmul.f32 v18, v12;
	v8 =	vmul.f32 v22, v12  }
0xb1: {  	v23 =	vor.u32 $0x4, v2;
	v34 =	vmul.f32 v19, v31;
	v1 =	vmul.f32 v4, v1  }
0xb2: {  	v47 =	vmul.f32 v19, v32;
	v50 =	vmul.f32 v46, v36;
	v6 =	vld.idx.msk [tilespmem:v39+s15+$0x0], $0xffff  }
0xb3: {  	v56 =	vmul.f32 v19, v36;
	v44 =	vmul.f32 v1, v3  }
0xb4: {  	vm0 =	vlt.u32 v14, $0x271;
	v59 =	vmul.f32 v19, v15;
	v60 =	vmul.f32 v18, v36  }
0xb5: {  	v2 =	vor.u32 $0x3, v2;
	v39 =	vmul.f32 v46, v32;
	(erf) = vrcp.f32 v44  }
0xb6: {  	v51 =	vld.idx.msk [tilespmem:v23+s15+$0x0], $0xffff;
	v62 =	vmul.f32 v22, v36;
	v14 =	vmul.f32 v21, v36;
	v0 =	vadd.f32 v13, v0  }
0xb7: {  	v40 =	vadd.f32 v39, v40;
	v39 =	vmul.f32 v22, v15;
	v26 =	vmul.f32 v18, v6  }
0xb8: {  	[tilespmem:$0x1FE80] =	vst v10;
	v11 =	vadd.f32 v11, v16;
	v33 =	vmul.f32 v46, v6;
	v45 =	vmul.f32 v21, v6  }
0xb9: {  	[tilespmem:$0x1FF00] =	vst v0;
	v48 =	vmul.f32 v22, v6;
	v52 =	vmul.f32 v27, v6;
	v7 =	vmov v10;
	v10 =	vld.idx.msk [tilespmem:v9+s16+$0x0], $0xffff  }
0xba: {  	v37 =	vmul.f32 v19, v6;
	v9 =	vld.idx.msk [tilespmem:v23+s16+$0x0], $0xffff;
	v0 =	vadd.f32 v26, v29;
	v26 =	vadd.f32 v33, v34  }
0xbb: {  	v23 =	vmovc v61;
	v61 =	vmul.f32 v46, v51;
	v13 =	vadd.f32 v42, v45;
	v29 =	vadd.f32 v49, v52  }
0xbc: {  	v52 =	vadd.f32 v47, v48;
	v42 =	vadd.f32 v55, v56;
	v34 =	vmul.f32 v21, v51  }
0xbd: {  	[tilespmem:$0x1FEF0] =	vst v11;
	v55 =	vadd.f32 v59, v60;
	v33 =	vadd.f32 v37, v38;
	v38 =	vmul.f32 v19, v51  }
0xbe: {  	v47 =	vadd.f32 v61, v62;
	v62 =	vmul.f32 v27, v15;
	[tilespmem:$0x1FED0] =	vst v0;
	v0 =	vmul.f32 v22, v51;
	v11 =	vpop (erf)  }
0xbf: {  	[tilespmem:$0x1FEC0] =	vst v33;
	v33 =	vadd.f32 v5, v41;
	v53 =	vmul.f32 v10, v7;
	v3 =	vmul.f32 v11, v3  }
0xc0: {  	v5 =	vld.idx.msk [tilespmem:v2+s15+$0x0], $0xffff;
	v59 =	vadd.f32 v38, v39;
	v57 =	vmul.f32 v10, v12;
	v63 =	vmul.f32 v9, v17  }
0xc1: {  	[tilespmem:$0x1FEB0] =	vst v40;
	v7 =	vmul.f32 v10, v31;
	v40 =	vmul.f32 v10, v32;
	v3 =	vadd.f32 v3, v44  }
0xc2: {  	v49 =	vadd.f32 v34, v62;
	v41 =	vmul.f32 v9, v32;
	v48 =	vmul.f32 v10, v36  }
0xc3: {  	v34 =	vadd.f32 v26, v8;
	v4 =	vld.idx.msk [tilespmem:v20+s16+$0x0], $0xffff;
	v20 =	vmul.f32 v18, v51;
	v3 =	vmul.f32 $5.000000000e-01, v3  }
0xc4: {  	v38 =	vsub.f32 $0.0e+00, v53;
	v53 =	vsub.f32 $0.0e+00, v57;
	v1 =	vmul.f32 v21, v15  }
0xc5: {  	v7 =	vsub.f32 $0.0e+00, v7;
	v56 =	vmul.f32 v46, v5;
	v37 =	vmul.f32 $3.000000120e-01, v3  }
0xc6: {  	v39 =	vld.idx.msk [tilespmem:v2+s16+$0x0], $0xffff;
	v41 =	vsub.f32 $0.0e+00, v41;
	v2 =	vmul.f32 v18, v5;
	v60 =	vmul.f32 v19, v5  }
0xc7: {  	v8 =	vadd.f32 v50, v38;
	v44 =	vmul.f32 v27, v36;
	v61 =	vmul.f32 $3.275910910e-01, v37  }
0xc8: {  	v50 =	vmul.f32 v10, v15;
	v26 =	vadd.f32 v42, v53;
	v42 =	vmul.f32 v22, v5  }
0xc9: {  	v58 =	vmul.f32 v4, v17;
	v44 =	vadd.f32 v0, v44;
	v0 =	vadd.f32 $1.000000000e+00, v61  }
0xca: {  	v1 =	vadd.f32 v20, v1;
	v16 =	vmul.f32 v4, v6;
	v20 =	vmul.f32 v4, v32  }
0xcb: {  	v50 =	vsub.f32 $0.0e+00, v50;
	v57 =	vsub.f32 $0.0e+00, v58;
	(erf) = vrcp.f32 v0  }
0xcc: {  	v45 =	vmul.f32 v4, v15;
	v58 =	vsub.f32 $0.0e+00, v63;
	v16 =	vsub.f32 $0.0e+00, v16  }
0xcd: {  	v53 =	vmul.f32 v39, v36;
	v20 =	vsub.f32 $0.0e+00, v20;
	v50 =	vadd.f32 v60, v50  }
0xce: {  	v60 =	vmul.f32 v4, v51;
	v38 =	vadd.f32 v54, v57;
	v57 =	vsub.f32 $0.0e+00, v45  }
0xcf: {  	v1 =	vadd.f32 v1, v16;
	v54 =	vmul.f32 v21, v5;
	v11 =	vmul.f32 v27, v51  }
0xd0: {  	v16 =	vadd.f32 v49, v20;
	v20 =	vmul.f32 v39, v15;
	v2 =	vadd.f32 v2, v57  }
0xd1: {  	v15 =	vmul.f32 v9, v15;
	v45 =	vadd.f32 v11, v41;
	v63 =	vsub.f32 $0.0e+00, v37  }
0xd2: {  	v61 =	vsub.f32 $0.0e+00, v40;
	v40 =	vadd.f32 v47, v7;
	v7 =	vmul.f32 v27, v5  }
0xd3: {  	v47 =	vsub.f32 $0.0e+00, v48;
	v41 =	vmul.f32 v63, v37;
	v63 =	vmul.f32 v9, v51  }
0xd4: {  	v48 =	vadd.f32 v44, v61;
	v61 =	vmul.f32 v10, v51;
	v44 =	vadd.f32 v59, v14;
	v14 =	vpop (erf)  }
0xd5: {  	v49 =	vadd.f32 v56, v47;
	v47 =	vmul.f32 v10, v5;
	v11 =	vmul.f32 $1.061405420e+00, v14  }
0xd6: {  	v41 =	vmul.f32 $1.442695020e+00, v41;
	v57 =	vsub.f32 $0.0e+00, v63;
	v56 =	vsub.f32 $0.0e+00, v60  }
0xd7: {  	v63 =	vmul.f32 v37, v37;
	v60 =	vmul.f32 v4, v36;
	v11 =	vadd.f32 $-1.453152060e+00, v11  }
0xd8: {  	v36 =	vmul.f32 v9, v36;
	(erf) = vrcp.f32 v3  }
0xd9: {  	v62 =	vsub.f32 $0.0e+00, v61;
	v47 =	vsub.f32 $0.0e+00, v47;
	v11 =	vmul.f32 v11, v14  }
0xda: {  	v61 =	vmul.f32 v4, v5;
	v54 =	vadd.f32 v54, v56;
	v36 =	vsub.f32 $0.0e+00, v36  }
0xdb: {  	v56 =	vmul.f32 v63, v37;
	v42 =	vadd.f32 v42, v62;
	v11 =	vadd.f32 $1.421413780e+00, v11  }
0xdc: {  	v51 =	vmul.f32 v39, v51;
	v53 =	vadd.f32 v47, v53;
	v47 =	vsub.f32 $0.0e+00, v61  }
0xdd: {  	v0 =	vld [tilespmem:$0x1FFF0];
	v61 =	vadd.f32 v56, v56;
	(erf) = vpow2.f32 v41;
	v11 =	vmul.f32 v11, v14  }
0xde: {  	v20 =	vadd.f32 v47, v20;
	v47 =	vadd.f32 v1, v58;
	v1 =	vmul.f32 $3.000000000e+00, v37  }
0xdf: {  	v62 =	vmul.f32 v9, v5;
	v5 =	vmul.f32 v39, v5;
	v11 =	vadd.f32 $-2.844967250e-01, v11  }
0xe0: {  	v36 =	vadd.f32 v42, v36;
	v42 =	vmul.f32 $1.500000000e+01, v37;
	v1 =	vadd.f32 v61, v1  }
0xe1: {  	v61 =	vmul.f32 $1.000000000e+01, v56;
	v41 =	vsub.f32 $0.0e+00, v62;
	v11 =	vmul.f32 v11, v14  }
0xe2: {  	v59 =	vsub.f32 $0.0e+00, v60;
	v62 =	vmul.f32 v39, v17;
	v1 =	vmul.f32 v1, v0  }
0xe3: {  	v58 =	vpop (erf);
	v41 =	vadd.f32 v41, v51;
	v51 =	vmul.f32 v56, v63;
	v11 =	vadd.f32 $2.548295860e-01, v11  }
0xe4: {  	v50 =	vadd.f32 v50, v59;
	v59 =	vmul.f32 v58, v58;
	v56 =	vmul.f32 $7.000000000e+01, v56  }
0xe5: {  	v11 =	vmul.f32 v11, v14;
	v14 =	vmul.f32 $1.128379230e+00, v37  }
0xe6: {  	v7 =	vadd.f32 v7, v57;
	v1 =	vmul.f32 $1.128379230e+00, v1;
	v57 =	vmul.f32 v51, v63;
	v60 =	vpop (erf)  }
0xe7: {  	v61 =	vadd.f32 v61, v42;
	v11 =	vmul.f32 v11, v60;
	v14 =	vmul.f32 v60, v14  }
0xe8: {  	v2 =	vadd.f32 v2, v62;
	v62 =	vmul.f32 v59, v58;
	v57 =	vmul.f32 $8.000000000e+00, v57  }
0xe9: {  	v1 =	vmul.f32 v1, v60;
	v37 =	vmul.f32 $1.050000000e+02, v37;
	v14 =	vadd.f32 v11, v14  }
0xea: {  	v0 =	vsub.f32 $0.0e+00, v28;
	v42 =	vmul.f32 v11, v58;
	v58 =	vmul.f32 $2.800000000e+01, v51  }
0xeb: {  	v63 =	vsub.f32 $0.0e+00, v35;
	v51 =	vmul.f32 $4.000000000e+00, v51;
	v14 =	vmul.f32 v14, v62  }
0xec: {  	v1 =	vadd.f32 v11, v1;
	v5 =	vmul.f32 v42, v5;
	v62 =	vmul.f32 v62, v59  }
0xed: {  	v57 =	vadd.f32 v57, v58;
	v51 =	vadd.f32 v51, v61;
	v58 =	vmul.f32 v14, v63  }
0xee: {  	v42 =	vmul.f32 v1, v62;
	v1 =	vmul.f32 $3.000000000e+00, v25  }
0xef: {  	v63 =	vsub.f32 $0.0e+00, v30;
	v0 =	vmul.f32 v14, v0;
	v51 =	vmul.f32 v51, v23  }
0xf0: {  	v56 =	vadd.f32 v57, v56;
	v41 =	vmul.f32 v58, v41;
	v58 =	vmul.f32 v39, v32  }
0xf1: {  	v15 =	vsub.f32 $0.0e+00, v15;
	v63 =	vmul.f32 v14, v63;
	v1 =	vmul.f32 v42, v1  }
0xf2: {  	v57 =	vld [tilespmem:$0x1FE80];
	v37 =	vadd.f32 v56, v37;
	v0 =	vmul.f32 v0, v53;
	v53 =	vmul.f32 v39, v12  }
0xf3: {  	v51 =	vmul.f32 $1.128379230e+00, v51;
	v56 =	vmul.f32 v4, v31;
	v7 =	vadd.f32 v7, v58  }
0xf4: {  	v20 =	vmul.f32 v63, v20;
	v1 =	vsub.f32 v1, v14;
	v37 =	vmul.f32 v37, v43  }
0xf5: {  	v5 =	vadd.f32 v41, v5;
	v63 =	vmul.f32 v39, v31;
	v41 =	vmul.f32 v30, v35  }
0xf6: {  	v51 =	vmul.f32 v51, v60;
	v43 =	vmul.f32 v28, v30  }
0xf7: {  	v15 =	vadd.f32 v54, v15;
	v1 =	vmul.f32 v1, v7;
	v7 =	vmul.f32 v39, v57  }
0xf8: {  	v39 =	vmul.f32 v39, v6;
	v5 =	vadd.f32 v5, v20;
	v20 =	vmul.f32 $1.128379230e+00, v37  }
0xf9: {  	v58 =	vmul.f32 $3.000000000e+00, v41;
	v37 =	vmul.f32 v62, v59  }
0xfa: {  	v23 =	vld [tilespmem:$0x1FE90];
	v62 =	vmul.f32 $9.000000000e+00, v35;
	v15 =	vadd.f32 v15, v39;
	v39 =	vmul.f32 v28, v35  }
0xfb: {  	v61 =	vmul.f32 v20, v60;
	v20 =	vmul.f32 v42, v58  }
0xfc: {  	v50 =	vadd.f32 v50, v53;
	v54 =	vmul.f32 v37, v59;
	v60 =	vmul.f32 $3.000000000e+00, v43  }
0xfd: {  	v0 =	vadd.f32 v5, v0;
	v53 =	vmul.f32 v42, v62;
	v59 =	vmul.f32 $3.000000000e+00, v30  }
0xfe: {  	v36 =	vadd.f32 v36, v63;
	v62 =	vmul.f32 $3.000000000e+00, v28;
	v63 =	vmul.f32 $3.000000000e+00, v39  }
0xff: {  	v0 =	vadd.f32 v0, v1;
	v1 =	vmul.f32 $3.000000000e+00, v23;
	v15 =	vmul.f32 v20, v15  }
0x100: {  	v5 =	vadd.f32 v11, v61;
	v11 =	vadd.f32 v11, v51;
	v20 =	vmul.f32 v42, v63  }
0x101: {  	v1 =	vmul.f32 v42, v1;
	v0 =	vadd.f32 v0, v15;
	v15 =	vmul.f32 v42, v59  }
0x102: {  	v58 =	vmul.f32 v20, v36;
	v20 =	vmul.f32 $3.000000000e+00, v24  }
0x103: {  	v36 =	vmul.f32 v11, v37;
	v11 =	vmul.f32 $-1.500000000e+01, v25  }
0x104: {  	v1 =	vsub.f32 v1, v14;
	v37 =	vmul.f32 v9, v6;
	v6 =	vmul.f32 v10, v6  }
0x105: {  	v7 =	vadd.f32 v49, v7;
	v10 =	vmul.f32 v10, v17;
	v61 =	vmul.f32 v42, v20  }
0x106: {  	v0 =	vadd.f32 v0, v58;
	v1 =	vmul.f32 v1, v2;
	v2 =	vmul.f32 v9, v31  }
0x107: {  	v20 =	vmul.f32 v42, v60;
	v63 =	vmul.f32 v11, v35;
	v58 =	vsub.f32 $0.0e+00, v37  }
0x108: {  	v60 =	vmul.f32 v11, v30;
	v6 =	vsub.f32 $0.0e+00, v6;
	v11 =	vmul.f32 v28, v11  }
0x109: {  	v37 =	vmul.f32 v42, v62;
	v10 =	vsub.f32 $0.0e+00, v10;
	v14 =	vsub.f32 v61, v14  }
0x10a: {  	v20 =	vmul.f32 v20, v50;
	v2 =	vsub.f32 $0.0e+00, v2;
	v0 =	vadd.f32 v0, v1  }
0x10b: {  	v1 =	vmul.f32 v36, v63;
	v16 =	vadd.f32 v16, v58;
	v61 =	vmul.f32 $-1.500000000e+01, v23  }
0x10c: {  	v6 =	vadd.f32 v44, v6;
	v11 =	vmul.f32 v36, v11;
	v10 =	vadd.f32 v55, v10  }
0x10d: {  	v55 =	vmul.f32 v27, v32;
	v32 =	vmul.f32 $3.000000000e+00, v42;
	v2 =	vadd.f32 v48, v2  }
0x10e: {  	v0 =	vadd.f32 v0, v20;
	v7 =	vmul.f32 v14, v7;
	v20 =	vmul.f32 v9, v57  }
0x10f: {  	v1 =	vadd.f32 v53, v1;
	v14 =	vmul.f32 v36, v60;
	v63 =	vmul.f32 v61, v35  }
0x110: {  	v48 =	vsub.f32 $0.0e+00, v56;
	v9 =	vmul.f32 v9, v12;
	v49 =	vmul.f32 v61, v28  }
0x111: {  	v11 =	vadd.f32 v37, v11;
	v53 =	vmul.f32 $9.000000000e+00, v28;
	v56 =	vmul.f32 $4.500000000e+01, v41  }
0x112: {  	v0 =	vadd.f32 v0, v7;
	v7 =	vmul.f32 $3.000000000e+00, v35;
	v1 =	vmul.f32 v1, v45  }
0x113: {  	v14 =	vadd.f32 v15, v14;
	v6 =	vadd.f32 v6, v48;
	v2 =	vmul.f32 v11, v2  }
0x114: {  	v9 =	vsub.f32 $0.0e+00, v9;
	v11 =	vmul.f32 $1.500000000e+01, v41;
	v48 =	vmul.f32 v4, v12  }
0x115: {  	v4 =	vmul.f32 v4, v57;
	v0 =	vadd.f32 v0, v1;
	v1 =	vmul.f32 v14, v16  }
0x116: {  	v14 =	vmul.f32 v36, v63;
	v7 =	vmul.f32 v42, v7;
	v6 =	vadd.f32 v6, v9  }
0x117: {  	v9 =	vmul.f32 $9.000000000e+00, v30;
	v0 =	vadd.f32 v0, v1;
	v1 =	vmul.f32 $-1.500000000e+01, v24  }
0x118: {  	v45 =	vmul.f32 v22, v17;
	v44 =	vmul.f32 v11, v28;
	v14 =	vadd.f32 v7, v14  }
0x119: {  	v20 =	vsub.f32 $0.0e+00, v20;
	v9 =	vmul.f32 v42, v9;
	v35 =	vmul.f32 v1, v35  }
0x11a: {  	v0 =	vadd.f32 v0, v2;
	v2 =	vmul.f32 v14, v47;
	v47 =	vmul.f32 v61, v30  }
0x11b: {  	v20 =	vadd.f32 v40, v20;
	v14 =	vmul.f32 v36, v44;
	v51 =	vmul.f32 v1, v30  }
0x11c: {  	v50 =	vsub.f32 $0.0e+00, v48;
	v1 =	vmul.f32 v1, v28;
	v61 =	vmul.f32 $1.500000000e+01, v43  }
0x11d: {  	v35 =	vmul.f32 v36, v35;
	v0 =	vadd.f32 v0, v2;
	v2 =	vmul.f32 v36, v47  }
0x11e: {  	v4 =	vsub.f32 $0.0e+00, v4;
	v14 =	vmul.f32 v14, v6;
	v6 =	vmul.f32 v5, v54  }
0x11f: {  	v5 =	vadd.f32 v10, v50;
	v10 =	vmul.f32 $1.050000000e+02, v25;
	v1 =	vmul.f32 v36, v1  }
0x120: {  	v54 =	vmul.f32 v42, v53;
	v50 =	vmul.f32 v18, v17;
	v2 =	vadd.f32 v9, v2  }
0x121: {  	v0 =	vsub.f32 v0, v14;
	v9 =	vmul.f32 v36, v49;
	v14 =	vmul.f32 v36, v51  }
0x122: {  	v7 =	vadd.f32 v7, v35;
	v58 =	vmul.f32 v41, v10;
	v60 =	vmul.f32 v23, v10  }
0x123: {  	v63 =	vmul.f32 v39, v10;
	v49 =	vmul.f32 v19, v57  }
0x124: {  	v4 =	vadd.f32 v26, v4;
	v7 =	vmul.f32 v7, v20;
	v2 =	vmul.f32 v2, v38  }
0x125: {  	v9 =	vadd.f32 v37, v9;
	v20 =	vmul.f32 $9.000000000e+01, v25;
	v14 =	vadd.f32 v15, v14  }
0x126: {  	v15 =	vadd.f32 v54, v1;
	v1 =	vmul.f32 v27, v17;
	v37 =	vmul.f32 v27, v57  }
0x127: {  	v38 =	vmul.f32 v46, v12;
	v0 =	vadd.f32 v0, v7;
	v7 =	vmul.f32 v10, v25  }
0x128: {  	v5 =	vmul.f32 v9, v5;
	v9 =	vmul.f32 v27, v12  }
0x129: {  	v4 =	vmul.f32 v14, v4;
	v13 =	vadd.f32 v13, v1;
	v1 =	vmul.f32 $9.000000000e+00, v42  }
0x12a: {  	v7 =	vmul.f32 v6, v7;
	v0 =	vadd.f32 v0, v2;
	v2 =	vmul.f32 v36, v20;
	v20 =	vld [tilespmem:$0x1FEA0]  }
0x12b: {  	v59 =	vmul.f32 v15, v8;
	v8 =	vmul.f32 $4.500000000e+01, v39;
	v25 =	vadd.f32 v24, v25  }
0x12c: {  	v14 =	vmul.f32 v6, v58;
	v2 =	vsub.f32 v7, v2;
	v0 =	vadd.f32 v0, v5  }
0x12d: {  	v26 =	vmov v23;
	v15 =	vmul.f32 v6, v60;
	v23 =	vmul.f32 $1.500000000e+01, v25  }
0x12e: {  	v7 =	vmul.f32 v21, v31;
	v0 =	vadd.f32 v0, v4;
	v2 =	vadd.f32 v2, v1  }
0x12f: {  	v8 =	vmul.f32 v36, v8;
	v20 =	vmul.f32 $1.500000000e+01, v20  }
0x130: {  	v7 =	vadd.f32 v52, v7;
	v2 =	vmul.f32 v2, v55;
	v0 =	vadd.f32 v0, v59  }
0x131: {  	v5 =	vmul.f32 v36, v56;
	v20 =	vmul.f32 v36, v20  }
0x132: {  	v7 =	vadd.f32 v7, v9;
	v9 =	vmul.f32 v43, v10;
	v0 =	vadd.f32 v0, v2  }
0x133: {  	v2 =	vmul.f32 v6, v63;
	v15 =	vsub.f32 v15, v20;
	v20 =	vmul.f32 v24, v10  }
0x134: {  	v14 =	vsub.f32 v14, v5;
	v35 =	vmul.f32 v6, v9;
	v9 =	vmul.f32 v36, v61  }
0x135: {  	v10 =	vmul.f32 v6, v20;
	v20 =	vmul.f32 v36, v23  }
0x136: {  	v17 =	vmul.f32 v46, v17;
	v62 =	vmul.f32 v14, v29;
	v2 =	vsub.f32 v2, v8  }
0x137: {  	v4 =	vsub.f32 v35, v9;
	v9 =	vmul.f32 $1.050000000e+02, v26;
	v10 =	vsub.f32 v10, v20;
	v20 =	vld [tilespmem:$0x1FEB0]  }
0x138: {  	v22 =	vld [tilespmem:$0x1FEC0];
	v0 =	vadd.f32 v0, v62;
	v15 =	vadd.f32 v15, v32;
	v2 =	vmul.f32 v2, v33  }
0x139: {  	v4 =	vmul.f32 v4, v7;
	v47 =	vmul.f32 v39, v9  }
0x13a: {  	v7 =	vmul.f32 $1.500000000e+01, v39;
	v0 =	vadd.f32 v0, v2;
	v2 =	vmul.f32 v15, v13  }
0x13b: {  	v60 =	vmul.f32 v24, v9;
	v48 =	vmul.f32 v6, v47;
	v10 =	vadd.f32 v10, v32  }
0x13c: {  	v0 =	vadd.f32 v0, v2;
	v2 =	vmul.f32 $1.050000000e+02, v24;
	v16 =	vadd.f32 v20, v37  }
0x13d: {  	v15 =	vadd.f32 v22, v45;
	v7 =	vmul.f32 v36, v7;
	v20 =	vmul.f32 v9, v41  }
0x13e: {  	v22 =	vmul.f32 v2, v41;
	v0 =	vadd.f32 v0, v4;
	v10 =	vmul.f32 v10, v16  }
0x13f: {  	v4 =	vsub.f32 v48, v7;
	v7 =	vmul.f32 v21, v57;
	v20 =	vmul.f32 v6, v20  }
0x140: {  	v56 =	vmul.f32 v2, v39;
	v0 =	vadd.f32 v0, v10;
	v10 =	vmul.f32 v36, v11;
	v11 =	vld [tilespmem:$0x1FED0]  }
0x141: {  	v59 =	vmul.f32 v2, v24;
	v5 =	vsub.f32 v20, v5;
	v20 =	vmul.f32 v21, v12  }
0x142: {  	v12 =	vmul.f32 v19, v12;
	v19 =	vmul.f32 v6, v22  }
0x143: {  	v2 =	vmul.f32 v2, v43;
	v7 =	vadd.f32 v34, v7;
	v15 =	vadd.f32 v15, v20  }
0x144: {  	v10 =	vsub.f32 v19, v10;
	v19 =	vmul.f32 v9, v26;
	v12 =	vadd.f32 v17, v12  }
0x145: {  	s23 =	simm.s32 $0x10;
	v9 =	vmul.f32 v43, v9;
	v5 =	vmul.f32 v5, v11;
	v11 =	vlaneseq.u32  }
0x146: {  	v17 =	vmul.f32 v6, v60;
	v20 =	vor.u32 s23, v11;
	v11 =	vmul.f32 $9.000000000e+01, v26  }
0x147: {  	v4 =	vmul.f32 v4, v15;
	v0 =	vadd.f32 v0, v5;
	vm1 =	vlt.s32 v20, $0x270  }
0x148: {  	v19 =	vmul.f32 v6, v19;
	[tilespmem:$0x1FEE0] =	vst v20;
	v55 =	vnsel vm1, $0x270, v20;
	v20 =	vmul.f32 v36, v11  }
0x149: {  	v15 =	vmul.f32 v6, v56;
	v7 =	vmul.f32 v10, v7;
	v11 =	vld [tilespmem:$0x1FEF0];
	v0 =	vadd.f32 v0, v4  }
0x14a: {  	v52 =	vshll.u32 v55, $0x4;
	v21 =	vsub.f32 v19, v20;
	v20 =	vadd.f32 v24, v26  }
0x14b: {  	v10 =	vmul.f32 $4.500000000e+01, v43;
	v0 =	vadd.f32 v0, v7;
	v7 =	vor.u32 $0xA, v52  }
0x14c: {  	v9 =	vmul.f32 v6, v9;
	v8 =	vsub.f32 v15, v8;
	v20 =	vmul.f32 $1.500000000e+01, v20  }
0x14d: {  	v62 =	vld [tilespmem:$0x1FF00];
	v10 =	vmul.f32 v36, v10;
	v19 =	vor.u32 $0xC, v52;
	v58 =	vor.u32 $0xB, v52  }
0x14e: {  	v21 =	vadd.f32 v21, v1;
	v8 =	vmul.f32 v8, v11;
	v20 =	vmul.f32 v36, v20  }
0x14f: {  	v18 =	vmul.f32 v18, v57;
	v2 =	vmul.f32 v6, v2;
	v61 =	vsub.f32 v9, v10  }
0x150: {  	v5 =	vmul.f32 v21, v50;
	v0 =	vadd.f32 v0, v8;
	v17 =	vsub.f32 v17, v20;
	v29 =	vld.idx.msk [tilespmem:v7+s15+$0x0], $0xffff  }
0x151: {  	v9 =	vmul.f32 v6, v59;
	v6 =	vadd.f32 v12, v18;
	v26 =	vor.u32 $0x7, v52;
	v42 =	vld.idx.msk [tilespmem:v7+s16+$0x0], $0xffff  }
0x152: {  	v4 =	vmul.f32 v61, v62;
	v43 =	vld.idx.msk [tilespmem:v19+s15+$0x0], $0xffff;
	v0 =	vadd.f32 v0, v5;
	v7 =	vadd.f32 v17, v32  }
0x153: {  	v11 =	vor.u32 $0x9, v52;
	v23 =	vld.idx.msk [tilespmem:v58+s15+$0x0], $0xffff;
	v8 =	vmul.f32 $9.000000000e+01, v24  }
0x154: {  	v20 =	vld.idx.msk [tilespmem:v19+s16+$0x0], $0xffff;
	v4 =	vadd.f32 v0, v4;
	v6 =	vmul.f32 v7, v6  }
0x155: {  	v19 =	vor.u32 $0x8, v52;
	v8 =	vmul.f32 v36, v8  }
0x156: {  	v40 =	vld.idx.msk [tilespmem:v58+s16+$0x0], $0xffff;
	v4 =	vadd.f32 v4, v6;
	v6 =	vmul.f32 v42, v29  }
0x157: {  	v2 =	vsub.f32 v2, v10;
	v30 =	vld.idx.msk [tilespmem:v26+s16+$0x0], $0xffff;
	v63 =	vsub.f32 v9, v8  }
0x158: {  	vm1 =	vle.f32 v3, $1.000000000e+01;
	v28 =	vld.idx.msk [tilespmem:v11+s15+$0x0], $0xffff;
	v8 =	vadd.f32 v38, v49;
	[tilespmem:$0x1FF30] =	vst v6;
	v6 =	vmul.f32 v42, v43  }
0x159: {  	v32 =	vld.idx.msk [tilespmem:v11+s16+$0x0], $0xffff;
	v9 =	vmul.f32 v46, v57;
	v7 =	vmul.f32 v20, v23;
	v5 =	vadd.f32 v63, v1  }
0x15a: {  	vm0 =	vmand vm0, vm1;
	v2 =	vmul.f32 v2, v8;
	v24 =	vld.idx.msk [tilespmem:v19+s16+$0x0], $0xffff;
	[tilespmem:$0x1FF40] =	vst v6;
	v6 =	vmul.f32 v20, v29  }
0x15b: {  	v10 =	vor.u32 $0x2, v52;
	v34 =	vld.idx.msk [tilespmem:v19+s15+$0x0], $0xffff;
	v56 =	vmul.f32 v40, v29;
	[tilespmem:$0x1FF10] =	vst v7;
	v7 =	vmul.f32 v40, v43  }
0x15c: {  	v5 =	vmul.f32 v5, v9;
	v4 =	vadd.f32 v4, v2;
	[tilespmem:$0x1FF50] =	vst v6;
	v6 =	vmul.f32 v40, v23  }
0x15d: {  	v0 =	vor.u32 $0x6, v52;
	v41 =	vmul.f32 v42, v23;
	v8 =	vld.idx.msk [tilespmem:v52+s16+$0x0], $0xffff;
	v61 =	vmul.f32 v20, v28;
	[tilespmem:$0x1FF20] =	vst v7  }
0x15e: {  	s21 =	simm.s32 $0x20;
	v1 =	vor.u32 $0x5, v52;
	v53 =	vmul.f32 v32, v43;
	v2 =	vld.idx.msk [tilespmem:v52+s15+$0x0], $0xffff;
	v54 =	vadd.f32 v4, v5;
	[tilespmem:$0x1FF60] =	vst v6  }
.LBB2_3:
0x15f: {  	_ = 	snop  }
0x160: {  	v46 =	vld [tilespmem:$0x1FE70];
	v3 =	vmul.f32 v24, v23;
	_ =	sdelay $0x1  }
0x161: {  	[tilespmem:$0x1FD30] =	vst v3;
	v3 =	vmul.f32 v24, v43  }
0x162: {  	v7 =	vld.idx.msk [tilespmem:v0+s16+$0x0], $0xffff;
	v5 =	vmul.f32 v42, v34  }
0x163: {  	v4 =	vnsel vm0, $0x0, v54;
	[tilespmem:$0x1FD60] =	vst v3;
	v3 =	vld.idx.msk [tilespmem:v0+s15+$0x0], $0xffff;
	v0 =	vmul.f32 v20, v34  }
0x164: {  	[tilespmem:$0x1F870] =	vst v5;
	v5 =	vadd.f32 v4, v46  }
0x165: {  	v6 =	vld.idx.msk [tilespmem:v1+s15+$0x0], $0xffff;
	[tilespmem:$0x1F890] =	vst v0;
	v0 =	vmul.f32 v40, v28  }
0x166: {  	[tilespmem:$0x1FE70] =	vst v5;
	v5 =	vld.idx.msk [tilespmem:v1+s16+$0x0], $0xffff;
	v1 =	vmul.f32 v30, v23  }
0x167: {  	[tilespmem:$0x1F8A0] =	vst v0;
	v0 =	vmul.f32 v30, v43  }
0x168: {  	[tilespmem:$0x1FCC0] =	vst v1;
	v1 =	vmul.f32 v42, v28  }
0x169: {  	v13 =	vor.u32 $0x1, v52;
	[tilespmem:$0x1FCE0] =	vst v0;
	v0 =	vmul.f32 v40, v34  }
0x16a: {  	[tilespmem:$0x1F8E0] =	vst v1;
	v1 =	vld.idx.msk [tilespmem:v10+s16+$0x0], $0xffff  }
0x16b: {  	[tilespmem:$0x1F8D0] =	vst v0;
	v0 =	vld.idx.msk [tilespmem:v10+s15+$0x0], $0xffff;
	_ =	sdelay $0x2  }
0x16c: {  	v10 =	vld.idx.msk [tilespmem:v13+s15+$0x0], $0xffff  }
0x16d: {  	v13 =	vld.idx.msk [tilespmem:v13+s16+$0x0], $0xffff  }
0x16e: {  	v0 =	vsub.f32 v1, v0;
	v1 =	vmul.f32 v5, v43;
	_ =	sdelay $0x1  }
0x16f: {  	v2 =	vsub.f32 v8, v2;
	[tilespmem:$0x1F990] =	vst v1;
	v1 =	vmul.f32 v7, v43;
	_ =	sdelay $0x1  }
0x170: {  	v8 =	vsub.f32 v13, v10;
	[tilespmem:$0x1F970] =	vst v1;
	v1 =	vshrl.u32 v2, $0x10  }
0x171: {  	v1 =	vand.u32 $0x1, v1  }
0x172: {  	v1 =	vadd.s32 v1, v2;
	v2 =	vshrl.u32 v8, $0x10  }
0x173: {  	v2 =	vand.u32 $0x1, v2  }
0x174: {  	v2 =	vadd.s32 v2, v8  }
0x175: {  	v2 =	vadd.s32 $0x7FFF, v2  }
0x176: {  	v10 =	vshrl.u32 v0, $0x10;
	v8 =	vand.u32 $0xFFFF0000, v2;
	v2 =	vld [tilespmem:$0x1FFC0]  }
0x177: {  	v10 =	vand.u32 $0x1, v10  }
0x178: {  	v0 =	vadd.s32 v10, v0  }
0x179: {  	v0 =	vadd.s32 $0x7FFF, v0  }
0x17a: {  	v35 =	vld [tilespmem:$0x1FFA0];
	v0 =	vand.u32 $0xFFFF0000, v0  }
0x17b: {  	v0 =	vmul.f32 v0, v2;
	v2 =	vmul.f32 v20, v6;
	_ =	sdelay $0x1  }
0x17c: {  	v1 =	vadd.s32 $0x7FFF, v1;
	[tilespmem:$0x1F9A0] =	vst v2;
	v2 =	vld [tilespmem:$0x1FFB0]  }
0x17d: {  	v1 =	vand.u32 $0xFFFF0000, v1  }
0x17e: {  	v1 =	vmul.f32 v1, v35;
	_ =	sdelay $0x1  }
0x17f: {  	vm0 =	vgt.f32 v1, $5.000000000e-01  }
0x180: {  	vm1 =	vlt.f32 v1, $-5.000000000e-01;
	v10 =	vmul.f32 v8, v2;
	v2 =	vimm.f32 $0.0e+00  }
0x181: {  	v8 =	vsel vm0, $0x3F800000, v2;
	v36 =	vsel vm1, $0x3F800000, v2  }
0x182: {  	v16 =	vmul.f32 v30, v34;
	v13 =	vsub.f32 v8, v36  }
0x183: {  	vm1 =	vgt.f32 v10, $5.000000000e-01;
	vm3 =	vlt.f32 v10, $-5.000000000e-01  }
0x184: {  	[tilespmem:$0x1F940] =	vst v16;
	v16 =	vsel vm1, $0x3F800000, v2;
	v19 =	vsel vm3, $0x3F800000, v2;
	v13 =	vsub.f32 v1, v13  }
0x185: {  	v16 =	vsub.f32 v16, v19  }
0x186: {  	v33 =	vmul.f32 v5, v23;
	vm2 =	vlt.f32 v0, $-5.000000000e-01;
	v1 =	vld [tilespmem:$0x1FF70];
	v37 =	vshrl.u32 v13, $0x10  }
0x187: {  	vm0 =	vgt.f32 v0, $5.000000000e-01;
	v10 =	vsub.f32 v10, v16;
	v16 =	vand.u32 $0x1, v37  }
0x188: {  	[tilespmem:$0x1F980] =	vst v33;
	v33 =	vsel vm0, $0x3F800000, v2;
	v8 =	vsel vm2, $0x3F800000, v2;
	v13 =	vadd.s32 v16, v13  }
0x189: {  	v47 =	vmul.f32 v24, v29;
	v19 =	vsub.f32 v33, v8;
	v13 =	vadd.s32 $0x7FFF, v13  }
0x18a: {  	v13 =	vand.u32 $0xFFFF0000, v13  }
0x18b: {  	[tilespmem:$0x1F880] =	vst v47;
	v0 =	vsub.f32 v0, v19;
	v19 =	vshrl.u32 v10, $0x10;
	v47 =	vmul.f32 v13, v1;
	v1 =	vld [tilespmem:$0x1FF80]  }
0x18c: {  	v2 =	vmul.f32 v7, v23;
	v19 =	vand.u32 $0x1, v19  }
0x18d: {  	v10 =	vadd.s32 v19, v10  }
0x18e: {  	v10 =	vadd.s32 $0x7FFF, v10  }
0x18f: {  	v9 =	vld.idx.msk [tilespmem:v26+s15+$0x0], $0xffff;
	v10 =	vand.u32 $0xFFFF0000, v10  }
0x190: {  	[tilespmem:$0x1F9B0] =	vst v2;
	v2 =	vmov v56;
	v38 =	vshrl.u32 v0, $0x10;
	v56 =	vmul.f32 v10, v1;
	v1 =	vld [tilespmem:$0x1FF90]  }
0x191: {  	v15 =	vor.u32 $0x4, v52;
	v39 =	vand.u32 $0x1, v38  }
0x192: {  	v0 =	vadd.s32 v39, v0  }
0x193: {  	v0 =	vadd.s32 $0x7FFF, v0  }
0x194: {  	v55 =	vmul.f32 v32, v9;
	v0 =	vand.u32 $0xFFFF0000, v0;
	v19 =	vmul.f32 v47, v47  }
0x195: {  	v33 =	vmul.f32 v56, v56;
	v44 =	vmul.f32 v0, v1  }
0x196: {  	[tilespmem:$0x1F8F0] =	vst v55;
	v55 =	vld.idx.msk [tilespmem:v15+s15+$0x0], $0xffff  }
0x197: {  	v0 =	vadd.f32 v33, v19;
	v46 =	vmul.f32 v44, v44;
	_ =	sdelay $0x1  }
0x198: {  	[tilespmem:$0x1FA30] =	vst v0;
	v16 =	vadd.f32 v46, v0;
	v0 =	vmul.f32 v24, v3;
	_ =	sdelay $0x1  }
0x199: {  	v10 =	vor.u32 $0x3, v52;
	[tilespmem:$0x1F9F0] =	vst v0;
	v0 =	vmul.f32 v30, v55;
	_ =	sdelay $0x1  }
0x19a: {  	v59 =	vmul.f32 v24, v34;
	[tilespmem:$0x1FA00] =	vst v0;
	v0 =	vlaneseq.u32  }
0x19b: {  	v45 =	vmul.f32 v32, v23;
	v31 =	vor.u32 s21, v0;
	v0 =	vld [tilespmem:$0x1FEE0]  }
0x19c: {  	v48 =	vmul.f32 v32, v29;
	[tilespmem:$0x1F920] =	vst v59;
	v21 =	vshrl.u32 v16, $0x1;
	v59 =	vmul.f32 $5.000000000e-01, v16  }
0x19d: {  	v50 =	vmul.f32 v32, v28;
	[tilespmem:$0x1F9C0] =	vst v45;
	v13 =	vld.idx.msk [tilespmem:v10+s16+$0x0], $0xffff;
	v21 =	vsub.s32 $0x5F3759DF, v21  }
0x19e: {  	[tilespmem:$0x1FD10] =	vst v48;
	v54 =	vmul.f32 v24, v28;
	v25 =	vmul.f32 v21, v59  }
0x19f: {  	[tilespmem:$0x1F8C0] =	vst v50;
	v57 =	vmul.f32 v30, v28;
	v49 =	vmul.f32 v20, v9  }
0x1a0: {  	[tilespmem:$0x1FC50] =	vst v54;
	v50 =	vld.idx.msk [tilespmem:v10+s15+$0x0], $0xffff;
	v10 =	vmul.f32 v21, v25;
	vm0 =	vlt.u32 v0, $0x271;
	v0 =	vmov v31  }
0x1a1: {  	v58 =	vmul.f32 v42, v9;
	v60 =	vmul.f32 v40, v9;
	[tilespmem:$0x1F900] =	vst v57;
	v54 =	vld.idx.msk [tilespmem:v15+s16+$0x0], $0xffff;
	vm1 =	vlt.s32 v0, $0x270  }
0x1a2: {  	v10 =	vsub.f32 $1.500000000e+00, v10;
	[tilespmem:$0x1FEE0] =	vst v0;
	v45 =	vnsel vm1, $0x270, v0;
	v0 =	vmul.f32 v13, v23  }
0x1a3: {  	v63 =	vmul.f32 v30, v9;
	v12 =	vmul.f32 v24, v9;
	[tilespmem:$0x1F8B0] =	vst v49;
	v52 =	vshll.u32 v45, $0x4  }
0x1a4: {  	v14 =	vmul.f32 v20, v3;
	v1 =	vmovc v20;
	v49 =	vmul.f32 v21, v10;
	[tilespmem:$0x1FA90] =	vst v0;
	v0 =	vor.u32 $0xC, v52  }
0x1a5: {  	v35 =	vmul.f32 v7, v9;
	[tilespmem:$0x1FDA0] =	vst v0;
	v0 =	vmul.f32 v1, v50  }
0x1a6: {  	[tilespmem:$0x1F9D0] =	vst v14;
	v37 =	vmul.f32 v54, v9;
	v21 =	vmov v53;
	v53 =	vmul.f32 v49, v59  }
0x1a7: {  	v45 =	vmul.f32 v5, v9;
	v9 =	vmul.f32 v13, v9;
	[tilespmem:$0x1FA10] =	vst v0;
	v0 =	vor.u32 $0xA, v52  }
0x1a8: {  	[tilespmem:$0x1FE00] =	vst v0;
	v0 =	vmul.f32 v13, v29  }
0x1a9: {  	v57 =	vmul.f32 v54, v28;
	v53 =	vmul.f32 v53, v49;
	[tilespmem:$0x1FA60] =	vst v9  }
0x1aa: {  	v48 =	vmul.f32 v5, v28;
	v9 =	vadd.f32 v61, v21;
	[tilespmem:$0x1FA40] =	vst v0;
	v0 =	vor.u32 $0xB, v52  }
0x1ab: {  	v14 =	vmul.f32 v7, v28;
	[tilespmem:$0x1FDB0] =	vst v0;
	v0 =	vmul.f32 v13, v28;
	v28 =	vsub.f32 $1.500000000e+00, v53  }
0x1ac: {  	[tilespmem:$0x1FDE0] =	vst v9;
	v9 =	vadd.f32 v2, v41;
	v2 =	vld [tilespmem:$0x1F870]  }
0x1ad: {  	v28 =	vmul.f32 v28, v49;
	v49 =	vld [tilespmem:$0x1F880];
	_ =	sdelay $0x1  }
0x1ae: {  	[tilespmem:$0x1F930] =	vst v12;
	v12 =	vmov v43  }
0x1af: {  	v12 =	vmul.f32 v13, v12  }
0x1b0: {  	[tilespmem:$0x1FE20] =	vst v9;
	v9 =	vmul.f32 v28, v59;
	v59 =	vld [tilespmem:$0x1F8A0]  }
0x1b1: {  	[tilespmem:$0x1FAB0] =	vst v12;
	v12 =	vadd.f32 v2, v49;
	v2 =	vld [tilespmem:$0x1F890];
	_ =	sdelay $0x3  }
0x1b2: {  	v61 =	vld [tilespmem:$0x1F8C0]  }
0x1b3: {  	v62 =	vmul.f32 v32, v34;
	v49 =	vadd.f32 v2, v59;
	v2 =	vld [tilespmem:$0x1F8B0]  }
0x1b4: {  	[tilespmem:$0x1FE40] =	vst v20;
	v26 =	vmul.f32 v32, v6;
	v27 =	vmul.f32 v32, v55  }
0x1b5: {  	v18 =	vmul.f32 v40, v3;
	v8 =	vmul.f32 v40, v6;
	[tilespmem:$0x1FA70] =	vst v0;
	v0 =	vor.u32 $0x9, v52  }
0x1b6: {  	v39 =	vmul.f32 v40, v55;
	[tilespmem:$0x1FE50] =	vst v0;
	v0 =	vmul.f32 v40, v50;
	v40 =	vor.u32 $0x8, v52  }
0x1b7: {  	v36 =	vmul.f32 v32, v3;
	[tilespmem:$0x1FE60] =	vst v40;
	v40 =	vmul.f32 v32, v50;
	v32 =	vld [tilespmem:$0x1F8E0]  }
0x1b8: {  	[tilespmem:$0x1FD40] =	vst v12;
	v12 =	vadd.f32 v2, v61;
	v2 =	vld [tilespmem:$0x1F8D0]  }
0x1b9: {  	[tilespmem:$0x1FE30] =	vst v43  }
0x1ba: {  	[tilespmem:$0x1F910] =	vst v58;
	v58 =	vmul.f32 v7, v34;
	v11 =	vmul.f32 v54, v43  }
0x1bb: {  	[tilespmem:$0x1F950] =	vst v60;
	v60 =	vmul.f32 v20, v55;
	v43 =	vmul.f32 v54, v34  }
0x1bc: {  	v20 =	vmul.f32 v5, v34;
	[tilespmem:$0x1FA20] =	vst v0;
	v0 =	vmul.f32 v13, v34;
	v34 =	vld [tilespmem:$0x1F900]  }
0x1bd: {  	[tilespmem:$0x1FCF0] =	vst v12;
	v12 =	vadd.f32 v2, v32;
	v2 =	vld [tilespmem:$0x1F8F0];
	_ =	sdelay $0x3  }
0x1be: {  	v41 =	vld [tilespmem:$0x1F920]  }
0x1bf: {  	[tilespmem:$0x1FD20] =	vst v12;
	v12 =	vadd.f32 v2, v34;
	v2 =	vld [tilespmem:$0x1F910];
	_ =	sdelay $0x1  }
0x1c0: {  	[tilespmem:$0x1F960] =	vst v62;
	v62 =	vmul.f32 v42, v3;
	v15 =	vmul.f32 v7, v3  }
0x1c1: {  	v25 =	vmul.f32 v30, v3;
	v21 =	vmul.f32 v54, v3  }
0x1c2: {  	v53 =	vmul.f32 v5, v3;
	v34 =	vmul.f32 v13, v3;
	v3 =	vld [tilespmem:$0x1F940]  }
0x1c3: {  	[tilespmem:$0x1FCD0] =	vst v12;
	v12 =	vadd.f32 v2, v41;
	v2 =	vld [tilespmem:$0x1F930];
	_ =	sdelay $0x4  }
0x1c4: {  	v3 =	vadd.f32 v2, v3  }
0x1c5: {  	v2 =	vld [tilespmem:$0x1F950]  }
0x1c6: {  	[tilespmem:$0x1FC90] =	vst v3;
	v3 =	vld [tilespmem:$0x1F960];
	_ =	sdelay $0x4  }
0x1c7: {  	v3 =	vadd.f32 v2, v3;
	v2 =	vld [tilespmem:$0x1F970];
	_ =	sdelay $0x4  }
0x1c8: {  	v61 =	vsub.f32 $0.0e+00, v2;
	v2 =	vld [tilespmem:$0x1F980];
	_ =	sdelay $0x2  }
0x1c9: {  	v9 =	vmul.f32 v9, v28;
	_ =	sdelay $0x1  }
0x1ca: {  	[tilespmem:$0x1FC60] =	vst v3;
	v3 =	vsub.f32 $1.500000000e+00, v9;
	v9 =	vsub.f32 $0.0e+00, v2;
	v2 =	vld [tilespmem:$0x1F990];
	_ =	sdelay $0x4  }
0x1cb: {  	[tilespmem:$0x1FB90] =	vst v9;
	v9 =	vsub.f32 $0.0e+00, v2;
	v2 =	vld [tilespmem:$0x1F9A0];
	_ =	sdelay $0x4  }
0x1cc: {  	v18 =	vadd.f32 v2, v18;
	v2 =	vld [tilespmem:$0x1F9B0]  }
0x1cd: {  	v17 =	vmul.f32 v42, v6  }
0x1ce: {  	v51 =	vmul.f32 v30, v29  }
0x1cf: {  	v4 =	vmul.f32 v7, v29;
	[tilespmem:$0x1F9E0] =	vst v17;
	v17 =	vmul.f32 v24, v6  }
0x1d0: {  	v22 =	vmul.f32 v54, v23;
	v3 =	vmul.f32 v3, v28  }
0x1d1: {  	[tilespmem:$0x1FC70] =	vst v63;
	v63 =	vmul.f32 v42, v55;
	v28 =	vsub.f32 $0.0e+00, v2;
	v2 =	vadd.f32 v8, v62  }
0x1d2: {  	[tilespmem:$0x1FC10] =	vst v51;
	v38 =	vmul.f32 v54, v29;
	v3 =	vmul.f32 v3, v16  }
0x1d3: {  	v51 =	vmul.f32 v5, v29;
	v60 =	vadd.f32 v60, v36;
	[tilespmem:$0x1FB60] =	vst v2;
	v2 =	vsub.f32 $0.0e+00, v11  }
0x1d4: {  	v36 =	vsub.f32 $0.0e+00, v38;
	v38 =	vsub.f32 $0.0e+00, v37;
	(erf) = vrcp.f32 v3  }
0x1d5: {  	v37 =	vmul.f32 $9.000000000e+01, v46;
	v42 =	vmul.f32 v42, v50;
	[tilespmem:$0x1FB40] =	vst v2;
	v2 =	vsub.f32 $0.0e+00, v4  }
0x1d6: {  	v25 =	vadd.f32 v27, v25;
	v27 =	vsub.f32 $0.0e+00, v35;
	v35 =	vmul.f32 v5, v55;
	[tilespmem:$0x1FA80] =	vst v0  }
0x1d7: {  	v31 =	vmul.f32 v24, v55;
	v0 =	vor.u32 $0x7, v52;
	[tilespmem:$0x1FB70] =	vst v2;
	v2 =	vsub.f32 $0.0e+00, v22  }
0x1d8: {  	v10 =	vmul.f32 v30, v6;
	v1 =	vmul.f32 v7, v6;
	[tilespmem:$0x1FC80] =	vst v0  }
0x1d9: {  	v14 =	vsub.f32 $0.0e+00, v14;
	v29 =	vmul.f32 v13, v6;
	[tilespmem:$0x1FB20] =	vst v2;
	v2 =	vmul.f32 v13, v50  }
0x1da: {  	v39 =	vadd.f32 v39, v26;
	v0 =	vmul.f32 v5, v6;
	v59 =	vmul.f32 v24, v50;
	[tilespmem:$0x1FC20] =	vst v12  }
0x1db: {  	v24 =	vmul.f32 v54, v6;
	v6 =	vadd.f32 v63, v17;
	v41 =	vld [tilespmem:$0x1F9C0];
	[tilespmem:$0x1FA50] =	vst v2;
	v2 =	vsub.f32 $0.0e+00, v57  }
0x1dc: {  	v17 =	vsub.f32 $0.0e+00, v20;
	v32 =	vsub.f32 $0.0e+00, v53;
	[tilespmem:$0x1FBC0] =	vst v9;
	v9 =	vmul.f32 $9.000000000e+01, v19  }
0x1dd: {  	v5 =	vmul.f32 v5, v50;
	v12 =	vsub.f32 $0.0e+00, v51;
	v63 =	vpop (erf);
	[tilespmem:$0x1FAC0] =	vst v2;
	v2 =	vsub.f32 $0.0e+00, v48  }
0x1de: {  	[tilespmem:$0x1FBB0] =	vst v9;
	v8 =	vmul.f32 $3.000000000e+00, v47;
	v4 =	vsub.f32 $0.0e+00, v15;
	v15 =	vmul.f32 v63, v16  }
0x1df: {  	v23 =	vmul.f32 v13, v55;
	v9 =	vsub.f32 $0.0e+00, v5;
	[tilespmem:$0x1FB10] =	vst v2;
	v2 =	vsub.f32 $0.0e+00, v43  }
0x1e0: {  	v51 =	vmul.f32 v7, v55;
	v5 =	vadd.f32 v49, v41;
	v49 =	vld [tilespmem:$0x1F9D0];
	[tilespmem:$0x1FAF0] =	vst v8;
	v3 =	vadd.f32 v15, v3  }
0x1e1: {  	v8 =	vmul.f32 $9.000000000e+00, v47;
	v11 =	vmul.f32 $1.050000000e+02, v19;
	[tilespmem:$0x1FAE0] =	vst v2;
	v2 =	vsub.f32 $0.0e+00, v58  }
0x1e2: {  	v16 =	vsub.f32 $0.0e+00, v51;
	v51 =	vmul.f32 $5.000000000e-01, v3;
	v58 =	vmul.f32 v44, v47  }
0x1e3: {  	[tilespmem:$0x1FB00] =	vst v2;
	v2 =	vsub.f32 $0.0e+00, v45;
	v45 =	vsub.f32 $0.0e+00, v24;
	v24 =	vmul.f32 v44, v56  }
0x1e4: {  	v57 =	vadd.f32 v31, v10;
	v63 =	vmul.f32 $3.000000120e-01, v51;
	v53 =	vmul.f32 $1.500000000e+01, v58  }
0x1e5: {  	v41 =	vld [tilespmem:$0x1F9E0];
	[tilespmem:$0x1FAA0] =	vst v8;
	v13 =	vadd.f32 v49, v61;
	v43 =	vmul.f32 v54, v50;
	v48 =	vmul.f32 $4.500000000e+01, v24  }
0x1e6: {  	[tilespmem:$0x1FD00] =	vst v53;
	v53 =	vadd.f32 v25, v27;
	v25 =	vadd.f32 v57, v2;
	v2 =	vmul.f32 v33, v11  }
0x1e7: {  	v49 =	vld [tilespmem:$0x1FA00];
	v10 =	vsub.f32 $0.0e+00, v43;
	v43 =	vmul.f32 $3.275910910e-01, v63;
	[tilespmem:$0x1FD90] =	vst v48;
	v48 =	vadd.f32 v60, v14  }
0x1e8: {  	v30 =	vmul.f32 v30, v50;
	v0 =	vsub.f32 $0.0e+00, v0;
	v20 =	vmul.f32 v54, v55;
	[tilespmem:$0x1FC40] =	vst v2;
	v2 =	vld [tilespmem:$0x1FA10]  }
0x1e9: {  	v8 =	vmul.f32 $9.000000000e+00, v56;
	v61 =	vadd.f32 $1.000000000e+00, v43;
	[tilespmem:$0x1FB50] =	vst v48;
	v48 =	vadd.f32 v6, v17;
	v6 =	vld [tilespmem:$0x1F9F0]  }
0x1ea: {  	v7 =	vmul.f32 v7, v50;
	v12 =	vadd.f32 v41, v12;
	v62 =	vmul.f32 v56, v47  }
0x1eb: {  	v55 =	vadd.f32 v18, v28;
	[tilespmem:$0x1FB30] =	vst v8;
	v8 =	vmul.f32 $9.000000000e+00, v44;
	(erf) = vrcp.f32 v61  }
0x1ec: {  	[tilespmem:$0x1FE10] =	vst v37;
	v38 =	vadd.f32 v49, v38;
	v49 =	vmul.f32 v11, v19;
	v61 =	vmul.f32 v46, v11  }
0x1ed: {  	[tilespmem:$0x1FD70] =	vst v5;
	v60 =	vmul.f32 v24, v11;
	v17 =	vadd.f32 v2, v4;
	v2 =	vmul.f32 v62, v11  }
0x1ee: {  	[tilespmem:$0x1FBA0] =	vst v12;
	v27 =	vadd.f32 v39, v6;
	v39 =	vmul.f32 v58, v11;
	v11 =	vadd.f32 v42, v0;
	v0 =	vld [tilespmem:$0x1FA20]  }
0x1ef: {  	v5 =	vmul.f32 $1.050000000e+02, v33;
	[tilespmem:$0x1FB80] =	vst v8;
	v8 =	vmul.f32 $3.000000000e+00, v44  }
0x1f0: {  	v1 =	vsub.f32 $0.0e+00, v1;
	v12 =	vmul.f32 $-1.500000000e+01, v46;
	[tilespmem:$0x1FBD0] =	vst v55;
	v50 =	vmul.f32 $9.000000000e+01, v33  }
0x1f1: {  	v26 =	vadd.f32 v46, v19;
	v55 =	vmul.f32 $3.000000000e+00, v46;
	v22 =	vmul.f32 $-1.500000000e+01, v19;
	[tilespmem:$0x1FAD0] =	vst v8  }
0x1f2: {  	v8 =	vsub.f32 $0.0e+00, v20;
	v20 =	vmul.f32 $3.000000000e+00, v19;
	[tilespmem:$0x1FD50] =	vst v50;
	v50 =	vmul.f32 $1.050000000e+02, v46  }
0x1f3: {  	v37 =	vmul.f32 $1.500000000e+01, v24;
	[tilespmem:$0x1FBF0] =	vst v2;
	v2 =	vadd.f32 v0, v1;
	v0 =	vadd.f32 v46, v33  }
0x1f4: {  	v3 =	vsub.f32 $0.0e+00, v35;
	[tilespmem:$0x1FC30] =	vst v13;
	v13 =	vmul.f32 $-1.500000000e+01, v33;
	v15 =	vmul.f32 v50, v46;
	v1 =	vpop (erf)  }
0x1f5: {  	v7 =	vsub.f32 $0.0e+00, v7;
	[tilespmem:$0x1FCB0] =	vst v37;
	v37 =	vmul.f32 $1.061405420e+00, v1;
	v0 =	vmul.f32 $1.500000000e+01, v0  }
0x1f6: {  	v8 =	vadd.f32 v30, v8;
	v30 =	vadd.f32 v59, v3;
	v31 =	vmul.f32 $3.000000000e+00, v63;
	[tilespmem:$0x1FDF0] =	vst v15  }
0x1f7: {  	v19 =	vmul.f32 v12, v44;
	v15 =	vadd.f32 $-1.453152060e+00, v37;
	[tilespmem:$0x1FDD0] =	vst v0;
	v0 =	vsub.f32 $0.0e+00, v63  }
0x1f8: {  	v3 =	vadd.f32 v10, v23;
	v23 =	vmul.f32 v63, v63;
	v41 =	vmul.f32 v24, v5  }
0x1f9: {  	v7 =	vadd.f32 v7, v34;
	v34 =	vmul.f32 v15, v1;
	v0 =	vmul.f32 v0, v63  }
0x1fa: {  	v10 =	vmul.f32 v12, v47;
	v42 =	vmul.f32 v46, v5;
	v37 =	vld [tilespmem:$0x1FA30]  }
0x1fb: {  	[tilespmem:$0x1FD80] =	vst v41;
	(erf) = vrcp.f32 v51;
	v41 =	vadd.f32 $1.421413780e+00, v34;
	v0 =	vmul.f32 $1.442695020e+00, v0  }
0x1fc: {  	v21 =	vsub.f32 $0.0e+00, v21;
	v34 =	vmul.f32 v12, v56;
	v12 =	vmul.f32 v23, v63  }
0x1fd: {  	v29 =	vadd.f32 v9, v29;
	v9 =	vmul.f32 v41, v1;
	(erf) = vpow2.f32 v0  }
0x1fe: {  	v54 =	vmul.f32 $3.000000000e+00, v56;
	v4 =	vadd.f32 v2, v32;
	v2 =	vld [tilespmem:$0x1FFF0];
	v32 =	vmul.f32 v12, v23  }
0x1ff: {  	[tilespmem:$0x1FDC0] =	vst v42;
	v46 =	vmul.f32 $1.500000000e+01, v37;
	v37 =	vadd.f32 v12, v12;
	v0 =	vld [tilespmem:$0x1FA40];
	v42 =	vadd.f32 $-2.844967250e-01, v9  }
0x200: {  	v15 =	vadd.f32 v48, v36;
	v48 =	vmul.f32 $1.050000000e+02, v63;
	v23 =	vmul.f32 v32, v23  }
0x201: {  	v31 =	vadd.f32 v37, v31;
	v37 =	vmul.f32 $2.800000000e+01, v32;
	v36 =	vmul.f32 v42, v1  }
0x202: {  	v16 =	vadd.f32 v40, v16;
	v32 =	vmul.f32 $4.000000000e+00, v32;
	v42 =	vmul.f32 $1.000000000e+01, v12  }
0x203: {  	v31 =	vmul.f32 v31, v2;
	v23 =	vmul.f32 $8.000000000e+00, v23;
	v36 =	vadd.f32 $2.548295860e-01, v36  }
0x204: {  	v12 =	vmul.f32 $7.000000000e+01, v12;
	v11 =	vadd.f32 v11, v0;
	v0 =	vmul.f32 $1.500000000e+01, v63  }
0x205: {  	v16 =	vadd.f32 v16, v21;
	v21 =	vpop (erf);
	v63 =	vmul.f32 $1.128379230e+00, v63;
	v1 =	vmul.f32 v36, v1  }
0x206: {  	v31 =	vmul.f32 $1.128379230e+00, v31;
	v23 =	vadd.f32 v23, v37;
	v36 =	vmul.f32 v21, v21;
	v41 =	vpop (erf)  }
0x207: {  	v0 =	vadd.f32 v42, v0;
	v1 =	vmul.f32 v1, v41;
	v63 =	vmul.f32 v41, v63  }
0x208: {  	[tilespmem:$0x1FCA0] =	vst v60;
	v60 =	vmul.f32 v22, v56;
	v12 =	vadd.f32 v23, v12;
	v31 =	vmul.f32 v31, v41  }
0x209: {  	v0 =	vadd.f32 v32, v0;
	v32 =	vadd.f32 v1, v63;
	v63 =	vmul.f32 v36, v21  }
0x20a: {  	v9 =	vmul.f32 v13, v56;
	v23 =	vadd.f32 v1, v31;
	v31 =	vsub.f32 $0.0e+00, v56;
	v56 =	vld [tilespmem:$0x1FA50]  }
0x20b: {  	v2 =	vsub.f32 $0.0e+00, v47;
	v32 =	vmul.f32 v32, v63;
	_ =	sdelay $0x1  }
0x20c: {  	v21 =	vmul.f32 v1, v21;
	v2 =	vmul.f32 v32, v2  }
0x20d: {  	v42 =	vld [tilespmem:$0x1FFD0];
	v31 =	vmul.f32 v32, v31  }
0x20e: {  	v21 =	vmul.f32 v21, v56;
	v2 =	vmul.f32 v2, v3;
	v3 =	vld [tilespmem:$0x1FA60];
	_ =	sdelay $0x1  }
0x20f: {  	v37 =	vmul.f32 v63, v36;
	v2 =	vadd.f32 v2, v21;
	v21 =	vmul.f32 v31, v29  }
0x210: {  	v63 =	vsub.f32 $0.0e+00, v44  }
0x211: {  	v23 =	vmul.f32 v23, v37;
	v2 =	vadd.f32 v2, v21;
	v21 =	vld [tilespmem:$0x1FA80]  }
0x212: {  	v0 =	vmul.f32 v0, v42;
	v42 =	vmul.f32 v32, v63;
	v3 =	vadd.f32 v8, v3;
	v8 =	vld [tilespmem:$0x1FFE0]  }
0x213: {  	v20 =	vmul.f32 v23, v20;
	v31 =	vld [tilespmem:$0x1FA70]  }
0x214: {  	v30 =	vadd.f32 v30, v45;
	v14 =	vmul.f32 $3.000000000e+00, v62;
	v7 =	vmul.f32 v42, v7  }
0x215: {  	v18 =	vmul.f32 $3.000000000e+00, v58;
	v12 =	vadd.f32 v12, v48;
	v20 =	vsub.f32 v20, v32  }
0x216: {  	v6 =	vmul.f32 $3.000000000e+00, v33;
	v14 =	vmul.f32 v23, v14;
	v2 =	vadd.f32 v2, v7  }
0x217: {  	v3 =	vmul.f32 v20, v3;
	v21 =	vadd.f32 v30, v21;
	v8 =	vmul.f32 v12, v8  }
0x218: {  	v18 =	vmul.f32 v23, v18;
	v6 =	vmul.f32 v23, v6;
	v16 =	vadd.f32 v16, v31  }
0x219: {  	v2 =	vadd.f32 v2, v3;
	v3 =	vmul.f32 v14, v21;
	v8 =	vmul.f32 $1.128379230e+00, v8  }
0x21a: {  	v0 =	vmul.f32 $1.128379230e+00, v0;
	v29 =	vmul.f32 v37, v36;
	v6 =	vsub.f32 v6, v32  }
0x21b: {  	v2 =	vadd.f32 v2, v3;
	v3 =	vmul.f32 v18, v16;
	v8 =	vmul.f32 v8, v41  }
0x21c: {  	v0 =	vmul.f32 v0, v41;
	v48 =	vmul.f32 v29, v36  }
0x21d: {  	v2 =	vadd.f32 v2, v3;
	v3 =	vmul.f32 v6, v11;
	v11 =	vld [tilespmem:$0x1FAA0];
	v7 =	vadd.f32 v1, v8  }
0x21e: {  	v0 =	vadd.f32 v1, v0  }
0x21f: {  	v57 =	vmul.f32 v44, v22;
	v8 =	vmul.f32 v7, v48;
	v7 =	vld [tilespmem:$0x1FA90]  }
0x220: {  	v22 =	vmul.f32 v22, v47;
	v56 =	vld [tilespmem:$0x1FAB0];
	v36 =	vmul.f32 v0, v29  }
0x221: {  	v28 =	vmul.f32 $3.000000000e+00, v24  }
0x222: {  	v6 =	vmul.f32 v36, v22;
	v11 =	vmul.f32 v23, v11  }
0x223: {  	v0 =	vmul.f32 v23, v28  }
0x224: {  	v6 =	vadd.f32 v11, v6;
	v11 =	vld [tilespmem:$0x1FAD0];
	v4 =	vadd.f32 v4, v7;
	v7 =	vmul.f32 v23, v55  }
0x225: {  	v12 =	vadd.f32 v17, v56;
	v17 =	vld [tilespmem:$0x1FAE0]  }
0x226: {  	v16 =	vld [tilespmem:$0x1FAC0];
	v2 =	vadd.f32 v2, v3;
	v7 =	vsub.f32 v7, v32;
	v0 =	vmul.f32 v0, v4  }
0x227: {  	v63 =	vmul.f32 v23, v54;
	v3 =	vmul.f32 v36, v60  }
0x228: {  	v59 =	vmul.f32 v13, v44;
	v0 =	vadd.f32 v2, v0;
	v2 =	vmul.f32 v7, v12  }
0x229: {  	v3 =	vadd.f32 v63, v3;
	v7 =	vmul.f32 v36, v57;
	v11 =	vmul.f32 v23, v11  }
0x22a: {  	v32 =	vld [tilespmem:$0x1FB00];
	v12 =	vadd.f32 v25, v17;
	v0 =	vadd.f32 v0, v2;
	v2 =	vmul.f32 v6, v38  }
0x22b: {  	v35 =	vmul.f32 $4.500000000e+01, v58;
	v1 =	vmul.f32 v13, v47;
	v13 =	vadd.f32 v53, v16;
	v6 =	vld [tilespmem:$0x1FAF0]  }
0x22c: {  	v7 =	vadd.f32 v11, v7;
	v0 =	vadd.f32 v0, v2;
	v2 =	vmul.f32 v3, v12  }
0x22d: {  	v38 =	vld [tilespmem:$0x1FB10]  }
0x22e: {  	[tilespmem:$0x1FBE0] =	vst v35;
	v35 =	vmul.f32 $1.500000000e+01, v62;
	v0 =	vadd.f32 v0, v2;
	v2 =	vmul.f32 v7, v13  }
0x22f: {  	v7 =	vmul.f32 v36, v10;
	v10 =	vmul.f32 v8, v39;
	v39 =	vld [tilespmem:$0x1FB20]  }
0x230: {  	v42 =	vld [tilespmem:$0x1FB50];
	v1 =	vmul.f32 v36, v1;
	v14 =	vadd.f32 v27, v32;
	v6 =	vmul.f32 v23, v6  }
0x231: {  	v41 =	vld [tilespmem:$0x1FB40];
	v3 =	vmul.f32 v35, v44  }
0x232: {  	v14 =	vadd.f32 v14, v38;
	v1 =	vadd.f32 v6, v1  }
0x233: {  	v3 =	vmul.f32 v36, v3  }
0x234: {  	v0 =	vadd.f32 v0, v2;
	v13 =	vadd.f32 v14, v39;
	v1 =	vmul.f32 v1, v15  }
0x235: {  	v2 =	vmul.f32 v36, v9;
	v6 =	vadd.f32 v6, v7  }
0x236: {  	v9 =	vld [tilespmem:$0x1FB30];
	v14 =	vadd.f32 v42, v41;
	v0 =	vadd.f32 v0, v1;
	v1 =	vmul.f32 v3, v13;
	_ =	sdelay $0x1  }
0x237: {  	v0 =	vsub.f32 v0, v1;
	v1 =	vmul.f32 v6, v14  }
0x238: {  	v45 =	vld [tilespmem:$0x1FB70]  }
0x239: {  	v0 =	vadd.f32 v0, v1;
	v1 =	vld [tilespmem:$0x1FBA0]  }
0x23a: {  	v44 =	vld [tilespmem:$0x1FB60];
	v9 =	vmul.f32 v23, v9;
	_ =	sdelay $0x1  }
0x23b: {  	v47 =	vld [tilespmem:$0x1FB90];
	v2 =	vadd.f32 v9, v2  }
0x23c: {  	v48 =	vld [tilespmem:$0x1FBC0]  }
0x23d: {  	v1 =	vmul.f32 v2, v1;
	v2 =	vmul.f32 v8, v49;
	v49 =	vld [tilespmem:$0x1FBD0]  }
0x23e: {  	v3 =	vmul.f32 v36, v59;
	v13 =	vadd.f32 v44, v45  }
0x23f: {  	v9 =	vmul.f32 v36, v34  }
0x240: {  	v13 =	vadd.f32 v13, v47;
	v3 =	vadd.f32 v11, v3  }
0x241: {  	v4 =	vadd.f32 v63, v9  }
0x242: {  	v6 =	vld [tilespmem:$0x1FB80];
	v3 =	vmul.f32 v3, v13;
	v0 =	vadd.f32 v0, v1;
	v14 =	vadd.f32 v49, v48;
	_ =	sdelay $0x1  }
0x243: {  	v0 =	vadd.f32 v0, v3;
	v3 =	vmul.f32 v4, v14;
	_ =	sdelay $0x1  }
0x244: {  	v0 =	vadd.f32 v0, v3;
	v3 =	vld [tilespmem:$0x1FC30]  }
0x245: {  	v7 =	vmul.f32 v36, v19;
	v11 =	vld [tilespmem:$0x1FBB0];
	v6 =	vmul.f32 v23, v6;
	_ =	sdelay $0x1  }
0x246: {  	v6 =	vadd.f32 v6, v7;
	_ =	sdelay $0x1  }
0x247: {  	v3 =	vmul.f32 v6, v3  }
0x248: {  	v11 =	vmul.f32 v36, v11  }
0x249: {  	v43 =	vmul.f32 $4.500000000e+01, v62;
	v0 =	vadd.f32 v0, v3;
	v3 =	vld [tilespmem:$0x1FC70]  }
0x24a: {  	v1 =	vmul.f32 $9.000000000e+00, v23;
	v2 =	vsub.f32 v2, v11  }
0x24b: {  	[tilespmem:$0x1FC00] =	vst v43;
	v53 =	vld [tilespmem:$0x1FBF0]  }
0x24c: {  	v9 =	vld [tilespmem:$0x1FC00];
	v2 =	vadd.f32 v2, v1;
	_ =	sdelay $0x1  }
0x24d: {  	v54 =	vld [tilespmem:$0x1FC20];
	v2 =	vmul.f32 v2, v3  }
0x24e: {  	v56 =	vld [tilespmem:$0x1FC50]  }
0x24f: {  	v0 =	vadd.f32 v0, v2;
	v2 =	vld [tilespmem:$0x1FC90]  }
0x250: {  	v60 =	vld [tilespmem:$0x1FCA0];
	v9 =	vmul.f32 v36, v9;
	v4 =	vmul.f32 v8, v53  }
0x251: {  	v7 =	vld [tilespmem:$0x1FBE0]  }
0x252: {  	v4 =	vsub.f32 v4, v9;
	v6 =	vld [tilespmem:$0x1FC40]  }
0x253: {  	v37 =	vmul.f32 v8, v61;
	v61 =	vld [tilespmem:$0x1FCB0]  }
0x254: {  	v57 =	vld [tilespmem:$0x1FC60];
	v2 =	vmul.f32 v4, v2  }
0x255: {  	v11 =	vld [tilespmem:$0x1FC10]  }
0x256: {  	v26 =	vmul.f32 $1.500000000e+01, v26;
	v55 =	vmul.f32 v36, v46;
	v0 =	vadd.f32 v0, v2;
	v2 =	vld [tilespmem:$0x1FCD0]  }
0x257: {  	v63 =	vld [tilespmem:$0x1FCC0];
	v7 =	vmul.f32 v36, v7;
	v6 =	vmul.f32 v8, v6  }
0x258: {  	v32 =	vld [tilespmem:$0x1FCE0];
	v59 =	vmul.f32 v36, v26  }
0x259: {  	v34 =	vld [tilespmem:$0x1FCF0];
	v3 =	vsub.f32 v10, v7;
	v10 =	vmul.f32 $3.000000000e+00, v23;
	v6 =	vsub.f32 v6, v55  }
0x25a: {  	v13 =	vmul.f32 v36, v61;
	v14 =	vadd.f32 v57, v56;
	v4 =	vmul.f32 v8, v60  }
0x25b: {  	v11 =	vadd.f32 v54, v11;
	v6 =	vadd.f32 v6, v10;
	v2 =	vmul.f32 v3, v2  }
0x25c: {  	v14 =	vadd.f32 v14, v63;
	v4 =	vsub.f32 v4, v13  }
0x25d: {  	v3 =	vsub.f32 v37, v59;
	v0 =	vadd.f32 v0, v2;
	v2 =	vmul.f32 v6, v11  }
0x25e: {  	v38 =	vld [tilespmem:$0x1FD00];
	v12 =	vadd.f32 v34, v32  }
0x25f: {  	v39 =	vld [tilespmem:$0x1FD10];
	v3 =	vadd.f32 v3, v10;
	v0 =	vadd.f32 v0, v2;
	v2 =	vmul.f32 v4, v14  }
0x260: {  	v41 =	vld [tilespmem:$0x1FD20]  }
0x261: {  	v42 =	vld [tilespmem:$0x1FD30];
	v0 =	vadd.f32 v0, v2;
	v2 =	vmul.f32 v3, v12  }
0x262: {  	v17 =	vmul.f32 v5, v62;
	v44 =	vld [tilespmem:$0x1FD60]  }
0x263: {  	v43 =	vmul.f32 v5, v33;
	v5 =	vmul.f32 v58, v5;
	v0 =	vadd.f32 v0, v2;
	v2 =	vld [tilespmem:$0x1FD40]  }
0x264: {  	v45 =	vld [tilespmem:$0x1FD70];
	v11 =	vmul.f32 v8, v17  }
0x265: {  	v37 =	vmul.f32 v8, v5;
	v5 =	vmul.f32 v36, v38  }
0x266: {  	v33 =	vmul.f32 v50, v62;
	v13 =	vadd.f32 v41, v39;
	v9 =	vsub.f32 v11, v9  }
0x267: {  	v11 =	vmul.f32 v36, v35;
	v4 =	vsub.f32 v37, v5  }
0x268: {  	v3 =	vmul.f32 v8, v33;
	v12 =	vadd.f32 v13, v42;
	v2 =	vmul.f32 v9, v2  }
0x269: {  	v13 =	vadd.f32 v45, v44  }
0x26a: {  	v3 =	vsub.f32 v3, v11;
	v0 =	vadd.f32 v0, v2;
	v2 =	vmul.f32 v4, v12;
	_ =	sdelay $0x1  }
0x26b: {  	v0 =	vadd.f32 v0, v2;
	v2 =	vmul.f32 v3, v13  }
0x26c: {  	v40 =	vmul.f32 v50, v58  }
0x26d: {  	v0 =	vadd.f32 v0, v2;
	v2 =	vld [tilespmem:$0x1FDE0]  }
0x26e: {  	v6 =	vmul.f32 v8, v43;
	v43 =	vld [tilespmem:$0x1FD50];
	v9 =	vmul.f32 v8, v40;
	_ =	sdelay $0x1  }
0x26f: {  	v58 =	vld [tilespmem:$0x1FE10];
	v7 =	vsub.f32 v9, v7  }
0x270: {  	v47 =	vld [tilespmem:$0x1FD80]  }
0x271: {  	v48 =	vld [tilespmem:$0x1FDA0];
	v2 =	vmul.f32 v7, v2  }
0x272: {  	v49 =	vld [tilespmem:$0x1FDB0];
	v5 =	vmul.f32 v36, v43  }
0x273: {  	v0 =	vadd.f32 v0, v2;
	v2 =	vld [tilespmem:$0x1FF30]  }
0x274: {  	v46 =	vsub.f32 v6, v5;
	v7 =	vld [tilespmem:$0x1FDF0]  }
0x275: {  	v9 =	vld [tilespmem:$0x1FDD0]  }
0x276: {  	v4 =	vadd.f32 v46, v1;
	v3 =	vld [tilespmem:$0x1FDC0]  }
0x277: {  	v6 =	vld [tilespmem:$0x1FD90]  }
0x278: {  	v57 =	vld [tilespmem:$0x1FE00];
	v2 =	vmul.f32 v4, v2  }
0x279: {  	v59 =	vld [tilespmem:$0x1FF10];
	v7 =	vmul.f32 v8, v7;
	v4 =	vmul.f32 v36, v58  }
0x27a: {  	v0 =	vadd.f32 v0, v2;
	v2 =	vld [tilespmem:$0x1FE20]  }
0x27b: {  	v9 =	vmul.f32 v36, v9;
	v3 =	vmul.f32 v8, v3;
	v4 =	vsub.f32 v7, v4;
	v7 =	vld [tilespmem:$0x1FF20]  }
0x27c: {  	v23 =	vld.idx.msk [tilespmem:v49+s15+$0x0], $0xffff;
	v5 =	vmul.f32 v8, v47;
	v6 =	vmul.f32 v36, v6  }
0x27d: {  	v55 =	vld.idx.msk [tilespmem:v48+s16+$0x0], $0xffff;
	v3 =	vsub.f32 v3, v9  }
0x27e: {  	v11 =	vld.idx.msk [tilespmem:v48+s15+$0x0], $0xffff;
	v5 =	vsub.f32 v5, v6  }
0x27f: {  	v3 =	vadd.f32 v3, v10;
	v10 =	vld [tilespmem:$0x1FE40]  }
0x280: {  	v56 =	vmul.f32 v50, v24;
	v2 =	vmul.f32 v5, v2;
	v5 =	vadd.f32 v59, v7;
	v7 =	vld [tilespmem:$0x1FE30]  }
0x281: {  	v40 =	vld.idx.msk [tilespmem:v49+s16+$0x0], $0xffff  }
0x282: {  	v53 =	vld [tilespmem:$0x1FF50];
	v8 =	vmul.f32 v8, v56  }
0x283: {  	v54 =	vld [tilespmem:$0x1FF60]  }
0x284: {  	v9 =	vld [tilespmem:$0x1FF40];
	v6 =	vsub.f32 v8, v6;
	v8 =	vmul.f32 v55, v23  }
0x285: {  	v43 =	vmov v11;
	v7 =	vmul.f32 v10, v7;
	v10 =	vld [tilespmem:$0x1FE50]  }
0x286: {  	v26 =	vld [tilespmem:$0x1FC80];
	[tilespmem:$0x1FF10] =	vst v8;
	v8 =	vmul.f32 v40, v43  }
0x287: {  	v29 =	vld.idx.msk [tilespmem:v57+s15+$0x0], $0xffff  }
0x288: {  	v12 =	vadd.f32 v53, v54;
	[tilespmem:$0x1FF20] =	vst v8;
	v8 =	vld [tilespmem:$0x1FE60];
	_ =	sdelay $0x1  }
0x289: {  	v42 =	vld.idx.msk [tilespmem:v57+s16+$0x0], $0xffff;
	v9 =	vadd.f32 v12, v9;
	_ =	sdelay $0x1  }
0x28a: {  	v20 =	vmov v55;
	v3 =	vmul.f32 v3, v9;
	v2 =	vadd.f32 v0, v2  }
0x28b: {  	v62 =	vmul.f32 v20, v29;
	v28 =	vld.idx.msk [tilespmem:v10+s15+$0x0], $0xffff  }
0x28c: {  	p0 =	sne.s32 s21, $0x270;
	v4 =	vadd.f32 v4, v1;
	v2 =	vadd.f32 v2, v3;
	v3 =	vmul.f32 v6, v5;
	v32 =	vld.idx.msk [tilespmem:v10+s16+$0x0], $0xffff  }
.Ltmp0:
0x28d: {  	vm1 =	vle.f32 v51, $1.000000000e+01;
	v30 =	vld.idx.msk [tilespmem:v26+s16+$0x0], $0xffff;
	[tilespmem:$0x1FF50] =	vst v62;
	v60 =	vmul.f32 v42, v29;
	v63 =	vmul.f32 v40, v23;
	(pc) =	sbr.rel @p0 .LBB2_3-.Ltmp0, $4  }
0x28e: {  	v61 =	vmul.f32 v42, v43;
	v24 =	vld.idx.msk [tilespmem:v8+s16+$0x0], $0xffff;
	v3 =	vadd.f32 v2, v3;
	v4 =	vmul.f32 v4, v7  }
0x28f: {  	vm0 =	vmand vm0, vm1;
	v41 =	vmul.f32 v42, v23;
	[tilespmem:$0x1FF60] =	vst v63;
	v56 =	vmul.f32 v40, v29;
	v34 =	vld.idx.msk [tilespmem:v8+s15+$0x0], $0xffff  }
0x290: {  	[tilespmem:$0x1FF40] =	vst v61;
	v1 =	vor.u32 $0x5, v52;
	v0 =	vor.u32 $0x6, v52;
	v8 =	vld.idx.msk [tilespmem:v52+s16+$0x0], $0xffff;
	v54 =	vadd.f32 v3, v4  }
0x291: {  	s21 =	sadd.s32 $0x10, s21;
	[tilespmem:$0x1FF30] =	vst v60;
	v2 =	vld.idx.msk [tilespmem:v52+s15+$0x0], $0xffff;
	v10 =	vor.u32 $0x2, v52;
	v61 =	vmul.f32 v20, v28;
	v53 =	vmul.f32 v32, v43  }
0x292: {  	_ = 	snop  }
0x293: {  	v3 =	vor.u32 $0x1, v52;
	_ =	sdelay $0x2  }
0x294: {  	v4 =	vld.idx.msk [tilespmem:v10+s15+$0x0], $0xffff  }
0x295: {  	v5 =	vld.idx.msk [tilespmem:v10+s16+$0x0], $0xffff  }
0x296: {  	v6 =	vld.idx.msk [tilespmem:v3+s15+$0x0], $0xffff  }
0x297: {  	v3 =	vld.idx.msk [tilespmem:v3+s16+$0x0], $0xffff;
	_ =	sdelay $0x1  }
0x298: {  	v2 =	vsub.f32 v8, v2  }
0x299: {  	v4 =	vsub.f32 v5, v4  }
0x29a: {  	v5 =	vshrl.u32 v2, $0x10  }
0x29b: {  	v5 =	vand.u32 $0x1, v5;
	v3 =	vsub.f32 v3, v6;
	v6 =	vshrl.u32 v4, $0x10  }
0x29c: {  	v2 =	vadd.s32 v5, v2;
	v5 =	vand.u32 $0x1, v6  }
0x29d: {  	v4 =	vadd.s32 v5, v4;
	v5 =	vld [tilespmem:$0x1FFA0];
	_ =	sdelay $0x2  }
0x29e: {  	v2 =	vadd.s32 $0x7FFF, v2  }
0x29f: {  	v2 =	vand.u32 $0xFFFF0000, v2  }
0x2a0: {  	v2 =	vmul.f32 v2, v5;
	v5 =	vld [tilespmem:$0x1FFC0];
	_ =	sdelay $0x2  }
0x2a1: {  	v4 =	vadd.s32 $0x7FFF, v4  }
0x2a2: {  	v4 =	vand.u32 $0xFFFF0000, v4  }
0x2a3: {  	v7 =	vshrl.u32 v3, $0x10;
	v4 =	vmul.f32 v4, v5;
	v5 =	vld [tilespmem:$0x1FFB0]  }
0x2a4: {  	v6 =	vand.u32 $0x1, v7  }
0x2a5: {  	v3 =	vadd.s32 v6, v3  }
0x2a6: {  	v3 =	vadd.s32 $0x7FFF, v3  }
0x2a7: {  	v10 =	vimm.f32 $0.0e+00;
	v3 =	vand.u32 $0xFFFF0000, v3  }
0x2a8: {  	vm1 =	vgt.f32 v2, $5.000000000e-01;
	vm2 =	vlt.f32 v2, $-5.000000000e-01;
	v3 =	vmul.f32 v3, v5  }
0x2a9: {  	v6 =	vsel vm2, $0x3F800000, v10;
	v5 =	vsel vm1, $0x3F800000, v10;
	vm1 =	vgt.f32 v4, $5.000000000e-01  }
0x2aa: {  	v9 =	vsel vm1, $0x3F800000, v10;
	vm3 =	vgt.f32 v3, $5.000000000e-01;
	vm2 =	vlt.f32 v3, $-5.000000000e-01  }
0x2ab: {  	v7 =	vsel vm3, $0x3F800000, v10;
	vm3 =	vlt.f32 v4, $-5.000000000e-01;
	v8 =	vsel vm2, $0x3F800000, v10  }
0x2ac: {  	v5 =	vsub.f32 v5, v6;
	v6 =	vsub.f32 v7, v8;
	v7 =	vsel vm3, $0x3F800000, v10  }
0x2ad: {  	v7 =	vsub.f32 v9, v7  }
0x2ae: {  	v2 =	vsub.f32 v2, v5  }
0x2af: {  	v4 =	vsub.f32 v4, v7  }
0x2b0: {  	v5 =	vshrl.u32 v2, $0x10  }
0x2b1: {  	v5 =	vand.u32 $0x1, v5;
	v7 =	vshrl.u32 v4, $0x10  }
0x2b2: {  	v2 =	vadd.s32 v5, v2;
	v5 =	vand.u32 $0x1, v7  }
0x2b3: {  	v4 =	vadd.s32 v5, v4;
	v5 =	vld [tilespmem:$0x1FF70];
	_ =	sdelay $0x2  }
0x2b4: {  	v3 =	vsub.f32 v3, v6;
	v2 =	vadd.s32 $0x7FFF, v2  }
0x2b5: {  	v2 =	vand.u32 $0xFFFF0000, v2  }
0x2b6: {  	v6 =	vshrl.u32 v3, $0x10;
	v27 =	vmul.f32 v2, v5;
	v2 =	vld [tilespmem:$0x1FF80]  }
0x2b7: {  	v6 =	vand.u32 $0x1, v6  }
0x2b8: {  	v3 =	vadd.s32 v6, v3  }
0x2b9: {  	v3 =	vadd.s32 $0x7FFF, v3  }
0x2ba: {  	v3 =	vand.u32 $0xFFFF0000, v3  }
0x2bb: {  	v25 =	vmul.f32 v3, v2;
	v3 =	vld [tilespmem:$0x1FF90];
	_ =	sdelay $0x2  }
0x2bc: {  	v4 =	vadd.s32 $0x7FFF, v4  }
0x2bd: {  	v19 =	vmul.f32 v27, v27;
	v2 =	vand.u32 $0xFFFF0000, v4  }
0x2be: {  	v47 =	vmov v41;
	v41 =	vmul.f32 v25, v25;
	v33 =	vmul.f32 v2, v3;
	_ =	sdelay $0x1  }
0x2bf: {  	v22 =	vadd.f32 v41, v19;
	v55 =	vmul.f32 v33, v33;
	_ =	sdelay $0x1  }
0x2c0: {  	v2 =	vadd.f32 v55, v22;
	_ =	sdelay $0x1  }
0x2c1: {  	v3 =	vshrl.u32 v2, $0x1;
	v4 =	vmul.f32 $5.000000000e-01, v2  }
0x2c2: {  	v3 =	vsub.s32 $0x5F3759DF, v3  }
0x2c3: {  	v5 =	vmul.f32 v3, v4;
	_ =	sdelay $0x1  }
0x2c4: {  	v5 =	vmul.f32 v3, v5;
	_ =	sdelay $0x1  }
0x2c5: {  	v5 =	vsub.f32 $1.500000000e+00, v5;
	_ =	sdelay $0x1  }
0x2c6: {  	v3 =	vmul.f32 v3, v5;
	_ =	sdelay $0x1  }
0x2c7: {  	v5 =	vmul.f32 v3, v4;
	_ =	sdelay $0x1  }
0x2c8: {  	v5 =	vmul.f32 v5, v3;
	_ =	sdelay $0x1  }
0x2c9: {  	v5 =	vsub.f32 $1.500000000e+00, v5;
	_ =	sdelay $0x1  }
0x2ca: {  	v3 =	vmul.f32 v5, v3;
	_ =	sdelay $0x1  }
0x2cb: {  	v4 =	vmul.f32 v3, v4;
	_ =	sdelay $0x1  }
0x2cc: {  	v4 =	vmul.f32 v4, v3;
	_ =	sdelay $0x1  }
0x2cd: {  	v4 =	vsub.f32 $1.500000000e+00, v4;
	_ =	sdelay $0x1  }
0x2ce: {  	v3 =	vmul.f32 v4, v3;
	_ =	sdelay $0x1  }
0x2cf: {  	v3 =	vmul.f32 v3, v2;
	_ =	sdelay $0x1  }
0x2d0: {  	(erf) = vrcp.f32 v3;
	_ =	sdelay $0x6  }
0x2d1: {  	v36 =	vld.idx.msk [tilespmem:v26+s15+$0x0], $0xffff;
	v26 =	vor.u32 $0x4, v52  }
0x2d2: {  	v12 =	vmul.f32 v32, v23;
	v13 =	vmul.f32 v40, v28  }
0x2d3: {  	v17 =	vmul.f32 v42, v28;
	v18 =	vmul.f32 v32, v28;
	v4 =	vpop (erf)  }
0x2d4: {  	v14 =	vld.idx.msk [tilespmem:v0+s16+$0x0], $0xffff;
	v39 =	vmul.f32 v24, v29;
	v2 =	vmul.f32 v4, v2  }
0x2d5: {  	v11 =	vmul.f32 v20, v34;
	v16 =	vmul.f32 v40, v34  }
0x2d6: {  	v21 =	vmul.f32 v24, v34;
	v35 =	vmul.f32 v32, v34;
	v50 =	vld.idx.msk [tilespmem:v26+s15+$0x0], $0xffff;
	v3 =	vadd.f32 v2, v3  }
0x2d7: {  	v38 =	vmul.f32 v30, v34;
	v15 =	vmul.f32 v20, v36;
	v10 =	vld.idx.msk [tilespmem:v1+s16+$0x0], $0xffff  }
0x2d8: {  	v44 =	vmov v20;
	v20 =	vmul.f32 v32, v36;
	v9 =	vld.idx.msk [tilespmem:v0+s15+$0x0], $0xffff;
	v2 =	vmul.f32 $5.000000000e-01, v3  }
0x2d9: {  	v52 =	vor.u32 $0x3, v52;
	v31 =	vmul.f32 v40, v36;
	v60 =	vmul.f32 v14, v43  }
0x2da: {  	v13 =	vadd.f32 v11, v13;
	v49 =	vmul.f32 v14, v23;
	v7 =	vmul.f32 $3.000000120e-01, v2  }
0x2db: {  	v18 =	vadd.f32 v15, v18;
	v57 =	vmul.f32 v44, v50;
	v0 =	vmul.f32 v30, v28;
	v5 =	vld.idx.msk [tilespmem:v1+s15+$0x0], $0xffff  }
0x2dc: {  	v51 =	vmovc v43;
	v43 =	vsub.f32 $0.0e+00, v60;
	v62 =	vmul.f32 v10, v29;
	v4 =	vmul.f32 $3.275910910e-01, v7  }
0x2dd: {  	v60 =	vsub.f32 $0.0e+00, v49;
	v6 =	vmul.f32 v42, v34;
	v37 =	vmul.f32 v44, v9  }
0x2de: {  	v48 =	vmul.f32 v40, v9;
	v1 =	vmul.f32 v24, v36;
	v8 =	vadd.f32 $1.000000000e+00, v4  }
0x2df: {  	v58 =	vmul.f32 v32, v9;
	v22 =	vmul.f32 $1.500000000e+01, v22;
	v4 =	vadd.f32 v61, v53  }
0x2e0: {  	v59 =	vmovc v44;
	v15 =	vadd.f32 v1, v38;
	v46 =	vmul.f32 v44, v5;
	(erf) = vrcp.f32 v8  }
0x2e1: {  	v1 =	vmul.f32 v30, v9;
	v45 =	vmul.f32 v42, v5;
	[tilespmem:$0x1F740] =	vst v4;
	v4 =	vadd.f32 v56, v47  }
0x2e2: {  	[tilespmem:$0x1FE40] =	vst v44;
	v63 =	vmul.f32 v40, v5;
	v44 =	vadd.f32 v31, v35;
	v31 =	vadd.f32 v46, v48  }
0x2e3: {  	v35 =	vadd.f32 v57, v58;
	v58 =	vmul.f32 v14, v36;
	[tilespmem:$0x1F750] =	vst v4;
	v4 =	vadd.f32 v6, v39  }
0x2e4: {  	v48 =	vmul.f32 v30, v5;
	v11 =	vadd.f32 v31, v60;
	v3 =	vmul.f32 v42, v36  }
0x2e5: {  	v60 =	vmul.f32 v30, v50;
	[tilespmem:$0x1F730] =	vst v4;
	v4 =	vadd.f32 v16, v17;
	v17 =	vmul.f32 v24, v5  }
0x2e6: {  	v53 =	vmul.f32 v24, v9;
	v47 =	vadd.f32 v3, v21;
	v3 =	vmul.f32 v32, v50  }
0x2e7: {  	v62 =	vsub.f32 $0.0e+00, v62;
	v21 =	vmul.f32 v32, v5;
	v16 =	vmul.f32 v42, v50  }
0x2e8: {  	(erf) = vrcp.f32 v2;
	v6 =	vmul.f32 v42, v9;
	v39 =	vadd.f32 v20, v0  }
0x2e9: {  	v20 =	vmul.f32 v40, v50;
	v46 =	vadd.f32 v3, v1;
	v16 =	vadd.f32 v16, v17;
	v17 =	vpop (erf)  }
0x2ea: {  	v3 =	vsub.f32 $0.0e+00, v7;
	v8 =	vadd.f32 v63, v6;
	v1 =	vmul.f32 $1.061405420e+00, v17  }
0x2eb: {  	v26 =	vld.idx.msk [tilespmem:v26+s16+$0x0], $0xffff;
	v6 =	vmul.f32 v24, v50;
	v56 =	vadd.f32 v20, v21;
	v20 =	vmul.f32 v14, v28  }
0x2ec: {  	v21 =	vadd.f32 v13, v12;
	v12 =	vmul.f32 v10, v34;
	v1 =	vadd.f32 $-1.453152060e+00, v1  }
0x2ed: {  	v61 =	vmul.f32 v3, v7;
	v6 =	vadd.f32 v6, v48;
	v20 =	vsub.f32 $0.0e+00, v20  }
0x2ee: {  	[tilespmem:$0x1F720] =	vst v4;
	v48 =	vadd.f32 v37, v43;
	v4 =	vadd.f32 v45, v62;
	v63 =	vmul.f32 v1, v17  }
0x2ef: {  	v57 =	vmul.f32 $1.442695020e+00, v61;
	v61 =	vsub.f32 $0.0e+00, v12;
	v12 =	vadd.f32 v35, v20  }
0x2f0: {  	v31 =	vld.idx.msk [tilespmem:v52+s15+$0x0], $0xffff;
	v62 =	vmul.f32 v26, v36;
	v20 =	vsub.f32 $0.0e+00, v58;
	v37 =	vadd.f32 $1.421413780e+00, v63  }
0x2f1: {  	v43 =	vmul.f32 v10, v50;
	(erf) = vpow2.f32 v57  }
0x2f2: {  	v20 =	vadd.f32 v46, v20;
	v46 =	vsub.f32 $0.0e+00, v62;
	v37 =	vmul.f32 v37, v17  }
0x2f3: {  	v45 =	vadd.f32 v16, v61;
	v16 =	vmul.f32 v10, v36;
	v35 =	vadd.f32 v56, v53  }
0x2f4: {  	v58 =	vmul.f32 v10, v5;
	v38 =	vadd.f32 v60, v46;
	v46 =	vld.idx.msk [tilespmem:v52+s16+$0x0], $0xffff;
	v37 =	vadd.f32 $-2.844967250e-01, v37  }
0x2f5: {  	v61 =	vmul.f32 v40, v31;
	v57 =	vmul.f32 v14, v9;
	v16 =	vsub.f32 $0.0e+00, v16  }
0x2f6: {  	v13 =	vsub.f32 $0.0e+00, v58;
	v62 =	vmul.f32 v14, v50;
	v56 =	vmul.f32 v37, v17  }
0x2f7: {  	v60 =	vsub.f32 $0.0e+00, v57;
	v37 =	vadd.f32 v6, v16;
	v6 =	vmul.f32 v14, v5  }
0x2f8: {  	v63 =	vmul.f32 v59, v31;
	v59 =	vmul.f32 v42, v31;
	v16 =	vadd.f32 $2.548295860e-01, v56  }
0x2f9: {  	v57 =	vmul.f32 v30, v31;
	v58 =	vmul.f32 v46, v31;
	v6 =	vsub.f32 $0.0e+00, v6  }
0x2fa: {  	v52 =	vpop (erf);
	v13 =	vadd.f32 v59, v13;
	v17 =	vmul.f32 v16, v17;
	v16 =	vadd.f32 v63, v60  }
0x2fb: {  	v42 =	vpop (erf);
	v49 =	vadd.f32 v61, v6;
	v6 =	vmul.f32 v14, v31;
	v60 =	vmul.f32 v32, v31  }
0x2fc: {  	v63 =	vsub.f32 $0.0e+00, v62;
	v61 =	vmul.f32 v26, v50;
	v17 =	vmul.f32 v17, v42  }
0x2fd: {  	v59 =	vmul.f32 v7, v7;
	v56 =	vmul.f32 v46, v9;
	v6 =	vsub.f32 $0.0e+00, v6  }
0x2fe: {  	v53 =	vsub.f32 $0.0e+00, v61;
	v40 =	vadd.f32 v60, v63;
	v60 =	vmul.f32 v17, v52  }
0x2ff: {  	v43 =	vsub.f32 $0.0e+00, v43;
	v6 =	vadd.f32 v6, v56;
	v56 =	vmul.f32 v59, v7  }
0x300: {  	v53 =	vadd.f32 v57, v53;
	v57 =	vmul.f32 v60, v58;
	v58 =	vmul.f32 v24, v31  }
0x301: {  	v1 =	vld [tilespmem:$0x1FFF0];
	v0 =	vmul.f32 v46, v5;
	v60 =	vmul.f32 $3.000000000e+00, v7;
	v61 =	vadd.f32 v56, v56  }
0x302: {  	v50 =	vmul.f32 v46, v50;
	v62 =	vmul.f32 $1.128379230e+00, v7;
	v43 =	vadd.f32 v58, v43  }
0x303: {  	v58 =	vmul.f32 v10, v31;
	v60 =	vadd.f32 v61, v60;
	v61 =	vmul.f32 v56, v59  }
0x304: {  	v62 =	vmul.f32 v42, v62;
	v31 =	vmul.f32 v26, v31  }
0x305: {  	v63 =	vmul.f32 v52, v52;
	v58 =	vsub.f32 $0.0e+00, v58;
	v59 =	vmul.f32 v61, v59  }
0x306: {  	v62 =	vadd.f32 v17, v62;
	v31 =	vsub.f32 $0.0e+00, v31;
	v60 =	vmul.f32 v60, v1  }
0x307: {  	v52 =	vmul.f32 v63, v52;
	v3 =	vadd.f32 v58, v0;
	v58 =	vmul.f32 $8.000000000e+00, v59  }
0x308: {  	v59 =	vmul.f32 v46, v29;
	v31 =	vadd.f32 v31, v50;
	v50 =	vmul.f32 $1.128379230e+00, v60  }
0x309: {  	[tilespmem:$0x1F760] =	vst v2;
	v2 =	vsub.f32 $0.0e+00, v25;
	v60 =	vmul.f32 v62, v52;
	v62 =	vmul.f32 $1.000000000e+01, v56  }
0x30a: {  	v0 =	vmul.f32 $2.800000000e+01, v61;
	v59 =	vadd.f32 v13, v59;
	v13 =	vmul.f32 $1.500000000e+01, v7  }
0x30b: {  	v1 =	vsub.f32 $0.0e+00, v27;
	v61 =	vmul.f32 $4.000000000e+00, v61;
	v56 =	vmul.f32 $7.000000000e+01, v56  }
0x30c: {  	v52 =	vmul.f32 v52, v63;
	v50 =	vmul.f32 v50, v42;
	v13 =	vadd.f32 v62, v13  }
0x30d: {  	v1 =	vmul.f32 v60, v1;
	v2 =	vmul.f32 v60, v2  }
0x30e: {  	v0 =	vadd.f32 v58, v0;
	v58 =	vmul.f32 $3.000000000e+00, v41;
	v62 =	vadd.f32 v61, v13;
	v61 =	vld [tilespmem:$0x1FFD0]  }
0x30f: {  	v50 =	vadd.f32 v17, v50;
	v1 =	vmul.f32 v1, v31;
	v2 =	vmul.f32 v2, v3  }
0x310: {  	v0 =	vadd.f32 v0, v56;
	v3 =	vmul.f32 $1.050000000e+02, v7;
	v7 =	vmul.f32 v46, v36  }
0x311: {  	v31 =	vmul.f32 $3.000000000e+00, v19;
	v56 =	vsub.f32 $0.0e+00, v33;
	v13 =	vmul.f32 v50, v52  }
0x312: {  	v0 =	vadd.f32 v0, v3;
	v3 =	vmul.f32 v26, v5;
	v5 =	vmul.f32 v26, v9  }
0x313: {  	v7 =	vadd.f32 v53, v7;
	v50 =	vmul.f32 v60, v56;
	v53 =	vmul.f32 v62, v61;
	v62 =	vld [tilespmem:$0x1FFE0]  }
0x314: {  	v1 =	vadd.f32 v1, v57;
	v56 =	vmul.f32 v46, v34;
	v9 =	vmul.f32 v10, v9  }
0x315: {  	v31 =	vmul.f32 v13, v31;
	v5 =	vsub.f32 $0.0e+00, v5;
	v3 =	vsub.f32 $0.0e+00, v3  }
0x316: {  	p0 =	seq.s32 s18, $0x13;
	v50 =	vmul.f32 v50, v6;
	v1 =	vadd.f32 v1, v2;
	v2 =	vmul.f32 v52, v63  }
0x317: {  	s20 =	sshrl.u32 @!p0 s20, $0x3;
	v6 =	vsub.f32 v31, v60;
	v3 =	vadd.f32 v43, v3;
	v43 =	vmul.f32 v13, v58  }
0x318: {  	s21 =	simm.s32 @!p0 $0x280;
	s20 =	sadd.s32 @!p0 s5, s20;
	v1 =	vadd.f32 v1, v50;
	v50 =	vmul.f32 v33, v25;
	v0 =	vmul.f32 v0, v62  }
0x319: {  	s22 =	simm.s32 @!p0 $0xC8000;
	s23 =	simm.s32 @!p0 $0x0;
	s20 =	sadd.s32 @!p0 $0xA0, s20;
	v7 =	vmul.f32 v6, v7;
	v31 =	vmul.f32 $1.128379230e+00, v53  }
0x31a: {  	[tilespmem:s23], [sflag:$0x3] =	stream.strided.gather @!p0 [hbm4b:s20+s21], $0x500, s22, s21, $0x38;
	v5 =	vadd.f32 v40, v5;
	v6 =	vmul.f32 v46, v28;
	v0 =	vmul.f32 $1.128379230e+00, v0;
	[tilespmem:$0xA680] =	vst v63  }
0x31b: {  	s20 =	simm.s32 @!p0 $0x3;
	v61 =	vmul.f32 v2, v63;
	v31 =	vmul.f32 v31, v42  }
0x31c: {  	_ =	swait.ge @!p0 [sflag:s20], $0x500;
	v0 =	vmul.f32 v0, v42;
	v42 =	vadd.f32 v5, v6;
	v5 =	vmul.f32 v25, v27  }
0x31d: {  	v63 =	vmul.f32 $9.000000000e+00, v27;
	[sflag:s20] =	ssyncset.done @!p0 $0x0;
	v6 =	vmul.f32 v33, v27  }
0x31e: {  	s22 =	simm.s32 @!p0 $0xA00;
	v3 =	vadd.f32 v3, v56;
	v56 =	vmul.f32 v14, v34;
	[sflag:s20] =	ssyncadd.s32 @!p0 $0xFFFFFB00;
	s20 =	simm.s32 @!p0 $0x7D;
	v57 =	vmul.f32 $3.000000000e+00, v5  }
0x31f: {  	v53 =	vmul.f32 v13, v63;
	v1 =	vadd.f32 v1, v7;
	[tilespmem:s22], [sflag:$0x1] =	stream.indirect.gather @!p0 [hbm4b:s4+s20], $0x10, s23, s20, $0xb8;
	v62 =	vmul.f32 $3.000000000e+00, v6;
	[tilespmem:$0xA680] =	vst v63  }
0x320: {  	v7 =	vmul.f32 v46, v51;
	s22 =	simm.s32 @!p0 $0x3110;
	v0 =	vadd.f32 v17, v0;
	v40 =	vmul.f32 v13, v57  }
0x321: {  	[tilespmem:s22], [sflag:$0x1] =	stream.indirect.gather @!p0 [hbm4b:s4+s20], $0x10, s21, s20, $0xb8;
	v17 =	vadd.f32 v17, v31;
	v31 =	vmul.f32 v13, v62;
	v62 =	vmul.f32 $3.000000000e+00, v33;
	[tilespmem:$0xA680] =	vst v63  }
0x322: {  	s21 =	simm.s32 @!p0 $0x80;
	s22 =	simm.s32 @!p0 $0x11D0;
	v3 =	vmul.f32 v40, v3;
	v40 =	vmul.f32 v0, v61;
	v0 =	vsub.f32 v43, v60  }
0x323: {  	[tilespmem:s22], [sflag:$0x1] =	stream.indirect.gather @!p0 [hbm4b:s4+s20], $0x10, s21, s20, $0xb8;
	v31 =	vmul.f32 v31, v42;
	v42 =	vmul.f32 v17, v2;
	v2 =	vsub.f32 $0.0e+00, v9;
	[tilespmem:$0xA680] =	vst v63  }
0x324: {  	v7 =	vadd.f32 v16, v7;
	s21 =	simm.s32 @!p0 $0x300;
	s22 =	simm.s32 @!p0 $0x38E0;
	v9 =	vmul.f32 v46, v23;
	v17 =	vmul.f32 $3.000000000e+00, v55  }
0x325: {  	[tilespmem:s22], [sflag:$0x1] =	stream.indirect.gather @!p0 [hbm4b:s4+s20], $0x10, s21, s20, $0xb8;
	v43 =	vmul.f32 $-1.500000000e+01, v19;
	v0 =	vmul.f32 v0, v59;
	v2 =	vadd.f32 v49, v2;
	[tilespmem:$0xA680] =	vst v63  }
0x326: {  	s21 =	simm.s32 @!p0 $0x100;
	s22 =	simm.s32 @!p0 $0x19A0;
	v1 =	vadd.f32 v1, v3;
	v3 =	vmul.f32 $3.000000000e+00, v50;
	v16 =	vmul.f32 v13, v17  }
0x327: {  	[tilespmem:s22], [sflag:$0x1] =	stream.indirect.gather @!p0 [hbm4b:s4+s20], $0x10, s21, s20, $0xb8;
	v52 =	vmul.f32 v43, v27;
	v59 =	vmul.f32 $3.000000000e+00, v25;
	[tilespmem:$0xA680] =	vst v63  }
0x328: {  	s21 =	simm.s32 @!p0 $0x380;
	s22 =	simm.s32 @!p0 $0x40B0;
	v63 =	vmul.f32 v33, v43;
	v22 =	vmul.f32 v42, v22;
	v2 =	vadd.f32 v2, v9  }
0x329: {  	[tilespmem:s22], [sflag:$0x1] =	stream.indirect.gather @!p0 [hbm4b:s4+s20], $0x10, s21, s20, $0xb8;
	v9 =	vmul.f32 v26, v29;
	v3 =	vmul.f32 v13, v3;
	v16 =	vsub.f32 v16, v60;
	[tilespmem:$0xA680] =	vst v63  }
0x32a: {  	s21 =	simm.s32 @!p0 $0x180;
	s22 =	simm.s32 @!p0 $0x2170;
	v1 =	vadd.f32 v1, v31;
	v31 =	vmul.f32 v26, v28;
	v49 =	vmul.f32 v13, v59  }
0x32b: {  	[tilespmem:s22], [sflag:$0x1] =	stream.indirect.gather @!p0 [hbm4b:s4+s20], $0x10, s21, s20, $0xb8;
	v17 =	vsub.f32 $0.0e+00, v9;
	v2 =	vmul.f32 v3, v2;
	v9 =	vmul.f32 v32, v29;
	[tilespmem:$0xA680] =	vst v63  }
0x32c: {  	s21 =	simm.s32 @!p0 $0x400;
	s22 =	simm.s32 @!p0 $0x4880;
	v7 =	vmul.f32 v16, v7;
	v16 =	vmul.f32 v30, v29  }
0x32d: {  	[tilespmem:s22], [sflag:$0x1] =	stream.indirect.gather @!p0 [hbm4b:s4+s20], $0x10, s21, s20, $0xb8;
	v57 =	vsub.f32 $0.0e+00, v31;
	v0 =	vadd.f32 v1, v0;
	v1 =	vmul.f32 v26, v34;
	[tilespmem:$0xA680] =	vst v63  }
0x32e: {  	s21 =	simm.s32 @!p0 $0x200;
	s22 =	simm.s32 @!p0 $0x2940;
	v3 =	vadd.f32 v45, v17;
	v45 =	vmul.f32 v14, v29;
	v29 =	vmul.f32 v43, v25  }
0x32f: {  	[tilespmem:s22], [sflag:$0x1] =	stream.indirect.gather @!p0 [hbm4b:s4+s20], $0x10, s21, s20, $0xb8;
	v17 =	vmul.f32 v42, v52;
	v31 =	vadd.f32 v20, v57;
	v1 =	vsub.f32 $0.0e+00, v1;
	[tilespmem:$0xA680] =	vst v63  }
0x330: {  	s21 =	simm.s32 @!p0 $0x480;
	s22 =	simm.s32 @!p0 $0x5050;
	v20 =	vmul.f32 v24, v51;
	v0 =	vadd.f32 v0, v2;
	v60 =	vmul.f32 v42, v29  }
0x331: {  	[tilespmem:s22], [sflag:$0x1] =	stream.indirect.gather @!p0 [hbm4b:s4+s20], $0x10, s21, s20, $0xb8;
	v2 =	vmul.f32 v10, v28;
	v32 =	vadd.f32 v53, v17;
	v17 =	vmul.f32 v24, v23;
	[tilespmem:$0xA680] =	vst v63  }
0x332: {  	_ =	swait.ge [sflag:s3], $0x7D0;
	v1 =	vadd.f32 v37, v1;
	v24 =	vmul.f32 v24, v28;
	v28 =	vadd.f32 v49, v60  }
0x333: {  	v61 =	vsub.f32 $0.0e+00, v56;
	v52 =	vmul.f32 v30, v51;
	v14 =	vmul.f32 v30, v23;
	[sflag:s3] =	ssyncset.done $0x0  }
0x334: {  	[sflag:s3] =	ssyncadd.s32 $0xFFFFF830;
	v1 =	vmul.f32 v28, v1;
	v28 =	vmul.f32 $-1.500000000e+01, v41  }
0x335: {  	v43 =	vmul.f32 $3.000000000e+00, v27;
	v0 =	vadd.f32 v0, v7;
	v7 =	vadd.f32 v35, v61;
	_ =	swait.ge [sflag:s3], $0x7D0  }
0x336: {  	v2 =	vsub.f32 $0.0e+00, v2;
	v53 =	vmul.f32 v42, v63;
	[sflag:s3] =	ssyncset.done $0x0;
	v46 =	vmul.f32 v28, v27  }
0x337: {  	v35 =	vmul.f32 v13, v62;
	v56 =	vmul.f32 v13, v43;
	[sflag:s3] =	ssyncadd.s32 $0xFFFFF830  }
0x338: {  	v58 =	vmul.f32 v32, v38;
	v2 =	vadd.f32 v7, v2;
	_ =	swait.ge [sflag:s3], $0x7D0;
	v7 =	vmul.f32 v42, v46  }
0x339: {  	v32 =	vmul.f32 v30, v36;
	v30 =	vmul.f32 v10, v51;
	v34 =	vadd.f32 v35, v53;
	[sflag:s3] =	ssyncset.done $0x0  }
0x33a: {  	v10 =	vmul.f32 v10, v23;
	v0 =	vadd.f32 v0, v58;
	[sflag:s3] =	ssyncadd.s32 $0xFFFFF830;
	v7 =	vadd.f32 v56, v7  }
0x33b: {  	v23 =	vmul.f32 v26, v23;
	v31 =	vmul.f32 v34, v31;
	_ =	swait.ge [sflag:s3], $0x7D0  }
0x33c: {  	v0 =	vadd.f32 v0, v1;
	[sflag:s3] =	ssyncset.done $0x0;
	v3 =	vmul.f32 v7, v3;
	v7 =	vmul.f32 $1.500000000e+01, v5  }
0x33d: {  	v57 =	vmul.f32 $-1.500000000e+01, v55;
	v26 =	vmul.f32 v26, v51;
	v23 =	vsub.f32 $0.0e+00, v23;
	[sflag:s3] =	ssyncadd.s32 $0xFFFFF830  }
0x33e: {  	v60 =	vmul.f32 $1.050000000e+02, v19;
	v0 =	vadd.f32 v0, v31;
	_ =	swait.ge [sflag:s3], $0x7D0;
	v31 =	vmul.f32 v7, v33  }
0x33f: {  	v34 =	vmul.f32 v57, v25;
	v2 =	vadd.f32 v2, v23;
	v23 =	vmul.f32 v57, v27;
	[sflag:s3] =	ssyncset.done $0x0  }
0x340: {  	v1 =	vmul.f32 $9.000000000e+00, v25;
	[sflag:s3] =	ssyncadd.s32 $0xFFFFF830;
	v0 =	vadd.f32 v0, v3;
	v3 =	vmul.f32 v42, v31  }
0x341: {  	v26 =	vsub.f32 $0.0e+00, v26;
	v25 =	vmul.f32 v28, v25;
	v23 =	vmul.f32 v42, v23;
	_ =	swait.ge [sflag:s3], $0x7D0  }
0x342: {  	v59 =	vsub.f32 $0.0e+00, v45;
	v28 =	vmul.f32 v28, v33;
	[sflag:s3] =	ssyncset.done $0x0;
	v3 =	vmul.f32 v3, v2  }
0x343: {  	v26 =	vadd.f32 v12, v26;
	v1 =	vmul.f32 v13, v1;
	v36 =	vadd.f32 v56, v23;
	[sflag:s3] =	ssyncadd.s32 $0xFFFFF830  }
0x344: {  	v23 =	vmul.f32 v42, v25;
	_ =	swait.ge [sflag:s3], $0x7D0;
	v0 =	vsub.f32 v0, v3;
	v3 =	vmul.f32 v42, v28  }
0x345: {  	v8 =	vadd.f32 v8, v59;
	v10 =	vsub.f32 $0.0e+00, v10;
	v25 =	vmul.f32 v36, v26;
	[sflag:s3] =	ssyncset.done $0x0  }
0x346: {  	v58 =	vmul.f32 $9.000000000e+00, v33;
	v1 =	vadd.f32 v1, v23;
	[sflag:s3] =	ssyncadd.s32 $0xFFFFF830;
	v28 =	vadd.f32 v35, v3  }
0x347: {  	s22 =	simm.s32 $0x0;
	_ =	swait.ge [sflag:s3], $0x7D0;
	v3 =	vsub.f32 $0.0e+00, v30;
	v25 =	vadd.f32 v0, v25;
	v0 =	vlaneseq.u32  }
0x348: {  	v8 =	vadd.f32 v8, v10;
	v1 =	vmul.f32 v1, v4;
	[sflag:s3] =	ssyncset.done $0x0;
	v0 =	vor.u32 s22, v0  }
0x349: {  	[sflag:s3] =	ssyncadd.s32 $0xFFFFF830;
	v11 =	vadd.f32 v11, v3;
	v3 =	vmul.f32 v60, v19;
	vm1 =	vlt.s32 v0, $0x270  }
0x34a: {  	_ =	swait.ge [sflag:s3], $0x7D0;
	v30 =	vmul.f32 v42, v34;
	v1 =	vadd.f32 v25, v1;
	v25 =	vnsel vm1, $0x270, v0  }
0x34b: {  	v27 =	vmul.f32 v57, v33;
	[sflag:s3] =	ssyncset.done $0x0;
	v63 =	vmul.f32 v40, v3;
	v3 =	vshll.u32 v25, $0x4  }
0x34c: {  	v61 =	vmul.f32 $9.000000000e+01, v19;
	[sflag:s3] =	ssyncadd.s32 $0xFFFFF830;
	v30 =	vadd.f32 v49, v30;
	v8 =	vmul.f32 v28, v8  }
0x34d: {  	v62 =	vmul.f32 v13, v58;
	v27 =	vmul.f32 v42, v27;
	_ =	swait.ge [sflag:s3], $0x7D0  }
0x34e: {  	[sflag:s3] =	ssyncset.done $0x0;
	v8 =	vadd.f32 v1, v8;
	v11 =	vmul.f32 v30, v11;
	v53 =	vor.u32 $0x2, v3  }
0x34f: {  	v24 =	vadd.f32 v44, v24;
	v43 =	vmul.f32 v5, v60;
	v12 =	vmul.f32 $9.000000000e+01, v55;
	[sflag:s3] =	ssyncadd.s32 $0xFFFFF830  }
0x350: {  	v27 =	vadd.f32 v62, v27;
	v56 =	vor.u32 $0x1, v3;
	v8 =	vadd.f32 v8, v11;
	v11 =	vld.idx.msk [tilespmem:v3+s17+$0x0], $0xffff  }
0x351: {  	v38 =	vadd.f32 v47, v16;
	v10 =	vmul.f32 $4.500000000e+01, v6;
	v46 =	vmul.f32 v42, v61;
	v57 =	vld.idx.msk [tilespmem:v3+s19+$0x0], $0xffff  }
0x352: {  	v14 =	vadd.f32 v24, v14;
	v27 =	vmul.f32 v27, v48;
	v30 =	vmul.f32 v41, v60  }
0x353: {  	v58 =	vadd.f32 v55, v41;
	v62 =	vmul.f32 v40, v43;
	v23 =	vmul.f32 $1.050000000e+02, v41;
	v59 =	vld.idx.msk [tilespmem:v53+s17+$0x0], $0xffff  }
0x354: {  	v26 =	vmul.f32 $1.050000000e+02, v55;
	v8 =	vadd.f32 v8, v27;
	v27 =	vmul.f32 v40, v30;
	v30 =	vld.idx.msk [tilespmem:v53+s19+$0x0], $0xffff  }
0x355: {  	v36 =	vmul.f32 $4.500000000e+01, v5;
	v1 =	vmul.f32 $9.000000000e+00, v13;
	v49 =	vsub.f32 v63, v46;
	v61 =	vld.idx.msk [tilespmem:v56+s17+$0x0], $0xffff  }
0x356: {  	v4 =	vmul.f32 v55, v60;
	v22 =	vsub.f32 v27, v22;
	v27 =	vld.idx.msk [tilespmem:v56+s19+$0x0], $0xffff;
	v11 =	vsub.f32 v57, v11  }
0x357: {  	v36 =	vmul.f32 v42, v36;
	v34 =	vmul.f32 v55, v23;
	v16 =	vadd.f32 v49, v1  }
0x358: {  	v28 =	vmul.f32 v6, v60;
	v29 =	vld [tilespmem:$0x1FFA0];
	v25 =	vmul.f32 v50, v60;
	v49 =	vshrl.u32 v11, $0x10  }
0x359: {  	v60 =	vadd.f32 v55, v19;
	v32 =	vmul.f32 v16, v32;
	v53 =	vand.u32 $0x1, v49  }
0x35a: {  	v16 =	vmul.f32 v26, v55;
	v30 =	vsub.f32 v30, v59;
	v11 =	vadd.s32 v53, v11  }
0x35b: {  	v8 =	vadd.f32 v8, v32;
	v27 =	vsub.f32 v27, v61;
	v11 =	vadd.s32 $0x7FFF, v11  }
0x35c: {  	v24 =	vld [tilespmem:$0x1FFC0];
	v32 =	vsub.f32 v62, v36;
	v55 =	vshrl.u32 v30, $0x10;
	v11 =	vand.u32 $0xFFFF0000, v11  }
0x35d: {  	v56 =	vshrl.u32 v27, $0x10;
	v46 =	vand.u32 $0x1, v55;
	v11 =	vmul.f32 v11, v29;
	v29 =	vld [tilespmem:$0x1FFB0]  }
0x35e: {  	v15 =	vmul.f32 v32, v15;
	v32 =	vand.u32 $0x1, v56;
	v30 =	vadd.s32 v46, v30  }
0x35f: {  	v10 =	vmul.f32 v42, v10;
	v27 =	vadd.s32 v32, v27;
	v30 =	vadd.s32 $0x7FFF, v30  }
0x360: {  	v19 =	vmul.f32 $1.500000000e+01, v58;
	v27 =	vadd.s32 $0x7FFF, v27;
	v30 =	vand.u32 $0xFFFF0000, v30  }
0x361: {  	v8 =	vadd.f32 v8, v15;
	v27 =	vand.u32 $0xFFFF0000, v27;
	v24 =	vmul.f32 v30, v24  }
0x362: {  	vm1 =	vgt.f32 v11, $5.000000000e-01;
	v27 =	vmul.f32 v27, v29;
	v29 =	vimm.f32 $0.0e+00  }
0x363: {  	vm2 =	vlt.f32 v11, $-5.000000000e-01;
	v15 =	vsel vm1, $0x3F800000, v29;
	vm1 =	vgt.f32 v24, $5.000000000e-01  }
0x364: {  	v30 =	vsel vm2, $0x3F800000, v29;
	vm3 =	vgt.f32 v27, $5.000000000e-01;
	vm2 =	vlt.f32 v27, $-5.000000000e-01  }
0x365: {  	v15 =	vsub.f32 v15, v30;
	v30 =	vsel vm1, $0x3F800000, v29;
	v57 =	vsel vm3, $0x3F800000, v29  }
0x366: {  	vm3 =	vlt.f32 v24, $-5.000000000e-01;
	v58 =	vsel vm2, $0x3F800000, v29;
	v29 =	vimm.f32 $0.0e+00  }
0x367: {  	v33 =	vmul.f32 $9.000000000e+01, v41;
	v45 =	vmul.f32 v50, v23;
	v59 =	vsel vm3, $0x3F800000, v29  }
0x368: {  	v48 =	vmul.f32 v26, v5;
	v28 =	vmul.f32 v40, v28;
	v30 =	vsub.f32 v30, v59  }
0x369: {  	v5 =	vmul.f32 v23, v5;
	v2 =	vmul.f32 $1.500000000e+01, v6;
	v11 =	vsub.f32 v11, v15  }
0x36a: {  	v41 =	vmul.f32 v23, v41;
	v28 =	vsub.f32 v28, v10;
	v24 =	vsub.f32 v24, v30  }
0x36b: {  	v63 =	vmul.f32 v26, v6;
	v6 =	vmul.f32 v6, v23;
	v23 =	vshrl.u32 v11, $0x10  }
0x36c: {  	v39 =	vmul.f32 v28, v39;
	v23 =	vand.u32 $0x1, v23;
	v28 =	vshrl.u32 v24, $0x10  }
0x36d: {  	v11 =	vadd.s32 v23, v11;
	v23 =	vand.u32 $0x1, v28  }
0x36e: {  	v23 =	vadd.s32 v23, v24;
	v24 =	vld [tilespmem:$0x1FF70]  }
0x36f: {  	v32 =	vsub.f32 v57, v58;
	_ =	sdelay $0x1  }
0x370: {  	v15 =	vsub.f32 v27, v32;
	v11 =	vadd.s32 $0x7FFF, v11  }
0x371: {  	v11 =	vand.u32 $0xFFFF0000, v11  }
0x372: {  	v27 =	vshrl.u32 v15, $0x10;
	v30 =	vmul.f32 v11, v24;
	v11 =	vld [tilespmem:$0x1FF80]  }
0x373: {  	v13 =	vmul.f32 $3.000000000e+00, v13;
	v27 =	vand.u32 $0x1, v27  }
0x374: {  	v15 =	vadd.s32 v27, v15  }
0x375: {  	v22 =	vadd.f32 v22, v13;
	v15 =	vadd.s32 $0x7FFF, v15  }
0x376: {  	v37 =	vmul.f32 $1.500000000e+01, v60;
	v15 =	vand.u32 $0xFFFF0000, v15  }
0x377: {  	v32 =	vmul.f32 v15, v11;
	v15 =	vmul.f32 v22, v38;
	v22 =	vld [tilespmem:$0x1FF90]  }
0x378: {  	v35 =	vmul.f32 $1.500000000e+01, v50  }
0x379: {  	v4 =	vmul.f32 v40, v4;
	v37 =	vmul.f32 v42, v37  }
0x37a: {  	v35 =	vmul.f32 v42, v35;
	v25 =	vmul.f32 v40, v25;
	v23 =	vadd.s32 $0x7FFF, v23  }
0x37b: {  	v4 =	vsub.f32 v4, v37;
	v8 =	vadd.f32 v8, v39;
	v11 =	vand.u32 $0xFFFF0000, v23  }
0x37c: {  	v27 =	vmul.f32 v11, v22;
	v11 =	vsub.f32 v25, v35;
	v25 =	vmul.f32 v40, v5;
	v5 =	vld [tilespmem:$0x1F720]  }
0x37d: {  	v18 =	vadd.f32 v18, v52;
	v29 =	vmul.f32 v30, v30;
	v23 =	vmul.f32 v32, v32  }
0x37e: {  	v4 =	vadd.f32 v4, v13;
	v8 =	vadd.f32 v8, v15;
	v11 =	vmul.f32 v11, v14  }
0x37f: {  	v24 =	vadd.f32 v23, v29;
	v28 =	vmul.f32 v27, v27  }
0x380: {  	v4 =	vmul.f32 v4, v18;
	v8 =	vadd.f32 v8, v11  }
0x381: {  	v9 =	vadd.f32 v5, v9;
	v5 =	vadd.f32 v28, v24  }
0x382: {  	v20 =	vadd.f32 v21, v20;
	v2 =	vmul.f32 v42, v2;
	v4 =	vadd.f32 v8, v4;
	v8 =	vld [tilespmem:$0x1F730]  }
0x383: {  	v6 =	vmul.f32 v40, v6;
	v11 =	vshrl.u32 v5, $0x1;
	v15 =	vmul.f32 $5.000000000e-01, v5  }
0x384: {  	v7 =	vmul.f32 v42, v7;
	v18 =	vmul.f32 v40, v48;
	v11 =	vsub.s32 $0x5F3759DF, v11  }
0x385: {  	v2 =	vsub.f32 v6, v2;
	v60 =	vsub.f32 v25, v36;
	v6 =	vmul.f32 v11, v15  }
0x386: {  	v31 =	vmul.f32 $4.500000000e+01, v50;
	v7 =	vsub.f32 v18, v7;
	v9 =	vadd.f32 v9, v17  }
0x387: {  	v25 =	vor.u32 $0x9, v3;
	v8 =	vmul.f32 v60, v8;
	v6 =	vmul.f32 v11, v6  }
0x388: {  	v21 =	vld [tilespmem:$0x1F740];
	v17 =	vmul.f32 v40, v63;
	v2 =	vmul.f32 v2, v9;
	v9 =	vor.u32 $0xB, v3  }
0x389: {  	v61 =	vmul.f32 v42, v33;
	v4 =	vadd.f32 v4, v8;
	v6 =	vsub.f32 $1.500000000e+00, v6  }
0x38a: {  	v18 =	vmul.f32 v40, v45;
	v22 =	vmul.f32 v40, v41;
	v10 =	vsub.f32 v17, v10  }
0x38b: {  	v2 =	vadd.f32 v4, v2;
	v4 =	vmul.f32 v11, v6;
	v11 =	vmul.f32 v7, v20  }
0x38c: {  	v45 =	vld.idx.msk [tilespmem:v25+s19+$0x0], $0xffff;
	v6 =	vmul.f32 v40, v34;
	v7 =	vmul.f32 v42, v19  }
0x38d: {  	v14 =	vsub.f32 v22, v61;
	v22 =	vmul.f32 v42, v31;
	v10 =	vmul.f32 v10, v21;
	v21 =	vld.idx.msk [tilespmem:v9+s17+$0x0], $0xffff  }
0x38e: {  	v6 =	vsub.f32 v6, v7;
	v7 =	vld [tilespmem:$0x1FF30]  }
0x38f: {  	v31 =	vsub.f32 v18, v22;
	v17 =	vor.u32 $0xA, v3;
	v18 =	vld.idx.msk [tilespmem:v9+s19+$0x0], $0xffff  }
0x390: {  	v19 =	vld [tilespmem:$0x1FF50]  }
0x391: {  	v14 =	vadd.f32 v14, v1;
	v8 =	vor.u32 $0xC, v3;
	v20 =	vld [tilespmem:$0x1FF60]  }
0x392: {  	v13 =	vadd.f32 v6, v13;
	v6 =	vld [tilespmem:$0x1F750]  }
0x393: {  	v14 =	vmul.f32 v14, v7;
	v7 =	vld [tilespmem:$0x1FF40]  }
0x394: {  	v16 =	vmul.f32 v40, v16;
	v38 =	vld.idx.msk [tilespmem:v17+s17+$0x0], $0xffff  }
0x395: {  	v9 =	vmul.f32 v42, v12;
	v17 =	vld.idx.msk [tilespmem:v17+s19+$0x0], $0xffff;
	v2 =	vadd.f32 v2, v11;
	v11 =	vor.u32 $0x6, v3  }
0x396: {  	v46 =	vld.idx.msk [tilespmem:v8+s17+$0x0], $0xffff;
	v19 =	vadd.f32 v19, v20  }
0x397: {  	v31 =	vmul.f32 v31, v6;
	v6 =	vsub.f32 v16, v9;
	v9 =	vld [tilespmem:$0x1FF20]  }
0x398: {  	v19 =	vadd.f32 v19, v7;
	v7 =	vld [tilespmem:$0x1FF10]  }
0x399: {  	v47 =	vld.idx.msk [tilespmem:v8+s19+$0x0], $0xffff;
	v20 =	vmul.f32 v4, v15  }
0x39a: {  	v37 =	vld.idx.msk [tilespmem:v11+s17+$0x0], $0xffff  }
0x39b: {  	v8 =	vmul.f32 v20, v4;
	v20 =	vmul.f32 v26, v50;
	v26 =	vor.u32 $0x8, v3;
	v11 =	vld.idx.msk [tilespmem:v11+s19+$0x0], $0xffff;
	_ =	sdelay $0x1  }
0x39c: {  	[tilespmem:$0x1F780] =	vst v23;
	v23 =	vmul.f32 v18, v38;
	v16 =	vor.u32 $0x7, v3;
	v9 =	vadd.f32 v7, v9;
	v7 =	vld [tilespmem:$0x1FE40]  }
0x39d: {  	[tilespmem:$0x1F790] =	vst v24;
	v24 =	vmul.f32 v45, v21;
	v34 =	vmul.f32 v45, v46;
	v62 =	vsub.f32 $1.500000000e+00, v8;
	v8 =	vld.idx.msk [tilespmem:v25+s17+$0x0], $0xffff  }
0x39e: {  	v20 =	vmul.f32 v40, v20;
	v25 =	vmul.f32 v17, v21  }
0x39f: {  	v4 =	vmul.f32 v62, v4;
	v1 =	vadd.f32 v6, v1;
	v6 =	vld.idx.msk [tilespmem:v26+s17+$0x0], $0xffff;
	v57 =	vmul.f32 v11, v46  }
0x3a0: {  	v60 =	vmul.f32 v11, v21;
	v19 =	vmul.f32 v13, v19;
	v13 =	vld.idx.msk [tilespmem:v26+s19+$0x0], $0xffff  }
0x3a1: {  	v63 =	vsub.f32 v20, v22;
	v15 =	vmul.f32 v4, v15;
	v26 =	vld.idx.msk [tilespmem:v16+s19+$0x0], $0xffff;
	v20 =	vmul.f32 v7, v51  }
0x3a2: {  	v44 =	vmul.f32 v47, v8;
	v39 =	vmul.f32 v18, v8  }
0x3a3: {  	v22 =	vmul.f32 v1, v20;
	v1 =	vmul.f32 v15, v4  }
0x3a4: {  	v41 =	vmul.f32 v17, v8;
	v55 =	vmul.f32 v47, v6;
	v20 =	vor.u32 $0x5, v3  }
0x3a5: {  	v40 =	vmul.f32 v18, v6;
	v12 =	vmul.f32 v63, v9;
	v9 =	vld.idx.msk [tilespmem:v16+s17+$0x0], $0xffff;
	v1 =	vsub.f32 $1.500000000e+00, v1  }
0x3a6: {  	v2 =	vadd.f32 v2, v10;
	v16 =	vmul.f32 v13, v38;
	v49 =	vmul.f32 v26, v8  }
0x3a7: {  	v35 =	vor.u32 $0x4, v3;
	v52 =	vmul.f32 v13, v6;
	v1 =	vmul.f32 v1, v4  }
0x3a8: {  	v2 =	vadd.f32 v2, v14;
	v56 =	vmul.f32 v26, v6;
	v63 =	vmul.f32 v17, v37  }
0x3a9: {  	v51 =	vmul.f32 v18, v37;
	v36 =	vld.idx.msk [tilespmem:v20+s17+$0x0], $0xffff;
	v14 =	vmul.f32 v1, v5  }
0x3aa: {  	v15 =	vmul.f32 v17, v6;
	v42 =	vmul.f32 v47, v9;
	v1 =	vadd.f32 v2, v31;
	v2 =	vld [tilespmem:$0x1FEE0]  }
0x3ab: {  	v43 =	vor.u32 $0x3, v3;
	v48 =	vmul.f32 v45, v9;
	v7 =	vld.idx.msk [tilespmem:v20+s19+$0x0], $0xffff;
	(erf) = vrcp.f32 v14  }
0x3ac: {  	v50 =	vmul.f32 v17, v9;
	v4 =	vmul.f32 v45, v8;
	v20 =	vld.idx.msk [tilespmem:v35+s17+$0x0], $0xffff;
	v19 =	vadd.f32 v1, v19  }
0x3ad: {  	v53 =	vmul.f32 v18, v9;
	v3 =	vmul.f32 v11, v8;
	v31 =	vnsel vm0, $0x0, v54  }
0x3ae: {  	v54 =	vmul.f32 v45, v6;
	v4 =	vadd.f32 v42, v4;
	v12 =	vadd.f32 v19, v12  }
0x3af: {  	v19 =	vmul.f32 v13, v9;
	v58 =	vmul.f32 v17, v36;
	vm0 =	vlt.u32 v2, $0x271;
	v2 =	vld [tilespmem:$0x1F760]  }
0x3b0: {  	v49 =	vadd.f32 v48, v49;
	v1 =	vld [tilespmem:$0x1FE70];
	v59 =	vmul.f32 v47, v36;
	v61 =	vmul.f32 v7, v38  }
0x3b1: {  	[tilespmem:$0x1F7A0] =	vst v4;
	v4 =	vadd.f32 v40, v41;
	v62 =	vmul.f32 v18, v36;
	v33 =	vmul.f32 v17, v20  }
0x3b2: {  	v3 =	vsub.f32 $0.0e+00, v3;
	v41 =	vld.idx.msk [tilespmem:v43+s17+$0x0], $0xffff;
	v40 =	vmul.f32 v18, v20;
	v42 =	vmul.f32 v45, v36  }
0x3b3: {  	[tilespmem:$0x1F7B0] =	vst v4;
	v4 =	vmul.f32 v11, v9;
	v12 =	vadd.f32 v12, v22;
	v48 =	vadd.f32 v59, v51  }
0x3b4: {  	v51 =	vadd.f32 v62, v63;
	v42 =	vadd.f32 v40, v42;
	vm1 =	vle.f32 v2, $1.000000000e+01;
	v22 =	vpop (erf)  }
0x3b5: {  	v31 =	vadd.f32 v31, v1;
	vm0 =	vmand vm0, vm1;
	v5 =	vmul.f32 v22, v5  }
0x3b6: {  	v4 =	vsub.f32 $0.0e+00, v4;
	v1 =	vmul.f32 v47, v37;
	v12 =	vnsel vm0, $0x0, v12  }
0x3b7: {  	v59 =	vmul.f32 v47, v41;
	v10 =	vadd.f32 v12, v31;
	v5 =	vadd.f32 v5, v14  }
0x3b8: {  	v35 =	vld.idx.msk [tilespmem:v35+s19+$0x0], $0xffff;
	v62 =	vmul.f32 v18, v41;
	v2 =	vmul.f32 v47, v20;
	vm0 =	vlt.u32 v0, $0x271  }
0x3b9: {  	v0 =	vmul.f32 v13, v36;
	[tilespmem:$0x1F770] =	vst v10;
	v10 =	vadd.f32 v44, v34;
	v44 =	vmul.f32 $5.000000000e-01, v5  }
0x3ba: {  	v22 =	vmul.f32 v7, v6;
	v31 =	vmul.f32 v45, v37;
	v12 =	vsub.f32 $0.0e+00, v60  }
0x3bb: {  	v60 =	vsub.f32 $0.0e+00, v61;
	v5 =	vadd.f32 v15, v16;
	v15 =	vmul.f32 $3.000000120e-01, v44  }
0x3bc: {  	v61 =	vmul.f32 v11, v37;
	v14 =	vadd.f32 v50, v52;
	v52 =	vadd.f32 v19, v56  }
0x3bd: {  	v50 =	vadd.f32 v53, v54;
	v53 =	vmul.f32 v35, v9;
	v19 =	vmul.f32 $3.275910910e-01, v15  }
0x3be: {  	v54 =	vmul.f32 v13, v20;
	v33 =	vadd.f32 v33, v0;
	v22 =	vsub.f32 $0.0e+00, v22  }
0x3bf: {  	v34 =	vmul.f32 v13, v37;
	v56 =	vadd.f32 v2, v31;
	v19 =	vadd.f32 $1.000000000e+00, v19  }
0x3c0: {  	v2 =	vmul.f32 v26, v36;
	v31 =	vsub.f32 $0.0e+00, v57;
	v12 =	vadd.f32 v48, v12  }
0x3c1: {  	v57 =	vmul.f32 v45, v41;
	v48 =	vsub.f32 $0.0e+00, v61;
	(erf) = vrcp.f32 v19  }
0x3c2: {  	v16 =	vmul.f32 v45, v20;
	v53 =	vsub.f32 $0.0e+00, v53;
	v22 =	vadd.f32 v33, v22  }
0x3c3: {  	[tilespmem:$0x1F7E0] =	vst v10;
	v10 =	vadd.f32 v23, v25;
	v23 =	vadd.f32 v55, v39;
	v39 =	vmul.f32 v26, v37  }
0x3c4: {  	v54 =	vadd.f32 v54, v2;
	v55 =	vmul.f32 v11, v36;
	v40 =	vadd.f32 v56, v3;
	[tilespmem:$0x1F7C0] =	vst v5  }
0x3c5: {  	v56 =	vmul.f32 v26, v41;
	v48 =	vadd.f32 v59, v48;
	v5 =	vadd.f32 v42, v34;
	[tilespmem:$0x1F7F0] =	vst v10  }
0x3c6: {  	v10 =	vmul.f32 v26, v20;
	v16 =	vadd.f32 v16, v39;
	v39 =	vld.idx.msk [tilespmem:v43+s19+$0x0], $0xffff;
	v43 =	vmul.f32 v17, v41  }
0x3c7: {  	v25 =	vadd.f32 v23, v24;
	v23 =	vmul.f32 v7, v36;
	v24 =	vadd.f32 v58, v60  }
0x3c8: {  	v60 =	vmul.f32 v11, v41;
	v55 =	vsub.f32 $0.0e+00, v55;
	v59 =	vsub.f32 $0.0e+00, v15  }
0x3c9: {  	v23 =	vsub.f32 $0.0e+00, v23;
	v42 =	vadd.f32 v10, v53;
	v10 =	vmul.f32 v13, v41  }
0x3ca: {  	v55 =	vadd.f32 v62, v55;
	v62 =	vmul.f32 v7, v20;
	v53 =	vmul.f32 v59, v15;
	v3 =	vpop (erf)  }
0x3cb: {  	v31 =	vadd.f32 v1, v31;
	v19 =	vmul.f32 v7, v9;
	v61 =	vmul.f32 $1.061405420e+00, v3  }
0x3cc: {  	v23 =	vadd.f32 v43, v23;
	v59 =	vsub.f32 $0.0e+00, v62;
	v58 =	vmul.f32 v39, v37  }
0x3cd: {  	v53 =	vmul.f32 $1.442695020e+00, v53;
	v63 =	vsub.f32 $0.0e+00, v19;
	v33 =	vadd.f32 $-1.453152060e+00, v61  }
0x3ce: {  	v62 =	vmul.f32 v39, v38;
	(erf) = vrcp.f32 v44;
	v19 =	vadd.f32 v16, v4  }
0x3cf: {  	v16 =	vadd.f32 v54, v63;
	v63 =	vmul.f32 v11, v20;
	v33 =	vmul.f32 v33, v3  }
0x3d0: {  	v10 =	vadd.f32 v10, v59;
	v59 =	vmul.f32 $3.000000000e+00, v15;
	v54 =	vsub.f32 $0.0e+00, v60  }
0x3d1: {  	v34 =	vsub.f32 $0.0e+00, v63;
	v61 =	vmul.f32 v35, v20;
	v33 =	vadd.f32 $1.421413780e+00, v33  }
0x3d2: {  	v63 =	vmul.f32 v7, v41;
	v54 =	vadd.f32 v54, v58;
	(erf) = vpow2.f32 v53  }
0x3d3: {  	v53 =	vmul.f32 v15, v15;
	v43 =	vsub.f32 $0.0e+00, v61;
	v33 =	vmul.f32 v33, v3  }
0x3d4: {  	v58 =	vmul.f32 v39, v36;
	v34 =	vadd.f32 v57, v34;
	v57 =	vsub.f32 $0.0e+00, v63  }
0x3d5: {  	v43 =	vadd.f32 v56, v43;
	v56 =	vmul.f32 v53, v15;
	v33 =	vadd.f32 $-2.844967250e-01, v33  }
0x3d6: {  	v36 =	vmul.f32 v35, v36;
	v63 =	vmul.f32 $1.128379230e+00, v15;
	v57 =	vadd.f32 v57, v58  }
0x3d7: {  	v1 =	vld [tilespmem:$0x1FFF0];
	v58 =	vmul.f32 v35, v41;
	v60 =	vadd.f32 v56, v56;
	v33 =	vmul.f32 v33, v3  }
0x3d8: {  	v41 =	vmul.f32 v39, v41;
	v61 =	vmul.f32 v56, v53  }
0x3d9: {  	v59 =	vadd.f32 v60, v59;
	v60 =	vmul.f32 v35, v38;
	v33 =	vadd.f32 $2.548295860e-01, v33  }
0x3da: {  	v20 =	vmul.f32 v39, v20;
	v53 =	vmul.f32 v61, v53  }
0x3db: {  	v0 =	vmul.f32 v33, v3;
	v33 =	vsub.f32 $0.0e+00, v58;
	v58 =	vsub.f32 $0.0e+00, v60  }
0x3dc: {  	v2 =	vsub.f32 $0.0e+00, v30;
	v59 =	vmul.f32 v59, v1;
	v53 =	vmul.f32 $8.000000000e+00, v53  }
0x3dd: {  	v60 =	vpop (erf);
	v33 =	vadd.f32 v33, v20;
	v20 =	vadd.f32 v22, v58;
	v22 =	vmul.f32 v7, v37  }
0x3de: {  	v23 =	vadd.f32 v23, v62;
	v59 =	vmul.f32 $1.128379230e+00, v59;
	v3 =	vpop (erf);
	v62 =	vmul.f32 v60, v60  }
0x3df: {  	v4 =	vmul.f32 v0, v3;
	v58 =	vmul.f32 v3, v63;
	v22 =	vsub.f32 $0.0e+00, v22  }
0x3e0: {  	v36 =	vsub.f32 $0.0e+00, v36;
	v0 =	vmul.f32 $1.000000000e+01, v56;
	v63 =	vmul.f32 v62, v60  }
0x3e1: {  	v58 =	vadd.f32 v4, v58;
	v22 =	vadd.f32 v55, v22;
	v55 =	vmul.f32 $1.500000000e+01, v15  }
0x3e2: {  	v10 =	vadd.f32 v10, v36;
	v1 =	vmul.f32 $2.800000000e+01, v61;
	v37 =	vmul.f32 v35, v37  }
0x3e3: {  	v58 =	vmul.f32 v58, v63;
	v0 =	vadd.f32 v0, v55;
	v55 =	vmul.f32 v59, v3  }
0x3e4: {  	v1 =	vadd.f32 v53, v1;
	v59 =	vmul.f32 v4, v60;
	v60 =	vmul.f32 $7.000000000e+01, v56  }
0x3e5: {  	v37 =	vsub.f32 $0.0e+00, v37;
	v2 =	vmul.f32 v58, v2;
	v56 =	vmul.f32 v63, v62  }
0x3e6: {  	v41 =	vmul.f32 v59, v41;
	v55 =	vadd.f32 v4, v55;
	v1 =	vadd.f32 v1, v60  }
0x3e7: {  	v2 =	vmul.f32 v2, v33;
	v33 =	vmul.f32 $1.050000000e+02, v15;
	v60 =	vsub.f32 $0.0e+00, v27  }
0x3e8: {  	v59 =	vmul.f32 v39, v9;
	v15 =	vmul.f32 v55, v56;
	v55 =	vsub.f32 $0.0e+00, v32  }
0x3e9: {  	v53 =	vmul.f32 $3.000000000e+00, v29;
	v34 =	vadd.f32 v34, v37;
	v60 =	vmul.f32 v58, v60  }
0x3ea: {  	v43 =	vadd.f32 v43, v59;
	v59 =	vmul.f32 v39, v8;
	v63 =	vmul.f32 v58, v55  }
0x3eb: {  	v1 =	vadd.f32 v1, v33;
	v53 =	vmul.f32 v15, v53;
	v37 =	vmul.f32 v60, v54  }
0x3ec: {  	v2 =	vadd.f32 v2, v41;
	v60 =	vmul.f32 v39, v6;
	v33 =	vmul.f32 v63, v57;
	v57 =	vld [tilespmem:$0x1FFE0]  }
0x3ed: {  	v41 =	vmul.f32 v32, v30;
	v63 =	vmul.f32 $4.000000000e+00, v61;
	v53 =	vsub.f32 v53, v58;
	v61 =	vld [tilespmem:$0x1FFD0]  }
0x3ee: {  	v54 =	vmul.f32 v39, v21;
	v55 =	vld [tilespmem:$0x1F780];
	v10 =	vadd.f32 v10, v60;
	v60 =	vmul.f32 $9.000000000e+00, v30  }
0x3ef: {  	v0 =	vadd.f32 v63, v0;
	v43 =	vmul.f32 v53, v43;
	v63 =	vmul.f32 $3.000000000e+00, v41  }
0x3f0: {  	v53 =	vmul.f32 v39, v46;
	v2 =	vadd.f32 v2, v33;
	v39 =	vmul.f32 v27, v30  }
0x3f1: {  	v34 =	vadd.f32 v34, v59;
	v33 =	vmul.f32 v15, v63;
	v1 =	vmul.f32 v1, v57  }
0x3f2: {  	v2 =	vadd.f32 v2, v37;
	v37 =	vmul.f32 v27, v32;
	v0 =	vmul.f32 v0, v61  }
0x3f3: {  	v59 =	vadd.f32 v48, v53;
	v48 =	vmul.f32 $-1.500000000e+01, v55;
	v1 =	vmul.f32 $1.128379230e+00, v1  }
0x3f4: {  	v2 =	vadd.f32 v2, v43;
	v43 =	vmul.f32 $3.000000000e+00, v55;
	v0 =	vmul.f32 $1.128379230e+00, v0  }
0x3f5: {  	v10 =	vmul.f32 v33, v10;
	v1 =	vmul.f32 v1, v3  }
0x3f6: {  	v0 =	vmul.f32 v0, v3;
	v3 =	vmul.f32 $3.000000000e+00, v39  }
0x3f7: {  	v2 =	vadd.f32 v2, v10;
	v10 =	vmul.f32 $3.000000000e+00, v28;
	v1 =	vadd.f32 v4, v1  }
0x3f8: {  	v3 =	vmul.f32 v15, v3;
	v0 =	vadd.f32 v4, v0;
	v4 =	vmul.f32 v56, v62  }
0x3f9: {  	v56 =	vmul.f32 v15, v43;
	v43 =	vmul.f32 v15, v60  }
0x3fa: {  	v3 =	vmul.f32 v3, v34;
	v57 =	vmul.f32 v4, v62  }
0x3fb: {  	v33 =	vsub.f32 v56, v58;
	v36 =	vmul.f32 v0, v4;
	v0 =	vmul.f32 $-1.500000000e+01, v29  }
0x3fc: {  	v4 =	vadd.f32 v22, v54;
	v22 =	vmul.f32 $3.000000000e+00, v37;
	v62 =	vmul.f32 $3.000000000e+00, v32  }
0x3fd: {  	v2 =	vadd.f32 v2, v3;
	v3 =	vmul.f32 v15, v10;
	v10 =	vmul.f32 v33, v23  }
0x3fe: {  	v23 =	vmul.f32 v35, v8;
	v22 =	vmul.f32 v15, v22  }
0x3ff: {  	v61 =	vmul.f32 v0, v30;
	v63 =	vmul.f32 v15, v62  }
0x400: {  	v4 =	vmul.f32 v22, v4;
	v22 =	vmul.f32 v35, v6  }
0x401: {  	v23 =	vsub.f32 $0.0e+00, v23;
	v2 =	vadd.f32 v2, v10;
	v10 =	vmul.f32 v36, v61  }
0x402: {  	v3 =	vsub.f32 v3, v58;
	v6 =	vmul.f32 v11, v6;
	v11 =	vmul.f32 v11, v38  }
0x403: {  	v19 =	vadd.f32 v19, v23;
	v23 =	vmul.f32 v7, v8;
	v22 =	vsub.f32 $0.0e+00, v22  }
0x404: {  	v10 =	vadd.f32 v43, v10;
	v2 =	vadd.f32 v2, v4;
	v3 =	vmul.f32 v3, v59  }
0x405: {  	v4 =	vmul.f32 v0, v32;
	v6 =	vsub.f32 $0.0e+00, v6;
	v0 =	vmul.f32 v27, v0  }
0x406: {  	v11 =	vsub.f32 $0.0e+00, v11;
	v16 =	vadd.f32 v16, v22;
	v22 =	vmul.f32 v35, v46  }
0x407: {  	v23 =	vsub.f32 $0.0e+00, v23;
	v4 =	vmul.f32 v36, v4;
	v2 =	vadd.f32 v2, v3  }
0x408: {  	v10 =	vmul.f32 v10, v42;
	v5 =	vadd.f32 v5, v6;
	v6 =	vmul.f32 $3.000000000e+00, v27  }
0x409: {  	v3 =	vmul.f32 $3.000000000e+00, v30;
	v0 =	vmul.f32 v36, v0;
	v4 =	vadd.f32 v63, v4  }
0x40a: {  	v2 =	vadd.f32 v2, v10;
	v10 =	vmul.f32 v48, v30;
	v6 =	vmul.f32 v15, v6  }
0x40b: {  	v5 =	vadd.f32 v5, v23;
	v23 =	vmul.f32 $-1.500000000e+01, v28;
	v4 =	vmul.f32 v4, v16  }
0x40c: {  	v11 =	vadd.f32 v51, v11;
	v3 =	vmul.f32 v15, v3;
	v16 =	vmul.f32 v35, v21  }
0x40d: {  	v0 =	vadd.f32 v6, v0;
	v2 =	vadd.f32 v2, v4;
	v4 =	vmul.f32 v36, v10  }
0x40e: {  	v51 =	vmul.f32 $9.000000000e+01, v29;
	v10 =	vsub.f32 $0.0e+00, v22;
	v16 =	vsub.f32 $0.0e+00, v16  }
0x40f: {  	v22 =	vmul.f32 v23, v30;
	v0 =	vmul.f32 v0, v19;
	v4 =	vadd.f32 v3, v4  }
0x410: {  	v19 =	vmul.f32 $1.500000000e+01, v41;
	v5 =	vadd.f32 v5, v16;
	v16 =	vmul.f32 $9.000000000e+00, v32  }
0x411: {  	v22 =	vmul.f32 v36, v22;
	v0 =	vadd.f32 v2, v0;
	v2 =	vmul.f32 v4, v20  }
0x412: {  	v4 =	vmul.f32 v19, v27;
	v20 =	vmul.f32 v48, v32  }
0x413: {  	v3 =	vadd.f32 v3, v22;
	v22 =	vmul.f32 v7, v21;
	v16 =	vmul.f32 v15, v16  }
0x414: {  	v10 =	vadd.f32 v40, v10;
	v7 =	vmul.f32 v7, v46;
	v4 =	vmul.f32 v36, v4  }
0x415: {  	v0 =	vadd.f32 v0, v2;
	v2 =	vmul.f32 v36, v20;
	v20 =	vmul.f32 v48, v27  }
0x416: {  	v3 =	vmul.f32 v3, v10;
	v10 =	vmul.f32 v23, v32  }
0x417: {  	v7 =	vsub.f32 $0.0e+00, v7;
	v5 =	vmul.f32 v4, v5;
	v4 =	vmul.f32 v1, v57  }
0x418: {  	v1 =	vadd.f32 v16, v2;
	v2 =	vsub.f32 $0.0e+00, v22;
	v16 =	vmul.f32 $9.000000000e+00, v27  }
0x419: {  	v10 =	vmul.f32 v36, v10;
	v0 =	vsub.f32 v0, v5;
	v5 =	vmul.f32 v36, v20  }
0x41a: {  	v7 =	vadd.f32 v12, v7;
	v2 =	vadd.f32 v11, v2;
	v1 =	vmul.f32 v1, v24  }
0x41b: {  	v11 =	vmul.f32 v23, v27;
	v5 =	vadd.f32 v6, v5;
	v6 =	vmul.f32 $1.050000000e+02, v29  }
0x41c: {  	v10 =	vadd.f32 v63, v10;
	v16 =	vmul.f32 v15, v16;
	v0 =	vadd.f32 v0, v3  }
0x41d: {  	v11 =	vmul.f32 v36, v11;
	v3 =	vmul.f32 v6, v29  }
0x41e: {  	v7 =	vmul.f32 v10, v7;
	v0 =	vadd.f32 v0, v1;
	v2 =	vmul.f32 v5, v2  }
0x41f: {  	v1 =	vmul.f32 v36, v51;
	v11 =	vadd.f32 v16, v11;
	v3 =	vmul.f32 v4, v3  }
0x420: {  	v5 =	vmul.f32 v26, v38;
	v54 =	vmul.f32 v55, v6;
	v16 =	vld [tilespmem:$0x1F790];
	v0 =	vadd.f32 v0, v2  }
0x421: {  	v2 =	vmul.f32 $4.500000000e+01, v41;
	v1 =	vsub.f32 v3, v1;
	v3 =	vmul.f32 v13, v8  }
0x422: {  	v8 =	vmul.f32 v26, v9;
	v9 =	vmul.f32 v41, v6  }
0x423: {  	v10 =	vadd.f32 v14, v5;
	v5 =	vmul.f32 $9.000000000e+00, v15;
	v14 =	vmul.f32 v4, v54  }
0x424: {  	v2 =	vmul.f32 v36, v2;
	v9 =	vmul.f32 v4, v9  }
0x425: {  	v0 =	vadd.f32 v0, v7;
	v16 =	vmul.f32 $1.500000000e+01, v16;
	v1 =	vadd.f32 v1, v5  }
0x426: {  	v7 =	vmul.f32 v11, v31;
	v11 =	vmul.f32 $4.500000000e+01, v39;
	v9 =	vsub.f32 v9, v2  }
0x427: {  	v20 =	vadd.f32 v28, v29;
	v16 =	vmul.f32 v36, v16;
	v1 =	vmul.f32 v1, v8  }
0x428: {  	v0 =	vadd.f32 v0, v7;
	v7 =	vmul.f32 v9, v52;
	v9 =	vmul.f32 v39, v6  }
0x429: {  	v20 =	vmul.f32 $1.500000000e+01, v20;
	v14 =	vsub.f32 v14, v16;
	v16 =	vmul.f32 v28, v6  }
0x42a: {  	v0 =	vadd.f32 v0, v1;
	v1 =	vmul.f32 v4, v9;
	v9 =	vmul.f32 v36, v11  }
0x42b: {  	v56 =	vmul.f32 $3.000000000e+00, v15;
	v8 =	vmul.f32 $1.500000000e+01, v37  }
0x42c: {  	v15 =	vmul.f32 v36, v20;
	v11 =	vmul.f32 v4, v16;
	v1 =	vsub.f32 v1, v9  }
0x42d: {  	v6 =	vmul.f32 v37, v6;
	v0 =	vadd.f32 v0, v7;
	v7 =	vmul.f32 v36, v8  }
0x42e: {  	v8 =	vsub.f32 v11, v15;
	v11 =	vadd.f32 v14, v56;
	v1 =	vmul.f32 v1, v49  }
0x42f: {  	v53 =	vmul.f32 v26, v21;
	v3 =	vadd.f32 v50, v3;
	v6 =	vmul.f32 v4, v6;
	v16 =	vld [tilespmem:$0x1F7B0]  }
0x430: {  	v59 =	vmul.f32 v18, v21;
	v15 =	vld [tilespmem:$0x1F7A0];
	v0 =	vadd.f32 v0, v1;
	v1 =	vmul.f32 v11, v10  }
0x431: {  	v57 =	vmul.f32 v26, v46;
	v3 =	vadd.f32 v3, v53;
	v6 =	vsub.f32 v6, v7  }
0x432: {  	v11 =	vmul.f32 v45, v38;
	v0 =	vadd.f32 v0, v1;
	v1 =	vmul.f32 $1.050000000e+02, v28  }
0x433: {  	v7 =	vmul.f32 $1.050000000e+02, v55;
	v3 =	vmul.f32 v6, v3  }
0x434: {  	v6 =	vmul.f32 $1.500000000e+01, v39;
	v11 =	vadd.f32 v16, v11;
	v16 =	vmul.f32 v1, v41  }
0x435: {  	v58 =	vmul.f32 v39, v7;
	v14 =	vadd.f32 v15, v57;
	v15 =	vmul.f32 v7, v41  }
0x436: {  	v8 =	vadd.f32 v8, v56;
	v6 =	vmul.f32 v36, v6;
	v61 =	vmul.f32 v4, v16;
	v16 =	vld [tilespmem:$0x1F7C0]  }
0x437: {  	v15 =	vmul.f32 v4, v15;
	v0 =	vadd.f32 v0, v3;
	v3 =	vmul.f32 v4, v58  }
0x438: {  	v62 =	vmul.f32 v7, v55;
	v8 =	vmul.f32 v8, v14  }
0x439: {  	v2 =	vsub.f32 v15, v2;
	v15 =	vmul.f32 v13, v21;
	v3 =	vsub.f32 v3, v6  }
0x43a: {  	v6 =	vmul.f32 v13, v46;
	v0 =	vadd.f32 v0, v8;
	v8 =	vmul.f32 v36, v19  }
0x43b: {  	s23 =	simm.s32 $0x10;
	v13 =	vmul.f32 v4, v62;
	v2 =	vmul.f32 v2, v16;
	v16 =	vlaneseq.u32  }
0x43c: {  	v11 =	vadd.f32 v11, v15;
	v15 =	vmul.f32 v18, v46;
	v18 =	vor.u32 s23, v16  }
0x43d: {  	v19 =	vadd.f32 v28, v55;
	v16 =	vmul.f32 $9.000000000e+01, v55;
	vm1 =	vlt.s32 v18, $0x270  }
0x43e: {  	v8 =	vsub.f32 v61, v8;
	v3 =	vmul.f32 v3, v11;
	v11 =	vnsel vm1, $0x270, v18  }
0x43f: {  	v16 =	vmul.f32 v36, v16;
	v61 =	vshll.u32 v11, $0x4;
	v11 =	vmul.f32 v1, v39  }
0x440: {  	v20 =	vld [tilespmem:$0x1F7E0];
	v6 =	vadd.f32 v25, v6;
	v0 =	vadd.f32 v0, v2  }
0x441: {  	v13 =	vsub.f32 v13, v16;
	v16 =	vor.u32 $0xC, v61;
	v11 =	vmul.f32 v4, v11  }
0x442: {  	v6 =	vmul.f32 v8, v6;
	v0 =	vadd.f32 v0, v3;
	v3 =	vor.u32 $0xB, v61  }
0x443: {  	v19 =	vmul.f32 $1.500000000e+01, v19;
	v9 =	vsub.f32 v11, v9  }
0x444: {  	v2 =	vmul.f32 v17, v38;
	[tilespmem:$0x1F7D0] =	vst v18;
	v18 =	vmul.f32 v47, v38;
	v0 =	vadd.f32 v0, v6  }
0x445: {  	v6 =	vor.u32 $0xA, v61;
	v13 =	vadd.f32 v13, v5;
	v9 =	vmul.f32 v9, v20  }
0x446: {  	v8 =	vmul.f32 $4.500000000e+01, v37;
	v14 =	vadd.f32 v18, v59;
	v18 =	vmul.f32 v28, v7;
	v35 =	vld.idx.msk [tilespmem:v16+s17+$0x0], $0xffff  }
0x447: {  	v7 =	vmul.f32 v37, v7;
	v2 =	vmul.f32 v13, v2;
	v27 =	vld.idx.msk [tilespmem:v3+s17+$0x0], $0xffff;
	v0 =	vadd.f32 v0, v9  }
0x448: {  	v19 =	vmul.f32 v36, v19;
	v16 =	vld.idx.msk [tilespmem:v16+s19+$0x0], $0xffff  }
0x449: {  	v8 =	vmul.f32 v36, v8;
	v7 =	vmul.f32 v4, v7;
	v0 =	vadd.f32 v0, v2;
	v2 =	vld [tilespmem:$0x1F7F0]  }
0x44a: {  	v11 =	vmul.f32 v1, v28;
	v25 =	vld.idx.msk [tilespmem:v6+s17+$0x0], $0xffff;
	v9 =	vmul.f32 $9.000000000e+01, v28  }
0x44b: {  	v17 =	vmul.f32 v17, v46;
	v18 =	vmul.f32 v4, v18;
	v42 =	vld.idx.msk [tilespmem:v6+s19+$0x0], $0xffff  }
0x44c: {  	v40 =	vld.idx.msk [tilespmem:v3+s19+$0x0], $0xffff;
	v3 =	vsub.f32 v7, v8;
	v7 =	vmul.f32 v4, v11;
	v9 =	vmul.f32 v36, v9  }
0x44d: {  	v63 =	vor.u32 $0x8, v61;
	v1 =	vmul.f32 v1, v37;
	v18 =	vsub.f32 v18, v19  }
0x44e: {  	v20 =	vor.u32 $0x9, v61;
	v2 =	vmul.f32 v3, v2;
	v3 =	vsub.f32 v7, v9  }
0x44f: {  	v1 =	vmul.f32 v4, v1;
	v4 =	vadd.f32 v14, v17;
	v6 =	vadd.f32 v18, v56  }
0x450: {  	v3 =	vadd.f32 v3, v5;
	v5 =	vmul.f32 v42, v25  }
0x451: {  	v0 =	vadd.f32 v0, v2;
	v2 =	vmul.f32 v6, v4;
	v4 =	vmul.f32 v16, v27  }
0x452: {  	v10 =	vmul.f32 v47, v21;
	v21 =	vor.u32 $0x7, v61;
	v23 =	vld.idx.msk [tilespmem:v63+s19+$0x0], $0xffff;
	[tilespmem:$0x1F820] =	vst v5;
	v5 =	vmul.f32 v42, v35  }
0x453: {  	v8 =	vsub.f32 v1, v8;
	v26 =	vld.idx.msk [tilespmem:v20+s17+$0x0], $0xffff;
	[tilespmem:$0x1F800] =	vst v4;
	v4 =	vmul.f32 v40, v35  }
0x454: {  	v29 =	vld.idx.msk [tilespmem:v20+s19+$0x0], $0xffff;
	v7 =	vadd.f32 v10, v15;
	[tilespmem:$0x1F830] =	vst v5;
	v5 =	vmul.f32 v42, v27  }
0x455: {  	vm1 =	vle.f32 v44, $1.000000000e+01;
	v37 =	vld.idx.msk [tilespmem:v63+s17+$0x0], $0xffff;
	v9 =	vmul.f32 v47, v46;
	[tilespmem:$0x1F810] =	vst v4  }
0x456: {  	v0 =	vadd.f32 v0, v2;
	v4 =	vmul.f32 v8, v7;
	[tilespmem:$0x1F840] =	vst v5;
	v5 =	vmul.f32 v16, v25  }
0x457: {  	vm0 =	vmand vm0, vm1;
	v22 =	vld.idx.msk [tilespmem:v21+s19+$0x0], $0xffff;
	v55 =	vmul.f32 v40, v25  }
0x458: {  	v3 =	vmul.f32 v3, v9;
	v4 =	vadd.f32 v0, v4;
	[tilespmem:$0x1F850] =	vst v5;
	v5 =	vmul.f32 v40, v27  }
0x459: {  	v1 =	vor.u32 $0x6, v61;
	v56 =	vmul.f32 v16, v26;
	v57 =	vmul.f32 v29, v35;
	v0 =	vld.idx.msk [tilespmem:v61+s17+$0x0], $0xffff  }
0x45a: {  	s20 =	simm.s32 $0x20;
	v2 =	vor.u32 $0x5, v61;
	v8 =	vor.u32 $0x2, v61;
	v39 =	vadd.f32 v4, v3;
	v4 =	vld.idx.msk [tilespmem:v61+s19+$0x0], $0xffff;
	[tilespmem:$0x1F860] =	vst v5  }
.LBB2_5:
0x45b: {  	_ = 	snop  }
0x45c: {  	v3 =	vmul.f32 v23, v27;
	_ =	sdelay $0x1  }
0x45d: {  	[tilespmem:$0x1F5E0] =	vst v3;
	v3 =	vmul.f32 v23, v35  }
0x45e: {  	v7 =	vld.idx.msk [tilespmem:v1+s19+$0x0], $0xffff  }
0x45f: {  	[tilespmem:$0x1F610] =	vst v3;
	v3 =	vld.idx.msk [tilespmem:v1+s17+$0x0], $0xffff;
	v1 =	vmul.f32 v16, v37;
	_ =	sdelay $0x1  }
0x460: {  	[tilespmem:$0x1F150] =	vst v1;
	v1 =	vmul.f32 v40, v26;
	_ =	sdelay $0x1  }
0x461: {  	[tilespmem:$0x1F160] =	vst v1;
	v1 =	vmul.f32 v22, v35;
	_ =	sdelay $0x1  }
0x462: {  	[tilespmem:$0x1F590] =	vst v1;
	v1 =	vmul.f32 v40, v37  }
0x463: {  	v9 =	vld.idx.msk [tilespmem:v21+s17+$0x0], $0xffff  }
0x464: {  	[tilespmem:$0x1F190] =	vst v1;
	v1 =	vmul.f32 v22, v27;
	_ =	sdelay $0x1  }
0x465: {  	[tilespmem:$0x1F570] =	vst v1;
	v1 =	vmul.f32 v42, v26;
	_ =	sdelay $0x1  }
0x466: {  	[tilespmem:$0x1F1A0] =	vst v1;
	v1 =	vmul.f32 v16, v9;
	_ =	sdelay $0x1  }
0x467: {  	[tilespmem:$0x1F170] =	vst v1;
	v1 =	vmul.f32 v29, v26;
	_ =	sdelay $0x1  }
0x468: {  	[tilespmem:$0x1F180] =	vst v1;
	v1 =	vmul.f32 v22, v25;
	_ =	sdelay $0x1  }
0x469: {  	[tilespmem:$0x1F4D0] =	vst v1;
	v1 =	vmul.f32 v23, v26;
	_ =	sdelay $0x1  }
0x46a: {  	[tilespmem:$0x1F510] =	vst v1;
	v1 =	vmul.f32 v29, v9  }
0x46b: {  	v6 =	vmul.f32 v42, v37  }
0x46c: {  	[tilespmem:$0x1F1B0] =	vst v1;
	v1 =	vmul.f32 v22, v26  }
0x46d: {  	[tilespmem:$0x1F130] =	vst v6;
	v6 =	vmul.f32 v29, v27  }
0x46e: {  	[tilespmem:$0x1F1C0] =	vst v1;
	v1 =	vmul.f32 v42, v9  }
0x46f: {  	[tilespmem:$0x1F270] =	vst v6  }
0x470: {  	v6 =	vld [tilespmem:$0x1F770];
	[tilespmem:$0x1F1D0] =	vst v1;
	v1 =	vmul.f32 v23, v37;
	_ =	sdelay $0x1  }
0x471: {  	[tilespmem:$0x1F1E0] =	vst v1;
	v1 =	vmul.f32 v40, v9;
	_ =	sdelay $0x1  }
0x472: {  	v5 =	vnsel vm0, $0x0, v39;
	[tilespmem:$0x1F210] =	vst v1;
	v1 =	vmul.f32 v29, v37  }
0x473: {  	v6 =	vadd.f32 v5, v6;
	v5 =	vmul.f32 v23, v25  }
0x474: {  	[tilespmem:$0x1F220] =	vst v1;
	v1 =	vmul.f32 v22, v9  }
0x475: {  	[tilespmem:$0x1F140] =	vst v5;
	v5 =	vmul.f32 v29, v25  }
0x476: {  	[tilespmem:$0x1F530] =	vst v1;
	v1 =	vmul.f32 v23, v9  }
0x477: {  	[tilespmem:$0x1F5C0] =	vst v5;
	v5 =	vld.idx.msk [tilespmem:v2+s19+$0x0], $0xffff  }
0x478: {  	[tilespmem:$0x1F1F0] =	vst v1;
	v1 =	vmul.f32 v16, v3;
	_ =	sdelay $0x1  }
0x479: {  	[tilespmem:$0x1F280] =	vst v1;
	v1 =	vmul.f32 v22, v37  }
0x47a: {  	[tilespmem:$0x1F770] =	vst v6;
	v6 =	vld.idx.msk [tilespmem:v2+s17+$0x0], $0xffff  }
0x47b: {  	[tilespmem:$0x1F200] =	vst v1;
	v1 =	vmul.f32 v5, v35;
	_ =	sdelay $0x1  }
0x47c: {  	v10 =	vor.u32 $0x1, v61;
	v2 =	vld.idx.msk [tilespmem:v8+s17+$0x0], $0xffff;
	[tilespmem:$0x1F250] =	vst v1;
	v1 =	vmul.f32 v7, v35  }
0x47d: {  	v8 =	vld.idx.msk [tilespmem:v8+s19+$0x0], $0xffff  }
0x47e: {  	[tilespmem:$0x1F230] =	vst v1;
	v1 =	vmul.f32 v42, v6;
	_ =	sdelay $0x1  }
0x47f: {  	v0 =	vsub.f32 v4, v0;
	[tilespmem:$0x1F290] =	vst v1;
	v1 =	vmul.f32 v5, v27  }
0x480: {  	v12 =	vld.idx.msk [tilespmem:v10+s17+$0x0], $0xffff  }
0x481: {  	v4 =	vsub.f32 v8, v2;
	v8 =	vshrl.u32 v0, $0x10;
	[tilespmem:$0x1F240] =	vst v1;
	v1 =	vld [tilespmem:$0x1FFA0]  }
0x482: {  	v14 =	vld.idx.msk [tilespmem:v10+s19+$0x0], $0xffff;
	v8 =	vand.u32 $0x1, v8  }
0x483: {  	v0 =	vadd.s32 v8, v0  }
0x484: {  	v0 =	vadd.s32 $0x7FFF, v0  }
0x485: {  	v0 =	vand.u32 $0xFFFF0000, v0  }
0x486: {  	v53 =	vshrl.u32 v4, $0x10;
	v0 =	vmul.f32 v0, v1;
	v1 =	vld [tilespmem:$0x1FFC0]  }
0x487: {  	v12 =	vsub.f32 v14, v12;
	v14 =	vand.u32 $0x1, v53  }
0x488: {  	v4 =	vadd.s32 v14, v4  }
0x489: {  	v4 =	vadd.s32 $0x7FFF, v4  }
0x48a: {  	v4 =	vand.u32 $0xFFFF0000, v4  }
0x48b: {  	v8 =	vshrl.u32 v12, $0x10;
	v4 =	vmul.f32 v4, v1;
	v1 =	vld [tilespmem:$0x1FFB0]  }
0x48c: {  	v8 =	vand.u32 $0x1, v8  }
0x48d: {  	v8 =	vadd.s32 v8, v12  }
0x48e: {  	v8 =	vadd.s32 $0x7FFF, v8  }
0x48f: {  	v8 =	vand.u32 $0xFFFF0000, v8  }
0x490: {  	vm0 =	vgt.f32 v0, $5.000000000e-01;
	v8 =	vmul.f32 v8, v1;
	v1 =	vimm.f32 $0.0e+00  }
0x491: {  	vm1 =	vlt.f32 v0, $-5.000000000e-01;
	v54 =	vsel vm0, $0x3F800000, v1;
	vm0 =	vgt.f32 v4, $5.000000000e-01  }
0x492: {  	v58 =	vsel vm1, $0x3F800000, v1;
	vm1 =	vgt.f32 v8, $5.000000000e-01;
	vm3 =	vlt.f32 v8, $-5.000000000e-01  }
0x493: {  	v12 =	vsub.f32 v54, v58;
	v20 =	vsel vm1, $0x3F800000, v1;
	v30 =	vsel vm3, $0x3F800000, v1  }
0x494: {  	vm2 =	vlt.f32 v4, $-5.000000000e-01;
	v32 =	vsel vm0, $0x3F800000, v1;
	v59 =	vsub.f32 v20, v30  }
0x495: {  	v20 =	vsel vm2, $0x3F800000, v1;
	v1 =	vmul.f32 v7, v27;
	v0 =	vsub.f32 v0, v12;
	_ =	sdelay $0x1  }
0x496: {  	[tilespmem:$0x1F260] =	vst v1;
	v12 =	vshrl.u32 v0, $0x10;
	v1 =	vld [tilespmem:$0x1FF70]  }
0x497: {  	v12 =	vand.u32 $0x1, v12  }
0x498: {  	v0 =	vadd.s32 v12, v0  }
0x499: {  	v30 =	vsub.f32 v32, v20;
	v8 =	vsub.f32 v8, v59;
	v0 =	vadd.s32 $0x7FFF, v0  }
0x49a: {  	v0 =	vand.u32 $0xFFFF0000, v0  }
0x49b: {  	v4 =	vsub.f32 v4, v30;
	v60 =	vshrl.u32 v8, $0x10;
	v47 =	vmul.f32 v0, v1;
	v0 =	vld [tilespmem:$0x1FF80]  }
0x49c: {  	v32 =	vand.u32 $0x1, v60  }
0x49d: {  	v34 =	vshrl.u32 v4, $0x10;
	v8 =	vadd.s32 v32, v8;
	v1 =	vld [tilespmem:$0x1FF90]  }
0x49e: {  	v31 =	vor.u32 $0x4, v61;
	v34 =	vand.u32 $0x1, v34;
	v8 =	vadd.s32 $0x7FFF, v8  }
0x49f: {  	v4 =	vadd.s32 v34, v4;
	v8 =	vand.u32 $0xFFFF0000, v8  }
0x4a0: {  	v50 =	vmovc v55;
	v55 =	vmov v56;
	v4 =	vadd.s32 $0x7FFF, v4;
	v56 =	vmul.f32 v8, v0  }
0x4a1: {  	v32 =	vmul.f32 v47, v47;
	v0 =	vand.u32 $0xFFFF0000, v4  }
0x4a2: {  	v44 =	vmul.f32 v0, v1;
	v34 =	vmul.f32 v56, v56  }
0x4a3: {  	v2 =	vmov v57;
	v57 =	vld.idx.msk [tilespmem:v31+s17+$0x0], $0xffff  }
0x4a4: {  	v49 =	vmul.f32 v44, v44;
	v0 =	vadd.f32 v34, v32;
	_ =	sdelay $0x1  }
0x4a5: {  	[tilespmem:$0x1F2E0] =	vst v0;
	v60 =	vadd.f32 v49, v0;
	v0 =	vmul.f32 v23, v3;
	_ =	sdelay $0x1  }
0x4a6: {  	v4 =	vor.u32 $0x3, v61;
	[tilespmem:$0x1F2A0] =	vst v0;
	v0 =	vmul.f32 v22, v57;
	_ =	sdelay $0x1  }
0x4a7: {  	[tilespmem:$0x1F2B0] =	vst v0;
	v0 =	vlaneseq.u32  }
0x4a8: {  	v19 =	vor.u32 s20, v0;
	v0 =	vld [tilespmem:$0x1F7D0];
	_ =	sdelay $0x1  }
0x4a9: {  	v38 =	vld.idx.msk [tilespmem:v4+s19+$0x0], $0xffff;
	_ =	sdelay $0x2  }
0x4aa: {  	v39 =	vld.idx.msk [tilespmem:v4+s17+$0x0], $0xffff;
	vm0 =	vlt.u32 v0, $0x271;
	v0 =	vmov v19  }
0x4ab: {  	vm1 =	vlt.s32 v0, $0x270  }
0x4ac: {  	[tilespmem:$0x1F7D0] =	vst v0;
	v19 =	vnsel vm1, $0x270, v0;
	v0 =	vmul.f32 v38, v27  }
0x4ad: {  	v61 =	vshll.u32 v19, $0x4  }
0x4ae: {  	v33 =	vmov v16;
	[tilespmem:$0x1F340] =	vst v0;
	v0 =	vor.u32 $0xC, v61  }
0x4af: {  	[tilespmem:$0x1F650] =	vst v0;
	v0 =	vmul.f32 v33, v39;
	_ =	sdelay $0x1  }
0x4b0: {  	[tilespmem:$0x1F2C0] =	vst v0;
	v0 =	vor.u32 $0xA, v61  }
0x4b1: {  	[tilespmem:$0x1F6B0] =	vst v0;
	v0 =	vmul.f32 v38, v25;
	_ =	sdelay $0x1  }
0x4b2: {  	[tilespmem:$0x1F2F0] =	vst v0;
	v0 =	vor.u32 $0xB, v61  }
0x4b3: {  	[tilespmem:$0x1F660] =	vst v0;
	v0 =	vmul.f32 v38, v26;
	_ =	sdelay $0x1  }
0x4b4: {  	[tilespmem:$0x1F320] =	vst v0;
	v0 =	vor.u32 $0x9, v61  }
0x4b5: {  	[tilespmem:$0x1F700] =	vst v0;
	v0 =	vmul.f32 v42, v39;
	_ =	sdelay $0x1  }
0x4b6: {  	[tilespmem:$0x1F2D0] =	vst v0;
	v0 =	vmul.f32 v38, v37;
	_ =	sdelay $0x1  }
0x4b7: {  	[tilespmem:$0x1F330] =	vst v0;
	v0 =	vor.u32 $0x7, v61  }
0x4b8: {  	[tilespmem:$0x1F370] =	vst v0;
	v0 =	vor.u32 $0x8, v61  }
0x4b9: {  	[tilespmem:$0x1F710] =	vst v0;
	v0 =	vmul.f32 v38, v9;
	_ =	sdelay $0x1  }
0x4ba: {  	[tilespmem:$0x1F310] =	vst v0;
	v0 =	vadd.f32 v55, v2;
	_ =	sdelay $0x1  }
0x4bb: {  	[tilespmem:$0x1F690] =	vst v0;
	v0 =	vld [tilespmem:$0x1F840];
	_ =	sdelay $0x4  }
0x4bc: {  	v0 =	vadd.f32 v50, v0  }
0x4bd: {  	v2 =	vld [tilespmem:$0x1F140]  }
0x4be: {  	[tilespmem:$0x1F6D0] =	vst v0;
	v0 =	vld [tilespmem:$0x1F130];
	_ =	sdelay $0x4  }
0x4bf: {  	v54 =	vld.idx.msk [tilespmem:v31+s19+$0x0], $0xffff;
	v0 =	vadd.f32 v0, v2  }
0x4c0: {  	v2 =	vld [tilespmem:$0x1F160]  }
0x4c1: {  	[tilespmem:$0x1F5F0] =	vst v0;
	v0 =	vld [tilespmem:$0x1F150];
	_ =	sdelay $0x1  }
0x4c2: {  	v11 =	vmov v35  }
0x4c3: {  	v11 =	vmul.f32 v38, v11  }
0x4c4: {  	v43 =	vmul.f32 v7, v9  }
0x4c5: {  	v48 =	vmul.f32 v5, v9;
	[tilespmem:$0x1F360] =	vst v11;
	v11 =	vmul.f32 v54, v9;
	v9 =	vadd.f32 v0, v2;
	v0 =	vld [tilespmem:$0x1F170]  }
0x4c6: {  	v2 =	vld [tilespmem:$0x1F180];
	_ =	sdelay $0x4  }
0x4c7: {  	v0 =	vadd.f32 v0, v2  }
0x4c8: {  	v2 =	vld [tilespmem:$0x1F1A0]  }
0x4c9: {  	[tilespmem:$0x1F5A0] =	vst v0;
	v0 =	vld [tilespmem:$0x1F190];
	_ =	sdelay $0x4  }
0x4ca: {  	v0 =	vadd.f32 v0, v2  }
0x4cb: {  	v2 =	vld [tilespmem:$0x1F1C0]  }
0x4cc: {  	[tilespmem:$0x1F5D0] =	vst v0;
	v0 =	vld [tilespmem:$0x1F1B0];
	_ =	sdelay $0x4  }
0x4cd: {  	v0 =	vadd.f32 v0, v2  }
0x4ce: {  	v2 =	vld [tilespmem:$0x1F1E0]  }
0x4cf: {  	[tilespmem:$0x1F580] =	vst v0;
	v0 =	vld [tilespmem:$0x1F1D0];
	_ =	sdelay $0x4  }
0x4d0: {  	v0 =	vadd.f32 v0, v2  }
0x4d1: {  	v2 =	vld [tilespmem:$0x1F200]  }
0x4d2: {  	[tilespmem:$0x1F4E0] =	vst v0;
	v0 =	vld [tilespmem:$0x1F1F0]  }
0x4d3: {  	v8 =	vshrl.u32 v60, $0x1;
	v59 =	vmul.f32 $5.000000000e-01, v60  }
0x4d4: {  	v21 =	vsub.s32 $0x5F3759DF, v8  }
0x4d5: {  	v31 =	vmul.f32 v21, v59;
	_ =	sdelay $0x1  }
0x4d6: {  	v4 =	vmul.f32 v21, v31;
	v0 =	vadd.f32 v0, v2  }
0x4d7: {  	v46 =	vmul.f32 v7, v26;
	v24 =	vmul.f32 v40, v3;
	v2 =	vld [tilespmem:$0x1F220]  }
0x4d8: {  	v62 =	vmul.f32 v42, v3;
	v45 =	vmul.f32 v29, v3;
	v4 =	vsub.f32 $1.500000000e+00, v4;
	[tilespmem:$0x1F540] =	vst v0;
	v0 =	vld [tilespmem:$0x1F210]  }
0x4d9: {  	v28 =	vmul.f32 v22, v3;
	v10 =	vmul.f32 v16, v6  }
0x4da: {  	v63 =	vmul.f32 v40, v6;
	v17 =	vmul.f32 v21, v4  }
0x4db: {  	v13 =	vmul.f32 v29, v6;
	v36 =	vmul.f32 v5, v26  }
0x4dc: {  	v18 =	vmul.f32 v5, v37;
	v4 =	vmul.f32 v17, v59  }
0x4dd: {  	v41 =	vmul.f32 v16, v57;
	v53 =	vmul.f32 v40, v57;
	v0 =	vadd.f32 v0, v2;
	v2 =	vld [tilespmem:$0x1F230]  }
0x4de: {  	[tilespmem:$0x1F6F0] =	vst v16;
	v16 =	vmul.f32 v7, v37;
	v19 =	vmul.f32 v4, v17  }
0x4df: {  	v20 =	vmul.f32 v5, v25;
	v30 =	vmul.f32 v7, v25  }
0x4e0: {  	[tilespmem:$0x1F6E0] =	vst v35;
	v14 =	vmul.f32 v54, v35;
	v35 =	vmul.f32 v54, v25;
	v19 =	vsub.f32 $1.500000000e+00, v19  }
0x4e1: {  	v21 =	vmul.f32 v22, v6;
	v33 =	vmul.f32 v40, v39  }
0x4e2: {  	v40 =	vmul.f32 v22, v39;
	v17 =	vmul.f32 v19, v17;
	v22 =	vsub.f32 $0.0e+00, v2;
	v2 =	vld [tilespmem:$0x1F240]  }
0x4e3: {  	v58 =	vmul.f32 v54, v26;
	v1 =	vmul.f32 v54, v37  }
0x4e4: {  	v8 =	vmul.f32 v29, v57;
	v19 =	vmul.f32 v17, v59  }
0x4e5: {  	v25 =	vmul.f32 v7, v3;
	v26 =	vmul.f32 v5, v3  }
0x4e6: {  	v59 =	vmul.f32 v19, v17;
	v19 =	vmul.f32 v38, v3  }
0x4e7: {  	v37 =	vmul.f32 v29, v39;
	v29 =	vmul.f32 v54, v3;
	v3 =	vsub.f32 $0.0e+00, v2;
	v2 =	vld [tilespmem:$0x1F250];
	_ =	sdelay $0x4  }
0x4e8: {  	[tilespmem:$0x1F460] =	vst v3;
	v3 =	vsub.f32 $0.0e+00, v2;
	v2 =	vld [tilespmem:$0x1F260];
	_ =	sdelay $0x3  }
0x4e9: {  	v10 =	vadd.f32 v10, v24  }
0x4ea: {  	v24 =	vsub.f32 $0.0e+00, v2;
	v2 =	vadd.f32 v63, v62;
	_ =	sdelay $0x1  }
0x4eb: {  	[tilespmem:$0x1F430] =	vst v2;
	v2 =	vsub.f32 $0.0e+00, v14;
	_ =	sdelay $0x1  }
0x4ec: {  	v52 =	vmul.f32 v54, v27;
	[tilespmem:$0x1F410] =	vst v2;
	v2 =	vsub.f32 $0.0e+00, v30  }
0x4ed: {  	[tilespmem:$0x1F520] =	vst v0  }
0x4ee: {  	v0 =	vsub.f32 $1.500000000e+00, v59;
	[tilespmem:$0x1F440] =	vst v2;
	v2 =	vsub.f32 $0.0e+00, v52;
	_ =	sdelay $0x1  }
0x4ef: {  	v0 =	vmul.f32 v0, v17;
	[tilespmem:$0x1F3F0] =	vst v2;
	v2 =	vmul.f32 v38, v39  }
0x4f0: {  	v51 =	vmul.f32 v23, v6;
	v15 =	vmul.f32 v23, v57  }
0x4f1: {  	v12 =	vmul.f32 v42, v57;
	v0 =	vmul.f32 v0, v60;
	[tilespmem:$0x1F300] =	vst v2;
	v2 =	vsub.f32 $0.0e+00, v58  }
0x4f2: {  	v27 =	vmul.f32 v7, v6;
	v42 =	vmul.f32 v5, v6  }
0x4f3: {  	v59 =	vmul.f32 v23, v39;
	(erf) = vrcp.f32 v0;
	[tilespmem:$0x1F390] =	vst v2;
	v2 =	vsub.f32 $0.0e+00, v36  }
0x4f4: {  	v23 =	vmul.f32 v54, v6;
	v17 =	vmul.f32 v38, v6  }
0x4f5: {  	v6 =	vmul.f32 v7, v39;
	[tilespmem:$0x1F3E0] =	vst v2;
	v2 =	vmul.f32 $3.000000000e+00, v56  }
0x4f6: {  	v14 =	vmul.f32 v7, v57;
	v7 =	vmul.f32 v54, v57  }
0x4f7: {  	v36 =	vsub.f32 $0.0e+00, v23;
	v23 =	vmul.f32 v44, v56;
	[tilespmem:$0x1F380] =	vst v2;
	v2 =	vmul.f32 $3.000000000e+00, v44  }
0x4f8: {  	v1 =	vsub.f32 $0.0e+00, v1  }
0x4f9: {  	v4 =	vmul.f32 $9.000000000e+01, v32;
	[tilespmem:$0x1F3A0] =	vst v2;
	v2 =	vsub.f32 $0.0e+00, v7;
	v7 =	vmul.f32 $4.500000000e+01, v23  }
0x4fa: {  	[tilespmem:$0x1F3B0] =	vst v1;
	v30 =	vmul.f32 v5, v57;
	v5 =	vmul.f32 v5, v39  }
0x4fb: {  	v1 =	vsub.f32 $0.0e+00, v16;
	v16 =	vadd.f32 v8, v28;
	v8 =	vmul.f32 v38, v57;
	[tilespmem:$0x1F640] =	vst v7;
	v7 =	vld [tilespmem:$0x1F280]  }
0x4fc: {  	[tilespmem:$0x1F480] =	vst v4;
	v57 =	vadd.f32 v15, v21;
	v15 =	vpop (erf);
	v4 =	vsub.f32 $0.0e+00, v5;
	v5 =	vmul.f32 $9.000000000e+01, v49  }
0x4fd: {  	v15 =	vmul.f32 v15, v60  }
0x4fe: {  	[tilespmem:$0x1F6C0] =	vst v5;
	v5 =	vld [tilespmem:$0x1F270]  }
0x4ff: {  	v31 =	vsub.f32 $0.0e+00, v35;
	v0 =	vadd.f32 v15, v0  }
0x500: {  	v35 =	vsub.f32 $0.0e+00, v46;
	v7 =	vadd.f32 v7, v22  }
0x501: {  	v46 =	vsub.f32 $0.0e+00, v11;
	v11 =	vmul.f32 v54, v39;
	v54 =	vmul.f32 $5.000000000e-01, v0  }
0x502: {  	v58 =	vmul.f32 v44, v47;
	[tilespmem:$0x1F4F0] =	vst v7;
	v7 =	vmul.f32 $9.000000000e+01, v34  }
0x503: {  	v5 =	vadd.f32 v9, v5  }
0x504: {  	v21 =	vmul.f32 $3.000000120e-01, v54;
	[tilespmem:$0x1F600] =	vst v7;
	v7 =	vmul.f32 $1.500000000e+01, v58  }
0x505: {  	[tilespmem:$0x1F620] =	vst v5  }
0x506: {  	v5 =	vmul.f32 $3.275910910e-01, v21;
	[tilespmem:$0x1F5B0] =	vst v7;
	v7 =	vadd.f32 v10, v24;
	_ =	sdelay $0x1  }
0x507: {  	[tilespmem:$0x1F4A0] =	vst v7;
	v7 =	vadd.f32 $1.000000000e+00, v5;
	_ =	sdelay $0x1  }
0x508: {  	(erf) = vrcp.f32 v7;
	v7 =	vld [tilespmem:$0x1F2A0];
	_ =	sdelay $0x1  }
0x509: {  	[tilespmem:$0x1F3D0] =	vst v1;
	v1 =	vmul.f32 $3.000000000e+00, v47  }
0x50a: {  	v13 =	vadd.f32 v53, v13  }
0x50b: {  	[tilespmem:$0x1F3C0] =	vst v1;
	v1 =	vmul.f32 $9.000000000e+00, v47  }
0x50c: {  	[tilespmem:$0x1F490] =	vst v3;
	v3 =	vsub.f32 $0.0e+00, v30;
	v30 =	vadd.f32 v13, v7;
	v7 =	vld [tilespmem:$0x1F2B0]  }
0x50d: {  	v18 =	vsub.f32 $0.0e+00, v18;
	[tilespmem:$0x1F350] =	vst v1;
	v1 =	vmul.f32 $9.000000000e+00, v56  }
0x50e: {  	v48 =	vsub.f32 $0.0e+00, v48;
	v41 =	vadd.f32 v41, v45;
	v10 =	vmul.f32 $4.500000000e+01, v58  }
0x50f: {  	v20 =	vsub.f32 $0.0e+00, v20;
	[tilespmem:$0x1F400] =	vst v1;
	v63 =	vadd.f32 v12, v51;
	v0 =	vmul.f32 $1.050000000e+02, v32  }
0x510: {  	v28 =	vsub.f32 $0.0e+00, v43;
	v1 =	vmul.f32 $9.000000000e+00, v44;
	[tilespmem:$0x1F4B0] =	vst v10;
	v10 =	vmul.f32 $1.500000000e+01, v23  }
0x511: {  	v45 =	vadd.f32 v63, v18;
	v63 =	vadd.f32 v7, v46;
	v7 =	vmul.f32 v23, v0  }
0x512: {  	v27 =	vsub.f32 $0.0e+00, v27;
	v62 =	vmul.f32 v56, v47;
	v38 =	vmul.f32 v49, v0;
	[tilespmem:$0x1F560] =	vst v10  }
0x513: {  	v39 =	vsub.f32 $0.0e+00, v42;
	v42 =	vmul.f32 v0, v32;
	v10 =	vld [tilespmem:$0x1F290];
	[tilespmem:$0x1F550] =	vst v7;
	v7 =	vmul.f32 v34, v0  }
0x514: {  	v52 =	vadd.f32 v57, v48;
	v48 =	vmul.f32 v58, v0;
	v46 =	vmul.f32 v62, v0;
	v0 =	vld [tilespmem:$0x1F2D0]  }
0x515: {  	v27 =	vadd.f32 v33, v27;
	v25 =	vsub.f32 $0.0e+00, v25;
	v51 =	vmul.f32 $-1.500000000e+01, v32;
	[tilespmem:$0x1F500] =	vst v7;
	v7 =	vld [tilespmem:$0x1F2C0]  }
0x516: {  	[tilespmem:$0x1F450] =	vst v1;
	v1 =	vsub.f32 $0.0e+00, v6;
	v12 =	vsub.f32 $0.0e+00, v26;
	v9 =	vmul.f32 $1.050000000e+02, v49  }
0x517: {  	v26 =	vsub.f32 $0.0e+00, v29;
	v29 =	vadd.f32 v16, v28;
	v57 =	vmul.f32 v44, v51  }
0x518: {  	v17 =	vadd.f32 v4, v17;
	v4 =	vmul.f32 v21, v21;
	v55 =	vmul.f32 v9, v49  }
0x519: {  	v10 =	vadd.f32 v10, v20;
	v0 =	vadd.f32 v0, v39;
	v39 =	vmul.f32 v51, v47  }
0x51a: {  	v53 =	vpop (erf);
	v16 =	vadd.f32 v7, v25;
	v7 =	vmul.f32 v51, v56;
	v51 =	vadd.f32 v49, v34  }
0x51b: {  	v6 =	vsub.f32 $0.0e+00, v11;
	[tilespmem:$0x1F6A0] =	vst v55;
	v5 =	vmul.f32 $1.050000000e+02, v34;
	v43 =	vmul.f32 $1.061405420e+00, v53  }
0x51c: {  	[tilespmem:$0x1F470] =	vst v10;
	v10 =	vmul.f32 $4.500000000e+01, v62;
	v55 =	vmul.f32 $1.500000000e+01, v51;
	v51 =	vadd.f32 v1, v19  }
0x51d: {  	v33 =	vmul.f32 v23, v5;
	v1 =	vsub.f32 $0.0e+00, v21;
	v19 =	vadd.f32 $-1.453152060e+00, v43  }
0x51e: {  	v50 =	vmul.f32 v49, v5;
	[tilespmem:$0x1F4C0] =	vst v10;
	v10 =	vadd.f32 v41, v35;
	v35 =	vmul.f32 $-1.500000000e+01, v49  }
0x51f: {  	v8 =	vadd.f32 v6, v8;
	v1 =	vmul.f32 v1, v21;
	v19 =	vmul.f32 v19, v53  }
0x520: {  	v59 =	vadd.f32 v59, v3;
	[tilespmem:$0x1F630] =	vst v33;
	(erf) = vrcp.f32 v54;
	v33 =	vmul.f32 v35, v56  }
0x521: {  	v6 =	vmul.f32 v35, v47;
	v3 =	vmul.f32 $1.442695020e+00, v1;
	v19 =	vadd.f32 $1.421413780e+00, v19  }
0x522: {  	v25 =	vmul.f32 v35, v44;
	v35 =	vmul.f32 v4, v21  }
0x523: {  	v19 =	vmul.f32 v19, v53;
	(erf) = vpow2.f32 v3  }
0x524: {  	v12 =	vadd.f32 v27, v12;
	v60 =	vsub.f32 $0.0e+00, v14;
	v27 =	vmul.f32 v35, v4;
	v3 =	vld [tilespmem:$0x1F2F0]  }
0x525: {  	v31 =	vadd.f32 v45, v31;
	[tilespmem:$0x1F670] =	vst v50;
	v50 =	vadd.f32 $-2.844967250e-01, v19  }
0x526: {  	v37 =	vadd.f32 v37, v60;
	[tilespmem:$0x1F680] =	vst v55;
	v55 =	vmul.f32 $1.000000000e+01, v35;
	v4 =	vmul.f32 v27, v4  }
0x527: {  	v60 =	vadd.f32 v49, v32;
	v24 =	vld [tilespmem:$0x1FFF0];
	v1 =	vmul.f32 $1.050000000e+02, v21;
	v45 =	vmul.f32 v50, v53  }
0x528: {  	v22 =	vadd.f32 v35, v35;
	v4 =	vmul.f32 $8.000000000e+00, v4;
	v50 =	vmul.f32 $3.000000000e+00, v21  }
0x529: {  	v3 =	vadd.f32 v0, v3;
	v0 =	vmul.f32 $1.500000000e+01, v21;
	v45 =	vadd.f32 $2.548295860e-01, v45  }
0x52a: {  	v21 =	vmul.f32 $1.128379230e+00, v21;
	v22 =	vadd.f32 v22, v50;
	v50 =	vmul.f32 $2.800000000e+01, v27  }
0x52b: {  	v26 =	vadd.f32 v37, v26;
	v37 =	vpop (erf);
	v27 =	vmul.f32 $4.000000000e+00, v27;
	v45 =	vmul.f32 v45, v53  }
0x52c: {  	v0 =	vadd.f32 v55, v0;
	v22 =	vmul.f32 v22, v24;
	v53 =	vmul.f32 v37, v37;
	v55 =	vpop (erf)  }
0x52d: {  	v2 =	vadd.f32 v40, v2;
	v45 =	vmul.f32 v45, v55;
	v21 =	vmul.f32 v55, v21  }
0x52e: {  	v4 =	vadd.f32 v4, v50;
	v0 =	vadd.f32 v27, v0;
	v27 =	vmul.f32 $7.000000000e+01, v35  }
0x52f: {  	v40 =	vmul.f32 $1.500000000e+01, v60;
	v60 =	vld [tilespmem:$0x1FFD0];
	v35 =	vmul.f32 v53, v37;
	v21 =	vadd.f32 v45, v21  }
0x530: {  	v22 =	vmul.f32 $1.128379230e+00, v22;
	v4 =	vadd.f32 v4, v27  }
0x531: {  	v24 =	vsub.f32 $0.0e+00, v47;
	v21 =	vmul.f32 v21, v35  }
0x532: {  	v22 =	vmul.f32 v22, v55;
	v1 =	vadd.f32 v4, v1;
	v4 =	vld [tilespmem:$0x1F300]  }
0x533: {  	[tilespmem:$0x1F420] =	vst v10;
	v10 =	vmul.f32 $-1.500000000e+01, v34;
	v24 =	vmul.f32 v21, v24  }
0x534: {  	v0 =	vmul.f32 v0, v60;
	v50 =	vmul.f32 v35, v53;
	v22 =	vadd.f32 v45, v22  }
0x535: {  	v60 =	vsub.f32 $0.0e+00, v56;
	v27 =	vmul.f32 v45, v37;
	v8 =	vmul.f32 v24, v8;
	v24 =	vld [tilespmem:$0x1F310]  }
0x536: {  	v19 =	vmul.f32 v10, v56;
	v56 =	vmul.f32 v22, v50  }
0x537: {  	v22 =	vmul.f32 v21, v60;
	v4 =	vmul.f32 v27, v4;
	_ =	sdelay $0x1  }
0x538: {  	v4 =	vadd.f32 v8, v4;
	v8 =	vmul.f32 v22, v17;
	v22 =	vld [tilespmem:$0x1F320]  }
0x539: {  	v2 =	vadd.f32 v2, v24;
	v24 =	vld [tilespmem:$0x1FFE0];
	_ =	sdelay $0x1  }
0x53a: {  	v11 =	vmul.f32 $3.000000000e+00, v32;
	v28 =	vmul.f32 $3.000000000e+00, v62  }
0x53b: {  	v18 =	vmul.f32 $3.000000000e+00, v58;
	v13 =	vmul.f32 $3.000000000e+00, v34  }
0x53c: {  	v14 =	vmul.f32 v10, v44;
	v0 =	vmul.f32 $1.128379230e+00, v0;
	v35 =	vsub.f32 $0.0e+00, v44  }
0x53d: {  	v11 =	vmul.f32 v56, v11;
	v22 =	vadd.f32 v26, v22;
	v26 =	vld [tilespmem:$0x1F330];
	v1 =	vmul.f32 v1, v24  }
0x53e: {  	v0 =	vmul.f32 v0, v55;
	v24 =	vmul.f32 v21, v35  }
0x53f: {  	v27 =	vadd.f32 v59, v36;
	v11 =	vsub.f32 v11, v21;
	v1 =	vmul.f32 $1.128379230e+00, v1  }
0x540: {  	v17 =	vmul.f32 v50, v53;
	v4 =	vadd.f32 v4, v8;
	v8 =	vmul.f32 v24, v51  }
0x541: {  	v2 =	vmul.f32 v11, v2;
	v1 =	vmul.f32 v1, v55  }
0x542: {  	v26 =	vadd.f32 v27, v26;
	v27 =	vmul.f32 v56, v28;
	v4 =	vadd.f32 v4, v8  }
0x543: {  	v13 =	vmul.f32 v56, v13;
	v24 =	vmul.f32 v17, v53;
	v1 =	vadd.f32 v45, v1  }
0x544: {  	v11 =	vmul.f32 v56, v18;
	v2 =	vadd.f32 v4, v2;
	v4 =	vmul.f32 v27, v26  }
0x545: {  	v0 =	vadd.f32 v45, v0;
	v8 =	vmul.f32 v1, v24;
	v1 =	vmul.f32 v10, v47  }
0x546: {  	v10 =	vsub.f32 v13, v21;
	v2 =	vadd.f32 v2, v4;
	v4 =	vmul.f32 v11, v22  }
0x547: {  	v11 =	vld [tilespmem:$0x1F340]  }
0x548: {  	v60 =	vld [tilespmem:$0x1F360];
	v36 =	vmul.f32 v0, v17;
	v2 =	vadd.f32 v2, v4;
	v3 =	vmul.f32 v10, v3  }
0x549: {  	v15 =	vmul.f32 $3.000000000e+00, v49;
	v10 =	vld [tilespmem:$0x1F350]  }
0x54a: {  	v20 =	vmul.f32 $3.000000000e+00, v23;
	v2 =	vadd.f32 v2, v3;
	v3 =	vmul.f32 v36, v7;
	v7 =	vld [tilespmem:$0x1F380]  }
0x54b: {  	v37 =	vld [tilespmem:$0x1F3B0]  }
0x54c: {  	v59 =	vmul.f32 v56, v15;
	v0 =	vmul.f32 v56, v20;
	v35 =	vld [tilespmem:$0x1F3A0];
	v11 =	vadd.f32 v12, v11  }
0x54d: {  	v13 =	vadd.f32 v16, v60;
	v4 =	vmul.f32 v36, v39  }
0x54e: {  	v12 =	vsub.f32 v59, v21;
	v10 =	vmul.f32 v56, v10;
	v0 =	vmul.f32 v0, v11  }
0x54f: {  	v11 =	vld [tilespmem:$0x1F390];
	v7 =	vmul.f32 v56, v7  }
0x550: {  	v4 =	vadd.f32 v10, v4;
	v0 =	vadd.f32 v2, v0;
	v2 =	vmul.f32 v12, v13  }
0x551: {  	v10 =	vmul.f32 v36, v57;
	v12 =	vmul.f32 v56, v35;
	v13 =	vadd.f32 v52, v37  }
0x552: {  	v15 =	vld [tilespmem:$0x1F3D0];
	v3 =	vadd.f32 v7, v3;
	v0 =	vadd.f32 v0, v2;
	v2 =	vmul.f32 v4, v63  }
0x553: {  	v10 =	vadd.f32 v12, v10  }
0x554: {  	v16 =	vld [tilespmem:$0x1F3E0];
	v11 =	vadd.f32 v29, v11;
	v0 =	vadd.f32 v0, v2;
	v2 =	vmul.f32 v3, v13  }
0x555: {  	v4 =	vld [tilespmem:$0x1F3C0]  }
0x556: {  	v0 =	vadd.f32 v0, v2;
	v2 =	vmul.f32 v10, v11;
	v11 =	vld [tilespmem:$0x1F3F0]  }
0x557: {  	v15 =	vadd.f32 v30, v15;
	_ =	sdelay $0x1  }
0x558: {  	v41 =	vmul.f32 $1.500000000e+01, v62;
	v15 =	vadd.f32 v15, v16  }
0x559: {  	v17 =	vld [tilespmem:$0x1F420];
	v1 =	vmul.f32 v36, v1;
	v4 =	vmul.f32 v56, v4  }
0x55a: {  	v11 =	vadd.f32 v15, v11;
	v15 =	vld [tilespmem:$0x1F400]  }
0x55b: {  	v16 =	vld [tilespmem:$0x1F410];
	v3 =	vmul.f32 v41, v44;
	v1 =	vadd.f32 v4, v1;
	_ =	sdelay $0x1  }
0x55c: {  	v3 =	vmul.f32 v36, v3;
	v0 =	vadd.f32 v0, v2;
	v1 =	vmul.f32 v1, v31  }
0x55d: {  	v6 =	vmul.f32 v36, v6;
	v39 =	vld [tilespmem:$0x1F440];
	v2 =	vmul.f32 v36, v19  }
0x55e: {  	v0 =	vadd.f32 v0, v1;
	v1 =	vmul.f32 v3, v11;
	v11 =	vld [tilespmem:$0x1F430];
	v15 =	vmul.f32 v56, v15  }
0x55f: {  	v16 =	vadd.f32 v17, v16;
	v4 =	vadd.f32 v4, v6  }
0x560: {  	v2 =	vadd.f32 v15, v2;
	v15 =	vld [tilespmem:$0x1F460]  }
0x561: {  	v0 =	vsub.f32 v0, v1;
	v1 =	vmul.f32 v4, v16;
	_ =	sdelay $0x1  }
0x562: {  	v0 =	vadd.f32 v0, v1;
	v1 =	vld [tilespmem:$0x1F470];
	v11 =	vadd.f32 v11, v39  }
0x563: {  	v16 =	vld [tilespmem:$0x1F4A0]  }
0x564: {  	v11 =	vadd.f32 v11, v15;
	v15 =	vld [tilespmem:$0x1F490]  }
0x565: {  	v3 =	vmul.f32 v36, v14  }
0x566: {  	v44 =	vmul.f32 v36, v33  }
0x567: {  	v3 =	vadd.f32 v12, v3;
	v1 =	vmul.f32 v2, v1  }
0x568: {  	v7 =	vadd.f32 v7, v44  }
0x569: {  	v4 =	vld [tilespmem:$0x1F450];
	v1 =	vadd.f32 v0, v1;
	v3 =	vmul.f32 v3, v11;
	v15 =	vadd.f32 v16, v15;
	_ =	sdelay $0x1  }
0x56a: {  	v1 =	vadd.f32 v1, v3;
	v3 =	vmul.f32 v7, v15;
	_ =	sdelay $0x1  }
0x56b: {  	v1 =	vadd.f32 v1, v3;
	v3 =	vld [tilespmem:$0x1F4F0]  }
0x56c: {  	v45 =	vld [tilespmem:$0x1F480];
	v6 =	vmul.f32 v36, v25;
	v4 =	vmul.f32 v56, v4;
	_ =	sdelay $0x1  }
0x56d: {  	v4 =	vadd.f32 v4, v6;
	_ =	sdelay $0x1  }
0x56e: {  	v3 =	vmul.f32 v4, v3  }
0x56f: {  	v49 =	vld [tilespmem:$0x1F2E0];
	v12 =	vmul.f32 v36, v45;
	v2 =	vmul.f32 v8, v42  }
0x570: {  	v1 =	vadd.f32 v1, v3;
	v3 =	vld [tilespmem:$0x1F530]  }
0x571: {  	v0 =	vmul.f32 $9.000000000e+00, v56;
	v2 =	vsub.f32 v2, v12;
	_ =	sdelay $0x1  }
0x572: {  	v11 =	vld [tilespmem:$0x1F4C0];
	v2 =	vadd.f32 v2, v0  }
0x573: {  	v49 =	vmul.f32 $1.500000000e+01, v49  }
0x574: {  	v47 =	vld [tilespmem:$0x1F4E0];
	v2 =	vmul.f32 v2, v3  }
0x575: {  	v10 =	vmul.f32 v8, v48;
	v48 =	vmul.f32 v36, v49;
	v49 =	vld [tilespmem:$0x1F560]  }
0x576: {  	v1 =	vadd.f32 v1, v2;
	v2 =	vld [tilespmem:$0x1F540]  }
0x577: {  	v6 =	vld [tilespmem:$0x1F4B0];
	v7 =	vmul.f32 v8, v46;
	v11 =	vmul.f32 v36, v11  }
0x578: {  	v16 =	vld [tilespmem:$0x1F520]  }
0x579: {  	v7 =	vsub.f32 v7, v11;
	v4 =	vld [tilespmem:$0x1F500]  }
0x57a: {  	v46 =	vld [tilespmem:$0x1F4D0]  }
0x57b: {  	v15 =	vld [tilespmem:$0x1F510];
	v2 =	vmul.f32 v7, v2  }
0x57c: {  	v7 =	vld [tilespmem:$0x1F550]  }
0x57d: {  	v1 =	vadd.f32 v1, v2;
	v2 =	vld [tilespmem:$0x1F580]  }
0x57e: {  	v17 =	vld [tilespmem:$0x1F570];
	v6 =	vmul.f32 v36, v6;
	v4 =	vmul.f32 v8, v4  }
0x57f: {  	v53 =	vld [tilespmem:$0x1F5A0];
	v38 =	vmul.f32 v8, v38;
	v14 =	vmul.f32 v36, v49  }
0x580: {  	v52 =	vld [tilespmem:$0x1F590];
	v3 =	vsub.f32 v10, v6;
	v10 =	vmul.f32 $3.000000000e+00, v56;
	v4 =	vsub.f32 v4, v48  }
0x581: {  	v12 =	vadd.f32 v47, v46;
	v15 =	vadd.f32 v16, v15;
	v16 =	vmul.f32 v36, v40  }
0x582: {  	v4 =	vadd.f32 v4, v10;
	v7 =	vmul.f32 v8, v7;
	v2 =	vmul.f32 v3, v2  }
0x583: {  	v15 =	vadd.f32 v15, v17;
	v3 =	vsub.f32 v38, v16  }
0x584: {  	v7 =	vsub.f32 v7, v14;
	v1 =	vadd.f32 v1, v2;
	v2 =	vmul.f32 v4, v12  }
0x585: {  	v13 =	vadd.f32 v53, v52  }
0x586: {  	v55 =	vld [tilespmem:$0x1F5C0];
	v3 =	vadd.f32 v3, v10;
	v1 =	vadd.f32 v1, v2;
	v2 =	vmul.f32 v7, v15  }
0x587: {  	v15 =	vld [tilespmem:$0x1F5D0]  }
0x588: {  	v7 =	vld [tilespmem:$0x1F5B0];
	v1 =	vadd.f32 v1, v2;
	v2 =	vmul.f32 v3, v13  }
0x589: {  	v50 =	vmul.f32 v5, v62;
	v57 =	vld [tilespmem:$0x1F5E0]  }
0x58a: {  	v32 =	vmul.f32 v9, v58;
	v43 =	vmul.f32 v5, v34;
	v1 =	vadd.f32 v1, v2;
	v2 =	vld [tilespmem:$0x1F5F0]  }
0x58b: {  	v5 =	vmul.f32 v58, v5;
	v58 =	vld [tilespmem:$0x1F610];
	v51 =	vmul.f32 v8, v50  }
0x58c: {  	v34 =	vmul.f32 v9, v62;
	v14 =	vadd.f32 v15, v55;
	v15 =	vld [tilespmem:$0x1F620]  }
0x58d: {  	v5 =	vmul.f32 v8, v5;
	v11 =	vsub.f32 v51, v11;
	v7 =	vmul.f32 v36, v7  }
0x58e: {  	v56 =	vmul.f32 v36, v41;
	v3 =	vmul.f32 v8, v34  }
0x58f: {  	v13 =	vadd.f32 v14, v57;
	v5 =	vsub.f32 v5, v7;
	v2 =	vmul.f32 v11, v2  }
0x590: {  	v3 =	vsub.f32 v3, v56  }
0x591: {  	v14 =	vadd.f32 v15, v58;
	v1 =	vadd.f32 v1, v2;
	v2 =	vmul.f32 v5, v13;
	_ =	sdelay $0x1  }
0x592: {  	v1 =	vadd.f32 v1, v2;
	v2 =	vmul.f32 v3, v14;
	_ =	sdelay $0x1  }
0x593: {  	v1 =	vadd.f32 v1, v2;
	v2 =	vld [tilespmem:$0x1F690]  }
0x594: {  	v7 =	vld [tilespmem:$0x1F600];
	v11 =	vmul.f32 v8, v32;
	_ =	sdelay $0x1  }
0x595: {  	v6 =	vsub.f32 v11, v6;
	_ =	sdelay $0x1  }
0x596: {  	v2 =	vmul.f32 v6, v2  }
0x597: {  	v16 =	vld [tilespmem:$0x1F660];
	v4 =	vmul.f32 v8, v43;
	v7 =	vmul.f32 v36, v7  }
0x598: {  	v1 =	vadd.f32 v1, v2;
	v2 =	vld [tilespmem:$0x1F820]  }
0x599: {  	v15 =	vld [tilespmem:$0x1F650];
	v4 =	vsub.f32 v4, v7  }
0x59a: {  	v5 =	vld [tilespmem:$0x1F630]  }
0x59b: {  	v7 =	vld [tilespmem:$0x1F640];
	v4 =	vadd.f32 v4, v0  }
0x59c: {  	v11 =	vld [tilespmem:$0x1F680]  }
0x59d: {  	v6 =	vld [tilespmem:$0x1F6A0];
	v2 =	vmul.f32 v4, v2  }
0x59e: {  	v4 =	vld [tilespmem:$0x1F6C0]  }
0x59f: {  	v1 =	vadd.f32 v1, v2;
	v2 =	vld [tilespmem:$0x1F6D0]  }
0x5a0: {  	v3 =	vld [tilespmem:$0x1F670];
	v5 =	vmul.f32 v8, v5;
	v7 =	vmul.f32 v36, v7  }
0x5a1: {  	v59 =	vld.idx.msk [tilespmem:v15+s17+$0x0], $0xffff  }
0x5a2: {  	v63 =	vld.idx.msk [tilespmem:v15+s19+$0x0], $0xffff;
	v5 =	vsub.f32 v5, v7  }
0x5a3: {  	v15 =	vld [tilespmem:$0x1F6B0];
	v6 =	vmul.f32 v8, v6;
	v4 =	vmul.f32 v36, v4  }
0x5a4: {  	v2 =	vmul.f32 v5, v2;
	v5 =	vld [tilespmem:$0x1F800]  }
0x5a5: {  	v11 =	vmul.f32 v36, v11;
	v3 =	vmul.f32 v8, v3;
	v4 =	vsub.f32 v6, v4;
	v6 =	vld [tilespmem:$0x1F810]  }
0x5a6: {  	v62 =	vld [tilespmem:$0x1F860]  }
0x5a7: {  	v60 =	vld [tilespmem:$0x1F850];
	v3 =	vsub.f32 v3, v11  }
0x5a8: {  	v27 =	vld.idx.msk [tilespmem:v16+s17+$0x0], $0xffff  }
0x5a9: {  	v3 =	vadd.f32 v3, v10;
	v10 =	vld [tilespmem:$0x1F6F0]  }
0x5aa: {  	v9 =	vmul.f32 v9, v23;
	v5 =	vadd.f32 v5, v6;
	v6 =	vld [tilespmem:$0x1F6E0]  }
0x5ab: {  	v40 =	vld.idx.msk [tilespmem:v16+s19+$0x0], $0xffff  }
0x5ac: {  	v8 =	vmul.f32 v8, v9;
	v9 =	vld [tilespmem:$0x1F830]  }
0x5ad: {  	v25 =	vld.idx.msk [tilespmem:v15+s17+$0x0], $0xffff  }
0x5ae: {  	v42 =	vld.idx.msk [tilespmem:v15+s19+$0x0], $0xffff;
	v7 =	vsub.f32 v8, v7;
	v8 =	vmul.f32 v63, v27  }
0x5af: {  	v35 =	vmov v59;
	v6 =	vmul.f32 v10, v6;
	v10 =	vld [tilespmem:$0x1F700]  }
0x5b0: {  	[tilespmem:$0x1F800] =	vst v8;
	v8 =	vmul.f32 v40, v35  }
0x5b1: {  	v21 =	vld [tilespmem:$0x1F370]  }
0x5b2: {  	v13 =	vadd.f32 v60, v62;
	[tilespmem:$0x1F810] =	vst v8;
	v8 =	vld [tilespmem:$0x1F710]  }
0x5b3: {  	v0 =	vadd.f32 v4, v0;
	v4 =	vmul.f32 v7, v5;
	v5 =	vmul.f32 v42, v25  }
0x5b4: {  	v9 =	vadd.f32 v13, v9  }
0x5b5: {  	[tilespmem:$0x1F820] =	vst v5;
	v5 =	vmul.f32 v42, v35  }
0x5b6: {  	v3 =	vmul.f32 v3, v9;
	v2 =	vadd.f32 v1, v2  }
0x5b7: {  	[tilespmem:$0x1F830] =	vst v5;
	v5 =	vmul.f32 v42, v27;
	v26 =	vld.idx.msk [tilespmem:v10+s17+$0x0], $0xffff  }
0x5b8: {  	p0 =	sne.s32 s20, $0x270;
	v16 =	vmov v63;
	v3 =	vadd.f32 v2, v3;
	v29 =	vld.idx.msk [tilespmem:v10+s19+$0x0], $0xffff  }
.Ltmp1:
0x5b9: {  	v22 =	vld.idx.msk [tilespmem:v21+s19+$0x0], $0xffff;
	[tilespmem:$0x1F840] =	vst v5;
	v5 =	vmul.f32 v16, v25;
	(pc) =	sbr.rel @p0 .LBB2_5-.Ltmp1, $4  }
0x5ba: {  	vm1 =	vle.f32 v54, $1.000000000e+01;
	v3 =	vadd.f32 v3, v4;
	v23 =	vld.idx.msk [tilespmem:v8+s19+$0x0], $0xffff;
	v4 =	vmul.f32 v0, v6  }
0x5bb: {  	vm0 =	vmand vm0, vm1;
	v55 =	vmul.f32 v40, v25;
	v37 =	vld.idx.msk [tilespmem:v8+s17+$0x0], $0xffff;
	[tilespmem:$0x1F850] =	vst v5;
	v5 =	vmul.f32 v40, v27  }
0x5bc: {  	v1 =	vor.u32 $0x6, v61;
	v2 =	vor.u32 $0x5, v61;
	v0 =	vld.idx.msk [tilespmem:v61+s17+$0x0], $0xffff;
	v39 =	vadd.f32 v3, v4  }
0x5bd: {  	s20 =	sadd.s32 $0x10, s20;
	v8 =	vor.u32 $0x2, v61;
	v4 =	vld.idx.msk [tilespmem:v61+s19+$0x0], $0xffff;
	[tilespmem:$0x1F860] =	vst v5;
	v56 =	vmul.f32 v16, v26;
	v57 =	vmul.f32 v29, v35  }
0x5be: {  	_ = 	snop  }
0x5bf: {  	v3 =	vor.u32 $0x1, v61;
	_ =	sdelay $0x2  }
0x5c0: {  	v5 =	vld.idx.msk [tilespmem:v8+s17+$0x0], $0xffff  }
0x5c1: {  	v6 =	vld.idx.msk [tilespmem:v8+s19+$0x0], $0xffff  }
0x5c2: {  	v7 =	vld.idx.msk [tilespmem:v3+s17+$0x0], $0xffff  }
0x5c3: {  	v3 =	vld.idx.msk [tilespmem:v3+s19+$0x0], $0xffff;
	_ =	sdelay $0x1  }
0x5c4: {  	v0 =	vsub.f32 v4, v0;
	_ =	sdelay $0x1  }
0x5c5: {  	v51 =	vld [tilespmem:$0x1FFA0];
	v49 =	vshrl.u32 v0, $0x10  }
0x5c6: {  	v48 =	vsub.f32 v6, v5;
	v5 =	vand.u32 $0x1, v49;
	v3 =	vsub.f32 v3, v7  }
0x5c7: {  	v0 =	vadd.s32 v5, v0  }
0x5c8: {  	v53 =	vld [tilespmem:$0x1FFB0];
	v6 =	vshrl.u32 v48, $0x10;
	v0 =	vadd.s32 $0x7FFF, v0;
	v7 =	vshrl.u32 v3, $0x10  }
0x5c9: {  	v50 =	vand.u32 $0x1, v6;
	v0 =	vand.u32 $0xFFFF0000, v0;
	v6 =	vand.u32 $0x1, v7  }
0x5ca: {  	v0 =	vmul.f32 v0, v51;
	v3 =	vadd.s32 v6, v3  }
0x5cb: {  	v10 =	vimm.f32 $0.0e+00;
	v3 =	vadd.s32 $0x7FFF, v3  }
0x5cc: {  	vm1 =	vgt.f32 v0, $5.000000000e-01;
	vm2 =	vlt.f32 v0, $-5.000000000e-01;
	v3 =	vand.u32 $0xFFFF0000, v3  }
0x5cd: {  	v52 =	vld [tilespmem:$0x1FFC0];
	v54 =	vsel vm1, $0x3F800000, v10;
	v6 =	vsel vm2, $0x3F800000, v10;
	v3 =	vmul.f32 v3, v53  }
0x5ce: {  	v4 =	vadd.s32 v50, v48;
	v5 =	vsub.f32 v54, v6  }
0x5cf: {  	v4 =	vadd.s32 $0x7FFF, v4;
	vm3 =	vgt.f32 v3, $5.000000000e-01;
	vm11 =	vlt.f32 v3, $-5.000000000e-01  }
0x5d0: {  	v0 =	vsub.f32 v0, v5;
	v7 =	vsel vm3, $0x3F800000, v10;
	v8 =	vsel vm11, $0x3F800000, v10  }
0x5d1: {  	v4 =	vand.u32 $0xFFFF0000, v4;
	v6 =	vsub.f32 v7, v8  }
0x5d2: {  	v59 =	vld [tilespmem:$0x1FF70];
	v4 =	vmul.f32 v4, v52;
	v5 =	vshrl.u32 v0, $0x10  }
0x5d3: {  	v5 =	vand.u32 $0x1, v5;
	v3 =	vsub.f32 v3, v6  }
0x5d4: {  	vm10 =	vgt.f32 v4, $5.000000000e-01;
	v0 =	vadd.s32 v5, v0  }
0x5d5: {  	vm12 =	vlt.f32 v4, $-5.000000000e-01;
	v0 =	vadd.s32 $0x7FFF, v0;
	v6 =	vshrl.u32 v3, $0x10  }
0x5d6: {  	v9 =	vsel vm10, $0x3F800000, v10;
	v0 =	vand.u32 $0xFFFF0000, v0;
	v6 =	vand.u32 $0x1, v6  }
0x5d7: {  	v7 =	vsel vm12, $0x3F800000, v10;
	v3 =	vadd.s32 v6, v3;
	v6 =	vmul.f32 v0, v59;
	v0 =	vld [tilespmem:$0x1FF80]  }
0x5d8: {  	v7 =	vsub.f32 v9, v7;
	_ =	sdelay $0x1  }
0x5d9: {  	v4 =	vsub.f32 v4, v7;
	v3 =	vadd.s32 $0x7FFF, v3  }
0x5da: {  	v3 =	vand.u32 $0xFFFF0000, v3  }
0x5db: {  	v7 =	vshrl.u32 v4, $0x10;
	v32 =	vmul.f32 v3, v0;
	v0 =	vld [tilespmem:$0x1FF90]  }
0x5dc: {  	v58 =	vand.u32 $0x1, v7  }
0x5dd: {  	v4 =	vadd.s32 v58, v4  }
0x5de: {  	v4 =	vadd.s32 $0x7FFF, v4  }
0x5df: {  	v3 =	vand.u32 $0xFFFF0000, v4;
	v4 =	vmul.f32 v6, v6  }
0x5e0: {  	v10 =	vmul.f32 v32, v32;
	v19 =	vmul.f32 v3, v0;
	_ =	sdelay $0x1  }
0x5e1: {  	v15 =	vadd.f32 v10, v4;
	v14 =	vmul.f32 v19, v19;
	_ =	sdelay $0x1  }
0x5e2: {  	v3 =	vadd.f32 v14, v15;
	_ =	sdelay $0x1  }
0x5e3: {  	v60 =	vshrl.u32 v3, $0x1;
	v7 =	vmul.f32 $5.000000000e-01, v3  }
0x5e4: {  	v5 =	vsub.s32 $0x5F3759DF, v60  }
0x5e5: {  	v8 =	vmul.f32 v5, v7;
	_ =	sdelay $0x1  }
0x5e6: {  	v8 =	vmul.f32 v5, v8;
	_ =	sdelay $0x1  }
0x5e7: {  	v8 =	vsub.f32 $1.500000000e+00, v8;
	_ =	sdelay $0x1  }
0x5e8: {  	v5 =	vmul.f32 v5, v8;
	_ =	sdelay $0x1  }
0x5e9: {  	v8 =	vmul.f32 v5, v7;
	_ =	sdelay $0x1  }
0x5ea: {  	v8 =	vmul.f32 v8, v5;
	_ =	sdelay $0x1  }
0x5eb: {  	v8 =	vsub.f32 $1.500000000e+00, v8;
	_ =	sdelay $0x1  }
0x5ec: {  	v5 =	vmul.f32 v8, v5;
	_ =	sdelay $0x1  }
0x5ed: {  	v7 =	vmul.f32 v5, v7;
	_ =	sdelay $0x1  }
0x5ee: {  	v7 =	vmul.f32 v7, v5;
	_ =	sdelay $0x1  }
0x5ef: {  	v7 =	vsub.f32 $1.500000000e+00, v7;
	_ =	sdelay $0x1  }
0x5f0: {  	v5 =	vmul.f32 v7, v5;
	_ =	sdelay $0x1  }
0x5f1: {  	v5 =	vmul.f32 v5, v3  }
0x5f2: {  	v11 =	vmul.f32 v29, v27  }
0x5f3: {  	v44 =	vld.idx.msk [tilespmem:v21+s17+$0x0], $0xffff;
	v62 =	vmul.f32 v40, v26;
	(erf) = vrcp.f32 v5  }
0x5f4: {  	v30 =	vld.idx.msk [tilespmem:v1+s17+$0x0], $0xffff;
	v63 =	vmul.f32 v42, v26;
	v28 =	vmul.f32 v29, v26;
	v36 =	vor.u32 $0x4, v61  }
0x5f5: {  	v41 =	vld.idx.msk [tilespmem:v1+s19+$0x0], $0xffff;
	v1 =	vmul.f32 v22, v26;
	v12 =	vmul.f32 v23, v25  }
0x5f6: {  	v20 =	vld.idx.msk [tilespmem:v2+s17+$0x0], $0xffff;
	v13 =	vmul.f32 v16, v37;
	v17 =	vmul.f32 v40, v37  }
0x5f7: {  	v45 =	vmov v16;
	v34 =	vmul.f32 v23, v37;
	v43 =	vmul.f32 v29, v37  }
0x5f8: {  	v24 =	vmul.f32 v45, v44;
	v31 =	vmul.f32 v29, v44;
	v0 =	vadd.f32 v56, v57  }
0x5f9: {  	v33 =	vmul.f32 v42, v44;
	v38 =	vmul.f32 v40, v44;
	v52 =	vld.idx.msk [tilespmem:v36+s17+$0x0], $0xffff  }
0x5fa: {  	v46 =	vmul.f32 v23, v44;
	v47 =	vmul.f32 v45, v30;
	[tilespmem:$0x1F110] =	vst v0;
	v0 =	vld [tilespmem:$0x1F840]  }
0x5fb: {  	v13 =	vadd.f32 v13, v62;
	v62 =	vmul.f32 v23, v20;
	v48 =	vmul.f32 v41, v35  }
0x5fc: {  	v50 =	vmul.f32 v42, v20;
	v51 =	vmul.f32 v45, v20;
	v7 =	vpop (erf)  }
0x5fd: {  	v54 =	vmul.f32 v41, v27;
	v3 =	vmul.f32 v7, v3  }
0x5fe: {  	v53 =	vmul.f32 v40, v30;
	v9 =	vmul.f32 v42, v37  }
0x5ff: {  	v59 =	vmul.f32 v45, v52;
	v0 =	vadd.f32 v55, v0;
	v3 =	vadd.f32 v3, v5  }
0x600: {  	v58 =	vmul.f32 v40, v52;
	v56 =	vor.u32 $0x3, v61;
	v61 =	vmul.f32 v42, v52  }
0x601: {  	v57 =	vmul.f32 v22, v30;
	[tilespmem:$0x1F120] =	vst v0;
	v0 =	vadd.f32 v9, v12;
	v49 =	vmul.f32 $5.000000000e-01, v3  }
0x602: {  	v9 =	vmul.f32 v40, v20;
	v12 =	vmul.f32 v42, v30  }
0x603: {  	v60 =	vmul.f32 v29, v30;
	[tilespmem:$0x1F100] =	vst v0;
	v0 =	vadd.f32 v24, v28;
	v18 =	vmul.f32 $3.000000120e-01, v49  }
0x604: {  	v12 =	vadd.f32 v9, v12;
	v9 =	vmul.f32 v29, v20;
	v28 =	vadd.f32 v61, v62  }
0x605: {  	[tilespmem:$0x1F0E0] =	vst v0;
	v0 =	vadd.f32 v17, v63;
	v17 =	vadd.f32 v59, v60;
	v3 =	vmul.f32 $3.275910910e-01, v18  }
0x606: {  	v24 =	vmul.f32 v41, v26;
	v8 =	vadd.f32 v38, v43;
	v38 =	vadd.f32 v51, v53  }
0x607: {  	v15 =	vmul.f32 $1.500000000e+01, v15;
	v53 =	vadd.f32 v58, v9;
	v58 =	vld.idx.msk [tilespmem:v56+s17+$0x0], $0xffff;
	v3 =	vadd.f32 $1.000000000e+00, v3  }
0x608: {  	v24 =	vsub.f32 $0.0e+00, v24;
	[tilespmem:$0x1F0F0] =	vst v0;
	v0 =	vadd.f32 v31, v1;
	v5 =	vld.idx.msk [tilespmem:v2+s19+$0x0], $0xffff;
	v2 =	vmul.f32 v22, v37  }
0x609: {  	v63 =	vmul.f32 v29, v52;
	v43 =	vadd.f32 v13, v11;
	(erf) = vrcp.f32 v3  }
0x60a: {  	v59 =	vmul.f32 v23, v52;
	[tilespmem:$0x1F0D0] =	vst v0;
	v13 =	vadd.f32 v17, v24;
	v0 =	vadd.f32 v46, v2  }
0x60b: {  	v60 =	vmul.f32 v22, v20;
	v46 =	vsub.f32 $0.0e+00, v48;
	v48 =	vsub.f32 $0.0e+00, v54  }
0x60c: {  	v51 =	vmul.f32 v42, v58;
	v7 =	vadd.f32 v33, v34;
	v33 =	vadd.f32 v63, v57  }
0x60d: {  	v34 =	vld.idx.msk [tilespmem:v36+s19+$0x0], $0xffff;
	v63 =	vmul.f32 v41, v44;
	v11 =	vadd.f32 v38, v48;
	v48 =	vmul.f32 v23, v30  }
0x60e: {  	v9 =	vadd.f32 v47, v46;
	v38 =	vmul.f32 v22, v52;
	v55 =	vmul.f32 v5, v25  }
0x60f: {  	v62 =	vmul.f32 v5, v37;
	v47 =	vmul.f32 v5, v44;
	v31 =	vadd.f32 v53, v48  }
0x610: {  	v53 =	vmul.f32 v41, v30;
	v61 =	vsub.f32 $0.0e+00, v55;
	v55 =	vadd.f32 v59, v60  }
0x611: {  	v48 =	vld.idx.msk [tilespmem:v56+s19+$0x0], $0xffff;
	v56 =	vmul.f32 v41, v58;
	v36 =	vsub.f32 $0.0e+00, v62;
	v59 =	vsub.f32 $0.0e+00, v63  }
0x612: {  	v62 =	vsub.f32 $0.0e+00, v18;
	v16 =	vadd.f32 v50, v61;
	v61 =	vmul.f32 v34, v44;
	v57 =	vpop (erf)  }
0x613: {  	v21 =	vmovc v35;
	v24 =	vadd.f32 v28, v36;
	v46 =	vadd.f32 v33, v59;
	v35 =	vmul.f32 $1.061405420e+00, v57  }
0x614: {  	v50 =	vmul.f32 v45, v58;
	v28 =	vmul.f32 v62, v18;
	v36 =	vsub.f32 $0.0e+00, v47  }
0x615: {  	v17 =	vsub.f32 $0.0e+00, v61;
	v61 =	vmul.f32 v5, v20;
	v60 =	vadd.f32 $-1.453152060e+00, v35  }
0x616: {  	v54 =	vmul.f32 $1.442695020e+00, v28;
	v47 =	vadd.f32 v55, v36;
	(erf) = vrcp.f32 v49  }
0x617: {  	v55 =	vmul.f32 v29, v58;
	v36 =	vsub.f32 $0.0e+00, v61;
	v63 =	vmul.f32 v60, v57  }
0x618: {  	[tilespmem:$0x1F0C0] =	vst v0;
	v0 =	vmul.f32 v48, v20;
	v42 =	vadd.f32 v38, v17;
	v61 =	vmul.f32 v22, v58  }
0x619: {  	v36 =	vadd.f32 v51, v36;
	(erf) = vpow2.f32 v54;
	v33 =	vadd.f32 $1.421413780e+00, v63  }
0x61a: {  	v60 =	vsub.f32 $0.0e+00, v53;
	v53 =	vmul.f32 v41, v52;
	v63 =	vmul.f32 v41, v20  }
0x61b: {  	v51 =	vsub.f32 $0.0e+00, v56;
	v54 =	vmul.f32 v40, v58;
	v59 =	vmul.f32 v33, v57  }
0x61c: {  	v35 =	vmul.f32 v5, v58;
	v38 =	vsub.f32 $0.0e+00, v53;
	v28 =	vsub.f32 $0.0e+00, v63  }
0x61d: {  	v33 =	vadd.f32 v50, v60;
	v62 =	vadd.f32 $-2.844967250e-01, v59;
	v59 =	vmul.f32 v34, v52  }
0x61e: {  	v50 =	vadd.f32 v55, v38;
	v60 =	vmul.f32 v48, v30;
	v28 =	vadd.f32 v54, v28  }
0x61f: {  	v54 =	vmul.f32 v18, v18;
	v17 =	vmul.f32 v62, v57;
	v38 =	vsub.f32 $0.0e+00, v59  }
0x620: {  	v63 =	vmul.f32 $1.128379230e+00, v18;
	v51 =	vadd.f32 v51, v60;
	v62 =	vmul.f32 v5, v52  }
0x621: {  	v17 =	vadd.f32 $2.548295860e-01, v17;
	v53 =	vadd.f32 v61, v38;
	v38 =	vmul.f32 v54, v18  }
0x622: {  	v55 =	vpop (erf);
	v60 =	vmul.f32 $3.000000000e+00, v18;
	v59 =	vmul.f32 v23, v58;
	v40 =	vsub.f32 $0.0e+00, v62  }
0x623: {  	v52 =	vmul.f32 v48, v52;
	v17 =	vmul.f32 v17, v57;
	v57 =	vpop (erf);
	v61 =	vadd.f32 v38, v38  }
0x624: {  	v59 =	vadd.f32 v59, v40;
	v62 =	vmul.f32 v38, v54;
	v56 =	vmul.f32 v57, v63  }
0x625: {  	v40 =	vsub.f32 $0.0e+00, v35;
	v35 =	vld [tilespmem:$0x1FFF0];
	v63 =	vmul.f32 v55, v55;
	v17 =	vmul.f32 v17, v57  }
0x626: {  	v60 =	vadd.f32 v61, v60;
	v61 =	vmul.f32 v48, v58;
	v58 =	vmul.f32 v34, v58  }
0x627: {  	v54 =	vmul.f32 v62, v54;
	v1 =	vmul.f32 $2.800000000e+01, v62;
	v0 =	vadd.f32 v40, v0  }
0x628: {  	v62 =	vmul.f32 $4.000000000e+00, v62;
	v3 =	vmul.f32 v63, v55;
	v56 =	vadd.f32 v17, v56  }
0x629: {  	v58 =	vsub.f32 $0.0e+00, v58;
	v54 =	vmul.f32 $8.000000000e+00, v54;
	v40 =	vmul.f32 v17, v55  }
0x62a: {  	v2 =	vsub.f32 $0.0e+00, v6;
	v60 =	vmul.f32 v60, v35;
	v35 =	vmul.f32 v34, v25  }
0x62b: {  	v56 =	vmul.f32 v56, v3;
	v52 =	vadd.f32 v58, v52;
	v1 =	vadd.f32 v54, v1  }
0x62c: {  	v54 =	vmul.f32 v40, v61;
	v3 =	vmul.f32 v3, v63;
	v58 =	vsub.f32 $0.0e+00, v19  }
0x62d: {  	v40 =	vsub.f32 $0.0e+00, v35;
	v35 =	vmul.f32 $1.128379230e+00, v60;
	v60 =	vmul.f32 $7.000000000e+01, v38  }
0x62e: {  	v61 =	vsub.f32 $0.0e+00, v32;
	v2 =	vmul.f32 v56, v2;
	v58 =	vmul.f32 v56, v58  }
0x62f: {  	v40 =	vadd.f32 v24, v40;
	v24 =	vmul.f32 $1.000000000e+01, v38;
	v35 =	vmul.f32 v35, v57  }
0x630: {  	v1 =	vadd.f32 v1, v60;
	v60 =	vmul.f32 v56, v61;
	v61 =	vmul.f32 $1.500000000e+01, v18  }
0x631: {  	v18 =	vmul.f32 $1.050000000e+02, v18;
	v2 =	vmul.f32 v2, v52  }
0x632: {  	v51 =	vmul.f32 v58, v51;
	v58 =	vmul.f32 $3.000000000e+00, v10  }
0x633: {  	v38 =	vadd.f32 v17, v35;
	v24 =	vadd.f32 v24, v61;
	v0 =	vmul.f32 v60, v0  }
0x634: {  	v1 =	vadd.f32 v1, v18;
	v18 =	vmul.f32 v34, v20;
	v35 =	vmul.f32 $3.000000000e+00, v4  }
0x635: {  	v61 =	vmul.f32 v48, v44;
	v60 =	vmul.f32 v48, v26;
	v2 =	vadd.f32 v2, v54  }
0x636: {  	v38 =	vmul.f32 v38, v3;
	v20 =	vadd.f32 v62, v24;
	v24 =	vmul.f32 v48, v25;
	v62 =	vld [tilespmem:$0x1FFE0]  }
0x637: {  	v54 =	vmul.f32 $3.000000000e+00, v14;
	v53 =	vadd.f32 v53, v61;
	v61 =	vld [tilespmem:$0x1FFD0];
	v3 =	vmul.f32 v3, v63  }
0x638: {  	v24 =	vadd.f32 v36, v24;
	v36 =	vmul.f32 v38, v35;
	v35 =	vmul.f32 v34, v30  }
0x639: {  	v18 =	vsub.f32 $0.0e+00, v18;
	v63 =	vmul.f32 v3, v63;
	v55 =	vmul.f32 v38, v54  }
0x63a: {  	v52 =	vsub.f32 $0.0e+00, v35;
	v36 =	vsub.f32 v36, v56;
	v35 =	vmul.f32 v5, v30  }
0x63b: {  	v0 =	vadd.f32 v2, v0;
	v30 =	vmul.f32 v19, v6;
	v1 =	vmul.f32 v1, v62  }
0x63c: {  	v20 =	vmul.f32 v20, v61;
	v50 =	vadd.f32 v50, v52;
	v52 =	vmul.f32 v36, v53  }
0x63d: {  	v18 =	vadd.f32 v59, v18;
	v36 =	vmul.f32 v32, v6;
	v59 =	vmul.f32 $3.000000000e+00, v30  }
0x63e: {  	v0 =	vadd.f32 v0, v51;
	v1 =	vmul.f32 $1.128379230e+00, v1;
	v20 =	vmul.f32 $1.128379230e+00, v20  }
0x63f: {  	v50 =	vadd.f32 v50, v60;
	v2 =	vmul.f32 $3.000000000e+00, v36;
	v60 =	vmul.f32 v38, v58  }
0x640: {  	v35 =	vsub.f32 $0.0e+00, v35;
	v53 =	vmul.f32 v38, v59;
	v1 =	vmul.f32 v1, v57  }
0x641: {  	v0 =	vadd.f32 v0, v52;
	v20 =	vmul.f32 v20, v57;
	v57 =	vmul.f32 v48, v37  }
0x642: {  	v52 =	vadd.f32 v28, v35;
	v28 =	vmul.f32 v19, v32;
	v58 =	vmul.f32 $9.000000000e+00, v6  }
0x643: {  	v35 =	vmul.f32 $9.000000000e+00, v38;
	v2 =	vmul.f32 v38, v2;
	v18 =	vadd.f32 v18, v57  }
0x644: {  	v51 =	vsub.f32 v60, v56;
	v60 =	vmul.f32 v34, v37;
	v1 =	vadd.f32 v17, v1  }
0x645: {  	v17 =	vadd.f32 v17, v20;
	v57 =	vmul.f32 $3.000000000e+00, v28;
	v2 =	vmul.f32 v2, v18  }
0x646: {  	v18 =	vmul.f32 v1, v63;
	v1 =	vmul.f32 v53, v50  }
0x647: {  	v20 =	vmul.f32 v17, v3;
	v3 =	vmul.f32 v51, v24  }
0x648: {  	v53 =	vmul.f32 v48, v27;
	v50 =	vmul.f32 v38, v57  }
0x649: {  	v63 =	vmul.f32 v41, v37;
	v41 =	vmul.f32 v41, v25  }
0x64a: {  	v24 =	vsub.f32 v55, v56;
	v55 =	vmul.f32 v34, v27;
	v57 =	vmul.f32 v5, v26  }
0x64b: {  	v0 =	vadd.f32 v0, v2;
	v2 =	vmul.f32 v48, v21;
	v48 =	vmul.f32 $-1.500000000e+01, v4  }
0x64c: {  	v17 =	vadd.f32 v52, v53;
	v52 =	vmul.f32 v34, v21;
	v53 =	vmul.f32 $3.000000000e+00, v32  }
0x64d: {  	v37 =	vsub.f32 $0.0e+00, v63;
	v63 =	vmul.f32 $-1.500000000e+01, v14;
	v15 =	vmul.f32 v20, v15  }
0x64e: {  	v0 =	vadd.f32 v0, v1;
	v1 =	vmul.f32 v34, v26;
	v59 =	vmul.f32 v48, v6  }
0x64f: {  	v2 =	vadd.f32 v33, v2;
	v33 =	vmul.f32 v38, v58;
	v17 =	vmul.f32 v50, v17  }
0x650: {  	v54 =	vmul.f32 v48, v32;
	v58 =	vmul.f32 $-1.500000000e+01, v10;
	v1 =	vsub.f32 $0.0e+00, v1  }
0x651: {  	v0 =	vadd.f32 v0, v3;
	v3 =	vmul.f32 v20, v59;
	v2 =	vmul.f32 v24, v2  }
0x652: {  	v59 =	vmul.f32 v19, v48;
	v48 =	vmul.f32 $9.000000000e+00, v32  }
0x653: {  	v51 =	vmul.f32 v58, v32;
	v1 =	vadd.f32 v46, v1;
	v3 =	vadd.f32 v33, v3  }
0x654: {  	v46 =	vsub.f32 $0.0e+00, v60;
	v0 =	vadd.f32 v0, v17;
	v17 =	vmul.f32 v20, v54  }
0x655: {  	v60 =	vmul.f32 v58, v6;
	v33 =	vsub.f32 $0.0e+00, v52;
	v52 =	vsub.f32 $0.0e+00, v41  }
0x656: {  	v54 =	vmul.f32 v38, v48;
	v41 =	vmul.f32 $1.500000000e+01, v28;
	v56 =	vadd.f32 v47, v46  }
0x657: {  	v47 =	vmul.f32 v38, v53;
	v0 =	vadd.f32 v0, v2;
	v2 =	vmul.f32 v3, v42  }
0x658: {  	v3 =	vmul.f32 $3.000000000e+00, v6;
	v42 =	vmul.f32 v20, v59  }
0x659: {  	v34 =	vmul.f32 v20, v60;
	v6 =	vmul.f32 v63, v6  }
0x65a: {  	v31 =	vadd.f32 v31, v37;
	v53 =	vmul.f32 v20, v51;
	v59 =	vmul.f32 v63, v32  }
0x65b: {  	v46 =	vsub.f32 $0.0e+00, v57;
	v60 =	vmul.f32 v63, v19;
	v63 =	vmul.f32 $1.050000000e+02, v4  }
0x65c: {  	v17 =	vadd.f32 v47, v17;
	v0 =	vadd.f32 v0, v2;
	v2 =	vmul.f32 $3.000000000e+00, v19  }
0x65d: {  	v13 =	vadd.f32 v13, v33;
	v32 =	vmul.f32 v22, v25;
	v33 =	vmul.f32 v23, v26  }
0x65e: {  	v24 =	vsub.f32 $0.0e+00, v55;
	v17 =	vmul.f32 v17, v56;
	v2 =	vmul.f32 v38, v2  }
0x65f: {  	v31 =	vadd.f32 v31, v46;
	v3 =	vmul.f32 v38, v3;
	v6 =	vmul.f32 v20, v6  }
0x660: {  	v42 =	vadd.f32 v2, v42;
	v0 =	vadd.f32 v0, v17;
	v17 =	vmul.f32 $1.500000000e+01, v36  }
0x661: {  	v55 =	vadd.f32 v54, v53;
	v34 =	vadd.f32 v3, v34;
	v56 =	vmul.f32 v58, v19  }
0x662: {  	v24 =	vadd.f32 v31, v24;
	v1 =	vmul.f32 v42, v1;
	v50 =	vmul.f32 v17, v19  }
0x663: {  	v3 =	vadd.f32 v3, v6;
	v16 =	vmul.f32 v55, v16;
	v31 =	vmul.f32 v20, v60  }
0x664: {  	v0 =	vadd.f32 v0, v1;
	v1 =	vmul.f32 v34, v40;
	v6 =	vmul.f32 v20, v50  }
0x665: {  	v3 =	vmul.f32 v3, v13;
	v19 =	vmul.f32 $9.000000000e+00, v19  }
0x666: {  	v0 =	vadd.f32 v0, v1;
	v1 =	vmul.f32 v6, v24;
	v6 =	vmul.f32 v5, v27  }
0x667: {  	v12 =	vadd.f32 v12, v52;
	v58 =	vmul.f32 v20, v56;
	v19 =	vmul.f32 v38, v19  }
0x668: {  	v34 =	vmul.f32 v22, v44;
	v6 =	vsub.f32 $0.0e+00, v6;
	v0 =	vsub.f32 v0, v1  }
0x669: {  	v2 =	vadd.f32 v2, v58;
	v40 =	vmul.f32 v10, v63;
	v5 =	vmul.f32 v5, v21  }
0x66a: {  	v44 =	vmul.f32 v14, v63;
	v6 =	vadd.f32 v12, v6;
	v0 =	vadd.f32 v0, v3  }
0x66b: {  	v5 =	vsub.f32 $0.0e+00, v5;
	v3 =	vmul.f32 $9.000000000e+01, v4;
	v12 =	vmul.f32 v20, v59  }
0x66c: {  	v2 =	vmul.f32 v2, v6;
	v6 =	vmul.f32 v63, v4;
	v0 =	vadd.f32 v0, v16  }
0x66d: {  	v5 =	vadd.f32 v11, v5;
	v11 =	vadd.f32 v47, v12;
	v3 =	vmul.f32 v20, v3  }
0x66e: {  	v6 =	vmul.f32 v18, v6;
	v0 =	vadd.f32 v0, v2;
	v2 =	vmul.f32 $4.500000000e+01, v36  }
0x66f: {  	v5 =	vmul.f32 v11, v5;
	v11 =	vmul.f32 v36, v63  }
0x670: {  	v42 =	vld [tilespmem:$0x1F0C0];
	v1 =	vmul.f32 v22, v27;
	v12 =	vadd.f32 v19, v31;
	v3 =	vsub.f32 v6, v3  }
0x671: {  	v11 =	vmul.f32 v18, v11;
	v2 =	vmul.f32 v20, v2  }
0x672: {  	v4 =	vadd.f32 v14, v4;
	v37 =	vmul.f32 v12, v9;
	v3 =	vadd.f32 v3, v35  }
0x673: {  	v9 =	vmul.f32 $4.500000000e+01, v30;
	v0 =	vadd.f32 v0, v5;
	v11 =	vsub.f32 v11, v2  }
0x674: {  	v7 =	vadd.f32 v7, v32;
	v4 =	vmul.f32 $1.500000000e+01, v4;
	v3 =	vmul.f32 v3, v34  }
0x675: {  	v0 =	vadd.f32 v0, v37;
	v5 =	vmul.f32 v11, v42;
	v11 =	vmul.f32 v30, v63  }
0x676: {  	v8 =	vadd.f32 v8, v33;
	v12 =	vmul.f32 v18, v40;
	v4 =	vmul.f32 v20, v4  }
0x677: {  	v48 =	vld [tilespmem:$0x1F0D0];
	v0 =	vadd.f32 v0, v3;
	v3 =	vmul.f32 v18, v11;
	v11 =	vmul.f32 v18, v44  }
0x678: {  	v1 =	vadd.f32 v8, v1;
	v8 =	vmul.f32 v28, v63;
	v9 =	vmul.f32 v20, v9  }
0x679: {  	v46 =	vmul.f32 $3.000000000e+00, v38;
	v12 =	vsub.f32 v12, v15;
	v4 =	vsub.f32 v11, v4;
	v11 =	vld [tilespmem:$0x1F0E0]  }
0x67a: {  	v47 =	vmul.f32 v18, v8;
	v8 =	vmul.f32 v20, v41;
	v3 =	vsub.f32 v3, v9  }
0x67b: {  	v12 =	vadd.f32 v12, v46;
	v0 =	vadd.f32 v0, v5  }
0x67c: {  	v5 =	vsub.f32 v47, v8;
	v8 =	vmul.f32 v22, v21;
	v3 =	vmul.f32 v3, v48  }
0x67d: {  	v6 =	vmul.f32 $1.050000000e+02, v10;
	v4 =	vadd.f32 v4, v46  }
0x67e: {  	v0 =	vadd.f32 v0, v3;
	v3 =	vmul.f32 v12, v7;
	v8 =	vadd.f32 v11, v8  }
0x67f: {  	v50 =	vmul.f32 v6, v36;
	v11 =	vld [tilespmem:$0x1F100]  }
0x680: {  	v0 =	vadd.f32 v0, v3;
	v3 =	vmul.f32 v4, v8;
	v8 =	vld [tilespmem:$0x1F0F0]  }
0x681: {  	v7 =	vmul.f32 v18, v50  }
0x682: {  	v57 =	vmul.f32 v29, v25  }
0x683: {  	v51 =	vmul.f32 v23, v27;
	v52 =	vmul.f32 v30, v6;
	v2 =	vsub.f32 v7, v2  }
0x684: {  	v1 =	vmul.f32 v5, v1;
	v7 =	vmul.f32 $1.500000000e+01, v30  }
0x685: {  	v2 =	vmul.f32 v2, v11;
	v11 =	vmul.f32 $1.050000000e+02, v14;
	v8 =	vadd.f32 v8, v57  }
0x686: {  	v0 =	vadd.f32 v0, v1;
	v1 =	vmul.f32 v18, v52  }
0x687: {  	v53 =	vmul.f32 v20, v7;
	v5 =	vadd.f32 v8, v51;
	v8 =	vmul.f32 v11, v36  }
0x688: {  	v7 =	vmul.f32 v23, v21;
	v0 =	vadd.f32 v0, v3;
	v55 =	vmul.f32 v11, v30  }
0x689: {  	v1 =	vsub.f32 v1, v53;
	v3 =	vmul.f32 v18, v8;
	v8 =	vmul.f32 v20, v17  }
0x68a: {  	v58 =	vld [tilespmem:$0x1F110];
	v7 =	vadd.f32 v43, v7;
	v0 =	vadd.f32 v0, v2  }
0x68b: {  	v12 =	vmul.f32 v18, v55;
	v1 =	vmul.f32 v1, v5;
	v3 =	vsub.f32 v3, v8;
	_ =	sdelay $0x1  }
0x68c: {  	v2 =	vsub.f32 v12, v9;
	v0 =	vadd.f32 v0, v1;
	v3 =	vmul.f32 v3, v7  }
0x68d: {  	v54 =	vmul.f32 $9.000000000e+01, v10;
	v56 =	vmul.f32 v6, v10  }
0x68e: {  	v59 =	vmul.f32 $4.500000000e+01, v28;
	v9 =	vld [tilespmem:$0x1F850];
	v2 =	vmul.f32 v2, v58;
	v0 =	vadd.f32 v0, v3  }
0x68f: {  	v4 =	vmul.f32 v20, v54;
	v57 =	vmul.f32 v18, v56;
	v8 =	vadd.f32 v14, v10;
	v10 =	vld [tilespmem:$0x1F860]  }
0x690: {  	v5 =	vmul.f32 v20, v59;
	v0 =	vadd.f32 v0, v2;
	v2 =	vld [tilespmem:$0x1F820]  }
0x691: {  	v4 =	vsub.f32 v57, v4;
	v1 =	vmul.f32 v14, v6;
	v6 =	vmul.f32 v28, v6  }
0x692: {  	v7 =	vmul.f32 $9.000000000e+01, v14;
	v8 =	vmul.f32 $1.500000000e+01, v8  }
0x693: {  	v4 =	vadd.f32 v4, v35;
	v1 =	vmul.f32 v18, v1;
	v6 =	vmul.f32 v18, v6  }
0x694: {  	v3 =	vmul.f32 v20, v8;
	v8 =	vmul.f32 v11, v28  }
0x695: {  	v9 =	vadd.f32 v9, v10;
	v10 =	vmul.f32 v11, v14;
	v2 =	vmul.f32 v4, v2  }
0x696: {  	v1 =	vsub.f32 v1, v3;
	v3 =	vmul.f32 v20, v7;
	v7 =	vmul.f32 v18, v8;
	v8 =	vld [tilespmem:$0x1F830]  }
0x697: {  	v60 =	vsub.f32 v6, v5;
	v6 =	vmul.f32 v18, v10;
	v0 =	vadd.f32 v0, v2;
	v2 =	vld [tilespmem:$0x1F120]  }
0x698: {  	v63 =	vld [tilespmem:$0x1F800]  }
0x699: {  	v3 =	vsub.f32 v6, v3;
	v6 =	vld [tilespmem:$0x1F810];
	_ =	sdelay $0x2  }
0x69a: {  	v1 =	vadd.f32 v1, v46;
	v8 =	vadd.f32 v9, v8;
	v2 =	vmul.f32 v60, v2  }
0x69b: {  	v5 =	vsub.f32 v7, v5  }
0x69c: {  	v1 =	vmul.f32 v1, v8;
	v4 =	vadd.f32 v63, v6;
	v0 =	vadd.f32 v0, v2  }
0x69d: {  	v3 =	vadd.f32 v3, v35  }
0x69e: {  	v2 =	vmul.f32 v45, v21;
	v0 =	vadd.f32 v0, v1;
	v1 =	vmul.f32 v5, v4;
	_ =	sdelay $0x1  }
0x69f: {  	v0 =	vadd.f32 v0, v1;
	v1 =	vmul.f32 v3, v2;
	v2 =	vld [tilespmem:$0x1F7D0];
	_ =	sdelay $0x4  }
0x6a0: {  	vm13 =	vlt.u32 v2, $0x271;
	v2 =	vld [tilespmem:$0x1F770]  }
0x6a1: {  	s18 =	sadd.s32 $0x1, s18  }
0x6a2: {  	p0 =	sne.s32 s18, $0x14  }
.Ltmp2:
0x6a3: {  	_ = 	snop;
	(pc) =	sbr.rel @p0 .LBB2_2-.Ltmp2, $4  }
0x6a4: {  	vm14 =	vle.f32 v49, $1.000000000e+01;
	v0 =	vadd.f32 v0, v1;
	v1 =	vnsel vm0, $0x0, v39  }
0x6a5: {  	vm15 =	vmand vm13, vm14;
	v1 =	vadd.f32 v1, v2  }
0x6a6: {  	v0 =	vnsel vm15, $0x0, v0  }
0x6a7: {  	v43 =	vmovc v62;
	v10 =	vimm.f32 $0.0e+00;
	v8 =	vlaneseq.u32;
	v0 =	vadd.f32 v0, v1  }
0x6a8: {  	_ = 	snop  }
0x6a9: {  	s20 =	simm.s32 $0x0;
	s18 =	rddreg [dreg:$0x4];
	s21 =	simm.s32 $0xA670;
	[tilespmem:$0xA670] =	vst v0  }
0x6aa: {  	[hbm4b:s18+s20] =	stream.linear.scatter [tilespmem:s21], [sflag:$0x3], $0x10, $0x38;
	[tilespmem:$0xA680] =	vst v63  }
0x6ab: {  	_ =	swait.ge [sflag:s11], $0x10  }
0x6ac: {  	s22 =	rddreg [dreg:$0x6]  }
0x6ad: {  	s23 =	rddreg [dreg:$0x5];
	s21 =	sadd.s32 $0x1, s22  }
0x6ae: {  	p0 =	sne.s32 s21, s23  }
.Ltmp3:
0x6af: {  	_ = 	snop;
	(pc) =	sbr.rel @p0 .LBB2_1-.Ltmp3, $3  }
0x6b0: {  	_ =	sdelay $0x1  }
0x6b1: {  	[sflag:s11] =	ssyncset.done $0x0  }
0x6b2: {  	[sflag:s11] =	ssyncadd.s32 $0xFFFFFFF0  }
0x6b3: {  	_ =	sfence.sel $0x180000  }
0x6b4: {  	[bflag:$0x0] =	sbarrier.arrive $0xFFFF  }
0x6b5: {  	_ =	strace $0x90000047  }
0x6b6: {  	s0 =	stileid.u32;
	[bflag:$0x2] =	sbarrier.arrive $0xFFFF  }
0x6b7: {  	p0 =	sne.s32 s0, $0x0;
	s0 =	rddreg [dreg:$0x2]  }
0x6b8: {  	s0 =	sadd.s32 @!p0 $0x100000, s0  }
0x6b9: {  	[sflag:s0] =	ssyncadd.tile.s32 @!p0 $0x1;
	_ =	shalt  }
.Lfunc_end2:
_tile_overlayer_lowered:
.L_overlay_start_2:
0x6ba: {  	(tag) =	ssettag $0x2  }
0x6bb: {  	s0 =	rddreg [dreg:$0x0];
	s2 =	stileid.u32  }
0x6bc: {  	s1 =	rddreg [dreg:$0x1];
	p0 =	sne.s32 s2, $0x0  }
0x6bd: {  	s3 =	rddreg [dreg:$0x2];
	[bflag:$0x3] =	sbarrier.arrive $0xFFFF;
	s2 =	simm.s32 @!p0 $0x1C03  }
0x6be: {  	[timem:s3], [sflag:s2] =	dma.local @!p0 [hbm:s0], s1  }
0x6bf: {  	s0 =	simm.s32 @!p0 $0x3  }
0x6c0: {  	_ =	swait.ge @!p0 [sflag:s0], s1  }
0x6c1: {  	s1 =	ssub.s32 @!p0 $0x0, s1;
	[sflag:s0] =	ssyncset.done @!p0 $0x0  }
0x6c2: {  	[sflag:s0] =	ssyncadd.s32 @!p0 s1  }
0x6c3: {  	[bflag:$0x3] =	sbarrier.arrive $0xFFFF  }
0x6c4: {  	_ =	shalt  }

</sc_bundles>
